<compile_context>
chip_gen: v7x
topology: tpu7x:2x2x1
jax: 0.10.2.dev20260603
libtpu: 0.0.44.dev20260713+nightly
codegen_flags: <defaults>
</compile_context>

<pallas_src>
import functools

import jax
import jax.numpy as jnp
from jax import lax
from jax.experimental import pallas as pl
from jax.experimental.pallas import tpu as pltpu
from jax.experimental.pallas import tpu_sc as plsc

N = 10000
E = 320000
G = 64
D = 128
F1, F2, F3, FF = 64, 32, 16, 2

NC = 2
NS = 16
NW = NC * NS
B_E = 80
EW = E // NW
KB = EW // B_E
NP = 10240
NZ = NP // NS


def _mesh():
    return plsc.VectorSubcoreMesh(core_axis_name="c", subcore_axis_name="s")


@functools.cache
def _gather_fn(F):

    @functools.partial(
        pl.kernel,
        mesh=_mesh(),
        compiler_params=pltpu.CompilerParams(use_tc_tiling_on_sc=False),
        out_type=[
            jax.ShapeDtypeStruct((E, F), jnp.float32),
            jax.ShapeDtypeStruct((E, F), jnp.float32),
        ],
        scratch_types=[
            pltpu.VMEM((KB, B_E), jnp.int32),
            pltpu.VMEM((B_E, F), jnp.float32),
            pltpu.VMEM((B_E, F), jnp.float32),
            pltpu.SemaphoreType.DMA,
            pltpu.SemaphoreType.DMA,
        ],
    )
    def k(xl_hbm, xr_hbm, dsti, srci, el_hbm, er_hbm, idx_v, buf_a, buf_b,
          sem_a, sem_b):
        wid = lax.axis_index("s") * NC + lax.axis_index("c")
        ebase = wid * EW

        def run(tab_hbm, idx_hbm, out_hbm):
            pltpu.sync_copy(idx_hbm.at[wid], idx_v)

            def wait(buf, sem):
                pltpu.make_async_copy(tab_hbm.at[pl.ds(0, B_E)], buf, sem).wait()

            def write(buf, j):
                pltpu.sync_copy(buf, out_hbm.at[pl.ds(ebase + j * B_E, B_E)])

            pltpu.async_copy(tab_hbm.at[idx_v.at[0]], buf_a, sem_a)

            def body(t, carry):
                j = 2 * t + 1
                pltpu.async_copy(tab_hbm.at[idx_v.at[j]], buf_b, sem_b)
                wait(buf_a, sem_a)
                write(buf_a, j - 1)
                pltpu.async_copy(tab_hbm.at[idx_v.at[j + 1]], buf_a, sem_a)
                wait(buf_b, sem_b)
                write(buf_b, j)
                return carry

            lax.fori_loop(0, (KB - 1) // 2, body, 0)
            wait(buf_a, sem_a)
            write(buf_a, KB - 1)

        run(xl_hbm, dsti, el_hbm)
        run(xr_hbm, srci, er_hbm)

    return k


@functools.cache
def _scatter_fn(Fp):

    @functools.partial(
        pl.kernel,
        mesh=_mesh(),
        compiler_params=pltpu.CompilerParams(use_tc_tiling_on_sc=False),
        out_type=jax.ShapeDtypeStruct((NC, NP, Fp), jnp.float32),
        scratch_types=[
            pltpu.VMEM((KB, B_E), jnp.int32),
            pltpu.VMEM((B_E, Fp), jnp.float32),
            pltpu.VMEM((B_E, Fp), jnp.float32),
            pltpu.VMEM_SHARED((NP, Fp), jnp.float32),
            pltpu.SemaphoreType.DMA,
            pltpu.SemaphoreType.DMA,
        ],
    )
    def k(c_hbm, dsti, zeros_hbm, out_hbm, idx_v, buf_a, buf_b, acc_sh,
          sem_a, sem_b):
        cid = lax.axis_index("c")
        sid = lax.axis_index("s")
        wid = sid * NC + cid

        pltpu.sync_copy(zeros_hbm, acc_sh.at[pl.ds(sid * NZ, NZ)])
        plsc.subcore_barrier()

        ebase = wid * EW
        pltpu.sync_copy(dsti.at[wid], idx_v)

        def read(j, buf, sem):
            pltpu.async_copy(c_hbm.at[pl.ds(ebase + j * B_E, B_E)], buf, sem)

        def wait(buf, sem):
            pltpu.make_async_copy(c_hbm.at[pl.ds(0, B_E)], buf, sem).wait()

        def scat(buf, j):
            pltpu.sync_copy(buf, acc_sh.at[idx_v.at[j]], add=True)

        read(0, buf_a, sem_a)

        def body(t, carry):
            j = 2 * t + 1
            read(j, buf_b, sem_b)
            wait(buf_a, sem_a)
            scat(buf_a, j - 1)
            read(j + 1, buf_a, sem_a)
            wait(buf_b, sem_b)
            scat(buf_b, j)
            return carry

        lax.fori_loop(0, (KB - 1) // 2, body, 0)
        wait(buf_a, sem_a)
        scat(buf_a, KB - 1)
        plsc.subcore_barrier()

        pltpu.sync_copy(
            acc_sh.at[pl.ds(sid * NZ, NZ)],
            out_hbm.at[cid, pl.ds(sid * NZ, NZ)],
        )

    return k


def _bn_mm_body(x_ref, g_ref, b_ref, wl_ref, wr_ref, xl_ref, xr_ref):
    x = x_ref[...]
    mean = jnp.mean(x, axis=0, keepdims=True)
    xc = x - mean
    var = jnp.mean(xc * xc, axis=0, keepdims=True)
    h = xc * lax.rsqrt(var + 1e-5) * g_ref[...] + b_ref[...]
    xl_ref[...] = jnp.dot(h, wl_ref[...], preferred_element_type=jnp.float32)
    xr_ref[...] = jnp.dot(h, wr_ref[...], preferred_element_type=jnp.float32)


def _bn_mm(x, gamma, beta, wl, wr):
    return pl.pallas_call(
        _bn_mm_body,
        out_shape=[
            jax.ShapeDtypeStruct((N, F1), jnp.float32),
            jax.ShapeDtypeStruct((N, F1), jnp.float32),
        ],
    )(x, gamma.reshape(1, D), beta.reshape(1, D), wl, wr)


_BE_TC = 1000


@functools.cache
def _edge_fn(F, Fp):
    def body(el_ref, er_ref, eu_ref, we_ref, att_ref, c_ref):
        er = er_ref[...]
        e = el_ref[...] + er + eu_ref[...] * we_ref[...]
        e = jnp.where(e >= 0, e, 0.2 * e)
        logit = jnp.sum(e * att_ref[...], axis=1, keepdims=True)
        a = jnp.exp(logit)
        c_ref[...] = jnp.concatenate(
            [a * er, jnp.broadcast_to(a, (_BE_TC, Fp - F))], axis=1
        )

    grid = (E // _BE_TC,)
    return pl.pallas_call(
        body,
        grid=grid,
        in_specs=[
            pl.BlockSpec((_BE_TC, F), lambda i: (i, 0)),
            pl.BlockSpec((_BE_TC, F), lambda i: (i, 0)),
            pl.BlockSpec((_BE_TC, 1), lambda i: (i, 0)),
            pl.BlockSpec((1, F), lambda i: (0, 0)),
            pl.BlockSpec((1, F), lambda i: (0, 0)),
        ],
        out_specs=pl.BlockSpec((_BE_TC, Fp), lambda i: (i, 0)),
        out_shape=jax.ShapeDtypeStruct((E, Fp), jnp.float32),
    )


_BN_TC = 1000


@functools.cache
def _node_fn(F, Fp, Fn):
    def body(num_ref, b_ref, wl_ref, wr_ref, xl_ref, xr_ref):
        ns = num_ref[0] + num_ref[1]
        den = ns[:, F:F + 1] + 1e-16
        h = jnp.maximum(ns[:, :F] / den + b_ref[...], 0.0)
        xl_ref[...] = jnp.dot(h, wl_ref[...], preferred_element_type=jnp.float32)
        xr_ref[...] = jnp.dot(h, wr_ref[...], preferred_element_type=jnp.float32)

    grid = (N // _BN_TC,)
    return pl.pallas_call(
        body,
        grid=grid,
        in_specs=[
            pl.BlockSpec((NC, _BN_TC, Fp), lambda i: (0, i, 0)),
            pl.BlockSpec((1, F), lambda i: (0, 0)),
            pl.BlockSpec((F, Fn), lambda i: (0, 0)),
            pl.BlockSpec((F, Fn), lambda i: (0, 0)),
        ],
        out_specs=[
            pl.BlockSpec((_BN_TC, Fn), lambda i: (i, 0)),
            pl.BlockSpec((_BN_TC, Fn), lambda i: (i, 0)),
        ],
        out_shape=[
            jax.ShapeDtypeStruct((N, Fn), jnp.float32),
            jax.ShapeDtypeStruct((N, Fn), jnp.float32),
        ],
    )


@functools.cache
def _node_last_fn(F, Fp):
    def body(num_ref, b_ref, h_ref):
        ns = num_ref[0] + num_ref[1]
        den = ns[:, F:F + 1] + 1e-16
        h_ref[...] = jnp.maximum(ns[:, :F] / den + b_ref[...], 0.0)

    grid = (N // _BN_TC,)
    return pl.pallas_call(
        body,
        grid=grid,
        in_specs=[
            pl.BlockSpec((NC, _BN_TC, Fp), lambda i: (0, i, 0)),
            pl.BlockSpec((1, F), lambda i: (0, 0)),
        ],
        out_specs=pl.BlockSpec((_BN_TC, F), lambda i: (i, 0)),
        out_shape=jax.ShapeDtypeStruct((N, F), jnp.float32),
    )


def _pool_body(h_ref, batch_ref, w_ref, b_ref, out_ref):
    h = h_ref[...]
    bt = batch_ref[...]
    gi = lax.broadcasted_iota(jnp.int32, (G, N), 0)
    onehot = (bt == gi).astype(jnp.float32)
    sums = jnp.dot(onehot, h, preferred_element_type=jnp.float32)
    cnt = jnp.sum(onehot, axis=1, keepdims=True)
    pooled = sums / jnp.maximum(cnt, 1.0)
    lo = jnp.dot(pooled, w_ref[...], preferred_element_type=jnp.float32) + b_ref[...]
    m = jnp.max(lo, axis=1, keepdims=True)
    ez = jnp.exp(lo - m)
    out_ref[...] = ez / jnp.sum(ez, axis=1, keepdims=True)


def _pool(h, batch, lin_w, lin_b):
    return pl.pallas_call(
        _pool_body,
        out_shape=jax.ShapeDtypeStruct((G, FF), jnp.float32),
    )(h, batch.astype(jnp.int32).reshape(1, N), lin_w, lin_b.reshape(1, FF))


def kernel(x, edge_index, euclid, batch, bn_gamma, bn_beta,
           Wl1, Wr1, We1, att1, b1,
           Wl2, Wr2, We2, att2, b2,
           Wl3, Wr3, We3, att3, b3,
           lin_W, lin_b):
    src = edge_index[0].astype(jnp.int32)
    dst = edge_index[1].astype(jnp.int32)
    dsti = dst.reshape(NW, KB, B_E)
    srci = src.reshape(NW, KB, B_E)

    xl, xr = _bn_mm(x, bn_gamma, bn_beta, Wl1, Wr1)

    layers = [
        (F1, Wl2, Wr2, We1, att1, b1, F2),
        (F2, Wl3, Wr3, We2, att2, b2, F3),
        (F3, None, None, We3, att3, b3, None),
    ]
    h = None
    for F, wl_n, wr_n, We, att, b, Fn in layers:
        Fp = F + 16
        el, er = _gather_fn(F)(xl, xr, dsti, srci)
        c = _edge_fn(F, Fp)(el, er, euclid, We.reshape(1, F), att.reshape(1, F))
        zeros = jnp.zeros((NZ, Fp), jnp.float32)
        num = _scatter_fn(Fp)(c, dsti, zeros)
        if Fn is not None:
            xl, xr = _node_fn(F, Fp, Fn)(num, b.reshape(1, F), wl_n, wr_n)
        else:
            h = _node_last_fn(F, Fp)(num, b.reshape(1, F))

    return _pool(h, batch, lin_W, lin_b)

# --- scband reference (transcript-rebuilt; emitter-appended) ---
"""Pipeline reference for scband-att-gnn-38740605010123 (READ-ONLY COPY).

The authoritative reference and input builder live on the scoring server;
editing this copy changes nothing except your own understanding.
"""

import jax, jax.numpy as jnp
import numpy as np

N = 10000
E = 320000
G = 64
D = 128
F1, F2, F3, FF = 64, 32, 16, 2


def setup_inputs(seed: int = 0) -> dict:
    key = jax.random.key(seed)
    ks = jax.random.split(key, 32)

    def glorot(k, shape):
        lim = float(np.sqrt(6.0 / (shape[0] + shape[1])))
        return jax.random.uniform(k, shape, jnp.float32, -lim, lim)

    inp = {}
    inp["x"] = jax.random.normal(ks[0], (N, D), dtype=jnp.float32)
    inp["edge_index"] = jax.random.randint(ks[1], (2, E), 0, N)
    inp["euclid"] = jax.random.uniform(ks[2], (E, 1), dtype=jnp.float32)
    inp["batch"] = jnp.sort(jax.random.randint(ks[3], (N,), 0, G))
    inp["bn_gamma"] = jnp.ones((D,), jnp.float32)
    inp["bn_beta"] = jnp.zeros((D,), jnp.float32)
    dims = [(D, F1), (F1, F2), (F2, F3)]
    ki = 4
    for i, (din, dout) in enumerate(dims, 1):
        inp["Wl%d" % i] = glorot(ks[ki], (din, dout)); ki += 1
        inp["Wr%d" % i] = glorot(ks[ki], (din, dout)); ki += 1
        inp["We%d" % i] = glorot(ks[ki], (1, dout)); ki += 1
        inp["att%d" % i] = glorot(ks[ki], (1, dout)).reshape(dout); ki += 1
        inp["b%d" % i] = jnp.zeros((dout,), jnp.float32)
    inp["lin_W"] = glorot(ks[ki], (F3, FF)); ki += 1
    inp["lin_b"] = jnp.zeros((FF,), jnp.float32)
    return inp


def gatv2_conv(x, src, dst, edge_attr, Wl, Wr, We, att, b):
    # PyG GATv2Conv (heads=1): e = a^T LeakyReLU(Wl x_i + Wr x_j + We eattr)
    xl = x @ Wl
    xr = x @ Wr
    e = xl[dst] + xr[src] + edge_attr @ We
    e = jax.nn.leaky_relu(e, 0.2)
    logits = jnp.sum(e * att, axis=-1)
    m = jax.ops.segment_max(logits, dst, num_segments=N)
    m = jnp.where(jnp.isfinite(m), m, 0.0)
    a = jnp.exp(logits - m[dst])
    denom = jax.ops.segment_sum(a, dst, num_segments=N)
    alpha = a / (denom[dst] + 1e-16)
    out = jax.ops.segment_sum(xr[src] * alpha[:, None], dst, num_segments=N)
    return out + b


def reference(x, edge_index, euclid, batch, bn_gamma, bn_beta,
              Wl1, Wr1, We1, att1, b1,
              Wl2, Wr2, We2, att2, b2,
              Wl3, Wr3, We3, att3, b3,
              lin_W, lin_b):
    src = edge_index[0]
    dst = edge_index[1]
    # Pre_norm BatchNorm (batch statistics)
    mean = jnp.mean(x, axis=0)
    var = jnp.var(x, axis=0)
    h = (x - mean) / jnp.sqrt(var + 1e-5) * bn_gamma + bn_beta
    h = jax.nn.relu(gatv2_conv(h, src, dst, euclid, Wl1, Wr1, We1, att1, b1))
    h = jax.nn.relu(gatv2_conv(h, src, dst, euclid, Wl2, Wr2, We2, att2, b2))
    h = jax.nn.relu(gatv2_conv(h, src, dst, euclid, Wl3, Wr3, We3, att3, b3))
    # global_mean_pool over graph ids
    sums = jax.ops.segment_sum(h, batch, num_segments=G)
    cnt = jax.ops.segment_sum(jnp.ones((N,), jnp.float32), batch, num_segments=G)
    pooled = sums / jnp.clip(cnt, 1.0)[:, None]
    out = pooled @ lin_W + lin_b
    return jax.nn.softmax(out, axis=1)

if __name__ == "__main__":
    import jax
    _d = setup_inputs()
    print(jax.jit(kernel)(*tuple(_d.values())))

</pallas_src>

<mosaic_0001>
#map = affine_map<(d0, d1) -> (0, 0)>
#map1 = affine_map<(d0, d1) -> (0, 0, 0)>
module attributes {stable_mosaic.version = 14 : i64} {
  func.func @k(%arg0: i32, %arg1: i32, %arg2: memref<320000x80xf32, #tpu.memory_space<hbm>>, %arg3: memref<32x125x80xi32, #tpu.memory_space<hbm>>, %arg4: memref<640x80xf32, #tpu.memory_space<hbm>>, %arg5: memref<2x10240x80xf32, #tpu.memory_space<hbm>>, %arg6: memref<125x80xi32, #tpu.memory_space<vmem>>, %arg7: memref<80x80xf32, #tpu.memory_space<vmem>>, %arg8: memref<80x80xf32, #tpu.memory_space<vmem>>, %arg9: memref<10240x80xf32, #tpu.memory_space<vmem_shared>>, %arg10: memref<!tpu.dma_semaphore, #tpu.memory_space<semaphore_mem>>, %arg11: memref<!tpu.dma_semaphore, #tpu.memory_space<semaphore_mem>>) attributes {dimension_semantics = [#tpu.dimension_semantics<core_parallel>, #tpu.dimension_semantics<subcore_parallel>], iteration_bounds = array<i64: 2, 16>, scalar_prefetch = 0 : i64, scratch_operands = 6 : i64, tpu.core_type = #tpu.core_type<sc_vector_subcore>, window_params = [{transform_indices = #map}, {transform_indices = #map1}, {transform_indices = #map}, {transform_indices = #map1}]} {
    %mul3A = arith.constant 2 : i32
    %mul3A_0 = arith.muli %arg1, %mul3A : i32
    %add3A = arith.addi %mul3A_0, %arg0 : i32
    %mul3A_1 = arith.constant 640 : i32
    %mul3A_2 = arith.muli %arg1, %mul3A_1 : i32
    "tpu.region"() ({
      %run_scoped3A_25 = tpu.sem_alloc : memref<!tpu.dma_semaphore, #tpu.memory_space<semaphore_mem>>
      %dma_start3A_26 = arith.constant 0 : i32
      %dma_start3A_27 = tpu.memref_slice %arg9[%mul3A_2, %dma_start3A_26] : memref<10240x80xf32, #tpu.memory_space<vmem_shared>> -> memref<640x80xf32, #tpu.memory_space<vmem_shared>>
      tpu.enqueue_dma source(%arg4 : memref<640x80xf32, #tpu.memory_space<hbm>>) target(%dma_start3A_27 : memref<640x80xf32, #tpu.memory_space<vmem_shared>>) target_semaphore(%run_scoped3A_25 : memref<!tpu.dma_semaphore, #tpu.memory_space<semaphore_mem>>)
      %dma_wait3A_28 = arith.constant 0 : i32
      %dma_wait3A_29 = tpu.memref_slice %arg9[%mul3A_2, %dma_wait3A_28] : memref<10240x80xf32, #tpu.memory_space<vmem_shared>> -> memref<640x80xf32, #tpu.memory_space<vmem_shared>>
      tpu.wait_dma2 semaphore(%run_scoped3A_25 : memref<!tpu.dma_semaphore, #tpu.memory_space<semaphore_mem>>) src(%arg4 : memref<640x80xf32, #tpu.memory_space<hbm>>) dst(%dma_wait3A_29 : memref<640x80xf32, #tpu.memory_space<vmem_shared>>)
      tpu.yield
    }) : () -> ()
    %barrier3A = arith.constant 0 : index
    tpu.barrier barrier_id(%barrier3A)
    %mul3A_3 = arith.constant 10000 : i32
    %mul3A_4 = arith.muli %add3A, %mul3A_3 : i32
    "tpu.region"() ({
      %run_scoped3A_25 = tpu.sem_alloc : memref<!tpu.dma_semaphore, #tpu.memory_space<semaphore_mem>>
      %dma_start3A_26 = arith.constant 0 : i32
      %dma_start3A_27 = arith.constant 0 : i32
      %dma_start3A_28 = tpu.memref_slice %arg3[%add3A, %dma_start3A_26, %dma_start3A_27] : memref<32x125x80xi32, #tpu.memory_space<hbm>> -> memref<1x125x80xi32, #tpu.memory_space<hbm>>
      %dma_start3A_29 = tpu.memref_squeeze %dma_start3A_28 : memref<1x125x80xi32, #tpu.memory_space<hbm>> -> memref<125x80xi32, #tpu.memory_space<hbm>>
      %dma_start3A_30 = arith.constant 0 : i32
      %dma_start3A_31 = arith.constant 0 : i32
      %dma_start3A_32 = tpu.memref_slice %arg3[%add3A, %dma_start3A_30, %dma_start3A_31] : memref<32x125x80xi32, #tpu.memory_space<hbm>> -> memref<1x125x80xi32, #tpu.memory_space<hbm>>
      %dma_start3A_33 = tpu.memref_squeeze %dma_start3A_32 : memref<1x125x80xi32, #tpu.memory_space<hbm>> -> memref<125x80xi32, #tpu.memory_space<hbm>>
      tpu.enqueue_dma source(%dma_start3A_33 : memref<125x80xi32, #tpu.memory_space<hbm>>) target(%arg6 : memref<125x80xi32, #tpu.memory_space<vmem>>) target_semaphore(%run_scoped3A_25 : memref<!tpu.dma_semaphore, #tpu.memory_space<semaphore_mem>>)
      %dma_wait3A_34 = arith.constant 0 : i32
      %dma_wait3A_35 = arith.constant 0 : i32
      %dma_wait3A_36 = tpu.memref_slice %arg3[%add3A, %dma_wait3A_34, %dma_wait3A_35] : memref<32x125x80xi32, #tpu.memory_space<hbm>> -> memref<1x125x80xi32, #tpu.memory_space<hbm>>
      %dma_wait3A_37 = tpu.memref_squeeze %dma_wait3A_36 : memref<1x125x80xi32, #tpu.memory_space<hbm>> -> memref<125x80xi32, #tpu.memory_space<hbm>>
      %dma_wait3A_38 = arith.constant 0 : i32
      %dma_wait3A_39 = arith.constant 0 : i32
      %dma_wait3A_40 = tpu.memref_slice %arg3[%add3A, %dma_wait3A_38, %dma_wait3A_39] : memref<32x125x80xi32, #tpu.memory_space<hbm>> -> memref<1x125x80xi32, #tpu.memory_space<hbm>>
      %dma_wait3A_41 = tpu.memref_squeeze %dma_wait3A_40 : memref<1x125x80xi32, #tpu.memory_space<hbm>> -> memref<125x80xi32, #tpu.memory_space<hbm>>
      tpu.wait_dma2 semaphore(%run_scoped3A_25 : memref<!tpu.dma_semaphore, #tpu.memory_space<semaphore_mem>>) src(%dma_wait3A_41 : memref<125x80xi32, #tpu.memory_space<hbm>>) dst(%arg6 : memref<125x80xi32, #tpu.memory_space<vmem>>)
      tpu.yield
    }) : () -> ()
    %add3A_5 = arith.constant 0 : i32
    %add3A_6 = arith.addi %mul3A_4, %add3A_5 : i32
    %dma_start3A = arith.constant 0 : i32
    %dma_start3A_7 = tpu.memref_slice %arg2[%add3A_6, %dma_start3A] : memref<320000x80xf32, #tpu.memory_space<hbm>> -> memref<80x80xf32, #tpu.memory_space<hbm>>
    %dma_start3A_8 = arith.constant 0 : i32
    %dma_start3A_9 = tpu.memref_slice %arg2[%add3A_6, %dma_start3A_8] : memref<320000x80xf32, #tpu.memory_space<hbm>> -> memref<80x80xf32, #tpu.memory_space<hbm>>
    tpu.enqueue_dma source(%dma_start3A_9 : memref<80x80xf32, #tpu.memory_space<hbm>>) target(%arg7 : memref<80x80xf32, #tpu.memory_space<vmem>>) target_semaphore(%arg10 : memref<!tpu.dma_semaphore, #tpu.memory_space<semaphore_mem>>)
    %scan3A = arith.constant 0 : i32
    %scan3A_10 = arith.constant 0 : i32
    %scan3A_11 = arith.constant 62 : i32
    %scan3A_12 = arith.addi %scan3A_10, %scan3A_11 : i32
    %scan3A_13 = arith.constant 1 : i32
    scf.for %scan3A_25 = %scan3A_10 to %scan3A_12 step %scan3A_13  : i32 {
      %mul3A_26 = arith.constant 2 : i32
      %mul3A_27 = arith.muli %mul3A_26, %scan3A_25 : i32
      %add3A_28 = arith.constant 1 : i32
      %add3A_29 = arith.addi %mul3A_27, %add3A_28 : i32
      %mul3A_30 = arith.constant 80 : i32
      %mul3A_31 = arith.muli %add3A_29, %mul3A_30 : i32
      %add3A_32 = arith.addi %mul3A_4, %mul3A_31 : i32
      %dma_start3A_33 = arith.constant 0 : i32
      %dma_start3A_34 = tpu.memref_slice %arg2[%add3A_32, %dma_start3A_33] : memref<320000x80xf32, #tpu.memory_space<hbm>> -> memref<80x80xf32, #tpu.memory_space<hbm>>
      %dma_start3A_35 = arith.constant 0 : i32
      %dma_start3A_36 = tpu.memref_slice %arg2[%add3A_32, %dma_start3A_35] : memref<320000x80xf32, #tpu.memory_space<hbm>> -> memref<80x80xf32, #tpu.memory_space<hbm>>
      tpu.enqueue_dma source(%dma_start3A_36 : memref<80x80xf32, #tpu.memory_space<hbm>>) target(%arg8 : memref<80x80xf32, #tpu.memory_space<vmem>>) target_semaphore(%arg11 : memref<!tpu.dma_semaphore, #tpu.memory_space<semaphore_mem>>)
      %dma_wait3A_37 = arith.constant 0 : i32
      %dma_wait3A_38 = arith.constant 0 : i32
      %dma_wait3A_39 = tpu.memref_slice %arg2[%dma_wait3A_37, %dma_wait3A_38] : memref<320000x80xf32, #tpu.memory_space<hbm>> -> memref<80x80xf32, #tpu.memory_space<hbm>>
      %dma_wait3A_40 = arith.constant 0 : i32
      %dma_wait3A_41 = arith.constant 0 : i32
      %dma_wait3A_42 = tpu.memref_slice %arg2[%dma_wait3A_40, %dma_wait3A_41] : memref<320000x80xf32, #tpu.memory_space<hbm>> -> memref<80x80xf32, #tpu.memory_space<hbm>>
      tpu.wait_dma2 semaphore(%arg10 : memref<!tpu.dma_semaphore, #tpu.memory_space<semaphore_mem>>) src(%dma_wait3A_42 : memref<80x80xf32, #tpu.memory_space<hbm>>) dst(%arg7 : memref<80x80xf32, #tpu.memory_space<vmem>>)
      %sub3A = arith.constant 1 : i32
      %sub3A_43 = arith.subi %add3A_29, %sub3A : i32
      "tpu.region"() ({
        %run_scoped3A_59 = tpu.sem_alloc : memref<!tpu.dma_semaphore, #tpu.memory_space<semaphore_mem>>
        %dma_start3A_60 = arith.constant 0 : i32
        %dma_start3A_61 = tpu.memref_slice %arg6[%sub3A_43, %dma_start3A_60] : memref<125x80xi32, #tpu.memory_space<vmem>> -> memref<1x80xi32, #tpu.memory_space<vmem>>
        %dma_start3A_62 = tpu.memref_squeeze %dma_start3A_61 : memref<1x80xi32, #tpu.memory_space<vmem>> -> memref<80xi32, #tpu.memory_space<vmem>>
        %dma_start3A_63 = arith.constant 0 : i32
        %dma_start3A_64 = arith.constant 0 : i32
        %dma_start3A_65 = tpu.memref_slice %arg9[%dma_start3A_63, %dma_start3A_64] : memref<10240x80xf32, #tpu.memory_space<vmem_shared>> -> memref<10240x80xf32, #tpu.memory_space<vmem_shared>>
        tpu.enqueue_indirect_dma source(%arg7 : memref<80x80xf32, #tpu.memory_space<vmem>>) target(%dma_start3A_65 : memref<10240x80xf32, #tpu.memory_space<vmem_shared>>) offsets(%dma_start3A_62 : memref<80xi32, #tpu.memory_space<vmem>>) semaphore(%run_scoped3A_59 : memref<!tpu.dma_semaphore, #tpu.memory_space<semaphore_mem>>) {add = true}
        %dma_wait3A_66 = arith.constant 0 : i32
        %dma_wait3A_67 = tpu.memref_slice %arg6[%sub3A_43, %dma_wait3A_66] : memref<125x80xi32, #tpu.memory_space<vmem>> -> memref<1x80xi32, #tpu.memory_space<vmem>>
        %dma_wait3A_68 = tpu.memref_squeeze %dma_wait3A_67 : memref<1x80xi32, #tpu.memory_space<vmem>> -> memref<80xi32, #tpu.memory_space<vmem>>
        %dma_wait3A_69 = arith.constant 0 : i32
        %dma_wait3A_70 = arith.constant 0 : i32
        %dma_wait3A_71 = tpu.memref_slice %arg9[%dma_wait3A_69, %dma_wait3A_70] : memref<10240x80xf32, #tpu.memory_space<vmem_shared>> -> memref<10240x80xf32, #tpu.memory_space<vmem_shared>>
        tpu.wait_indirect_dma semaphore(%run_scoped3A_59 : memref<!tpu.dma_semaphore, #tpu.memory_space<semaphore_mem>>) src(%arg7 : memref<80x80xf32, #tpu.memory_space<vmem>>) dst(%dma_wait3A_71 : memref<10240x80xf32, #tpu.memory_space<vmem_shared>>)
        tpu.yield
      }) : () -> ()
      %add3A_44 = arith.constant 1 : i32
      %add3A_45 = arith.addi %add3A_29, %add3A_44 : i32
      %mul3A_46 = arith.constant 80 : i32
      %mul3A_47 = arith.muli %add3A_45, %mul3A_46 : i32
      %add3A_48 = arith.addi %mul3A_4, %mul3A_47 : i32
      %dma_start3A_49 = arith.constant 0 : i32
      %dma_start3A_50 = tpu.memref_slice %arg2[%add3A_48, %dma_start3A_49] : memref<320000x80xf32, #tpu.memory_space<hbm>> -> memref<80x80xf32, #tpu.memory_space<hbm>>
      %dma_start3A_51 = arith.constant 0 : i32
      %dma_start3A_52 = tpu.memref_slice %arg2[%add3A_48, %dma_start3A_51] : memref<320000x80xf32, #tpu.memory_space<hbm>> -> memref<80x80xf32, #tpu.memory_space<hbm>>
      tpu.enqueue_dma source(%dma_start3A_52 : memref<80x80xf32, #tpu.memory_space<hbm>>) target(%arg7 : memref<80x80xf32, #tpu.memory_space<vmem>>) target_semaphore(%arg10 : memref<!tpu.dma_semaphore, #tpu.memory_space<semaphore_mem>>)
      %dma_wait3A_53 = arith.constant 0 : i32
      %dma_wait3A_54 = arith.constant 0 : i32
      %dma_wait3A_55 = tpu.memref_slice %arg2[%dma_wait3A_53, %dma_wait3A_54] : memref<320000x80xf32, #tpu.memory_space<hbm>> -> memref<80x80xf32, #tpu.memory_space<hbm>>
      %dma_wait3A_56 = arith.constant 0 : i32
      %dma_wait3A_57 = arith.constant 0 : i32
      %dma_wait3A_58 = tpu.memref_slice %arg2[%dma_wait3A_56, %dma_wait3A_57] : memref<320000x80xf32, #tpu.memory_space<hbm>> -> memref<80x80xf32, #tpu.memory_space<hbm>>
      tpu.wait_dma2 semaphore(%arg11 : memref<!tpu.dma_semaphore, #tpu.memory_space<semaphore_mem>>) src(%dma_wait3A_58 : memref<80x80xf32, #tpu.memory_space<hbm>>) dst(%arg8 : memref<80x80xf32, #tpu.memory_space<vmem>>)
      "tpu.region"() ({
        %run_scoped3A_59 = tpu.sem_alloc : memref<!tpu.dma_semaphore, #tpu.memory_space<semaphore_mem>>
        %dma_start3A_60 = arith.constant 0 : i32
        %dma_start3A_61 = tpu.memref_slice %arg6[%add3A_29, %dma_start3A_60] : memref<125x80xi32, #tpu.memory_space<vmem>> -> memref<1x80xi32, #tpu.memory_space<vmem>>
        %dma_start3A_62 = tpu.memref_squeeze %dma_start3A_61 : memref<1x80xi32, #tpu.memory_space<vmem>> -> memref<80xi32, #tpu.memory_space<vmem>>
        %dma_start3A_63 = arith.constant 0 : i32
        %dma_start3A_64 = arith.constant 0 : i32
        %dma_start3A_65 = tpu.memref_slice %arg9[%dma_start3A_63, %dma_start3A_64] : memref<10240x80xf32, #tpu.memory_space<vmem_shared>> -> memref<10240x80xf32, #tpu.memory_space<vmem_shared>>
        tpu.enqueue_indirect_dma source(%arg8 : memref<80x80xf32, #tpu.memory_space<vmem>>) target(%dma_start3A_65 : memref<10240x80xf32, #tpu.memory_space<vmem_shared>>) offsets(%dma_start3A_62 : memref<80xi32, #tpu.memory_space<vmem>>) semaphore(%run_scoped3A_59 : memref<!tpu.dma_semaphore, #tpu.memory_space<semaphore_mem>>) {add = true}
        %dma_wait3A_66 = arith.constant 0 : i32
        %dma_wait3A_67 = tpu.memref_slice %arg6[%add3A_29, %dma_wait3A_66] : memref<125x80xi32, #tpu.memory_space<vmem>> -> memref<1x80xi32, #tpu.memory_space<vmem>>
        %dma_wait3A_68 = tpu.memref_squeeze %dma_wait3A_67 : memref<1x80xi32, #tpu.memory_space<vmem>> -> memref<80xi32, #tpu.memory_space<vmem>>
        %dma_wait3A_69 = arith.constant 0 : i32
        %dma_wait3A_70 = arith.constant 0 : i32
        %dma_wait3A_71 = tpu.memref_slice %arg9[%dma_wait3A_69, %dma_wait3A_70] : memref<10240x80xf32, #tpu.memory_space<vmem_shared>> -> memref<10240x80xf32, #tpu.memory_space<vmem_shared>>
        tpu.wait_indirect_dma semaphore(%run_scoped3A_59 : memref<!tpu.dma_semaphore, #tpu.memory_space<semaphore_mem>>) src(%arg8 : memref<80x80xf32, #tpu.memory_space<vmem>>) dst(%dma_wait3A_71 : memref<10240x80xf32, #tpu.memory_space<vmem_shared>>)
        tpu.yield
      }) : () -> ()
    }
    %scan3A_14 = arith.constant 62 : i32
    %dma_wait3A = arith.constant 0 : i32
    %dma_wait3A_15 = arith.constant 0 : i32
    %dma_wait3A_16 = tpu.memref_slice %arg2[%dma_wait3A, %dma_wait3A_15] : memref<320000x80xf32, #tpu.memory_space<hbm>> -> memref<80x80xf32, #tpu.memory_space<hbm>>
    %dma_wait3A_17 = arith.constant 0 : i32
    %dma_wait3A_18 = arith.constant 0 : i32
    %dma_wait3A_19 = tpu.memref_slice %arg2[%dma_wait3A_17, %dma_wait3A_18] : memref<320000x80xf32, #tpu.memory_space<hbm>> -> memref<80x80xf32, #tpu.memory_space<hbm>>
    tpu.wait_dma2 semaphore(%arg10 : memref<!tpu.dma_semaphore, #tpu.memory_space<semaphore_mem>>) src(%dma_wait3A_19 : memref<80x80xf32, #tpu.memory_space<hbm>>) dst(%arg7 : memref<80x80xf32, #tpu.memory_space<vmem>>)
    %run_scoped3A = arith.constant 124 : i32
    "tpu.region"() ({
      %run_scoped3A_25 = tpu.sem_alloc : memref<!tpu.dma_semaphore, #tpu.memory_space<semaphore_mem>>
      %dma_start3A_26 = arith.constant 0 : i32
      %dma_start3A_27 = tpu.memref_slice %arg6[%run_scoped3A, %dma_start3A_26] : memref<125x80xi32, #tpu.memory_space<vmem>> -> memref<1x80xi32, #tpu.memory_space<vmem>>
      %dma_start3A_28 = tpu.memref_squeeze %dma_start3A_27 : memref<1x80xi32, #tpu.memory_space<vmem>> -> memref<80xi32, #tpu.memory_space<vmem>>
      %dma_start3A_29 = arith.constant 0 : i32
      %dma_start3A_30 = arith.constant 0 : i32
      %dma_start3A_31 = tpu.memref_slice %arg9[%dma_start3A_29, %dma_start3A_30] : memref<10240x80xf32, #tpu.memory_space<vmem_shared>> -> memref<10240x80xf32, #tpu.memory_space<vmem_shared>>
      tpu.enqueue_indirect_dma source(%arg7 : memref<80x80xf32, #tpu.memory_space<vmem>>) target(%dma_start3A_31 : memref<10240x80xf32, #tpu.memory_space<vmem_shared>>) offsets(%dma_start3A_28 : memref<80xi32, #tpu.memory_space<vmem>>) semaphore(%run_scoped3A_25 : memref<!tpu.dma_semaphore, #tpu.memory_space<semaphore_mem>>) {add = true}
      %dma_wait3A_32 = arith.constant 0 : i32
      %dma_wait3A_33 = tpu.memref_slice %arg6[%run_scoped3A, %dma_wait3A_32] : memref<125x80xi32, #tpu.memory_space<vmem>> -> memref<1x80xi32, #tpu.memory_space<vmem>>
      %dma_wait3A_34 = tpu.memref_squeeze %dma_wait3A_33 : memref<1x80xi32, #tpu.memory_space<vmem>> -> memref<80xi32, #tpu.memory_space<vmem>>
      %dma_wait3A_35 = arith.constant 0 : i32
      %dma_wait3A_36 = arith.constant 0 : i32
      %dma_wait3A_37 = tpu.memref_slice %arg9[%dma_wait3A_35, %dma_wait3A_36] : memref<10240x80xf32, #tpu.memory_space<vmem_shared>> -> memref<10240x80xf32, #tpu.memory_space<vmem_shared>>
      tpu.wait_indirect_dma semaphore(%run_scoped3A_25 : memref<!tpu.dma_semaphore, #tpu.memory_space<semaphore_mem>>) src(%arg7 : memref<80x80xf32, #tpu.memory_space<vmem>>) dst(%dma_wait3A_37 : memref<10240x80xf32, #tpu.memory_space<vmem_shared>>)
      tpu.yield
    }) : () -> ()
    %barrier3A_20 = arith.constant 0 : index
    tpu.barrier barrier_id(%barrier3A_20)
    %mul3A_21 = arith.constant 640 : i32
    %mul3A_22 = arith.muli %arg1, %mul3A_21 : i32
    %mul3A_23 = arith.constant 640 : i32
    %mul3A_24 = arith.muli %arg1, %mul3A_23 : i32
    "tpu.region"() ({
      %run_scoped3A_25 = tpu.sem_alloc : memref<!tpu.dma_semaphore, #tpu.memory_space<semaphore_mem>>
      %dma_start3A_26 = arith.constant 0 : i32
      %dma_start3A_27 = tpu.memref_slice %arg5[%arg0, %mul3A_24, %dma_start3A_26] : memref<2x10240x80xf32, #tpu.memory_space<hbm>> -> memref<1x640x80xf32, #tpu.memory_space<hbm>>
      %dma_start3A_28 = tpu.memref_squeeze %dma_start3A_27 : memref<1x640x80xf32, #tpu.memory_space<hbm>> -> memref<640x80xf32, #tpu.memory_space<hbm>>
      %dma_start3A_29 = arith.constant 0 : i32
      %dma_start3A_30 = tpu.memref_slice %arg9[%mul3A_22, %dma_start3A_29] : memref<10240x80xf32, #tpu.memory_space<vmem_shared>> -> memref<640x80xf32, #tpu.memory_space<vmem_shared>>
      tpu.enqueue_dma source(%dma_start3A_30 : memref<640x80xf32, #tpu.memory_space<vmem_shared>>) target(%dma_start3A_28 : memref<640x80xf32, #tpu.memory_space<hbm>>) target_semaphore(%run_scoped3A_25 : memref<!tpu.dma_semaphore, #tpu.memory_space<semaphore_mem>>)
      %dma_wait3A_31 = arith.constant 0 : i32
      %dma_wait3A_32 = tpu.memref_slice %arg5[%arg0, %mul3A_24, %dma_wait3A_31] : memref<2x10240x80xf32, #tpu.memory_space<hbm>> -> memref<1x640x80xf32, #tpu.memory_space<hbm>>
      %dma_wait3A_33 = tpu.memref_squeeze %dma_wait3A_32 : memref<1x640x80xf32, #tpu.memory_space<hbm>> -> memref<640x80xf32, #tpu.memory_space<hbm>>
      %dma_wait3A_34 = arith.constant 0 : i32
      %dma_wait3A_35 = tpu.memref_slice %arg9[%mul3A_22, %dma_wait3A_34] : memref<10240x80xf32, #tpu.memory_space<vmem_shared>> -> memref<640x80xf32, #tpu.memory_space<vmem_shared>>
      tpu.wait_dma2 semaphore(%run_scoped3A_25 : memref<!tpu.dma_semaphore, #tpu.memory_space<semaphore_mem>>) src(%dma_wait3A_35 : memref<640x80xf32, #tpu.memory_space<vmem_shared>>) dst(%dma_wait3A_33 : memref<640x80xf32, #tpu.memory_space<hbm>>)
      tpu.yield
    }) : () -> ()
    return
  }
}

#map = affine_map<(d0, d1) -> (0, 0)>
#map1 = affine_map<(d0, d1) -> (0, 0, 0)>
module attributes {stable_mosaic.version = 14 : i64} {
  func.func @k(%arg0: i32, %arg1: i32, %arg2: memref<10000x64xf32, #tpu.memory_space<hbm>>, %arg3: memref<10000x64xf32, #tpu.memory_space<hbm>>, %arg4: memref<32x125x80xi32, #tpu.memory_space<hbm>>, %arg5: memref<32x125x80xi32, #tpu.memory_space<hbm>>, %arg6: memref<320000x64xf32, #tpu.memory_space<hbm>>, %arg7: memref<320000x64xf32, #tpu.memory_space<hbm>>, %arg8: memref<125x80xi32, #tpu.memory_space<vmem>>, %arg9: memref<80x64xf32, #tpu.memory_space<vmem>>, %arg10: memref<80x64xf32, #tpu.memory_space<vmem>>, %arg11: memref<!tpu.dma_semaphore, #tpu.memory_space<semaphore_mem>>, %arg12: memref<!tpu.dma_semaphore, #tpu.memory_space<semaphore_mem>>) attributes {dimension_semantics = [#tpu.dimension_semantics<core_parallel>, #tpu.dimension_semantics<subcore_parallel>], iteration_bounds = array<i64: 2, 16>, scalar_prefetch = 0 : i64, scratch_operands = 5 : i64, tpu.core_type = #tpu.core_type<sc_vector_subcore>, window_params = [{transform_indices = #map}, {transform_indices = #map}, {transform_indices = #map1}, {transform_indices = #map1}, {transform_indices = #map}, {transform_indices = #map}]} {
    %mul3A = arith.constant 2 : i32
    %mul3A_0 = arith.muli %arg1, %mul3A : i32
    %add3A = arith.addi %mul3A_0, %arg0 : i32
    %mul3A_1 = arith.constant 10000 : i32
    %mul3A_2 = arith.muli %add3A, %mul3A_1 : i32
    "tpu.region"() ({
      %run_scoped3A = tpu.sem_alloc : memref<!tpu.dma_semaphore, #tpu.memory_space<semaphore_mem>>
      %dma_start3A_42 = arith.constant 0 : i32
      %dma_start3A_43 = arith.constant 0 : i32
      %dma_start3A_44 = tpu.memref_slice %arg4[%add3A, %dma_start3A_42, %dma_start3A_43] : memref<32x125x80xi32, #tpu.memory_space<hbm>> -> memref<1x125x80xi32, #tpu.memory_space<hbm>>
      %dma_start3A_45 = tpu.memref_squeeze %dma_start3A_44 : memref<1x125x80xi32, #tpu.memory_space<hbm>> -> memref<125x80xi32, #tpu.memory_space<hbm>>
      %dma_start3A_46 = arith.constant 0 : i32
      %dma_start3A_47 = arith.constant 0 : i32
      %dma_start3A_48 = tpu.memref_slice %arg4[%add3A, %dma_start3A_46, %dma_start3A_47] : memref<32x125x80xi32, #tpu.memory_space<hbm>> -> memref<1x125x80xi32, #tpu.memory_space<hbm>>
      %dma_start3A_49 = tpu.memref_squeeze %dma_start3A_48 : memref<1x125x80xi32, #tpu.memory_space<hbm>> -> memref<125x80xi32, #tpu.memory_space<hbm>>
      tpu.enqueue_dma source(%dma_start3A_49 : memref<125x80xi32, #tpu.memory_space<hbm>>) target(%arg8 : memref<125x80xi32, #tpu.memory_space<vmem>>) target_semaphore(%run_scoped3A : memref<!tpu.dma_semaphore, #tpu.memory_space<semaphore_mem>>)
      %dma_wait3A_50 = arith.constant 0 : i32
      %dma_wait3A_51 = arith.constant 0 : i32
      %dma_wait3A_52 = tpu.memref_slice %arg4[%add3A, %dma_wait3A_50, %dma_wait3A_51] : memref<32x125x80xi32, #tpu.memory_space<hbm>> -> memref<1x125x80xi32, #tpu.memory_space<hbm>>
      %dma_wait3A_53 = tpu.memref_squeeze %dma_wait3A_52 : memref<1x125x80xi32, #tpu.memory_space<hbm>> -> memref<125x80xi32, #tpu.memory_space<hbm>>
      %dma_wait3A_54 = arith.constant 0 : i32
      %dma_wait3A_55 = arith.constant 0 : i32
      %dma_wait3A_56 = tpu.memref_slice %arg4[%add3A, %dma_wait3A_54, %dma_wait3A_55] : memref<32x125x80xi32, #tpu.memory_space<hbm>> -> memref<1x125x80xi32, #tpu.memory_space<hbm>>
      %dma_wait3A_57 = tpu.memref_squeeze %dma_wait3A_56 : memref<1x125x80xi32, #tpu.memory_space<hbm>> -> memref<125x80xi32, #tpu.memory_space<hbm>>
      tpu.wait_dma2 semaphore(%run_scoped3A : memref<!tpu.dma_semaphore, #tpu.memory_space<semaphore_mem>>) src(%dma_wait3A_57 : memref<125x80xi32, #tpu.memory_space<hbm>>) dst(%arg8 : memref<125x80xi32, #tpu.memory_space<vmem>>)
      tpu.yield
    }) : () -> ()
    %dma_start3A = arith.constant 0 : i32
    %dma_start3A_3 = arith.constant 0 : i32
    %dma_start3A_4 = tpu.memref_slice %arg8[%dma_start3A, %dma_start3A_3] : memref<125x80xi32, #tpu.memory_space<vmem>> -> memref<1x80xi32, #tpu.memory_space<vmem>>
    %dma_start3A_5 = tpu.memref_squeeze %dma_start3A_4 : memref<1x80xi32, #tpu.memory_space<vmem>> -> memref<80xi32, #tpu.memory_space<vmem>>
    %dma_start3A_6 = arith.constant 0 : i32
    %dma_start3A_7 = arith.constant 0 : i32
    %dma_start3A_8 = tpu.memref_slice %arg2[%dma_start3A_6, %dma_start3A_7] : memref<10000x64xf32, #tpu.memory_space<hbm>> -> memref<10000x64xf32, #tpu.memory_space<hbm>>
    tpu.enqueue_indirect_dma source(%dma_start3A_8 : memref<10000x64xf32, #tpu.memory_space<hbm>>) target(%arg9 : memref<80x64xf32, #tpu.memory_space<vmem>>) offsets(%dma_start3A_5 : memref<80xi32, #tpu.memory_space<vmem>>) semaphore(%arg11 : memref<!tpu.dma_semaphore, #tpu.memory_space<semaphore_mem>>)
    %scan3A = arith.constant 0 : i32
    %scan3A_9 = arith.constant 0 : i32
    %scan3A_10 = arith.constant 62 : i32
    %scan3A_11 = arith.addi %scan3A_9, %scan3A_10 : i32
    %scan3A_12 = arith.constant 1 : i32
    scf.for %scan3A_42 = %scan3A_9 to %scan3A_11 step %scan3A_12  : i32 {
      %mul3A_43 = arith.constant 2 : i32
      %mul3A_44 = arith.muli %mul3A_43, %scan3A_42 : i32
      %add3A_45 = arith.constant 1 : i32
      %add3A_46 = arith.addi %mul3A_44, %add3A_45 : i32
      %dma_start3A_47 = arith.constant 0 : i32
      %dma_start3A_48 = tpu.memref_slice %arg8[%add3A_46, %dma_start3A_47] : memref<125x80xi32, #tpu.memory_space<vmem>> -> memref<1x80xi32, #tpu.memory_space<vmem>>
      %dma_start3A_49 = tpu.memref_squeeze %dma_start3A_48 : memref<1x80xi32, #tpu.memory_space<vmem>> -> memref<80xi32, #tpu.memory_space<vmem>>
      %dma_start3A_50 = arith.constant 0 : i32
      %dma_start3A_51 = arith.constant 0 : i32
      %dma_start3A_52 = tpu.memref_slice %arg2[%dma_start3A_50, %dma_start3A_51] : memref<10000x64xf32, #tpu.memory_space<hbm>> -> memref<10000x64xf32, #tpu.memory_space<hbm>>
      tpu.enqueue_indirect_dma source(%dma_start3A_52 : memref<10000x64xf32, #tpu.memory_space<hbm>>) target(%arg10 : memref<80x64xf32, #tpu.memory_space<vmem>>) offsets(%dma_start3A_49 : memref<80xi32, #tpu.memory_space<vmem>>) semaphore(%arg12 : memref<!tpu.dma_semaphore, #tpu.memory_space<semaphore_mem>>)
      %dma_wait3A_53 = arith.constant 0 : i32
      %dma_wait3A_54 = arith.constant 0 : i32
      %dma_wait3A_55 = tpu.memref_slice %arg2[%dma_wait3A_53, %dma_wait3A_54] : memref<10000x64xf32, #tpu.memory_space<hbm>> -> memref<80x64xf32, #tpu.memory_space<hbm>>
      %dma_wait3A_56 = arith.constant 0 : i32
      %dma_wait3A_57 = arith.constant 0 : i32
      %dma_wait3A_58 = tpu.memref_slice %arg2[%dma_wait3A_56, %dma_wait3A_57] : memref<10000x64xf32, #tpu.memory_space<hbm>> -> memref<80x64xf32, #tpu.memory_space<hbm>>
      tpu.wait_dma2 semaphore(%arg11 : memref<!tpu.dma_semaphore, #tpu.memory_space<semaphore_mem>>) src(%dma_wait3A_58 : memref<80x64xf32, #tpu.memory_space<hbm>>) dst(%arg9 : memref<80x64xf32, #tpu.memory_space<vmem>>)
      %sub3A = arith.constant 1 : i32
      %sub3A_59 = arith.subi %add3A_46, %sub3A : i32
      %mul3A_60 = arith.constant 80 : i32
      %mul3A_61 = arith.muli %sub3A_59, %mul3A_60 : i32
      %add3A_62 = arith.addi %mul3A_2, %mul3A_61 : i32
      "tpu.region"() ({
        %run_scoped3A = tpu.sem_alloc : memref<!tpu.dma_semaphore, #tpu.memory_space<semaphore_mem>>
        %dma_start3A_80 = arith.constant 0 : i32
        %dma_start3A_81 = tpu.memref_slice %arg6[%add3A_62, %dma_start3A_80] : memref<320000x64xf32, #tpu.memory_space<hbm>> -> memref<80x64xf32, #tpu.memory_space<hbm>>
        %dma_start3A_82 = arith.constant 0 : i32
        %dma_start3A_83 = tpu.memref_slice %arg6[%add3A_62, %dma_start3A_82] : memref<320000x64xf32, #tpu.memory_space<hbm>> -> memref<80x64xf32, #tpu.memory_space<hbm>>
        tpu.enqueue_dma source(%arg9 : memref<80x64xf32, #tpu.memory_space<vmem>>) target(%dma_start3A_83 : memref<80x64xf32, #tpu.memory_space<hbm>>) target_semaphore(%run_scoped3A : memref<!tpu.dma_semaphore, #tpu.memory_space<semaphore_mem>>)
        %dma_wait3A_84 = arith.constant 0 : i32
        %dma_wait3A_85 = tpu.memref_slice %arg6[%add3A_62, %dma_wait3A_84] : memref<320000x64xf32, #tpu.memory_space<hbm>> -> memref<80x64xf32, #tpu.memory_space<hbm>>
        %dma_wait3A_86 = arith.constant 0 : i32
        %dma_wait3A_87 = tpu.memref_slice %arg6[%add3A_62, %dma_wait3A_86] : memref<320000x64xf32, #tpu.memory_space<hbm>> -> memref<80x64xf32, #tpu.memory_space<hbm>>
        tpu.wait_dma2 semaphore(%run_scoped3A : memref<!tpu.dma_semaphore, #tpu.memory_space<semaphore_mem>>) src(%arg9 : memref<80x64xf32, #tpu.memory_space<vmem>>) dst(%dma_wait3A_87 : memref<80x64xf32, #tpu.memory_space<hbm>>)
        tpu.yield
      }) : () -> ()
      %add3A_63 = arith.constant 1 : i32
      %add3A_64 = arith.addi %add3A_46, %add3A_63 : i32
      %dma_start3A_65 = arith.constant 0 : i32
      %dma_start3A_66 = tpu.memref_slice %arg8[%add3A_64, %dma_start3A_65] : memref<125x80xi32, #tpu.memory_space<vmem>> -> memref<1x80xi32, #tpu.memory_space<vmem>>
      %dma_start3A_67 = tpu.memref_squeeze %dma_start3A_66 : memref<1x80xi32, #tpu.memory_space<vmem>> -> memref<80xi32, #tpu.memory_space<vmem>>
      %dma_start3A_68 = arith.constant 0 : i32
      %dma_start3A_69 = arith.constant 0 : i32
      %dma_start3A_70 = tpu.memref_slice %arg2[%dma_start3A_68, %dma_start3A_69] : memref<10000x64xf32, #tpu.memory_space<hbm>> -> memref<10000x64xf32, #tpu.memory_space<hbm>>
      tpu.enqueue_indirect_dma source(%dma_start3A_70 : memref<10000x64xf32, #tpu.memory_space<hbm>>) target(%arg9 : memref<80x64xf32, #tpu.memory_space<vmem>>) offsets(%dma_start3A_67 : memref<80xi32, #tpu.memory_space<vmem>>) semaphore(%arg11 : memref<!tpu.dma_semaphore, #tpu.memory_space<semaphore_mem>>)
      %dma_wait3A_71 = arith.constant 0 : i32
      %dma_wait3A_72 = arith.constant 0 : i32
      %dma_wait3A_73 = tpu.memref_slice %arg2[%dma_wait3A_71, %dma_wait3A_72] : memref<10000x64xf32, #tpu.memory_space<hbm>> -> memref<80x64xf32, #tpu.memory_space<hbm>>
      %dma_wait3A_74 = arith.constant 0 : i32
      %dma_wait3A_75 = arith.constant 0 : i32
      %dma_wait3A_76 = tpu.memref_slice %arg2[%dma_wait3A_74, %dma_wait3A_75] : memref<10000x64xf32, #tpu.memory_space<hbm>> -> memref<80x64xf32, #tpu.memory_space<hbm>>
      tpu.wait_dma2 semaphore(%arg12 : memref<!tpu.dma_semaphore, #tpu.memory_space<semaphore_mem>>) src(%dma_wait3A_76 : memref<80x64xf32, #tpu.memory_space<hbm>>) dst(%arg10 : memref<80x64xf32, #tpu.memory_space<vmem>>)
      %mul3A_77 = arith.constant 80 : i32
      %mul3A_78 = arith.muli %add3A_46, %mul3A_77 : i32
      %add3A_79 = arith.addi %mul3A_2, %mul3A_78 : i32
      "tpu.region"() ({
        %run_scoped3A = tpu.sem_alloc : memref<!tpu.dma_semaphore, #tpu.memory_space<semaphore_mem>>
        %dma_start3A_80 = arith.constant 0 : i32
        %dma_start3A_81 = tpu.memref_slice %arg6[%add3A_79, %dma_start3A_80] : memref<320000x64xf32, #tpu.memory_space<hbm>> -> memref<80x64xf32, #tpu.memory_space<hbm>>
        %dma_start3A_82 = arith.constant 0 : i32
        %dma_start3A_83 = tpu.memref_slice %arg6[%add3A_79, %dma_start3A_82] : memref<320000x64xf32, #tpu.memory_space<hbm>> -> memref<80x64xf32, #tpu.memory_space<hbm>>
        tpu.enqueue_dma source(%arg10 : memref<80x64xf32, #tpu.memory_space<vmem>>) target(%dma_start3A_83 : memref<80x64xf32, #tpu.memory_space<hbm>>) target_semaphore(%run_scoped3A : memref<!tpu.dma_semaphore, #tpu.memory_space<semaphore_mem>>)
        %dma_wait3A_84 = arith.constant 0 : i32
        %dma_wait3A_85 = tpu.memref_slice %arg6[%add3A_79, %dma_wait3A_84] : memref<320000x64xf32, #tpu.memory_space<hbm>> -> memref<80x64xf32, #tpu.memory_space<hbm>>
        %dma_wait3A_86 = arith.constant 0 : i32
        %dma_wait3A_87 = tpu.memref_slice %arg6[%add3A_79, %dma_wait3A_86] : memref<320000x64xf32, #tpu.memory_space<hbm>> -> memref<80x64xf32, #tpu.memory_space<hbm>>
        tpu.wait_dma2 semaphore(%run_scoped3A : memref<!tpu.dma_semaphore, #tpu.memory_space<semaphore_mem>>) src(%arg10 : memref<80x64xf32, #tpu.memory_space<vmem>>) dst(%dma_wait3A_87 : memref<80x64xf32, #tpu.memory_space<hbm>>)
        tpu.yield
      }) : () -> ()
    }
    %scan3A_13 = arith.constant 62 : i32
    %dma_wait3A = arith.constant 0 : i32
    %dma_wait3A_14 = arith.constant 0 : i32
    %dma_wait3A_15 = tpu.memref_slice %arg2[%dma_wait3A, %dma_wait3A_14] : memref<10000x64xf32, #tpu.memory_space<hbm>> -> memref<80x64xf32, #tpu.memory_space<hbm>>
    %dma_wait3A_16 = arith.constant 0 : i32
    %dma_wait3A_17 = arith.constant 0 : i32
    %dma_wait3A_18 = tpu.memref_slice %arg2[%dma_wait3A_16, %dma_wait3A_17] : memref<10000x64xf32, #tpu.memory_space<hbm>> -> memref<80x64xf32, #tpu.memory_space<hbm>>
    tpu.wait_dma2 semaphore(%arg11 : memref<!tpu.dma_semaphore, #tpu.memory_space<semaphore_mem>>) src(%dma_wait3A_18 : memref<80x64xf32, #tpu.memory_space<hbm>>) dst(%arg9 : memref<80x64xf32, #tpu.memory_space<vmem>>)
    %add3A_19 = arith.constant 9920 : i32
    %add3A_20 = arith.addi %mul3A_2, %add3A_19 : i32
    "tpu.region"() ({
      %run_scoped3A = tpu.sem_alloc : memref<!tpu.dma_semaphore, #tpu.memory_space<semaphore_mem>>
      %dma_start3A_42 = arith.constant 0 : i32
      %dma_start3A_43 = tpu.memref_slice %arg6[%add3A_20, %dma_start3A_42] : memref<320000x64xf32, #tpu.memory_space<hbm>> -> memref<80x64xf32, #tpu.memory_space<hbm>>
      %dma_start3A_44 = arith.constant 0 : i32
      %dma_start3A_45 = tpu.memref_slice %arg6[%add3A_20, %dma_start3A_44] : memref<320000x64xf32, #tpu.memory_space<hbm>> -> memref<80x64xf32, #tpu.memory_space<hbm>>
      tpu.enqueue_dma source(%arg9 : memref<80x64xf32, #tpu.memory_space<vmem>>) target(%dma_start3A_45 : memref<80x64xf32, #tpu.memory_space<hbm>>) target_semaphore(%run_scoped3A : memref<!tpu.dma_semaphore, #tpu.memory_space<semaphore_mem>>)
      %dma_wait3A_46 = arith.constant 0 : i32
      %dma_wait3A_47 = tpu.memref_slice %arg6[%add3A_20, %dma_wait3A_46] : memref<320000x64xf32, #tpu.memory_space<hbm>> -> memref<80x64xf32, #tpu.memory_space<hbm>>
      %dma_wait3A_48 = arith.constant 0 : i32
      %dma_wait3A_49 = tpu.memref_slice %arg6[%add3A_20, %dma_wait3A_48] : memref<320000x64xf32, #tpu.memory_space<hbm>> -> memref<80x64xf32, #tpu.memory_space<hbm>>
      tpu.wait_dma2 semaphore(%run_scoped3A : memref<!tpu.dma_semaphore, #tpu.memory_space<semaphore_mem>>) src(%arg9 : memref<80x64xf32, #tpu.memory_space<vmem>>) dst(%dma_wait3A_49 : memref<80x64xf32, #tpu.memory_space<hbm>>)
      tpu.yield
    }) : () -> ()
    "tpu.region"() ({
      %run_scoped3A = tpu.sem_alloc : memref<!tpu.dma_semaphore, #tpu.memory_space<semaphore_mem>>
      %dma_start3A_42 = arith.constant 0 : i32
      %dma_start3A_43 = arith.constant 0 : i32
      %dma_start3A_44 = tpu.memref_slice %arg5[%add3A, %dma_start3A_42, %dma_start3A_43] : memref<32x125x80xi32, #tpu.memory_space<hbm>> -> memref<1x125x80xi32, #tpu.memory_space<hbm>>
      %dma_start3A_45 = tpu.memref_squeeze %dma_start3A_44 : memref<1x125x80xi32, #tpu.memory_space<hbm>> -> memref<125x80xi32, #tpu.memory_space<hbm>>
      %dma_start3A_46 = arith.constant 0 : i32
      %dma_start3A_47 = arith.constant 0 : i32
      %dma_start3A_48 = tpu.memref_slice %arg5[%add3A, %dma_start3A_46, %dma_start3A_47] : memref<32x125x80xi32, #tpu.memory_space<hbm>> -> memref<1x125x80xi32, #tpu.memory_space<hbm>>
      %dma_start3A_49 = tpu.memref_squeeze %dma_start3A_48 : memref<1x125x80xi32, #tpu.memory_space<hbm>> -> memref<125x80xi32, #tpu.memory_space<hbm>>
      tpu.enqueue_dma source(%dma_start3A_49 : memref<125x80xi32, #tpu.memory_space<hbm>>) target(%arg8 : memref<125x80xi32, #tpu.memory_space<vmem>>) target_semaphore(%run_scoped3A : memref<!tpu.dma_semaphore, #tpu.memory_space<semaphore_mem>>)
      %dma_wait3A_50 = arith.constant 0 : i32
      %dma_wait3A_51 = arith.constant 0 : i32
      %dma_wait3A_52 = tpu.memref_slice %arg5[%add3A, %dma_wait3A_50, %dma_wait3A_51] : memref<32x125x80xi32, #tpu.memory_space<hbm>> -> memref<1x125x80xi32, #tpu.memory_space<hbm>>
      %dma_wait3A_53 = tpu.memref_squeeze %dma_wait3A_52 : memref<1x125x80xi32, #tpu.memory_space<hbm>> -> memref<125x80xi32, #tpu.memory_space<hbm>>
      %dma_wait3A_54 = arith.constant 0 : i32
      %dma_wait3A_55 = arith.constant 0 : i32
      %dma_wait3A_56 = tpu.memref_slice %arg5[%add3A, %dma_wait3A_54, %dma_wait3A_55] : memref<32x125x80xi32, #tpu.memory_space<hbm>> -> memref<1x125x80xi32, #tpu.memory_space<hbm>>
      %dma_wait3A_57 = tpu.memref_squeeze %dma_wait3A_56 : memref<1x125x80xi32, #tpu.memory_space<hbm>> -> memref<125x80xi32, #tpu.memory_space<hbm>>
      tpu.wait_dma2 semaphore(%run_scoped3A : memref<!tpu.dma_semaphore, #tpu.memory_space<semaphore_mem>>) src(%dma_wait3A_57 : memref<125x80xi32, #tpu.memory_space<hbm>>) dst(%arg8 : memref<125x80xi32, #tpu.memory_space<vmem>>)
      tpu.yield
    }) : () -> ()
    %dma_start3A_21 = arith.constant 0 : i32
    %dma_start3A_22 = arith.constant 0 : i32
    %dma_start3A_23 = tpu.memref_slice %arg8[%dma_start3A_21, %dma_start3A_22] : memref<125x80xi32, #tpu.memory_space<vmem>> -> memref<1x80xi32, #tpu.memory_space<vmem>>
    %dma_start3A_24 = tpu.memref_squeeze %dma_start3A_23 : memref<1x80xi32, #tpu.memory_space<vmem>> -> memref<80xi32, #tpu.memory_space<vmem>>
    %dma_start3A_25 = arith.constant 0 : i32
    %dma_start3A_26 = arith.constant 0 : i32
    %dma_start3A_27 = tpu.memref_slice %arg3[%dma_start3A_25, %dma_start3A_26] : memref<10000x64xf32, #tpu.memory_space<hbm>> -> memref<10000x64xf32, #tpu.memory_space<hbm>>
    tpu.enqueue_indirect_dma source(%dma_start3A_27 : memref<10000x64xf32, #tpu.memory_space<hbm>>) target(%arg9 : memref<80x64xf32, #tpu.memory_space<vmem>>) offsets(%dma_start3A_24 : memref<80xi32, #tpu.memory_space<vmem>>) semaphore(%arg11 : memref<!tpu.dma_semaphore, #tpu.memory_space<semaphore_mem>>)
    %scan3A_28 = arith.constant 0 : i32
    %scan3A_29 = arith.constant 0 : i32
    %scan3A_30 = arith.constant 62 : i32
    %scan3A_31 = arith.addi %scan3A_29, %scan3A_30 : i32
    %scan3A_32 = arith.constant 1 : i32
    scf.for %scan3A_42 = %scan3A_29 to %scan3A_31 step %scan3A_32  : i32 {
      %mul3A_43 = arith.constant 2 : i32
      %mul3A_44 = arith.muli %mul3A_43, %scan3A_42 : i32
      %add3A_45 = arith.constant 1 : i32
      %add3A_46 = arith.addi %mul3A_44, %add3A_45 : i32
      %dma_start3A_47 = arith.constant 0 : i32
      %dma_start3A_48 = tpu.memref_slice %arg8[%add3A_46, %dma_start3A_47] : memref<125x80xi32, #tpu.memory_space<vmem>> -> memref<1x80xi32, #tpu.memory_space<vmem>>
      %dma_start3A_49 = tpu.memref_squeeze %dma_start3A_48 : memref<1x80xi32, #tpu.memory_space<vmem>> -> memref<80xi32, #tpu.memory_space<vmem>>
      %dma_start3A_50 = arith.constant 0 : i32
      %dma_start3A_51 = arith.constant 0 : i32
      %dma_start3A_52 = tpu.memref_slice %arg3[%dma_start3A_50, %dma_start3A_51] : memref<10000x64xf32, #tpu.memory_space<hbm>> -> memref<10000x64xf32, #tpu.memory_space<hbm>>
      tpu.enqueue_indirect_dma source(%dma_start3A_52 : memref<10000x64xf32, #tpu.memory_space<hbm>>) target(%arg10 : memref<80x64xf32, #tpu.memory_space<vmem>>) offsets(%dma_start3A_49 : memref<80xi32, #tpu.memory_space<vmem>>) semaphore(%arg12 : memref<!tpu.dma_semaphore, #tpu.memory_space<semaphore_mem>>)
      %dma_wait3A_53 = arith.constant 0 : i32
      %dma_wait3A_54 = arith.constant 0 : i32
      %dma_wait3A_55 = tpu.memref_slice %arg3[%dma_wait3A_53, %dma_wait3A_54] : memref<10000x64xf32, #tpu.memory_space<hbm>> -> memref<80x64xf32, #tpu.memory_space<hbm>>
      %dma_wait3A_56 = arith.constant 0 : i32
      %dma_wait3A_57 = arith.constant 0 : i32
      %dma_wait3A_58 = tpu.memref_slice %arg3[%dma_wait3A_56, %dma_wait3A_57] : memref<10000x64xf32, #tpu.memory_space<hbm>> -> memref<80x64xf32, #tpu.memory_space<hbm>>
      tpu.wait_dma2 semaphore(%arg11 : memref<!tpu.dma_semaphore, #tpu.memory_space<semaphore_mem>>) src(%dma_wait3A_58 : memref<80x64xf32, #tpu.memory_space<hbm>>) dst(%arg9 : memref<80x64xf32, #tpu.memory_space<vmem>>)
      %sub3A = arith.constant 1 : i32
      %sub3A_59 = arith.subi %add3A_46, %sub3A : i32
      %mul3A_60 = arith.constant 80 : i32
      %mul3A_61 = arith.muli %sub3A_59, %mul3A_60 : i32
      %add3A_62 = arith.addi %mul3A_2, %mul3A_61 : i32
      "tpu.region"() ({
        %run_scoped3A = tpu.sem_alloc : memref<!tpu.dma_semaphore, #tpu.memory_space<semaphore_mem>>
        %dma_start3A_80 = arith.constant 0 : i32
        %dma_start3A_81 = tpu.memref_slice %arg7[%add3A_62, %dma_start3A_80] : memref<320000x64xf32, #tpu.memory_space<hbm>> -> memref<80x64xf32, #tpu.memory_space<hbm>>
        %dma_start3A_82 = arith.constant 0 : i32
        %dma_start3A_83 = tpu.memref_slice %arg7[%add3A_62, %dma_start3A_82] : memref<320000x64xf32, #tpu.memory_space<hbm>> -> memref<80x64xf32, #tpu.memory_space<hbm>>
        tpu.enqueue_dma source(%arg9 : memref<80x64xf32, #tpu.memory_space<vmem>>) target(%dma_start3A_83 : memref<80x64xf32, #tpu.memory_space<hbm>>) target_semaphore(%run_scoped3A : memref<!tpu.dma_semaphore, #tpu.memory_space<semaphore_mem>>)
        %dma_wait3A_84 = arith.constant 0 : i32
        %dma_wait3A_85 = tpu.memref_slice %arg7[%add3A_62, %dma_wait3A_84] : memref<320000x64xf32, #tpu.memory_space<hbm>> -> memref<80x64xf32, #tpu.memory_space<hbm>>
        %dma_wait3A_86 = arith.constant 0 : i32
        %dma_wait3A_87 = tpu.memref_slice %arg7[%add3A_62, %dma_wait3A_86] : memref<320000x64xf32, #tpu.memory_space<hbm>> -> memref<80x64xf32, #tpu.memory_space<hbm>>
        tpu.wait_dma2 semaphore(%run_scoped3A : memref<!tpu.dma_semaphore, #tpu.memory_space<semaphore_mem>>) src(%arg9 : memref<80x64xf32, #tpu.memory_space<vmem>>) dst(%dma_wait3A_87 : memref<80x64xf32, #tpu.memory_space<hbm>>)
        tpu.yield
      }) : () -> ()
      %add3A_63 = arith.constant 1 : i32
      %add3A_64 = arith.addi %add3A_46, %add3A_63 : i32
      %dma_start3A_65 = arith.constant 0 : i32
      %dma_start3A_66 = tpu.memref_slice %arg8[%add3A_64, %dma_start3A_65] : memref<125x80xi32, #tpu.memory_space<vmem>> -> memref<1x80xi32, #tpu.memory_space<vmem>>
      %dma_start3A_67 = tpu.memref_squeeze %dma_start3A_66 : memref<1x80xi32, #tpu.memory_space<vmem>> -> memref<80xi32, #tpu.memory_space<vmem>>
      %dma_start3A_68 = arith.constant 0 : i32
      %dma_start3A_69 = arith.constant 0 : i32
      %dma_start3A_70 = tpu.memref_slice %arg3[%dma_start3A_68, %dma_start3A_69] : memref<10000x64xf32, #tpu.memory_space<hbm>> -> memref<10000x64xf32, #tpu.memory_space<hbm>>
      tpu.enqueue_indirect_dma source(%dma_start3A_70 : memref<10000x64xf32, #tpu.memory_space<hbm>>) target(%arg9 : memref<80x64xf32, #tpu.memory_space<vmem>>) offsets(%dma_start3A_67 : memref<80xi32, #tpu.memory_space<vmem>>) semaphore(%arg11 : memref<!tpu.dma_semaphore, #tpu.memory_space<semaphore_mem>>)
      %dma_wait3A_71 = arith.constant 0 : i32
      %dma_wait3A_72 = arith.constant 0 : i32
      %dma_wait3A_73 = tpu.memref_slice %arg3[%dma_wait3A_71, %dma_wait3A_72] : memref<10000x64xf32, #tpu.memory_space<hbm>> -> memref<80x64xf32, #tpu.memory_space<hbm>>
      %dma_wait3A_74 = arith.constant 0 : i32
      %dma_wait3A_75 = arith.constant 0 : i32
      %dma_wait3A_76 = tpu.memref_slice %arg3[%dma_wait3A_74, %dma_wait3A_75] : memref<10000x64xf32, #tpu.memory_space<hbm>> -> memref<80x64xf32, #tpu.memory_space<hbm>>
      tpu.wait_dma2 semaphore(%arg12 : memref<!tpu.dma_semaphore, #tpu.memory_space<semaphore_mem>>) src(%dma_wait3A_76 : memref<80x64xf32, #tpu.memory_space<hbm>>) dst(%arg10 : memref<80x64xf32, #tpu.memory_space<vmem>>)
      %mul3A_77 = arith.constant 80 : i32
      %mul3A_78 = arith.muli %add3A_46, %mul3A_77 : i32
      %add3A_79 = arith.addi %mul3A_2, %mul3A_78 : i32
      "tpu.region"() ({
        %run_scoped3A = tpu.sem_alloc : memref<!tpu.dma_semaphore, #tpu.memory_space<semaphore_mem>>
        %dma_start3A_80 = arith.constant 0 : i32
        %dma_start3A_81 = tpu.memref_slice %arg7[%add3A_79, %dma_start3A_80] : memref<320000x64xf32, #tpu.memory_space<hbm>> -> memref<80x64xf32, #tpu.memory_space<hbm>>
        %dma_start3A_82 = arith.constant 0 : i32
        %dma_start3A_83 = tpu.memref_slice %arg7[%add3A_79, %dma_start3A_82] : memref<320000x64xf32, #tpu.memory_space<hbm>> -> memref<80x64xf32, #tpu.memory_space<hbm>>
        tpu.enqueue_dma source(%arg10 : memref<80x64xf32, #tpu.memory_space<vmem>>) target(%dma_start3A_83 : memref<80x64xf32, #tpu.memory_space<hbm>>) target_semaphore(%run_scoped3A : memref<!tpu.dma_semaphore, #tpu.memory_space<semaphore_mem>>)
        %dma_wait3A_84 = arith.constant 0 : i32
        %dma_wait3A_85 = tpu.memref_slice %arg7[%add3A_79, %dma_wait3A_84] : memref<320000x64xf32, #tpu.memory_space<hbm>> -> memref<80x64xf32, #tpu.memory_space<hbm>>
        %dma_wait3A_86 = arith.constant 0 : i32
        %dma_wait3A_87 = tpu.memref_slice %arg7[%add3A_79, %dma_wait3A_86] : memref<320000x64xf32, #tpu.memory_space<hbm>> -> memref<80x64xf32, #tpu.memory_space<hbm>>
        tpu.wait_dma2 semaphore(%run_scoped3A : memref<!tpu.dma_semaphore, #tpu.memory_space<semaphore_mem>>) src(%arg10 : memref<80x64xf32, #tpu.memory_space<vmem>>) dst(%dma_wait3A_87 : memref<80x64xf32, #tpu.memory_space<hbm>>)
        tpu.yield
      }) : () -> ()
    }
    %scan3A_33 = arith.constant 62 : i32
    %dma_wait3A_34 = arith.constant 0 : i32
    %dma_wait3A_35 = arith.constant 0 : i32
    %dma_wait3A_36 = tpu.memref_slice %arg3[%dma_wait3A_34, %dma_wait3A_35] : memref<10000x64xf32, #tpu.memory_space<hbm>> -> memref<80x64xf32, #tpu.memory_space<hbm>>
    %dma_wait3A_37 = arith.constant 0 : i32
    %dma_wait3A_38 = arith.constant 0 : i32
    %dma_wait3A_39 = tpu.memref_slice %arg3[%dma_wait3A_37, %dma_wait3A_38] : memref<10000x64xf32, #tpu.memory_space<hbm>> -> memref<80x64xf32, #tpu.memory_space<hbm>>
    tpu.wait_dma2 semaphore(%arg11 : memref<!tpu.dma_semaphore, #tpu.memory_space<semaphore_mem>>) src(%dma_wait3A_39 : memref<80x64xf32, #tpu.memory_space<hbm>>) dst(%arg9 : memref<80x64xf32, #tpu.memory_space<vmem>>)
    %add3A_40 = arith.constant 9920 : i32
    %add3A_41 = arith.addi %mul3A_2, %add3A_40 : i32
    "tpu.region"() ({
      %run_scoped3A = tpu.sem_alloc : memref<!tpu.dma_semaphore, #tpu.memory_space<semaphore_mem>>
      %dma_start3A_42 = arith.constant 0 : i32
      %dma_start3A_43 = tpu.memref_slice %arg7[%add3A_41, %dma_start3A_42] : memref<320000x64xf32, #tpu.memory_space<hbm>> -> memref<80x64xf32, #tpu.memory_space<hbm>>
      %dma_start3A_44 = arith.constant 0 : i32
      %dma_start3A_45 = tpu.memref_slice %arg7[%add3A_41, %dma_start3A_44] : memref<320000x64xf32, #tpu.memory_space<hbm>> -> memref<80x64xf32, #tpu.memory_space<hbm>>
      tpu.enqueue_dma source(%arg9 : memref<80x64xf32, #tpu.memory_space<vmem>>) target(%dma_start3A_45 : memref<80x64xf32, #tpu.memory_space<hbm>>) target_semaphore(%run_scoped3A : memref<!tpu.dma_semaphore, #tpu.memory_space<semaphore_mem>>)
      %dma_wait3A_46 = arith.constant 0 : i32
      %dma_wait3A_47 = tpu.memref_slice %arg7[%add3A_41, %dma_wait3A_46] : memref<320000x64xf32, #tpu.memory_space<hbm>> -> memref<80x64xf32, #tpu.memory_space<hbm>>
      %dma_wait3A_48 = arith.constant 0 : i32
      %dma_wait3A_49 = tpu.memref_slice %arg7[%add3A_41, %dma_wait3A_48] : memref<320000x64xf32, #tpu.memory_space<hbm>> -> memref<80x64xf32, #tpu.memory_space<hbm>>
      tpu.wait_dma2 semaphore(%run_scoped3A : memref<!tpu.dma_semaphore, #tpu.memory_space<semaphore_mem>>) src(%arg9 : memref<80x64xf32, #tpu.memory_space<vmem>>) dst(%dma_wait3A_49 : memref<80x64xf32, #tpu.memory_space<hbm>>)
      tpu.yield
    }) : () -> ()
    return
  }
}

#map = affine_map<(d0, d1) -> (0, 0)>
#map1 = affine_map<(d0, d1) -> (0, 0, 0)>
module attributes {stable_mosaic.version = 14 : i64} {
  func.func @k(%arg0: i32, %arg1: i32, %arg2: memref<320000x48xf32, #tpu.memory_space<hbm>>, %arg3: memref<32x125x80xi32, #tpu.memory_space<hbm>>, %arg4: memref<640x48xf32, #tpu.memory_space<hbm>>, %arg5: memref<2x10240x48xf32, #tpu.memory_space<hbm>>, %arg6: memref<125x80xi32, #tpu.memory_space<vmem>>, %arg7: memref<80x48xf32, #tpu.memory_space<vmem>>, %arg8: memref<80x48xf32, #tpu.memory_space<vmem>>, %arg9: memref<10240x48xf32, #tpu.memory_space<vmem_shared>>, %arg10: memref<!tpu.dma_semaphore, #tpu.memory_space<semaphore_mem>>, %arg11: memref<!tpu.dma_semaphore, #tpu.memory_space<semaphore_mem>>) attributes {dimension_semantics = [#tpu.dimension_semantics<core_parallel>, #tpu.dimension_semantics<subcore_parallel>], iteration_bounds = array<i64: 2, 16>, scalar_prefetch = 0 : i64, scratch_operands = 6 : i64, tpu.core_type = #tpu.core_type<sc_vector_subcore>, window_params = [{transform_indices = #map}, {transform_indices = #map1}, {transform_indices = #map}, {transform_indices = #map1}]} {
    %mul3A = arith.constant 2 : i32
    %mul3A_0 = arith.muli %arg1, %mul3A : i32
    %add3A = arith.addi %mul3A_0, %arg0 : i32
    %mul3A_1 = arith.constant 640 : i32
    %mul3A_2 = arith.muli %arg1, %mul3A_1 : i32
    "tpu.region"() ({
      %run_scoped3A_25 = tpu.sem_alloc : memref<!tpu.dma_semaphore, #tpu.memory_space<semaphore_mem>>
      %dma_start3A_26 = arith.constant 0 : i32
      %dma_start3A_27 = tpu.memref_slice %arg9[%mul3A_2, %dma_start3A_26] : memref<10240x48xf32, #tpu.memory_space<vmem_shared>> -> memref<640x48xf32, #tpu.memory_space<vmem_shared>>
      tpu.enqueue_dma source(%arg4 : memref<640x48xf32, #tpu.memory_space<hbm>>) target(%dma_start3A_27 : memref<640x48xf32, #tpu.memory_space<vmem_shared>>) target_semaphore(%run_scoped3A_25 : memref<!tpu.dma_semaphore, #tpu.memory_space<semaphore_mem>>)
      %dma_wait3A_28 = arith.constant 0 : i32
      %dma_wait3A_29 = tpu.memref_slice %arg9[%mul3A_2, %dma_wait3A_28] : memref<10240x48xf32, #tpu.memory_space<vmem_shared>> -> memref<640x48xf32, #tpu.memory_space<vmem_shared>>
      tpu.wait_dma2 semaphore(%run_scoped3A_25 : memref<!tpu.dma_semaphore, #tpu.memory_space<semaphore_mem>>) src(%arg4 : memref<640x48xf32, #tpu.memory_space<hbm>>) dst(%dma_wait3A_29 : memref<640x48xf32, #tpu.memory_space<vmem_shared>>)
      tpu.yield
    }) : () -> ()
    %barrier3A = arith.constant 0 : index
    tpu.barrier barrier_id(%barrier3A)
    %mul3A_3 = arith.constant 10000 : i32
    %mul3A_4 = arith.muli %add3A, %mul3A_3 : i32
    "tpu.region"() ({
      %run_scoped3A_25 = tpu.sem_alloc : memref<!tpu.dma_semaphore, #tpu.memory_space<semaphore_mem>>
      %dma_start3A_26 = arith.constant 0 : i32
      %dma_start3A_27 = arith.constant 0 : i32
      %dma_start3A_28 = tpu.memref_slice %arg3[%add3A, %dma_start3A_26, %dma_start3A_27] : memref<32x125x80xi32, #tpu.memory_space<hbm>> -> memref<1x125x80xi32, #tpu.memory_space<hbm>>
      %dma_start3A_29 = tpu.memref_squeeze %dma_start3A_28 : memref<1x125x80xi32, #tpu.memory_space<hbm>> -> memref<125x80xi32, #tpu.memory_space<hbm>>
      %dma_start3A_30 = arith.constant 0 : i32
      %dma_start3A_31 = arith.constant 0 : i32
      %dma_start3A_32 = tpu.memref_slice %arg3[%add3A, %dma_start3A_30, %dma_start3A_31] : memref<32x125x80xi32, #tpu.memory_space<hbm>> -> memref<1x125x80xi32, #tpu.memory_space<hbm>>
      %dma_start3A_33 = tpu.memref_squeeze %dma_start3A_32 : memref<1x125x80xi32, #tpu.memory_space<hbm>> -> memref<125x80xi32, #tpu.memory_space<hbm>>
      tpu.enqueue_dma source(%dma_start3A_33 : memref<125x80xi32, #tpu.memory_space<hbm>>) target(%arg6 : memref<125x80xi32, #tpu.memory_space<vmem>>) target_semaphore(%run_scoped3A_25 : memref<!tpu.dma_semaphore, #tpu.memory_space<semaphore_mem>>)
      %dma_wait3A_34 = arith.constant 0 : i32
      %dma_wait3A_35 = arith.constant 0 : i32
      %dma_wait3A_36 = tpu.memref_slice %arg3[%add3A, %dma_wait3A_34, %dma_wait3A_35] : memref<32x125x80xi32, #tpu.memory_space<hbm>> -> memref<1x125x80xi32, #tpu.memory_space<hbm>>
      %dma_wait3A_37 = tpu.memref_squeeze %dma_wait3A_36 : memref<1x125x80xi32, #tpu.memory_space<hbm>> -> memref<125x80xi32, #tpu.memory_space<hbm>>
      %dma_wait3A_38 = arith.constant 0 : i32
      %dma_wait3A_39 = arith.constant 0 : i32
      %dma_wait3A_40 = tpu.memref_slice %arg3[%add3A, %dma_wait3A_38, %dma_wait3A_39] : memref<32x125x80xi32, #tpu.memory_space<hbm>> -> memref<1x125x80xi32, #tpu.memory_space<hbm>>
      %dma_wait3A_41 = tpu.memref_squeeze %dma_wait3A_40 : memref<1x125x80xi32, #tpu.memory_space<hbm>> -> memref<125x80xi32, #tpu.memory_space<hbm>>
      tpu.wait_dma2 semaphore(%run_scoped3A_25 : memref<!tpu.dma_semaphore, #tpu.memory_space<semaphore_mem>>) src(%dma_wait3A_41 : memref<125x80xi32, #tpu.memory_space<hbm>>) dst(%arg6 : memref<125x80xi32, #tpu.memory_space<vmem>>)
      tpu.yield
    }) : () -> ()
    %add3A_5 = arith.constant 0 : i32
    %add3A_6 = arith.addi %mul3A_4, %add3A_5 : i32
    %dma_start3A = arith.constant 0 : i32
    %dma_start3A_7 = tpu.memref_slice %arg2[%add3A_6, %dma_start3A] : memref<320000x48xf32, #tpu.memory_space<hbm>> -> memref<80x48xf32, #tpu.memory_space<hbm>>
    %dma_start3A_8 = arith.constant 0 : i32
    %dma_start3A_9 = tpu.memref_slice %arg2[%add3A_6, %dma_start3A_8] : memref<320000x48xf32, #tpu.memory_space<hbm>> -> memref<80x48xf32, #tpu.memory_space<hbm>>
    tpu.enqueue_dma source(%dma_start3A_9 : memref<80x48xf32, #tpu.memory_space<hbm>>) target(%arg7 : memref<80x48xf32, #tpu.memory_space<vmem>>) target_semaphore(%arg10 : memref<!tpu.dma_semaphore, #tpu.memory_space<semaphore_mem>>)
    %scan3A = arith.constant 0 : i32
    %scan3A_10 = arith.constant 0 : i32
    %scan3A_11 = arith.constant 62 : i32
    %scan3A_12 = arith.addi %scan3A_10, %scan3A_11 : i32
    %scan3A_13 = arith.constant 1 : i32
    scf.for %scan3A_25 = %scan3A_10 to %scan3A_12 step %scan3A_13  : i32 {
      %mul3A_26 = arith.constant 2 : i32
      %mul3A_27 = arith.muli %mul3A_26, %scan3A_25 : i32
      %add3A_28 = arith.constant 1 : i32
      %add3A_29 = arith.addi %mul3A_27, %add3A_28 : i32
      %mul3A_30 = arith.constant 80 : i32
      %mul3A_31 = arith.muli %add3A_29, %mul3A_30 : i32
      %add3A_32 = arith.addi %mul3A_4, %mul3A_31 : i32
      %dma_start3A_33 = arith.constant 0 : i32
      %dma_start3A_34 = tpu.memref_slice %arg2[%add3A_32, %dma_start3A_33] : memref<320000x48xf32, #tpu.memory_space<hbm>> -> memref<80x48xf32, #tpu.memory_space<hbm>>
      %dma_start3A_35 = arith.constant 0 : i32
      %dma_start3A_36 = tpu.memref_slice %arg2[%add3A_32, %dma_start3A_35] : memref<320000x48xf32, #tpu.memory_space<hbm>> -> memref<80x48xf32, #tpu.memory_space<hbm>>
      tpu.enqueue_dma source(%dma_start3A_36 : memref<80x48xf32, #tpu.memory_space<hbm>>) target(%arg8 : memref<80x48xf32, #tpu.memory_space<vmem>>) target_semaphore(%arg11 : memref<!tpu.dma_semaphore, #tpu.memory_space<semaphore_mem>>)
      %dma_wait3A_37 = arith.constant 0 : i32
      %dma_wait3A_38 = arith.constant 0 : i32
      %dma_wait3A_39 = tpu.memref_slice %arg2[%dma_wait3A_37, %dma_wait3A_38] : memref<320000x48xf32, #tpu.memory_space<hbm>> -> memref<80x48xf32, #tpu.memory_space<hbm>>
      %dma_wait3A_40 = arith.constant 0 : i32
      %dma_wait3A_41 = arith.constant 0 : i32
      %dma_wait3A_42 = tpu.memref_slice %arg2[%dma_wait3A_40, %dma_wait3A_41] : memref<320000x48xf32, #tpu.memory_space<hbm>> -> memref<80x48xf32, #tpu.memory_space<hbm>>
      tpu.wait_dma2 semaphore(%arg10 : memref<!tpu.dma_semaphore, #tpu.memory_space<semaphore_mem>>) src(%dma_wait3A_42 : memref<80x48xf32, #tpu.memory_space<hbm>>) dst(%arg7 : memref<80x48xf32, #tpu.memory_space<vmem>>)
      %sub3A = arith.constant 1 : i32
      %sub3A_43 = arith.subi %add3A_29, %sub3A : i32
      "tpu.region"() ({
        %run_scoped3A_59 = tpu.sem_alloc : memref<!tpu.dma_semaphore, #tpu.memory_space<semaphore_mem>>
        %dma_start3A_60 = arith.constant 0 : i32
        %dma_start3A_61 = tpu.memref_slice %arg6[%sub3A_43, %dma_start3A_60] : memref<125x80xi32, #tpu.memory_space<vmem>> -> memref<1x80xi32, #tpu.memory_space<vmem>>
        %dma_start3A_62 = tpu.memref_squeeze %dma_start3A_61 : memref<1x80xi32, #tpu.memory_space<vmem>> -> memref<80xi32, #tpu.memory_space<vmem>>
        %dma_start3A_63 = arith.constant 0 : i32
        %dma_start3A_64 = arith.constant 0 : i32
        %dma_start3A_65 = tpu.memref_slice %arg9[%dma_start3A_63, %dma_start3A_64] : memref<10240x48xf32, #tpu.memory_space<vmem_shared>> -> memref<10240x48xf32, #tpu.memory_space<vmem_shared>>
        tpu.enqueue_indirect_dma source(%arg7 : memref<80x48xf32, #tpu.memory_space<vmem>>) target(%dma_start3A_65 : memref<10240x48xf32, #tpu.memory_space<vmem_shared>>) offsets(%dma_start3A_62 : memref<80xi32, #tpu.memory_space<vmem>>) semaphore(%run_scoped3A_59 : memref<!tpu.dma_semaphore, #tpu.memory_space<semaphore_mem>>) {add = true}
        %dma_wait3A_66 = arith.constant 0 : i32
        %dma_wait3A_67 = tpu.memref_slice %arg6[%sub3A_43, %dma_wait3A_66] : memref<125x80xi32, #tpu.memory_space<vmem>> -> memref<1x80xi32, #tpu.memory_space<vmem>>
        %dma_wait3A_68 = tpu.memref_squeeze %dma_wait3A_67 : memref<1x80xi32, #tpu.memory_space<vmem>> -> memref<80xi32, #tpu.memory_space<vmem>>
        %dma_wait3A_69 = arith.constant 0 : i32
        %dma_wait3A_70 = arith.constant 0 : i32
        %dma_wait3A_71 = tpu.memref_slice %arg9[%dma_wait3A_69, %dma_wait3A_70] : memref<10240x48xf32, #tpu.memory_space<vmem_shared>> -> memref<10240x48xf32, #tpu.memory_space<vmem_shared>>
        tpu.wait_indirect_dma semaphore(%run_scoped3A_59 : memref<!tpu.dma_semaphore, #tpu.memory_space<semaphore_mem>>) src(%arg7 : memref<80x48xf32, #tpu.memory_space<vmem>>) dst(%dma_wait3A_71 : memref<10240x48xf32, #tpu.memory_space<vmem_shared>>)
        tpu.yield
      }) : () -> ()
      %add3A_44 = arith.constant 1 : i32
      %add3A_45 = arith.addi %add3A_29, %add3A_44 : i32
      %mul3A_46 = arith.constant 80 : i32
      %mul3A_47 = arith.muli %add3A_45, %mul3A_46 : i32
      %add3A_48 = arith.addi %mul3A_4, %mul3A_47 : i32
      %dma_start3A_49 = arith.constant 0 : i32
      %dma_start3A_50 = tpu.memref_slice %arg2[%add3A_48, %dma_start3A_49] : memref<320000x48xf32, #tpu.memory_space<hbm>> -> memref<80x48xf32, #tpu.memory_space<hbm>>
      %dma_start3A_51 = arith.constant 0 : i32
      %dma_start3A_52 = tpu.memref_slice %arg2[%add3A_48, %dma_start3A_51] : memref<320000x48xf32, #tpu.memory_space<hbm>> -> memref<80x48xf32, #tpu.memory_space<hbm>>
      tpu.enqueue_dma source(%dma_start3A_52 : memref<80x48xf32, #tpu.memory_space<hbm>>) target(%arg7 : memref<80x48xf32, #tpu.memory_space<vmem>>) target_semaphore(%arg10 : memref<!tpu.dma_semaphore, #tpu.memory_space<semaphore_mem>>)
      %dma_wait3A_53 = arith.constant 0 : i32
      %dma_wait3A_54 = arith.constant 0 : i32
      %dma_wait3A_55 = tpu.memref_slice %arg2[%dma_wait3A_53, %dma_wait3A_54] : memref<320000x48xf32, #tpu.memory_space<hbm>> -> memref<80x48xf32, #tpu.memory_space<hbm>>
      %dma_wait3A_56 = arith.constant 0 : i32
      %dma_wait3A_57 = arith.constant 0 : i32
      %dma_wait3A_58 = tpu.memref_slice %arg2[%dma_wait3A_56, %dma_wait3A_57] : memref<320000x48xf32, #tpu.memory_space<hbm>> -> memref<80x48xf32, #tpu.memory_space<hbm>>
      tpu.wait_dma2 semaphore(%arg11 : memref<!tpu.dma_semaphore, #tpu.memory_space<semaphore_mem>>) src(%dma_wait3A_58 : memref<80x48xf32, #tpu.memory_space<hbm>>) dst(%arg8 : memref<80x48xf32, #tpu.memory_space<vmem>>)
      "tpu.region"() ({
        %run_scoped3A_59 = tpu.sem_alloc : memref<!tpu.dma_semaphore, #tpu.memory_space<semaphore_mem>>
        %dma_start3A_60 = arith.constant 0 : i32
        %dma_start3A_61 = tpu.memref_slice %arg6[%add3A_29, %dma_start3A_60] : memref<125x80xi32, #tpu.memory_space<vmem>> -> memref<1x80xi32, #tpu.memory_space<vmem>>
        %dma_start3A_62 = tpu.memref_squeeze %dma_start3A_61 : memref<1x80xi32, #tpu.memory_space<vmem>> -> memref<80xi32, #tpu.memory_space<vmem>>
        %dma_start3A_63 = arith.constant 0 : i32
        %dma_start3A_64 = arith.constant 0 : i32
        %dma_start3A_65 = tpu.memref_slice %arg9[%dma_start3A_63, %dma_start3A_64] : memref<10240x48xf32, #tpu.memory_space<vmem_shared>> -> memref<10240x48xf32, #tpu.memory_space<vmem_shared>>
        tpu.enqueue_indirect_dma source(%arg8 : memref<80x48xf32, #tpu.memory_space<vmem>>) target(%dma_start3A_65 : memref<10240x48xf32, #tpu.memory_space<vmem_shared>>) offsets(%dma_start3A_62 : memref<80xi32, #tpu.memory_space<vmem>>) semaphore(%run_scoped3A_59 : memref<!tpu.dma_semaphore, #tpu.memory_space<semaphore_mem>>) {add = true}
        %dma_wait3A_66 = arith.constant 0 : i32
        %dma_wait3A_67 = tpu.memref_slice %arg6[%add3A_29, %dma_wait3A_66] : memref<125x80xi32, #tpu.memory_space<vmem>> -> memref<1x80xi32, #tpu.memory_space<vmem>>
        %dma_wait3A_68 = tpu.memref_squeeze %dma_wait3A_67 : memref<1x80xi32, #tpu.memory_space<vmem>> -> memref<80xi32, #tpu.memory_space<vmem>>
        %dma_wait3A_69 = arith.constant 0 : i32
        %dma_wait3A_70 = arith.constant 0 : i32
        %dma_wait3A_71 = tpu.memref_slice %arg9[%dma_wait3A_69, %dma_wait3A_70] : memref<10240x48xf32, #tpu.memory_space<vmem_shared>> -> memref<10240x48xf32, #tpu.memory_space<vmem_shared>>
        tpu.wait_indirect_dma semaphore(%run_scoped3A_59 : memref<!tpu.dma_semaphore, #tpu.memory_space<semaphore_mem>>) src(%arg8 : memref<80x48xf32, #tpu.memory_space<vmem>>) dst(%dma_wait3A_71 : memref<10240x48xf32, #tpu.memory_space<vmem_shared>>)
        tpu.yield
      }) : () -> ()
    }
    %scan3A_14 = arith.constant 62 : i32
    %dma_wait3A = arith.constant 0 : i32
    %dma_wait3A_15 = arith.constant 0 : i32
    %dma_wait3A_16 = tpu.memref_slice %arg2[%dma_wait3A, %dma_wait3A_15] : memref<320000x48xf32, #tpu.memory_space<hbm>> -> memref<80x48xf32, #tpu.memory_space<hbm>>
    %dma_wait3A_17 = arith.constant 0 : i32
    %dma_wait3A_18 = arith.constant 0 : i32
    %dma_wait3A_19 = tpu.memref_slice %arg2[%dma_wait3A_17, %dma_wait3A_18] : memref<320000x48xf32, #tpu.memory_space<hbm>> -> memref<80x48xf32, #tpu.memory_space<hbm>>
    tpu.wait_dma2 semaphore(%arg10 : memref<!tpu.dma_semaphore, #tpu.memory_space<semaphore_mem>>) src(%dma_wait3A_19 : memref<80x48xf32, #tpu.memory_space<hbm>>) dst(%arg7 : memref<80x48xf32, #tpu.memory_space<vmem>>)
    %run_scoped3A = arith.constant 124 : i32
    "tpu.region"() ({
      %run_scoped3A_25 = tpu.sem_alloc : memref<!tpu.dma_semaphore, #tpu.memory_space<semaphore_mem>>
      %dma_start3A_26 = arith.constant 0 : i32
      %dma_start3A_27 = tpu.memref_slice %arg6[%run_scoped3A, %dma_start3A_26] : memref<125x80xi32, #tpu.memory_space<vmem>> -> memref<1x80xi32, #tpu.memory_space<vmem>>
      %dma_start3A_28 = tpu.memref_squeeze %dma_start3A_27 : memref<1x80xi32, #tpu.memory_space<vmem>> -> memref<80xi32, #tpu.memory_space<vmem>>
      %dma_start3A_29 = arith.constant 0 : i32
      %dma_start3A_30 = arith.constant 0 : i32
      %dma_start3A_31 = tpu.memref_slice %arg9[%dma_start3A_29, %dma_start3A_30] : memref<10240x48xf32, #tpu.memory_space<vmem_shared>> -> memref<10240x48xf32, #tpu.memory_space<vmem_shared>>
      tpu.enqueue_indirect_dma source(%arg7 : memref<80x48xf32, #tpu.memory_space<vmem>>) target(%dma_start3A_31 : memref<10240x48xf32, #tpu.memory_space<vmem_shared>>) offsets(%dma_start3A_28 : memref<80xi32, #tpu.memory_space<vmem>>) semaphore(%run_scoped3A_25 : memref<!tpu.dma_semaphore, #tpu.memory_space<semaphore_mem>>) {add = true}
      %dma_wait3A_32 = arith.constant 0 : i32
      %dma_wait3A_33 = tpu.memref_slice %arg6[%run_scoped3A, %dma_wait3A_32] : memref<125x80xi32, #tpu.memory_space<vmem>> -> memref<1x80xi32, #tpu.memory_space<vmem>>
      %dma_wait3A_34 = tpu.memref_squeeze %dma_wait3A_33 : memref<1x80xi32, #tpu.memory_space<vmem>> -> memref<80xi32, #tpu.memory_space<vmem>>
      %dma_wait3A_35 = arith.constant 0 : i32
      %dma_wait3A_36 = arith.constant 0 : i32
      %dma_wait3A_37 = tpu.memref_slice %arg9[%dma_wait3A_35, %dma_wait3A_36] : memref<10240x48xf32, #tpu.memory_space<vmem_shared>> -> memref<10240x48xf32, #tpu.memory_space<vmem_shared>>
      tpu.wait_indirect_dma semaphore(%run_scoped3A_25 : memref<!tpu.dma_semaphore, #tpu.memory_space<semaphore_mem>>) src(%arg7 : memref<80x48xf32, #tpu.memory_space<vmem>>) dst(%dma_wait3A_37 : memref<10240x48xf32, #tpu.memory_space<vmem_shared>>)
      tpu.yield
    }) : () -> ()
    %barrier3A_20 = arith.constant 0 : index
    tpu.barrier barrier_id(%barrier3A_20)
    %mul3A_21 = arith.constant 640 : i32
    %mul3A_22 = arith.muli %arg1, %mul3A_21 : i32
    %mul3A_23 = arith.constant 640 : i32
    %mul3A_24 = arith.muli %arg1, %mul3A_23 : i32
    "tpu.region"() ({
      %run_scoped3A_25 = tpu.sem_alloc : memref<!tpu.dma_semaphore, #tpu.memory_space<semaphore_mem>>
      %dma_start3A_26 = arith.constant 0 : i32
      %dma_start3A_27 = tpu.memref_slice %arg5[%arg0, %mul3A_24, %dma_start3A_26] : memref<2x10240x48xf32, #tpu.memory_space<hbm>> -> memref<1x640x48xf32, #tpu.memory_space<hbm>>
      %dma_start3A_28 = tpu.memref_squeeze %dma_start3A_27 : memref<1x640x48xf32, #tpu.memory_space<hbm>> -> memref<640x48xf32, #tpu.memory_space<hbm>>
      %dma_start3A_29 = arith.constant 0 : i32
      %dma_start3A_30 = tpu.memref_slice %arg9[%mul3A_22, %dma_start3A_29] : memref<10240x48xf32, #tpu.memory_space<vmem_shared>> -> memref<640x48xf32, #tpu.memory_space<vmem_shared>>
      tpu.enqueue_dma source(%dma_start3A_30 : memref<640x48xf32, #tpu.memory_space<vmem_shared>>) target(%dma_start3A_28 : memref<640x48xf32, #tpu.memory_space<hbm>>) target_semaphore(%run_scoped3A_25 : memref<!tpu.dma_semaphore, #tpu.memory_space<semaphore_mem>>)
      %dma_wait3A_31 = arith.constant 0 : i32
      %dma_wait3A_32 = tpu.memref_slice %arg5[%arg0, %mul3A_24, %dma_wait3A_31] : memref<2x10240x48xf32, #tpu.memory_space<hbm>> -> memref<1x640x48xf32, #tpu.memory_space<hbm>>
      %dma_wait3A_33 = tpu.memref_squeeze %dma_wait3A_32 : memref<1x640x48xf32, #tpu.memory_space<hbm>> -> memref<640x48xf32, #tpu.memory_space<hbm>>
      %dma_wait3A_34 = arith.constant 0 : i32
      %dma_wait3A_35 = tpu.memref_slice %arg9[%mul3A_22, %dma_wait3A_34] : memref<10240x48xf32, #tpu.memory_space<vmem_shared>> -> memref<640x48xf32, #tpu.memory_space<vmem_shared>>
      tpu.wait_dma2 semaphore(%run_scoped3A_25 : memref<!tpu.dma_semaphore, #tpu.memory_space<semaphore_mem>>) src(%dma_wait3A_35 : memref<640x48xf32, #tpu.memory_space<vmem_shared>>) dst(%dma_wait3A_33 : memref<640x48xf32, #tpu.memory_space<hbm>>)
      tpu.yield
    }) : () -> ()
    return
  }
}

#map = affine_map<(d0, d1) -> (0, 0)>
#map1 = affine_map<(d0, d1) -> (0, 0, 0)>
module attributes {stable_mosaic.version = 14 : i64} {
  func.func @k(%arg0: i32, %arg1: i32, %arg2: memref<10000x32xf32, #tpu.memory_space<hbm>>, %arg3: memref<10000x32xf32, #tpu.memory_space<hbm>>, %arg4: memref<32x125x80xi32, #tpu.memory_space<hbm>>, %arg5: memref<32x125x80xi32, #tpu.memory_space<hbm>>, %arg6: memref<320000x32xf32, #tpu.memory_space<hbm>>, %arg7: memref<320000x32xf32, #tpu.memory_space<hbm>>, %arg8: memref<125x80xi32, #tpu.memory_space<vmem>>, %arg9: memref<80x32xf32, #tpu.memory_space<vmem>>, %arg10: memref<80x32xf32, #tpu.memory_space<vmem>>, %arg11: memref<!tpu.dma_semaphore, #tpu.memory_space<semaphore_mem>>, %arg12: memref<!tpu.dma_semaphore, #tpu.memory_space<semaphore_mem>>) attributes {dimension_semantics = [#tpu.dimension_semantics<core_parallel>, #tpu.dimension_semantics<subcore_parallel>], iteration_bounds = array<i64: 2, 16>, scalar_prefetch = 0 : i64, scratch_operands = 5 : i64, tpu.core_type = #tpu.core_type<sc_vector_subcore>, window_params = [{transform_indices = #map}, {transform_indices = #map}, {transform_indices = #map1}, {transform_indices = #map1}, {transform_indices = #map}, {transform_indices = #map}]} {
    %mul3A = arith.constant 2 : i32
    %mul3A_0 = arith.muli %arg1, %mul3A : i32
    %add3A = arith.addi %mul3A_0, %arg0 : i32
    %mul3A_1 = arith.constant 10000 : i32
    %mul3A_2 = arith.muli %add3A, %mul3A_1 : i32
    "tpu.region"() ({
      %run_scoped3A = tpu.sem_alloc : memref<!tpu.dma_semaphore, #tpu.memory_space<semaphore_mem>>
      %dma_start3A_42 = arith.constant 0 : i32
      %dma_start3A_43 = arith.constant 0 : i32
      %dma_start3A_44 = tpu.memref_slice %arg4[%add3A, %dma_start3A_42, %dma_start3A_43] : memref<32x125x80xi32, #tpu.memory_space<hbm>> -> memref<1x125x80xi32, #tpu.memory_space<hbm>>
      %dma_start3A_45 = tpu.memref_squeeze %dma_start3A_44 : memref<1x125x80xi32, #tpu.memory_space<hbm>> -> memref<125x80xi32, #tpu.memory_space<hbm>>
      %dma_start3A_46 = arith.constant 0 : i32
      %dma_start3A_47 = arith.constant 0 : i32
      %dma_start3A_48 = tpu.memref_slice %arg4[%add3A, %dma_start3A_46, %dma_start3A_47] : memref<32x125x80xi32, #tpu.memory_space<hbm>> -> memref<1x125x80xi32, #tpu.memory_space<hbm>>
      %dma_start3A_49 = tpu.memref_squeeze %dma_start3A_48 : memref<1x125x80xi32, #tpu.memory_space<hbm>> -> memref<125x80xi32, #tpu.memory_space<hbm>>
      tpu.enqueue_dma source(%dma_start3A_49 : memref<125x80xi32, #tpu.memory_space<hbm>>) target(%arg8 : memref<125x80xi32, #tpu.memory_space<vmem>>) target_semaphore(%run_scoped3A : memref<!tpu.dma_semaphore, #tpu.memory_space<semaphore_mem>>)
      %dma_wait3A_50 = arith.constant 0 : i32
      %dma_wait3A_51 = arith.constant 0 : i32
      %dma_wait3A_52 = tpu.memref_slice %arg4[%add3A, %dma_wait3A_50, %dma_wait3A_51] : memref<32x125x80xi32, #tpu.memory_space<hbm>> -> memref<1x125x80xi32, #tpu.memory_space<hbm>>
      %dma_wait3A_53 = tpu.memref_squeeze %dma_wait3A_52 : memref<1x125x80xi32, #tpu.memory_space<hbm>> -> memref<125x80xi32, #tpu.memory_space<hbm>>
      %dma_wait3A_54 = arith.constant 0 : i32
      %dma_wait3A_55 = arith.constant 0 : i32
      %dma_wait3A_56 = tpu.memref_slice %arg4[%add3A, %dma_wait3A_54, %dma_wait3A_55] : memref<32x125x80xi32, #tpu.memory_space<hbm>> -> memref<1x125x80xi32, #tpu.memory_space<hbm>>
      %dma_wait3A_57 = tpu.memref_squeeze %dma_wait3A_56 : memref<1x125x80xi32, #tpu.memory_space<hbm>> -> memref<125x80xi32, #tpu.memory_space<hbm>>
      tpu.wait_dma2 semaphore(%run_scoped3A : memref<!tpu.dma_semaphore, #tpu.memory_space<semaphore_mem>>) src(%dma_wait3A_57 : memref<125x80xi32, #tpu.memory_space<hbm>>) dst(%arg8 : memref<125x80xi32, #tpu.memory_space<vmem>>)
      tpu.yield
    }) : () -> ()
    %dma_start3A = arith.constant 0 : i32
    %dma_start3A_3 = arith.constant 0 : i32
    %dma_start3A_4 = tpu.memref_slice %arg8[%dma_start3A, %dma_start3A_3] : memref<125x80xi32, #tpu.memory_space<vmem>> -> memref<1x80xi32, #tpu.memory_space<vmem>>
    %dma_start3A_5 = tpu.memref_squeeze %dma_start3A_4 : memref<1x80xi32, #tpu.memory_space<vmem>> -> memref<80xi32, #tpu.memory_space<vmem>>
    %dma_start3A_6 = arith.constant 0 : i32
    %dma_start3A_7 = arith.constant 0 : i32
    %dma_start3A_8 = tpu.memref_slice %arg2[%dma_start3A_6, %dma_start3A_7] : memref<10000x32xf32, #tpu.memory_space<hbm>> -> memref<10000x32xf32, #tpu.memory_space<hbm>>
    tpu.enqueue_indirect_dma source(%dma_start3A_8 : memref<10000x32xf32, #tpu.memory_space<hbm>>) target(%arg9 : memref<80x32xf32, #tpu.memory_space<vmem>>) offsets(%dma_start3A_5 : memref<80xi32, #tpu.memory_space<vmem>>) semaphore(%arg11 : memref<!tpu.dma_semaphore, #tpu.memory_space<semaphore_mem>>)
    %scan3A = arith.constant 0 : i32
    %scan3A_9 = arith.constant 0 : i32
    %scan3A_10 = arith.constant 62 : i32
    %scan3A_11 = arith.addi %scan3A_9, %scan3A_10 : i32
    %scan3A_12 = arith.constant 1 : i32
    scf.for %scan3A_42 = %scan3A_9 to %scan3A_11 step %scan3A_12  : i32 {
      %mul3A_43 = arith.constant 2 : i32
      %mul3A_44 = arith.muli %mul3A_43, %scan3A_42 : i32
      %add3A_45 = arith.constant 1 : i32
      %add3A_46 = arith.addi %mul3A_44, %add3A_45 : i32
      %dma_start3A_47 = arith.constant 0 : i32
      %dma_start3A_48 = tpu.memref_slice %arg8[%add3A_46, %dma_start3A_47] : memref<125x80xi32, #tpu.memory_space<vmem>> -> memref<1x80xi32, #tpu.memory_space<vmem>>
      %dma_start3A_49 = tpu.memref_squeeze %dma_start3A_48 : memref<1x80xi32, #tpu.memory_space<vmem>> -> memref<80xi32, #tpu.memory_space<vmem>>
      %dma_start3A_50 = arith.constant 0 : i32
      %dma_start3A_51 = arith.constant 0 : i32
      %dma_start3A_52 = tpu.memref_slice %arg2[%dma_start3A_50, %dma_start3A_51] : memref<10000x32xf32, #tpu.memory_space<hbm>> -> memref<10000x32xf32, #tpu.memory_space<hbm>>
      tpu.enqueue_indirect_dma source(%dma_start3A_52 : memref<10000x32xf32, #tpu.memory_space<hbm>>) target(%arg10 : memref<80x32xf32, #tpu.memory_space<vmem>>) offsets(%dma_start3A_49 : memref<80xi32, #tpu.memory_space<vmem>>) semaphore(%arg12 : memref<!tpu.dma_semaphore, #tpu.memory_space<semaphore_mem>>)
      %dma_wait3A_53 = arith.constant 0 : i32
      %dma_wait3A_54 = arith.constant 0 : i32
      %dma_wait3A_55 = tpu.memref_slice %arg2[%dma_wait3A_53, %dma_wait3A_54] : memref<10000x32xf32, #tpu.memory_space<hbm>> -> memref<80x32xf32, #tpu.memory_space<hbm>>
      %dma_wait3A_56 = arith.constant 0 : i32
      %dma_wait3A_57 = arith.constant 0 : i32
      %dma_wait3A_58 = tpu.memref_slice %arg2[%dma_wait3A_56, %dma_wait3A_57] : memref<10000x32xf32, #tpu.memory_space<hbm>> -> memref<80x32xf32, #tpu.memory_space<hbm>>
      tpu.wait_dma2 semaphore(%arg11 : memref<!tpu.dma_semaphore, #tpu.memory_space<semaphore_mem>>) src(%dma_wait3A_58 : memref<80x32xf32, #tpu.memory_space<hbm>>) dst(%arg9 : memref<80x32xf32, #tpu.memory_space<vmem>>)
      %sub3A = arith.constant 1 : i32
      %sub3A_59 = arith.subi %add3A_46, %sub3A : i32
      %mul3A_60 = arith.constant 80 : i32
      %mul3A_61 = arith.muli %sub3A_59, %mul3A_60 : i32
      %add3A_62 = arith.addi %mul3A_2, %mul3A_61 : i32
      "tpu.region"() ({
        %run_scoped3A = tpu.sem_alloc : memref<!tpu.dma_semaphore, #tpu.memory_space<semaphore_mem>>
        %dma_start3A_80 = arith.constant 0 : i32
        %dma_start3A_81 = tpu.memref_slice %arg6[%add3A_62, %dma_start3A_80] : memref<320000x32xf32, #tpu.memory_space<hbm>> -> memref<80x32xf32, #tpu.memory_space<hbm>>
        %dma_start3A_82 = arith.constant 0 : i32
        %dma_start3A_83 = tpu.memref_slice %arg6[%add3A_62, %dma_start3A_82] : memref<320000x32xf32, #tpu.memory_space<hbm>> -> memref<80x32xf32, #tpu.memory_space<hbm>>
        tpu.enqueue_dma source(%arg9 : memref<80x32xf32, #tpu.memory_space<vmem>>) target(%dma_start3A_83 : memref<80x32xf32, #tpu.memory_space<hbm>>) target_semaphore(%run_scoped3A : memref<!tpu.dma_semaphore, #tpu.memory_space<semaphore_mem>>)
        %dma_wait3A_84 = arith.constant 0 : i32
        %dma_wait3A_85 = tpu.memref_slice %arg6[%add3A_62, %dma_wait3A_84] : memref<320000x32xf32, #tpu.memory_space<hbm>> -> memref<80x32xf32, #tpu.memory_space<hbm>>
        %dma_wait3A_86 = arith.constant 0 : i32
        %dma_wait3A_87 = tpu.memref_slice %arg6[%add3A_62, %dma_wait3A_86] : memref<320000x32xf32, #tpu.memory_space<hbm>> -> memref<80x32xf32, #tpu.memory_space<hbm>>
        tpu.wait_dma2 semaphore(%run_scoped3A : memref<!tpu.dma_semaphore, #tpu.memory_space<semaphore_mem>>) src(%arg9 : memref<80x32xf32, #tpu.memory_space<vmem>>) dst(%dma_wait3A_87 : memref<80x32xf32, #tpu.memory_space<hbm>>)
        tpu.yield
      }) : () -> ()
      %add3A_63 = arith.constant 1 : i32
      %add3A_64 = arith.addi %add3A_46, %add3A_63 : i32
      %dma_start3A_65 = arith.constant 0 : i32
      %dma_start3A_66 = tpu.memref_slice %arg8[%add3A_64, %dma_start3A_65] : memref<125x80xi32, #tpu.memory_space<vmem>> -> memref<1x80xi32, #tpu.memory_space<vmem>>
      %dma_start3A_67 = tpu.memref_squeeze %dma_start3A_66 : memref<1x80xi32, #tpu.memory_space<vmem>> -> memref<80xi32, #tpu.memory_space<vmem>>
      %dma_start3A_68 = arith.constant 0 : i32
      %dma_start3A_69 = arith.constant 0 : i32
      %dma_start3A_70 = tpu.memref_slice %arg2[%dma_start3A_68, %dma_start3A_69] : memref<10000x32xf32, #tpu.memory_space<hbm>> -> memref<10000x32xf32, #tpu.memory_space<hbm>>
      tpu.enqueue_indirect_dma source(%dma_start3A_70 : memref<10000x32xf32, #tpu.memory_space<hbm>>) target(%arg9 : memref<80x32xf32, #tpu.memory_space<vmem>>) offsets(%dma_start3A_67 : memref<80xi32, #tpu.memory_space<vmem>>) semaphore(%arg11 : memref<!tpu.dma_semaphore, #tpu.memory_space<semaphore_mem>>)
      %dma_wait3A_71 = arith.constant 0 : i32
      %dma_wait3A_72 = arith.constant 0 : i32
      %dma_wait3A_73 = tpu.memref_slice %arg2[%dma_wait3A_71, %dma_wait3A_72] : memref<10000x32xf32, #tpu.memory_space<hbm>> -> memref<80x32xf32, #tpu.memory_space<hbm>>
      %dma_wait3A_74 = arith.constant 0 : i32
      %dma_wait3A_75 = arith.constant 0 : i32
      %dma_wait3A_76 = tpu.memref_slice %arg2[%dma_wait3A_74, %dma_wait3A_75] : memref<10000x32xf32, #tpu.memory_space<hbm>> -> memref<80x32xf32, #tpu.memory_space<hbm>>
      tpu.wait_dma2 semaphore(%arg12 : memref<!tpu.dma_semaphore, #tpu.memory_space<semaphore_mem>>) src(%dma_wait3A_76 : memref<80x32xf32, #tpu.memory_space<hbm>>) dst(%arg10 : memref<80x32xf32, #tpu.memory_space<vmem>>)
      %mul3A_77 = arith.constant 80 : i32
      %mul3A_78 = arith.muli %add3A_46, %mul3A_77 : i32
      %add3A_79 = arith.addi %mul3A_2, %mul3A_78 : i32
      "tpu.region"() ({
        %run_scoped3A = tpu.sem_alloc : memref<!tpu.dma_semaphore, #tpu.memory_space<semaphore_mem>>
        %dma_start3A_80 = arith.constant 0 : i32
        %dma_start3A_81 = tpu.memref_slice %arg6[%add3A_79, %dma_start3A_80] : memref<320000x32xf32, #tpu.memory_space<hbm>> -> memref<80x32xf32, #tpu.memory_space<hbm>>
        %dma_start3A_82 = arith.constant 0 : i32
        %dma_start3A_83 = tpu.memref_slice %arg6[%add3A_79, %dma_start3A_82] : memref<320000x32xf32, #tpu.memory_space<hbm>> -> memref<80x32xf32, #tpu.memory_space<hbm>>
        tpu.enqueue_dma source(%arg10 : memref<80x32xf32, #tpu.memory_space<vmem>>) target(%dma_start3A_83 : memref<80x32xf32, #tpu.memory_space<hbm>>) target_semaphore(%run_scoped3A : memref<!tpu.dma_semaphore, #tpu.memory_space<semaphore_mem>>)
        %dma_wait3A_84 = arith.constant 0 : i32
        %dma_wait3A_85 = tpu.memref_slice %arg6[%add3A_79, %dma_wait3A_84] : memref<320000x32xf32, #tpu.memory_space<hbm>> -> memref<80x32xf32, #tpu.memory_space<hbm>>
        %dma_wait3A_86 = arith.constant 0 : i32
        %dma_wait3A_87 = tpu.memref_slice %arg6[%add3A_79, %dma_wait3A_86] : memref<320000x32xf32, #tpu.memory_space<hbm>> -> memref<80x32xf32, #tpu.memory_space<hbm>>
        tpu.wait_dma2 semaphore(%run_scoped3A : memref<!tpu.dma_semaphore, #tpu.memory_space<semaphore_mem>>) src(%arg10 : memref<80x32xf32, #tpu.memory_space<vmem>>) dst(%dma_wait3A_87 : memref<80x32xf32, #tpu.memory_space<hbm>>)
        tpu.yield
      }) : () -> ()
    }
    %scan3A_13 = arith.constant 62 : i32
    %dma_wait3A = arith.constant 0 : i32
    %dma_wait3A_14 = arith.constant 0 : i32
    %dma_wait3A_15 = tpu.memref_slice %arg2[%dma_wait3A, %dma_wait3A_14] : memref<10000x32xf32, #tpu.memory_space<hbm>> -> memref<80x32xf32, #tpu.memory_space<hbm>>
    %dma_wait3A_16 = arith.constant 0 : i32
    %dma_wait3A_17 = arith.constant 0 : i32
    %dma_wait3A_18 = tpu.memref_slice %arg2[%dma_wait3A_16, %dma_wait3A_17] : memref<10000x32xf32, #tpu.memory_space<hbm>> -> memref<80x32xf32, #tpu.memory_space<hbm>>
    tpu.wait_dma2 semaphore(%arg11 : memref<!tpu.dma_semaphore, #tpu.memory_space<semaphore_mem>>) src(%dma_wait3A_18 : memref<80x32xf32, #tpu.memory_space<hbm>>) dst(%arg9 : memref<80x32xf32, #tpu.memory_space<vmem>>)
    %add3A_19 = arith.constant 9920 : i32
    %add3A_20 = arith.addi %mul3A_2, %add3A_19 : i32
    "tpu.region"() ({
      %run_scoped3A = tpu.sem_alloc : memref<!tpu.dma_semaphore, #tpu.memory_space<semaphore_mem>>
      %dma_start3A_42 = arith.constant 0 : i32
      %dma_start3A_43 = tpu.memref_slice %arg6[%add3A_20, %dma_start3A_42] : memref<320000x32xf32, #tpu.memory_space<hbm>> -> memref<80x32xf32, #tpu.memory_space<hbm>>
      %dma_start3A_44 = arith.constant 0 : i32
      %dma_start3A_45 = tpu.memref_slice %arg6[%add3A_20, %dma_start3A_44] : memref<320000x32xf32, #tpu.memory_space<hbm>> -> memref<80x32xf32, #tpu.memory_space<hbm>>
      tpu.enqueue_dma source(%arg9 : memref<80x32xf32, #tpu.memory_space<vmem>>) target(%dma_start3A_45 : memref<80x32xf32, #tpu.memory_space<hbm>>) target_semaphore(%run_scoped3A : memref<!tpu.dma_semaphore, #tpu.memory_space<semaphore_mem>>)
      %dma_wait3A_46 = arith.constant 0 : i32
      %dma_wait3A_47 = tpu.memref_slice %arg6[%add3A_20, %dma_wait3A_46] : memref<320000x32xf32, #tpu.memory_space<hbm>> -> memref<80x32xf32, #tpu.memory_space<hbm>>
      %dma_wait3A_48 = arith.constant 0 : i32
      %dma_wait3A_49 = tpu.memref_slice %arg6[%add3A_20, %dma_wait3A_48] : memref<320000x32xf32, #tpu.memory_space<hbm>> -> memref<80x32xf32, #tpu.memory_space<hbm>>
      tpu.wait_dma2 semaphore(%run_scoped3A : memref<!tpu.dma_semaphore, #tpu.memory_space<semaphore_mem>>) src(%arg9 : memref<80x32xf32, #tpu.memory_space<vmem>>) dst(%dma_wait3A_49 : memref<80x32xf32, #tpu.memory_space<hbm>>)
      tpu.yield
    }) : () -> ()
    "tpu.region"() ({
      %run_scoped3A = tpu.sem_alloc : memref<!tpu.dma_semaphore, #tpu.memory_space<semaphore_mem>>
      %dma_start3A_42 = arith.constant 0 : i32
      %dma_start3A_43 = arith.constant 0 : i32
      %dma_start3A_44 = tpu.memref_slice %arg5[%add3A, %dma_start3A_42, %dma_start3A_43] : memref<32x125x80xi32, #tpu.memory_space<hbm>> -> memref<1x125x80xi32, #tpu.memory_space<hbm>>
      %dma_start3A_45 = tpu.memref_squeeze %dma_start3A_44 : memref<1x125x80xi32, #tpu.memory_space<hbm>> -> memref<125x80xi32, #tpu.memory_space<hbm>>
      %dma_start3A_46 = arith.constant 0 : i32
      %dma_start3A_47 = arith.constant 0 : i32
      %dma_start3A_48 = tpu.memref_slice %arg5[%add3A, %dma_start3A_46, %dma_start3A_47] : memref<32x125x80xi32, #tpu.memory_space<hbm>> -> memref<1x125x80xi32, #tpu.memory_space<hbm>>
      %dma_start3A_49 = tpu.memref_squeeze %dma_start3A_48 : memref<1x125x80xi32, #tpu.memory_space<hbm>> -> memref<125x80xi32, #tpu.memory_space<hbm>>
      tpu.enqueue_dma source(%dma_start3A_49 : memref<125x80xi32, #tpu.memory_space<hbm>>) target(%arg8 : memref<125x80xi32, #tpu.memory_space<vmem>>) target_semaphore(%run_scoped3A : memref<!tpu.dma_semaphore, #tpu.memory_space<semaphore_mem>>)
      %dma_wait3A_50 = arith.constant 0 : i32
      %dma_wait3A_51 = arith.constant 0 : i32
      %dma_wait3A_52 = tpu.memref_slice %arg5[%add3A, %dma_wait3A_50, %dma_wait3A_51] : memref<32x125x80xi32, #tpu.memory_space<hbm>> -> memref<1x125x80xi32, #tpu.memory_space<hbm>>
      %dma_wait3A_53 = tpu.memref_squeeze %dma_wait3A_52 : memref<1x125x80xi32, #tpu.memory_space<hbm>> -> memref<125x80xi32, #tpu.memory_space<hbm>>
      %dma_wait3A_54 = arith.constant 0 : i32
      %dma_wait3A_55 = arith.constant 0 : i32
      %dma_wait3A_56 = tpu.memref_slice %arg5[%add3A, %dma_wait3A_54, %dma_wait3A_55] : memref<32x125x80xi32, #tpu.memory_space<hbm>> -> memref<1x125x80xi32, #tpu.memory_space<hbm>>
      %dma_wait3A_57 = tpu.memref_squeeze %dma_wait3A_56 : memref<1x125x80xi32, #tpu.memory_space<hbm>> -> memref<125x80xi32, #tpu.memory_space<hbm>>
      tpu.wait_dma2 semaphore(%run_scoped3A : memref<!tpu.dma_semaphore, #tpu.memory_space<semaphore_mem>>) src(%dma_wait3A_57 : memref<125x80xi32, #tpu.memory_space<hbm>>) dst(%arg8 : memref<125x80xi32, #tpu.memory_space<vmem>>)
      tpu.yield
    }) : () -> ()
    %dma_start3A_21 = arith.constant 0 : i32
    %dma_start3A_22 = arith.constant 0 : i32
    %dma_start3A_23 = tpu.memref_slice %arg8[%dma_start3A_21, %dma_start3A_22] : memref<125x80xi32, #tpu.memory_space<vmem>> -> memref<1x80xi32, #tpu.memory_space<vmem>>
    %dma_start3A_24 = tpu.memref_squeeze %dma_start3A_23 : memref<1x80xi32, #tpu.memory_space<vmem>> -> memref<80xi32, #tpu.memory_space<vmem>>
    %dma_start3A_25 = arith.constant 0 : i32
    %dma_start3A_26 = arith.constant 0 : i32
    %dma_start3A_27 = tpu.memref_slice %arg3[%dma_start3A_25, %dma_start3A_26] : memref<10000x32xf32, #tpu.memory_space<hbm>> -> memref<10000x32xf32, #tpu.memory_space<hbm>>
    tpu.enqueue_indirect_dma source(%dma_start3A_27 : memref<10000x32xf32, #tpu.memory_space<hbm>>) target(%arg9 : memref<80x32xf32, #tpu.memory_space<vmem>>) offsets(%dma_start3A_24 : memref<80xi32, #tpu.memory_space<vmem>>) semaphore(%arg11 : memref<!tpu.dma_semaphore, #tpu.memory_space<semaphore_mem>>)
    %scan3A_28 = arith.constant 0 : i32
    %scan3A_29 = arith.constant 0 : i32
    %scan3A_30 = arith.constant 62 : i32
    %scan3A_31 = arith.addi %scan3A_29, %scan3A_30 : i32
    %scan3A_32 = arith.constant 1 : i32
    scf.for %scan3A_42 = %scan3A_29 to %scan3A_31 step %scan3A_32  : i32 {
      %mul3A_43 = arith.constant 2 : i32
      %mul3A_44 = arith.muli %mul3A_43, %scan3A_42 : i32
      %add3A_45 = arith.constant 1 : i32
      %add3A_46 = arith.addi %mul3A_44, %add3A_45 : i32
      %dma_start3A_47 = arith.constant 0 : i32
      %dma_start3A_48 = tpu.memref_slice %arg8[%add3A_46, %dma_start3A_47] : memref<125x80xi32, #tpu.memory_space<vmem>> -> memref<1x80xi32, #tpu.memory_space<vmem>>
      %dma_start3A_49 = tpu.memref_squeeze %dma_start3A_48 : memref<1x80xi32, #tpu.memory_space<vmem>> -> memref<80xi32, #tpu.memory_space<vmem>>
      %dma_start3A_50 = arith.constant 0 : i32
      %dma_start3A_51 = arith.constant 0 : i32
      %dma_start3A_52 = tpu.memref_slice %arg3[%dma_start3A_50, %dma_start3A_51] : memref<10000x32xf32, #tpu.memory_space<hbm>> -> memref<10000x32xf32, #tpu.memory_space<hbm>>
      tpu.enqueue_indirect_dma source(%dma_start3A_52 : memref<10000x32xf32, #tpu.memory_space<hbm>>) target(%arg10 : memref<80x32xf32, #tpu.memory_space<vmem>>) offsets(%dma_start3A_49 : memref<80xi32, #tpu.memory_space<vmem>>) semaphore(%arg12 : memref<!tpu.dma_semaphore, #tpu.memory_space<semaphore_mem>>)
      %dma_wait3A_53 = arith.constant 0 : i32
      %dma_wait3A_54 = arith.constant 0 : i32
      %dma_wait3A_55 = tpu.memref_slice %arg3[%dma_wait3A_53, %dma_wait3A_54] : memref<10000x32xf32, #tpu.memory_space<hbm>> -> memref<80x32xf32, #tpu.memory_space<hbm>>
      %dma_wait3A_56 = arith.constant 0 : i32
      %dma_wait3A_57 = arith.constant 0 : i32
      %dma_wait3A_58 = tpu.memref_slice %arg3[%dma_wait3A_56, %dma_wait3A_57] : memref<10000x32xf32, #tpu.memory_space<hbm>> -> memref<80x32xf32, #tpu.memory_space<hbm>>
      tpu.wait_dma2 semaphore(%arg11 : memref<!tpu.dma_semaphore, #tpu.memory_space<semaphore_mem>>) src(%dma_wait3A_58 : memref<80x32xf32, #tpu.memory_space<hbm>>) dst(%arg9 : memref<80x32xf32, #tpu.memory_space<vmem>>)
      %sub3A = arith.constant 1 : i32
      %sub3A_59 = arith.subi %add3A_46, %sub3A : i32
      %mul3A_60 = arith.constant 80 : i32
      %mul3A_61 = arith.muli %sub3A_59, %mul3A_60 : i32
      %add3A_62 = arith.addi %mul3A_2, %mul3A_61 : i32
      "tpu.region"() ({
        %run_scoped3A = tpu.sem_alloc : memref<!tpu.dma_semaphore, #tpu.memory_space<semaphore_mem>>
        %dma_start3A_80 = arith.constant 0 : i32
        %dma_start3A_81 = tpu.memref_slice %arg7[%add3A_62, %dma_start3A_80] : memref<320000x32xf32, #tpu.memory_space<hbm>> -> memref<80x32xf32, #tpu.memory_space<hbm>>
        %dma_start3A_82 = arith.constant 0 : i32
        %dma_start3A_83 = tpu.memref_slice %arg7[%add3A_62, %dma_start3A_82] : memref<320000x32xf32, #tpu.memory_space<hbm>> -> memref<80x32xf32, #tpu.memory_space<hbm>>
        tpu.enqueue_dma source(%arg9 : memref<80x32xf32, #tpu.memory_space<vmem>>) target(%dma_start3A_83 : memref<80x32xf32, #tpu.memory_space<hbm>>) target_semaphore(%run_scoped3A : memref<!tpu.dma_semaphore, #tpu.memory_space<semaphore_mem>>)
        %dma_wait3A_84 = arith.constant 0 : i32
        %dma_wait3A_85 = tpu.memref_slice %arg7[%add3A_62, %dma_wait3A_84] : memref<320000x32xf32, #tpu.memory_space<hbm>> -> memref<80x32xf32, #tpu.memory_space<hbm>>
        %dma_wait3A_86 = arith.constant 0 : i32
        %dma_wait3A_87 = tpu.memref_slice %arg7[%add3A_62, %dma_wait3A_86] : memref<320000x32xf32, #tpu.memory_space<hbm>> -> memref<80x32xf32, #tpu.memory_space<hbm>>
        tpu.wait_dma2 semaphore(%run_scoped3A : memref<!tpu.dma_semaphore, #tpu.memory_space<semaphore_mem>>) src(%arg9 : memref<80x32xf32, #tpu.memory_space<vmem>>) dst(%dma_wait3A_87 : memref<80x32xf32, #tpu.memory_space<hbm>>)
        tpu.yield
      }) : () -> ()
      %add3A_63 = arith.constant 1 : i32
      %add3A_64 = arith.addi %add3A_46, %add3A_63 : i32
      %dma_start3A_65 = arith.constant 0 : i32
      %dma_start3A_66 = tpu.memref_slice %arg8[%add3A_64, %dma_start3A_65] : memref<125x80xi32, #tpu.memory_space<vmem>> -> memref<1x80xi32, #tpu.memory_space<vmem>>
      %dma_start3A_67 = tpu.memref_squeeze %dma_start3A_66 : memref<1x80xi32, #tpu.memory_space<vmem>> -> memref<80xi32, #tpu.memory_space<vmem>>
      %dma_start3A_68 = arith.constant 0 : i32
      %dma_start3A_69 = arith.constant 0 : i32
      %dma_start3A_70 = tpu.memref_slice %arg3[%dma_start3A_68, %dma_start3A_69] : memref<10000x32xf32, #tpu.memory_space<hbm>> -> memref<10000x32xf32, #tpu.memory_space<hbm>>
      tpu.enqueue_indirect_dma source(%dma_start3A_70 : memref<10000x32xf32, #tpu.memory_space<hbm>>) target(%arg9 : memref<80x32xf32, #tpu.memory_space<vmem>>) offsets(%dma_start3A_67 : memref<80xi32, #tpu.memory_space<vmem>>) semaphore(%arg11 : memref<!tpu.dma_semaphore, #tpu.memory_space<semaphore_mem>>)
      %dma_wait3A_71 = arith.constant 0 : i32
      %dma_wait3A_72 = arith.constant 0 : i32
      %dma_wait3A_73 = tpu.memref_slice %arg3[%dma_wait3A_71, %dma_wait3A_72] : memref<10000x32xf32, #tpu.memory_space<hbm>> -> memref<80x32xf32, #tpu.memory_space<hbm>>
      %dma_wait3A_74 = arith.constant 0 : i32
      %dma_wait3A_75 = arith.constant 0 : i32
      %dma_wait3A_76 = tpu.memref_slice %arg3[%dma_wait3A_74, %dma_wait3A_75] : memref<10000x32xf32, #tpu.memory_space<hbm>> -> memref<80x32xf32, #tpu.memory_space<hbm>>
      tpu.wait_dma2 semaphore(%arg12 : memref<!tpu.dma_semaphore, #tpu.memory_space<semaphore_mem>>) src(%dma_wait3A_76 : memref<80x32xf32, #tpu.memory_space<hbm>>) dst(%arg10 : memref<80x32xf32, #tpu.memory_space<vmem>>)
      %mul3A_77 = arith.constant 80 : i32
      %mul3A_78 = arith.muli %add3A_46, %mul3A_77 : i32
      %add3A_79 = arith.addi %mul3A_2, %mul3A_78 : i32
      "tpu.region"() ({
        %run_scoped3A = tpu.sem_alloc : memref<!tpu.dma_semaphore, #tpu.memory_space<semaphore_mem>>
        %dma_start3A_80 = arith.constant 0 : i32
        %dma_start3A_81 = tpu.memref_slice %arg7[%add3A_79, %dma_start3A_80] : memref<320000x32xf32, #tpu.memory_space<hbm>> -> memref<80x32xf32, #tpu.memory_space<hbm>>
        %dma_start3A_82 = arith.constant 0 : i32
        %dma_start3A_83 = tpu.memref_slice %arg7[%add3A_79, %dma_start3A_82] : memref<320000x32xf32, #tpu.memory_space<hbm>> -> memref<80x32xf32, #tpu.memory_space<hbm>>
        tpu.enqueue_dma source(%arg10 : memref<80x32xf32, #tpu.memory_space<vmem>>) target(%dma_start3A_83 : memref<80x32xf32, #tpu.memory_space<hbm>>) target_semaphore(%run_scoped3A : memref<!tpu.dma_semaphore, #tpu.memory_space<semaphore_mem>>)
        %dma_wait3A_84 = arith.constant 0 : i32
        %dma_wait3A_85 = tpu.memref_slice %arg7[%add3A_79, %dma_wait3A_84] : memref<320000x32xf32, #tpu.memory_space<hbm>> -> memref<80x32xf32, #tpu.memory_space<hbm>>
        %dma_wait3A_86 = arith.constant 0 : i32
        %dma_wait3A_87 = tpu.memref_slice %arg7[%add3A_79, %dma_wait3A_86] : memref<320000x32xf32, #tpu.memory_space<hbm>> -> memref<80x32xf32, #tpu.memory_space<hbm>>
        tpu.wait_dma2 semaphore(%run_scoped3A : memref<!tpu.dma_semaphore, #tpu.memory_space<semaphore_mem>>) src(%arg10 : memref<80x32xf32, #tpu.memory_space<vmem>>) dst(%dma_wait3A_87 : memref<80x32xf32, #tpu.memory_space<hbm>>)
        tpu.yield
      }) : () -> ()
    }
    %scan3A_33 = arith.constant 62 : i32
    %dma_wait3A_34 = arith.constant 0 : i32
    %dma_wait3A_35 = arith.constant 0 : i32
    %dma_wait3A_36 = tpu.memref_slice %arg3[%dma_wait3A_34, %dma_wait3A_35] : memref<10000x32xf32, #tpu.memory_space<hbm>> -> memref<80x32xf32, #tpu.memory_space<hbm>>
    %dma_wait3A_37 = arith.constant 0 : i32
    %dma_wait3A_38 = arith.constant 0 : i32
    %dma_wait3A_39 = tpu.memref_slice %arg3[%dma_wait3A_37, %dma_wait3A_38] : memref<10000x32xf32, #tpu.memory_space<hbm>> -> memref<80x32xf32, #tpu.memory_space<hbm>>
    tpu.wait_dma2 semaphore(%arg11 : memref<!tpu.dma_semaphore, #tpu.memory_space<semaphore_mem>>) src(%dma_wait3A_39 : memref<80x32xf32, #tpu.memory_space<hbm>>) dst(%arg9 : memref<80x32xf32, #tpu.memory_space<vmem>>)
    %add3A_40 = arith.constant 9920 : i32
    %add3A_41 = arith.addi %mul3A_2, %add3A_40 : i32
    "tpu.region"() ({
      %run_scoped3A = tpu.sem_alloc : memref<!tpu.dma_semaphore, #tpu.memory_space<semaphore_mem>>
      %dma_start3A_42 = arith.constant 0 : i32
      %dma_start3A_43 = tpu.memref_slice %arg7[%add3A_41, %dma_start3A_42] : memref<320000x32xf32, #tpu.memory_space<hbm>> -> memref<80x32xf32, #tpu.memory_space<hbm>>
      %dma_start3A_44 = arith.constant 0 : i32
      %dma_start3A_45 = tpu.memref_slice %arg7[%add3A_41, %dma_start3A_44] : memref<320000x32xf32, #tpu.memory_space<hbm>> -> memref<80x32xf32, #tpu.memory_space<hbm>>
      tpu.enqueue_dma source(%arg9 : memref<80x32xf32, #tpu.memory_space<vmem>>) target(%dma_start3A_45 : memref<80x32xf32, #tpu.memory_space<hbm>>) target_semaphore(%run_scoped3A : memref<!tpu.dma_semaphore, #tpu.memory_space<semaphore_mem>>)
      %dma_wait3A_46 = arith.constant 0 : i32
      %dma_wait3A_47 = tpu.memref_slice %arg7[%add3A_41, %dma_wait3A_46] : memref<320000x32xf32, #tpu.memory_space<hbm>> -> memref<80x32xf32, #tpu.memory_space<hbm>>
      %dma_wait3A_48 = arith.constant 0 : i32
      %dma_wait3A_49 = tpu.memref_slice %arg7[%add3A_41, %dma_wait3A_48] : memref<320000x32xf32, #tpu.memory_space<hbm>> -> memref<80x32xf32, #tpu.memory_space<hbm>>
      tpu.wait_dma2 semaphore(%run_scoped3A : memref<!tpu.dma_semaphore, #tpu.memory_space<semaphore_mem>>) src(%arg9 : memref<80x32xf32, #tpu.memory_space<vmem>>) dst(%dma_wait3A_49 : memref<80x32xf32, #tpu.memory_space<hbm>>)
      tpu.yield
    }) : () -> ()
    return
  }
}

#map = affine_map<(d0, d1) -> (0, 0)>
#map1 = affine_map<(d0, d1) -> (0, 0, 0)>
module attributes {stable_mosaic.version = 14 : i64} {
  func.func @k(%arg0: i32, %arg1: i32, %arg2: memref<10000x16xf32, #tpu.memory_space<hbm>>, %arg3: memref<10000x16xf32, #tpu.memory_space<hbm>>, %arg4: memref<32x125x80xi32, #tpu.memory_space<hbm>>, %arg5: memref<32x125x80xi32, #tpu.memory_space<hbm>>, %arg6: memref<320000x16xf32, #tpu.memory_space<hbm>>, %arg7: memref<320000x16xf32, #tpu.memory_space<hbm>>, %arg8: memref<125x80xi32, #tpu.memory_space<vmem>>, %arg9: memref<80x16xf32, #tpu.memory_space<vmem>>, %arg10: memref<80x16xf32, #tpu.memory_space<vmem>>, %arg11: memref<!tpu.dma_semaphore, #tpu.memory_space<semaphore_mem>>, %arg12: memref<!tpu.dma_semaphore, #tpu.memory_space<semaphore_mem>>) attributes {dimension_semantics = [#tpu.dimension_semantics<core_parallel>, #tpu.dimension_semantics<subcore_parallel>], iteration_bounds = array<i64: 2, 16>, scalar_prefetch = 0 : i64, scratch_operands = 5 : i64, tpu.core_type = #tpu.core_type<sc_vector_subcore>, window_params = [{transform_indices = #map}, {transform_indices = #map}, {transform_indices = #map1}, {transform_indices = #map1}, {transform_indices = #map}, {transform_indices = #map}]} {
    %mul3A = arith.constant 2 : i32
    %mul3A_0 = arith.muli %arg1, %mul3A : i32
    %add3A = arith.addi %mul3A_0, %arg0 : i32
    %mul3A_1 = arith.constant 10000 : i32
    %mul3A_2 = arith.muli %add3A, %mul3A_1 : i32
    "tpu.region"() ({
      %run_scoped3A = tpu.sem_alloc : memref<!tpu.dma_semaphore, #tpu.memory_space<semaphore_mem>>
      %dma_start3A_42 = arith.constant 0 : i32
      %dma_start3A_43 = arith.constant 0 : i32
      %dma_start3A_44 = tpu.memref_slice %arg4[%add3A, %dma_start3A_42, %dma_start3A_43] : memref<32x125x80xi32, #tpu.memory_space<hbm>> -> memref<1x125x80xi32, #tpu.memory_space<hbm>>
      %dma_start3A_45 = tpu.memref_squeeze %dma_start3A_44 : memref<1x125x80xi32, #tpu.memory_space<hbm>> -> memref<125x80xi32, #tpu.memory_space<hbm>>
      %dma_start3A_46 = arith.constant 0 : i32
      %dma_start3A_47 = arith.constant 0 : i32
      %dma_start3A_48 = tpu.memref_slice %arg4[%add3A, %dma_start3A_46, %dma_start3A_47] : memref<32x125x80xi32, #tpu.memory_space<hbm>> -> memref<1x125x80xi32, #tpu.memory_space<hbm>>
      %dma_start3A_49 = tpu.memref_squeeze %dma_start3A_48 : memref<1x125x80xi32, #tpu.memory_space<hbm>> -> memref<125x80xi32, #tpu.memory_space<hbm>>
      tpu.enqueue_dma source(%dma_start3A_49 : memref<125x80xi32, #tpu.memory_space<hbm>>) target(%arg8 : memref<125x80xi32, #tpu.memory_space<vmem>>) target_semaphore(%run_scoped3A : memref<!tpu.dma_semaphore, #tpu.memory_space<semaphore_mem>>)
      %dma_wait3A_50 = arith.constant 0 : i32
      %dma_wait3A_51 = arith.constant 0 : i32
      %dma_wait3A_52 = tpu.memref_slice %arg4[%add3A, %dma_wait3A_50, %dma_wait3A_51] : memref<32x125x80xi32, #tpu.memory_space<hbm>> -> memref<1x125x80xi32, #tpu.memory_space<hbm>>
      %dma_wait3A_53 = tpu.memref_squeeze %dma_wait3A_52 : memref<1x125x80xi32, #tpu.memory_space<hbm>> -> memref<125x80xi32, #tpu.memory_space<hbm>>
      %dma_wait3A_54 = arith.constant 0 : i32
      %dma_wait3A_55 = arith.constant 0 : i32
      %dma_wait3A_56 = tpu.memref_slice %arg4[%add3A, %dma_wait3A_54, %dma_wait3A_55] : memref<32x125x80xi32, #tpu.memory_space<hbm>> -> memref<1x125x80xi32, #tpu.memory_space<hbm>>
      %dma_wait3A_57 = tpu.memref_squeeze %dma_wait3A_56 : memref<1x125x80xi32, #tpu.memory_space<hbm>> -> memref<125x80xi32, #tpu.memory_space<hbm>>
      tpu.wait_dma2 semaphore(%run_scoped3A : memref<!tpu.dma_semaphore, #tpu.memory_space<semaphore_mem>>) src(%dma_wait3A_57 : memref<125x80xi32, #tpu.memory_space<hbm>>) dst(%arg8 : memref<125x80xi32, #tpu.memory_space<vmem>>)
      tpu.yield
    }) : () -> ()
    %dma_start3A = arith.constant 0 : i32
    %dma_start3A_3 = arith.constant 0 : i32
    %dma_start3A_4 = tpu.memref_slice %arg8[%dma_start3A, %dma_start3A_3] : memref<125x80xi32, #tpu.memory_space<vmem>> -> memref<1x80xi32, #tpu.memory_space<vmem>>
    %dma_start3A_5 = tpu.memref_squeeze %dma_start3A_4 : memref<1x80xi32, #tpu.memory_space<vmem>> -> memref<80xi32, #tpu.memory_space<vmem>>
    %dma_start3A_6 = arith.constant 0 : i32
    %dma_start3A_7 = arith.constant 0 : i32
    %dma_start3A_8 = tpu.memref_slice %arg2[%dma_start3A_6, %dma_start3A_7] : memref<10000x16xf32, #tpu.memory_space<hbm>> -> memref<10000x16xf32, #tpu.memory_space<hbm>>
    tpu.enqueue_indirect_dma source(%dma_start3A_8 : memref<10000x16xf32, #tpu.memory_space<hbm>>) target(%arg9 : memref<80x16xf32, #tpu.memory_space<vmem>>) offsets(%dma_start3A_5 : memref<80xi32, #tpu.memory_space<vmem>>) semaphore(%arg11 : memref<!tpu.dma_semaphore, #tpu.memory_space<semaphore_mem>>)
    %scan3A = arith.constant 0 : i32
    %scan3A_9 = arith.constant 0 : i32
    %scan3A_10 = arith.constant 62 : i32
    %scan3A_11 = arith.addi %scan3A_9, %scan3A_10 : i32
    %scan3A_12 = arith.constant 1 : i32
    scf.for %scan3A_42 = %scan3A_9 to %scan3A_11 step %scan3A_12  : i32 {
      %mul3A_43 = arith.constant 2 : i32
      %mul3A_44 = arith.muli %mul3A_43, %scan3A_42 : i32
      %add3A_45 = arith.constant 1 : i32
      %add3A_46 = arith.addi %mul3A_44, %add3A_45 : i32
      %dma_start3A_47 = arith.constant 0 : i32
      %dma_start3A_48 = tpu.memref_slice %arg8[%add3A_46, %dma_start3A_47] : memref<125x80xi32, #tpu.memory_space<vmem>> -> memref<1x80xi32, #tpu.memory_space<vmem>>
      %dma_start3A_49 = tpu.memref_squeeze %dma_start3A_48 : memref<1x80xi32, #tpu.memory_space<vmem>> -> memref<80xi32, #tpu.memory_space<vmem>>
      %dma_start3A_50 = arith.constant 0 : i32
      %dma_start3A_51 = arith.constant 0 : i32
      %dma_start3A_52 = tpu.memref_slice %arg2[%dma_start3A_50, %dma_start3A_51] : memref<10000x16xf32, #tpu.memory_space<hbm>> -> memref<10000x16xf32, #tpu.memory_space<hbm>>
      tpu.enqueue_indirect_dma source(%dma_start3A_52 : memref<10000x16xf32, #tpu.memory_space<hbm>>) target(%arg10 : memref<80x16xf32, #tpu.memory_space<vmem>>) offsets(%dma_start3A_49 : memref<80xi32, #tpu.memory_space<vmem>>) semaphore(%arg12 : memref<!tpu.dma_semaphore, #tpu.memory_space<semaphore_mem>>)
      %dma_wait3A_53 = arith.constant 0 : i32
      %dma_wait3A_54 = arith.constant 0 : i32
      %dma_wait3A_55 = tpu.memref_slice %arg2[%dma_wait3A_53, %dma_wait3A_54] : memref<10000x16xf32, #tpu.memory_space<hbm>> -> memref<80x16xf32, #tpu.memory_space<hbm>>
      %dma_wait3A_56 = arith.constant 0 : i32
      %dma_wait3A_57 = arith.constant 0 : i32
      %dma_wait3A_58 = tpu.memref_slice %arg2[%dma_wait3A_56, %dma_wait3A_57] : memref<10000x16xf32, #tpu.memory_space<hbm>> -> memref<80x16xf32, #tpu.memory_space<hbm>>
      tpu.wait_dma2 semaphore(%arg11 : memref<!tpu.dma_semaphore, #tpu.memory_space<semaphore_mem>>) src(%dma_wait3A_58 : memref<80x16xf32, #tpu.memory_space<hbm>>) dst(%arg9 : memref<80x16xf32, #tpu.memory_space<vmem>>)
      %sub3A = arith.constant 1 : i32
      %sub3A_59 = arith.subi %add3A_46, %sub3A : i32
      %mul3A_60 = arith.constant 80 : i32
      %mul3A_61 = arith.muli %sub3A_59, %mul3A_60 : i32
      %add3A_62 = arith.addi %mul3A_2, %mul3A_61 : i32
      "tpu.region"() ({
        %run_scoped3A = tpu.sem_alloc : memref<!tpu.dma_semaphore, #tpu.memory_space<semaphore_mem>>
        %dma_start3A_80 = arith.constant 0 : i32
        %dma_start3A_81 = tpu.memref_slice %arg6[%add3A_62, %dma_start3A_80] : memref<320000x16xf32, #tpu.memory_space<hbm>> -> memref<80x16xf32, #tpu.memory_space<hbm>>
        %dma_start3A_82 = arith.constant 0 : i32
        %dma_start3A_83 = tpu.memref_slice %arg6[%add3A_62, %dma_start3A_82] : memref<320000x16xf32, #tpu.memory_space<hbm>> -> memref<80x16xf32, #tpu.memory_space<hbm>>
        tpu.enqueue_dma source(%arg9 : memref<80x16xf32, #tpu.memory_space<vmem>>) target(%dma_start3A_83 : memref<80x16xf32, #tpu.memory_space<hbm>>) target_semaphore(%run_scoped3A : memref<!tpu.dma_semaphore, #tpu.memory_space<semaphore_mem>>)
        %dma_wait3A_84 = arith.constant 0 : i32
        %dma_wait3A_85 = tpu.memref_slice %arg6[%add3A_62, %dma_wait3A_84] : memref<320000x16xf32, #tpu.memory_space<hbm>> -> memref<80x16xf32, #tpu.memory_space<hbm>>
        %dma_wait3A_86 = arith.constant 0 : i32
        %dma_wait3A_87 = tpu.memref_slice %arg6[%add3A_62, %dma_wait3A_86] : memref<320000x16xf32, #tpu.memory_space<hbm>> -> memref<80x16xf32, #tpu.memory_space<hbm>>
        tpu.wait_dma2 semaphore(%run_scoped3A : memref<!tpu.dma_semaphore, #tpu.memory_space<semaphore_mem>>) src(%arg9 : memref<80x16xf32, #tpu.memory_space<vmem>>) dst(%dma_wait3A_87 : memref<80x16xf32, #tpu.memory_space<hbm>>)
        tpu.yield
      }) : () -> ()
      %add3A_63 = arith.constant 1 : i32
      %add3A_64 = arith.addi %add3A_46, %add3A_63 : i32
      %dma_start3A_65 = arith.constant 0 : i32
      %dma_start3A_66 = tpu.memref_slice %arg8[%add3A_64, %dma_start3A_65] : memref<125x80xi32, #tpu.memory_space<vmem>> -> memref<1x80xi32, #tpu.memory_space<vmem>>
      %dma_start3A_67 = tpu.memref_squeeze %dma_start3A_66 : memref<1x80xi32, #tpu.memory_space<vmem>> -> memref<80xi32, #tpu.memory_space<vmem>>
      %dma_start3A_68 = arith.constant 0 : i32
      %dma_start3A_69 = arith.constant 0 : i32
      %dma_start3A_70 = tpu.memref_slice %arg2[%dma_start3A_68, %dma_start3A_69] : memref<10000x16xf32, #tpu.memory_space<hbm>> -> memref<10000x16xf32, #tpu.memory_space<hbm>>
      tpu.enqueue_indirect_dma source(%dma_start3A_70 : memref<10000x16xf32, #tpu.memory_space<hbm>>) target(%arg9 : memref<80x16xf32, #tpu.memory_space<vmem>>) offsets(%dma_start3A_67 : memref<80xi32, #tpu.memory_space<vmem>>) semaphore(%arg11 : memref<!tpu.dma_semaphore, #tpu.memory_space<semaphore_mem>>)
      %dma_wait3A_71 = arith.constant 0 : i32
      %dma_wait3A_72 = arith.constant 0 : i32
      %dma_wait3A_73 = tpu.memref_slice %arg2[%dma_wait3A_71, %dma_wait3A_72] : memref<10000x16xf32, #tpu.memory_space<hbm>> -> memref<80x16xf32, #tpu.memory_space<hbm>>
      %dma_wait3A_74 = arith.constant 0 : i32
      %dma_wait3A_75 = arith.constant 0 : i32
      %dma_wait3A_76 = tpu.memref_slice %arg2[%dma_wait3A_74, %dma_wait3A_75] : memref<10000x16xf32, #tpu.memory_space<hbm>> -> memref<80x16xf32, #tpu.memory_space<hbm>>
      tpu.wait_dma2 semaphore(%arg12 : memref<!tpu.dma_semaphore, #tpu.memory_space<semaphore_mem>>) src(%dma_wait3A_76 : memref<80x16xf32, #tpu.memory_space<hbm>>) dst(%arg10 : memref<80x16xf32, #tpu.memory_space<vmem>>)
      %mul3A_77 = arith.constant 80 : i32
      %mul3A_78 = arith.muli %add3A_46, %mul3A_77 : i32
      %add3A_79 = arith.addi %mul3A_2, %mul3A_78 : i32
      "tpu.region"() ({
        %run_scoped3A = tpu.sem_alloc : memref<!tpu.dma_semaphore, #tpu.memory_space<semaphore_mem>>
        %dma_start3A_80 = arith.constant 0 : i32
        %dma_start3A_81 = tpu.memref_slice %arg6[%add3A_79, %dma_start3A_80] : memref<320000x16xf32, #tpu.memory_space<hbm>> -> memref<80x16xf32, #tpu.memory_space<hbm>>
        %dma_start3A_82 = arith.constant 0 : i32
        %dma_start3A_83 = tpu.memref_slice %arg6[%add3A_79, %dma_start3A_82] : memref<320000x16xf32, #tpu.memory_space<hbm>> -> memref<80x16xf32, #tpu.memory_space<hbm>>
        tpu.enqueue_dma source(%arg10 : memref<80x16xf32, #tpu.memory_space<vmem>>) target(%dma_start3A_83 : memref<80x16xf32, #tpu.memory_space<hbm>>) target_semaphore(%run_scoped3A : memref<!tpu.dma_semaphore, #tpu.memory_space<semaphore_mem>>)
        %dma_wait3A_84 = arith.constant 0 : i32
        %dma_wait3A_85 = tpu.memref_slice %arg6[%add3A_79, %dma_wait3A_84] : memref<320000x16xf32, #tpu.memory_space<hbm>> -> memref<80x16xf32, #tpu.memory_space<hbm>>
        %dma_wait3A_86 = arith.constant 0 : i32
        %dma_wait3A_87 = tpu.memref_slice %arg6[%add3A_79, %dma_wait3A_86] : memref<320000x16xf32, #tpu.memory_space<hbm>> -> memref<80x16xf32, #tpu.memory_space<hbm>>
        tpu.wait_dma2 semaphore(%run_scoped3A : memref<!tpu.dma_semaphore, #tpu.memory_space<semaphore_mem>>) src(%arg10 : memref<80x16xf32, #tpu.memory_space<vmem>>) dst(%dma_wait3A_87 : memref<80x16xf32, #tpu.memory_space<hbm>>)
        tpu.yield
      }) : () -> ()
    }
    %scan3A_13 = arith.constant 62 : i32
    %dma_wait3A = arith.constant 0 : i32
    %dma_wait3A_14 = arith.constant 0 : i32
    %dma_wait3A_15 = tpu.memref_slice %arg2[%dma_wait3A, %dma_wait3A_14] : memref<10000x16xf32, #tpu.memory_space<hbm>> -> memref<80x16xf32, #tpu.memory_space<hbm>>
    %dma_wait3A_16 = arith.constant 0 : i32
    %dma_wait3A_17 = arith.constant 0 : i32
    %dma_wait3A_18 = tpu.memref_slice %arg2[%dma_wait3A_16, %dma_wait3A_17] : memref<10000x16xf32, #tpu.memory_space<hbm>> -> memref<80x16xf32, #tpu.memory_space<hbm>>
    tpu.wait_dma2 semaphore(%arg11 : memref<!tpu.dma_semaphore, #tpu.memory_space<semaphore_mem>>) src(%dma_wait3A_18 : memref<80x16xf32, #tpu.memory_space<hbm>>) dst(%arg9 : memref<80x16xf32, #tpu.memory_space<vmem>>)
    %add3A_19 = arith.constant 9920 : i32
    %add3A_20 = arith.addi %mul3A_2, %add3A_19 : i32
    "tpu.region"() ({
      %run_scoped3A = tpu.sem_alloc : memref<!tpu.dma_semaphore, #tpu.memory_space<semaphore_mem>>
      %dma_start3A_42 = arith.constant 0 : i32
      %dma_start3A_43 = tpu.memref_slice %arg6[%add3A_20, %dma_start3A_42] : memref<320000x16xf32, #tpu.memory_space<hbm>> -> memref<80x16xf32, #tpu.memory_space<hbm>>
      %dma_start3A_44 = arith.constant 0 : i32
      %dma_start3A_45 = tpu.memref_slice %arg6[%add3A_20, %dma_start3A_44] : memref<320000x16xf32, #tpu.memory_space<hbm>> -> memref<80x16xf32, #tpu.memory_space<hbm>>
      tpu.enqueue_dma source(%arg9 : memref<80x16xf32, #tpu.memory_space<vmem>>) target(%dma_start3A_45 : memref<80x16xf32, #tpu.memory_space<hbm>>) target_semaphore(%run_scoped3A : memref<!tpu.dma_semaphore, #tpu.memory_space<semaphore_mem>>)
      %dma_wait3A_46 = arith.constant 0 : i32
      %dma_wait3A_47 = tpu.memref_slice %arg6[%add3A_20, %dma_wait3A_46] : memref<320000x16xf32, #tpu.memory_space<hbm>> -> memref<80x16xf32, #tpu.memory_space<hbm>>
      %dma_wait3A_48 = arith.constant 0 : i32
      %dma_wait3A_49 = tpu.memref_slice %arg6[%add3A_20, %dma_wait3A_48] : memref<320000x16xf32, #tpu.memory_space<hbm>> -> memref<80x16xf32, #tpu.memory_space<hbm>>
      tpu.wait_dma2 semaphore(%run_scoped3A : memref<!tpu.dma_semaphore, #tpu.memory_space<semaphore_mem>>) src(%arg9 : memref<80x16xf32, #tpu.memory_space<vmem>>) dst(%dma_wait3A_49 : memref<80x16xf32, #tpu.memory_space<hbm>>)
      tpu.yield
    }) : () -> ()
    "tpu.region"() ({
      %run_scoped3A = tpu.sem_alloc : memref<!tpu.dma_semaphore, #tpu.memory_space<semaphore_mem>>
      %dma_start3A_42 = arith.constant 0 : i32
      %dma_start3A_43 = arith.constant 0 : i32
      %dma_start3A_44 = tpu.memref_slice %arg5[%add3A, %dma_start3A_42, %dma_start3A_43] : memref<32x125x80xi32, #tpu.memory_space<hbm>> -> memref<1x125x80xi32, #tpu.memory_space<hbm>>
      %dma_start3A_45 = tpu.memref_squeeze %dma_start3A_44 : memref<1x125x80xi32, #tpu.memory_space<hbm>> -> memref<125x80xi32, #tpu.memory_space<hbm>>
      %dma_start3A_46 = arith.constant 0 : i32
      %dma_start3A_47 = arith.constant 0 : i32
      %dma_start3A_48 = tpu.memref_slice %arg5[%add3A, %dma_start3A_46, %dma_start3A_47] : memref<32x125x80xi32, #tpu.memory_space<hbm>> -> memref<1x125x80xi32, #tpu.memory_space<hbm>>
      %dma_start3A_49 = tpu.memref_squeeze %dma_start3A_48 : memref<1x125x80xi32, #tpu.memory_space<hbm>> -> memref<125x80xi32, #tpu.memory_space<hbm>>
      tpu.enqueue_dma source(%dma_start3A_49 : memref<125x80xi32, #tpu.memory_space<hbm>>) target(%arg8 : memref<125x80xi32, #tpu.memory_space<vmem>>) target_semaphore(%run_scoped3A : memref<!tpu.dma_semaphore, #tpu.memory_space<semaphore_mem>>)
      %dma_wait3A_50 = arith.constant 0 : i32
      %dma_wait3A_51 = arith.constant 0 : i32
      %dma_wait3A_52 = tpu.memref_slice %arg5[%add3A, %dma_wait3A_50, %dma_wait3A_51] : memref<32x125x80xi32, #tpu.memory_space<hbm>> -> memref<1x125x80xi32, #tpu.memory_space<hbm>>
      %dma_wait3A_53 = tpu.memref_squeeze %dma_wait3A_52 : memref<1x125x80xi32, #tpu.memory_space<hbm>> -> memref<125x80xi32, #tpu.memory_space<hbm>>
      %dma_wait3A_54 = arith.constant 0 : i32
      %dma_wait3A_55 = arith.constant 0 : i32
      %dma_wait3A_56 = tpu.memref_slice %arg5[%add3A, %dma_wait3A_54, %dma_wait3A_55] : memref<32x125x80xi32, #tpu.memory_space<hbm>> -> memref<1x125x80xi32, #tpu.memory_space<hbm>>
      %dma_wait3A_57 = tpu.memref_squeeze %dma_wait3A_56 : memref<1x125x80xi32, #tpu.memory_space<hbm>> -> memref<125x80xi32, #tpu.memory_space<hbm>>
      tpu.wait_dma2 semaphore(%run_scoped3A : memref<!tpu.dma_semaphore, #tpu.memory_space<semaphore_mem>>) src(%dma_wait3A_57 : memref<125x80xi32, #tpu.memory_space<hbm>>) dst(%arg8 : memref<125x80xi32, #tpu.memory_space<vmem>>)
      tpu.yield
    }) : () -> ()
    %dma_start3A_21 = arith.constant 0 : i32
    %dma_start3A_22 = arith.constant 0 : i32
    %dma_start3A_23 = tpu.memref_slice %arg8[%dma_start3A_21, %dma_start3A_22] : memref<125x80xi32, #tpu.memory_space<vmem>> -> memref<1x80xi32, #tpu.memory_space<vmem>>
    %dma_start3A_24 = tpu.memref_squeeze %dma_start3A_23 : memref<1x80xi32, #tpu.memory_space<vmem>> -> memref<80xi32, #tpu.memory_space<vmem>>
    %dma_start3A_25 = arith.constant 0 : i32
    %dma_start3A_26 = arith.constant 0 : i32
    %dma_start3A_27 = tpu.memref_slice %arg3[%dma_start3A_25, %dma_start3A_26] : memref<10000x16xf32, #tpu.memory_space<hbm>> -> memref<10000x16xf32, #tpu.memory_space<hbm>>
    tpu.enqueue_indirect_dma source(%dma_start3A_27 : memref<10000x16xf32, #tpu.memory_space<hbm>>) target(%arg9 : memref<80x16xf32, #tpu.memory_space<vmem>>) offsets(%dma_start3A_24 : memref<80xi32, #tpu.memory_space<vmem>>) semaphore(%arg11 : memref<!tpu.dma_semaphore, #tpu.memory_space<semaphore_mem>>)
    %scan3A_28 = arith.constant 0 : i32
    %scan3A_29 = arith.constant 0 : i32
    %scan3A_30 = arith.constant 62 : i32
    %scan3A_31 = arith.addi %scan3A_29, %scan3A_30 : i32
    %scan3A_32 = arith.constant 1 : i32
    scf.for %scan3A_42 = %scan3A_29 to %scan3A_31 step %scan3A_32  : i32 {
      %mul3A_43 = arith.constant 2 : i32
      %mul3A_44 = arith.muli %mul3A_43, %scan3A_42 : i32
      %add3A_45 = arith.constant 1 : i32
      %add3A_46 = arith.addi %mul3A_44, %add3A_45 : i32
      %dma_start3A_47 = arith.constant 0 : i32
      %dma_start3A_48 = tpu.memref_slice %arg8[%add3A_46, %dma_start3A_47] : memref<125x80xi32, #tpu.memory_space<vmem>> -> memref<1x80xi32, #tpu.memory_space<vmem>>
      %dma_start3A_49 = tpu.memref_squeeze %dma_start3A_48 : memref<1x80xi32, #tpu.memory_space<vmem>> -> memref<80xi32, #tpu.memory_space<vmem>>
      %dma_start3A_50 = arith.constant 0 : i32
      %dma_start3A_51 = arith.constant 0 : i32
      %dma_start3A_52 = tpu.memref_slice %arg3[%dma_start3A_50, %dma_start3A_51] : memref<10000x16xf32, #tpu.memory_space<hbm>> -> memref<10000x16xf32, #tpu.memory_space<hbm>>
      tpu.enqueue_indirect_dma source(%dma_start3A_52 : memref<10000x16xf32, #tpu.memory_space<hbm>>) target(%arg10 : memref<80x16xf32, #tpu.memory_space<vmem>>) offsets(%dma_start3A_49 : memref<80xi32, #tpu.memory_space<vmem>>) semaphore(%arg12 : memref<!tpu.dma_semaphore, #tpu.memory_space<semaphore_mem>>)
      %dma_wait3A_53 = arith.constant 0 : i32
      %dma_wait3A_54 = arith.constant 0 : i32
      %dma_wait3A_55 = tpu.memref_slice %arg3[%dma_wait3A_53, %dma_wait3A_54] : memref<10000x16xf32, #tpu.memory_space<hbm>> -> memref<80x16xf32, #tpu.memory_space<hbm>>
      %dma_wait3A_56 = arith.constant 0 : i32
      %dma_wait3A_57 = arith.constant 0 : i32
      %dma_wait3A_58 = tpu.memref_slice %arg3[%dma_wait3A_56, %dma_wait3A_57] : memref<10000x16xf32, #tpu.memory_space<hbm>> -> memref<80x16xf32, #tpu.memory_space<hbm>>
      tpu.wait_dma2 semaphore(%arg11 : memref<!tpu.dma_semaphore, #tpu.memory_space<semaphore_mem>>) src(%dma_wait3A_58 : memref<80x16xf32, #tpu.memory_space<hbm>>) dst(%arg9 : memref<80x16xf32, #tpu.memory_space<vmem>>)
      %sub3A = arith.constant 1 : i32
      %sub3A_59 = arith.subi %add3A_46, %sub3A : i32
      %mul3A_60 = arith.constant 80 : i32
      %mul3A_61 = arith.muli %sub3A_59, %mul3A_60 : i32
      %add3A_62 = arith.addi %mul3A_2, %mul3A_61 : i32
      "tpu.region"() ({
        %run_scoped3A = tpu.sem_alloc : memref<!tpu.dma_semaphore, #tpu.memory_space<semaphore_mem>>
        %dma_start3A_80 = arith.constant 0 : i32
        %dma_start3A_81 = tpu.memref_slice %arg7[%add3A_62, %dma_start3A_80] : memref<320000x16xf32, #tpu.memory_space<hbm>> -> memref<80x16xf32, #tpu.memory_space<hbm>>
        %dma_start3A_82 = arith.constant 0 : i32
        %dma_start3A_83 = tpu.memref_slice %arg7[%add3A_62, %dma_start3A_82] : memref<320000x16xf32, #tpu.memory_space<hbm>> -> memref<80x16xf32, #tpu.memory_space<hbm>>
        tpu.enqueue_dma source(%arg9 : memref<80x16xf32, #tpu.memory_space<vmem>>) target(%dma_start3A_83 : memref<80x16xf32, #tpu.memory_space<hbm>>) target_semaphore(%run_scoped3A : memref<!tpu.dma_semaphore, #tpu.memory_space<semaphore_mem>>)
        %dma_wait3A_84 = arith.constant 0 : i32
        %dma_wait3A_85 = tpu.memref_slice %arg7[%add3A_62, %dma_wait3A_84] : memref<320000x16xf32, #tpu.memory_space<hbm>> -> memref<80x16xf32, #tpu.memory_space<hbm>>
        %dma_wait3A_86 = arith.constant 0 : i32
        %dma_wait3A_87 = tpu.memref_slice %arg7[%add3A_62, %dma_wait3A_86] : memref<320000x16xf32, #tpu.memory_space<hbm>> -> memref<80x16xf32, #tpu.memory_space<hbm>>
        tpu.wait_dma2 semaphore(%run_scoped3A : memref<!tpu.dma_semaphore, #tpu.memory_space<semaphore_mem>>) src(%arg9 : memref<80x16xf32, #tpu.memory_space<vmem>>) dst(%dma_wait3A_87 : memref<80x16xf32, #tpu.memory_space<hbm>>)
        tpu.yield
      }) : () -> ()
      %add3A_63 = arith.constant 1 : i32
      %add3A_64 = arith.addi %add3A_46, %add3A_63 : i32
      %dma_start3A_65 = arith.constant 0 : i32
      %dma_start3A_66 = tpu.memref_slice %arg8[%add3A_64, %dma_start3A_65] : memref<125x80xi32, #tpu.memory_space<vmem>> -> memref<1x80xi32, #tpu.memory_space<vmem>>
      %dma_start3A_67 = tpu.memref_squeeze %dma_start3A_66 : memref<1x80xi32, #tpu.memory_space<vmem>> -> memref<80xi32, #tpu.memory_space<vmem>>
      %dma_start3A_68 = arith.constant 0 : i32
      %dma_start3A_69 = arith.constant 0 : i32
      %dma_start3A_70 = tpu.memref_slice %arg3[%dma_start3A_68, %dma_start3A_69] : memref<10000x16xf32, #tpu.memory_space<hbm>> -> memref<10000x16xf32, #tpu.memory_space<hbm>>
      tpu.enqueue_indirect_dma source(%dma_start3A_70 : memref<10000x16xf32, #tpu.memory_space<hbm>>) target(%arg9 : memref<80x16xf32, #tpu.memory_space<vmem>>) offsets(%dma_start3A_67 : memref<80xi32, #tpu.memory_space<vmem>>) semaphore(%arg11 : memref<!tpu.dma_semaphore, #tpu.memory_space<semaphore_mem>>)
      %dma_wait3A_71 = arith.constant 0 : i32
      %dma_wait3A_72 = arith.constant 0 : i32
      %dma_wait3A_73 = tpu.memref_slice %arg3[%dma_wait3A_71, %dma_wait3A_72] : memref<10000x16xf32, #tpu.memory_space<hbm>> -> memref<80x16xf32, #tpu.memory_space<hbm>>
      %dma_wait3A_74 = arith.constant 0 : i32
      %dma_wait3A_75 = arith.constant 0 : i32
      %dma_wait3A_76 = tpu.memref_slice %arg3[%dma_wait3A_74, %dma_wait3A_75] : memref<10000x16xf32, #tpu.memory_space<hbm>> -> memref<80x16xf32, #tpu.memory_space<hbm>>
      tpu.wait_dma2 semaphore(%arg12 : memref<!tpu.dma_semaphore, #tpu.memory_space<semaphore_mem>>) src(%dma_wait3A_76 : memref<80x16xf32, #tpu.memory_space<hbm>>) dst(%arg10 : memref<80x16xf32, #tpu.memory_space<vmem>>)
      %mul3A_77 = arith.constant 80 : i32
      %mul3A_78 = arith.muli %add3A_46, %mul3A_77 : i32
      %add3A_79 = arith.addi %mul3A_2, %mul3A_78 : i32
      "tpu.region"() ({
        %run_scoped3A = tpu.sem_alloc : memref<!tpu.dma_semaphore, #tpu.memory_space<semaphore_mem>>
        %dma_start3A_80 = arith.constant 0 : i32
        %dma_start3A_81 = tpu.memref_slice %arg7[%add3A_79, %dma_start3A_80] : memref<320000x16xf32, #tpu.memory_space<hbm>> -> memref<80x16xf32, #tpu.memory_space<hbm>>
        %dma_start3A_82 = arith.constant 0 : i32
        %dma_start3A_83 = tpu.memref_slice %arg7[%add3A_79, %dma_start3A_82] : memref<320000x16xf32, #tpu.memory_space<hbm>> -> memref<80x16xf32, #tpu.memory_space<hbm>>
        tpu.enqueue_dma source(%arg10 : memref<80x16xf32, #tpu.memory_space<vmem>>) target(%dma_start3A_83 : memref<80x16xf32, #tpu.memory_space<hbm>>) target_semaphore(%run_scoped3A : memref<!tpu.dma_semaphore, #tpu.memory_space<semaphore_mem>>)
        %dma_wait3A_84 = arith.constant 0 : i32
        %dma_wait3A_85 = tpu.memref_slice %arg7[%add3A_79, %dma_wait3A_84] : memref<320000x16xf32, #tpu.memory_space<hbm>> -> memref<80x16xf32, #tpu.memory_space<hbm>>
        %dma_wait3A_86 = arith.constant 0 : i32
        %dma_wait3A_87 = tpu.memref_slice %arg7[%add3A_79, %dma_wait3A_86] : memref<320000x16xf32, #tpu.memory_space<hbm>> -> memref<80x16xf32, #tpu.memory_space<hbm>>
        tpu.wait_dma2 semaphore(%run_scoped3A : memref<!tpu.dma_semaphore, #tpu.memory_space<semaphore_mem>>) src(%arg10 : memref<80x16xf32, #tpu.memory_space<vmem>>) dst(%dma_wait3A_87 : memref<80x16xf32, #tpu.memory_space<hbm>>)
        tpu.yield
      }) : () -> ()
    }
    %scan3A_33 = arith.constant 62 : i32
    %dma_wait3A_34 = arith.constant 0 : i32
    %dma_wait3A_35 = arith.constant 0 : i32
    %dma_wait3A_36 = tpu.memref_slice %arg3[%dma_wait3A_34, %dma_wait3A_35] : memref<10000x16xf32, #tpu.memory_space<hbm>> -> memref<80x16xf32, #tpu.memory_space<hbm>>
    %dma_wait3A_37 = arith.constant 0 : i32
    %dma_wait3A_38 = arith.constant 0 : i32
    %dma_wait3A_39 = tpu.memref_slice %arg3[%dma_wait3A_37, %dma_wait3A_38] : memref<10000x16xf32, #tpu.memory_space<hbm>> -> memref<80x16xf32, #tpu.memory_space<hbm>>
    tpu.wait_dma2 semaphore(%arg11 : memref<!tpu.dma_semaphore, #tpu.memory_space<semaphore_mem>>) src(%dma_wait3A_39 : memref<80x16xf32, #tpu.memory_space<hbm>>) dst(%arg9 : memref<80x16xf32, #tpu.memory_space<vmem>>)
    %add3A_40 = arith.constant 9920 : i32
    %add3A_41 = arith.addi %mul3A_2, %add3A_40 : i32
    "tpu.region"() ({
      %run_scoped3A = tpu.sem_alloc : memref<!tpu.dma_semaphore, #tpu.memory_space<semaphore_mem>>
      %dma_start3A_42 = arith.constant 0 : i32
      %dma_start3A_43 = tpu.memref_slice %arg7[%add3A_41, %dma_start3A_42] : memref<320000x16xf32, #tpu.memory_space<hbm>> -> memref<80x16xf32, #tpu.memory_space<hbm>>
      %dma_start3A_44 = arith.constant 0 : i32
      %dma_start3A_45 = tpu.memref_slice %arg7[%add3A_41, %dma_start3A_44] : memref<320000x16xf32, #tpu.memory_space<hbm>> -> memref<80x16xf32, #tpu.memory_space<hbm>>
      tpu.enqueue_dma source(%arg9 : memref<80x16xf32, #tpu.memory_space<vmem>>) target(%dma_start3A_45 : memref<80x16xf32, #tpu.memory_space<hbm>>) target_semaphore(%run_scoped3A : memref<!tpu.dma_semaphore, #tpu.memory_space<semaphore_mem>>)
      %dma_wait3A_46 = arith.constant 0 : i32
      %dma_wait3A_47 = tpu.memref_slice %arg7[%add3A_41, %dma_wait3A_46] : memref<320000x16xf32, #tpu.memory_space<hbm>> -> memref<80x16xf32, #tpu.memory_space<hbm>>
      %dma_wait3A_48 = arith.constant 0 : i32
      %dma_wait3A_49 = tpu.memref_slice %arg7[%add3A_41, %dma_wait3A_48] : memref<320000x16xf32, #tpu.memory_space<hbm>> -> memref<80x16xf32, #tpu.memory_space<hbm>>
      tpu.wait_dma2 semaphore(%run_scoped3A : memref<!tpu.dma_semaphore, #tpu.memory_space<semaphore_mem>>) src(%arg9 : memref<80x16xf32, #tpu.memory_space<vmem>>) dst(%dma_wait3A_49 : memref<80x16xf32, #tpu.memory_space<hbm>>)
      tpu.yield
    }) : () -> ()
    return
  }
}

#map = affine_map<(d0, d1) -> (0, 0)>
#map1 = affine_map<(d0, d1) -> (0, 0, 0)>
module attributes {stable_mosaic.version = 14 : i64} {
  func.func @k(%arg0: i32, %arg1: i32, %arg2: memref<320000x32xf32, #tpu.memory_space<hbm>>, %arg3: memref<32x125x80xi32, #tpu.memory_space<hbm>>, %arg4: memref<640x32xf32, #tpu.memory_space<hbm>>, %arg5: memref<2x10240x32xf32, #tpu.memory_space<hbm>>, %arg6: memref<125x80xi32, #tpu.memory_space<vmem>>, %arg7: memref<80x32xf32, #tpu.memory_space<vmem>>, %arg8: memref<80x32xf32, #tpu.memory_space<vmem>>, %arg9: memref<10240x32xf32, #tpu.memory_space<vmem_shared>>, %arg10: memref<!tpu.dma_semaphore, #tpu.memory_space<semaphore_mem>>, %arg11: memref<!tpu.dma_semaphore, #tpu.memory_space<semaphore_mem>>) attributes {dimension_semantics = [#tpu.dimension_semantics<core_parallel>, #tpu.dimension_semantics<subcore_parallel>], iteration_bounds = array<i64: 2, 16>, scalar_prefetch = 0 : i64, scratch_operands = 6 : i64, tpu.core_type = #tpu.core_type<sc_vector_subcore>, window_params = [{transform_indices = #map}, {transform_indices = #map1}, {transform_indices = #map}, {transform_indices = #map1}]} {
    %mul3A = arith.constant 2 : i32
    %mul3A_0 = arith.muli %arg1, %mul3A : i32
    %add3A = arith.addi %mul3A_0, %arg0 : i32
    %mul3A_1 = arith.constant 640 : i32
    %mul3A_2 = arith.muli %arg1, %mul3A_1 : i32
    "tpu.region"() ({
      %run_scoped3A_25 = tpu.sem_alloc : memref<!tpu.dma_semaphore, #tpu.memory_space<semaphore_mem>>
      %dma_start3A_26 = arith.constant 0 : i32
      %dma_start3A_27 = tpu.memref_slice %arg9[%mul3A_2, %dma_start3A_26] : memref<10240x32xf32, #tpu.memory_space<vmem_shared>> -> memref<640x32xf32, #tpu.memory_space<vmem_shared>>
      tpu.enqueue_dma source(%arg4 : memref<640x32xf32, #tpu.memory_space<hbm>>) target(%dma_start3A_27 : memref<640x32xf32, #tpu.memory_space<vmem_shared>>) target_semaphore(%run_scoped3A_25 : memref<!tpu.dma_semaphore, #tpu.memory_space<semaphore_mem>>)
      %dma_wait3A_28 = arith.constant 0 : i32
      %dma_wait3A_29 = tpu.memref_slice %arg9[%mul3A_2, %dma_wait3A_28] : memref<10240x32xf32, #tpu.memory_space<vmem_shared>> -> memref<640x32xf32, #tpu.memory_space<vmem_shared>>
      tpu.wait_dma2 semaphore(%run_scoped3A_25 : memref<!tpu.dma_semaphore, #tpu.memory_space<semaphore_mem>>) src(%arg4 : memref<640x32xf32, #tpu.memory_space<hbm>>) dst(%dma_wait3A_29 : memref<640x32xf32, #tpu.memory_space<vmem_shared>>)
      tpu.yield
    }) : () -> ()
    %barrier3A = arith.constant 0 : index
    tpu.barrier barrier_id(%barrier3A)
    %mul3A_3 = arith.constant 10000 : i32
    %mul3A_4 = arith.muli %add3A, %mul3A_3 : i32
    "tpu.region"() ({
      %run_scoped3A_25 = tpu.sem_alloc : memref<!tpu.dma_semaphore, #tpu.memory_space<semaphore_mem>>
      %dma_start3A_26 = arith.constant 0 : i32
      %dma_start3A_27 = arith.constant 0 : i32
      %dma_start3A_28 = tpu.memref_slice %arg3[%add3A, %dma_start3A_26, %dma_start3A_27] : memref<32x125x80xi32, #tpu.memory_space<hbm>> -> memref<1x125x80xi32, #tpu.memory_space<hbm>>
      %dma_start3A_29 = tpu.memref_squeeze %dma_start3A_28 : memref<1x125x80xi32, #tpu.memory_space<hbm>> -> memref<125x80xi32, #tpu.memory_space<hbm>>
      %dma_start3A_30 = arith.constant 0 : i32
      %dma_start3A_31 = arith.constant 0 : i32
      %dma_start3A_32 = tpu.memref_slice %arg3[%add3A, %dma_start3A_30, %dma_start3A_31] : memref<32x125x80xi32, #tpu.memory_space<hbm>> -> memref<1x125x80xi32, #tpu.memory_space<hbm>>
      %dma_start3A_33 = tpu.memref_squeeze %dma_start3A_32 : memref<1x125x80xi32, #tpu.memory_space<hbm>> -> memref<125x80xi32, #tpu.memory_space<hbm>>
      tpu.enqueue_dma source(%dma_start3A_33 : memref<125x80xi32, #tpu.memory_space<hbm>>) target(%arg6 : memref<125x80xi32, #tpu.memory_space<vmem>>) target_semaphore(%run_scoped3A_25 : memref<!tpu.dma_semaphore, #tpu.memory_space<semaphore_mem>>)
      %dma_wait3A_34 = arith.constant 0 : i32
      %dma_wait3A_35 = arith.constant 0 : i32
      %dma_wait3A_36 = tpu.memref_slice %arg3[%add3A, %dma_wait3A_34, %dma_wait3A_35] : memref<32x125x80xi32, #tpu.memory_space<hbm>> -> memref<1x125x80xi32, #tpu.memory_space<hbm>>
      %dma_wait3A_37 = tpu.memref_squeeze %dma_wait3A_36 : memref<1x125x80xi32, #tpu.memory_space<hbm>> -> memref<125x80xi32, #tpu.memory_space<hbm>>
      %dma_wait3A_38 = arith.constant 0 : i32
      %dma_wait3A_39 = arith.constant 0 : i32
      %dma_wait3A_40 = tpu.memref_slice %arg3[%add3A, %dma_wait3A_38, %dma_wait3A_39] : memref<32x125x80xi32, #tpu.memory_space<hbm>> -> memref<1x125x80xi32, #tpu.memory_space<hbm>>
      %dma_wait3A_41 = tpu.memref_squeeze %dma_wait3A_40 : memref<1x125x80xi32, #tpu.memory_space<hbm>> -> memref<125x80xi32, #tpu.memory_space<hbm>>
      tpu.wait_dma2 semaphore(%run_scoped3A_25 : memref<!tpu.dma_semaphore, #tpu.memory_space<semaphore_mem>>) src(%dma_wait3A_41 : memref<125x80xi32, #tpu.memory_space<hbm>>) dst(%arg6 : memref<125x80xi32, #tpu.memory_space<vmem>>)
      tpu.yield
    }) : () -> ()
    %add3A_5 = arith.constant 0 : i32
    %add3A_6 = arith.addi %mul3A_4, %add3A_5 : i32
    %dma_start3A = arith.constant 0 : i32
    %dma_start3A_7 = tpu.memref_slice %arg2[%add3A_6, %dma_start3A] : memref<320000x32xf32, #tpu.memory_space<hbm>> -> memref<80x32xf32, #tpu.memory_space<hbm>>
    %dma_start3A_8 = arith.constant 0 : i32
    %dma_start3A_9 = tpu.memref_slice %arg2[%add3A_6, %dma_start3A_8] : memref<320000x32xf32, #tpu.memory_space<hbm>> -> memref<80x32xf32, #tpu.memory_space<hbm>>
    tpu.enqueue_dma source(%dma_start3A_9 : memref<80x32xf32, #tpu.memory_space<hbm>>) target(%arg7 : memref<80x32xf32, #tpu.memory_space<vmem>>) target_semaphore(%arg10 : memref<!tpu.dma_semaphore, #tpu.memory_space<semaphore_mem>>)
    %scan3A = arith.constant 0 : i32
    %scan3A_10 = arith.constant 0 : i32
    %scan3A_11 = arith.constant 62 : i32
    %scan3A_12 = arith.addi %scan3A_10, %scan3A_11 : i32
    %scan3A_13 = arith.constant 1 : i32
    scf.for %scan3A_25 = %scan3A_10 to %scan3A_12 step %scan3A_13  : i32 {
      %mul3A_26 = arith.constant 2 : i32
      %mul3A_27 = arith.muli %mul3A_26, %scan3A_25 : i32
      %add3A_28 = arith.constant 1 : i32
      %add3A_29 = arith.addi %mul3A_27, %add3A_28 : i32
      %mul3A_30 = arith.constant 80 : i32
      %mul3A_31 = arith.muli %add3A_29, %mul3A_30 : i32
      %add3A_32 = arith.addi %mul3A_4, %mul3A_31 : i32
      %dma_start3A_33 = arith.constant 0 : i32
      %dma_start3A_34 = tpu.memref_slice %arg2[%add3A_32, %dma_start3A_33] : memref<320000x32xf32, #tpu.memory_space<hbm>> -> memref<80x32xf32, #tpu.memory_space<hbm>>
      %dma_start3A_35 = arith.constant 0 : i32
      %dma_start3A_36 = tpu.memref_slice %arg2[%add3A_32, %dma_start3A_35] : memref<320000x32xf32, #tpu.memory_space<hbm>> -> memref<80x32xf32, #tpu.memory_space<hbm>>
      tpu.enqueue_dma source(%dma_start3A_36 : memref<80x32xf32, #tpu.memory_space<hbm>>) target(%arg8 : memref<80x32xf32, #tpu.memory_space<vmem>>) target_semaphore(%arg11 : memref<!tpu.dma_semaphore, #tpu.memory_space<semaphore_mem>>)
      %dma_wait3A_37 = arith.constant 0 : i32
      %dma_wait3A_38 = arith.constant 0 : i32
      %dma_wait3A_39 = tpu.memref_slice %arg2[%dma_wait3A_37, %dma_wait3A_38] : memref<320000x32xf32, #tpu.memory_space<hbm>> -> memref<80x32xf32, #tpu.memory_space<hbm>>
      %dma_wait3A_40 = arith.constant 0 : i32
      %dma_wait3A_41 = arith.constant 0 : i32
      %dma_wait3A_42 = tpu.memref_slice %arg2[%dma_wait3A_40, %dma_wait3A_41] : memref<320000x32xf32, #tpu.memory_space<hbm>> -> memref<80x32xf32, #tpu.memory_space<hbm>>
      tpu.wait_dma2 semaphore(%arg10 : memref<!tpu.dma_semaphore, #tpu.memory_space<semaphore_mem>>) src(%dma_wait3A_42 : memref<80x32xf32, #tpu.memory_space<hbm>>) dst(%arg7 : memref<80x32xf32, #tpu.memory_space<vmem>>)
      %sub3A = arith.constant 1 : i32
      %sub3A_43 = arith.subi %add3A_29, %sub3A : i32
      "tpu.region"() ({
        %run_scoped3A_59 = tpu.sem_alloc : memref<!tpu.dma_semaphore, #tpu.memory_space<semaphore_mem>>
        %dma_start3A_60 = arith.constant 0 : i32
        %dma_start3A_61 = tpu.memref_slice %arg6[%sub3A_43, %dma_start3A_60] : memref<125x80xi32, #tpu.memory_space<vmem>> -> memref<1x80xi32, #tpu.memory_space<vmem>>
        %dma_start3A_62 = tpu.memref_squeeze %dma_start3A_61 : memref<1x80xi32, #tpu.memory_space<vmem>> -> memref<80xi32, #tpu.memory_space<vmem>>
        %dma_start3A_63 = arith.constant 0 : i32
        %dma_start3A_64 = arith.constant 0 : i32
        %dma_start3A_65 = tpu.memref_slice %arg9[%dma_start3A_63, %dma_start3A_64] : memref<10240x32xf32, #tpu.memory_space<vmem_shared>> -> memref<10240x32xf32, #tpu.memory_space<vmem_shared>>
        tpu.enqueue_indirect_dma source(%arg7 : memref<80x32xf32, #tpu.memory_space<vmem>>) target(%dma_start3A_65 : memref<10240x32xf32, #tpu.memory_space<vmem_shared>>) offsets(%dma_start3A_62 : memref<80xi32, #tpu.memory_space<vmem>>) semaphore(%run_scoped3A_59 : memref<!tpu.dma_semaphore, #tpu.memory_space<semaphore_mem>>) {add = true}
        %dma_wait3A_66 = arith.constant 0 : i32
        %dma_wait3A_67 = tpu.memref_slice %arg6[%sub3A_43, %dma_wait3A_66] : memref<125x80xi32, #tpu.memory_space<vmem>> -> memref<1x80xi32, #tpu.memory_space<vmem>>
        %dma_wait3A_68 = tpu.memref_squeeze %dma_wait3A_67 : memref<1x80xi32, #tpu.memory_space<vmem>> -> memref<80xi32, #tpu.memory_space<vmem>>
        %dma_wait3A_69 = arith.constant 0 : i32
        %dma_wait3A_70 = arith.constant 0 : i32
        %dma_wait3A_71 = tpu.memref_slice %arg9[%dma_wait3A_69, %dma_wait3A_70] : memref<10240x32xf32, #tpu.memory_space<vmem_shared>> -> memref<10240x32xf32, #tpu.memory_space<vmem_shared>>
        tpu.wait_indirect_dma semaphore(%run_scoped3A_59 : memref<!tpu.dma_semaphore, #tpu.memory_space<semaphore_mem>>) src(%arg7 : memref<80x32xf32, #tpu.memory_space<vmem>>) dst(%dma_wait3A_71 : memref<10240x32xf32, #tpu.memory_space<vmem_shared>>)
        tpu.yield
      }) : () -> ()
      %add3A_44 = arith.constant 1 : i32
      %add3A_45 = arith.addi %add3A_29, %add3A_44 : i32
      %mul3A_46 = arith.constant 80 : i32
      %mul3A_47 = arith.muli %add3A_45, %mul3A_46 : i32
      %add3A_48 = arith.addi %mul3A_4, %mul3A_47 : i32
      %dma_start3A_49 = arith.constant 0 : i32
      %dma_start3A_50 = tpu.memref_slice %arg2[%add3A_48, %dma_start3A_49] : memref<320000x32xf32, #tpu.memory_space<hbm>> -> memref<80x32xf32, #tpu.memory_space<hbm>>
      %dma_start3A_51 = arith.constant 0 : i32
      %dma_start3A_52 = tpu.memref_slice %arg2[%add3A_48, %dma_start3A_51] : memref<320000x32xf32, #tpu.memory_space<hbm>> -> memref<80x32xf32, #tpu.memory_space<hbm>>
      tpu.enqueue_dma source(%dma_start3A_52 : memref<80x32xf32, #tpu.memory_space<hbm>>) target(%arg7 : memref<80x32xf32, #tpu.memory_space<vmem>>) target_semaphore(%arg10 : memref<!tpu.dma_semaphore, #tpu.memory_space<semaphore_mem>>)
      %dma_wait3A_53 = arith.constant 0 : i32
      %dma_wait3A_54 = arith.constant 0 : i32
      %dma_wait3A_55 = tpu.memref_slice %arg2[%dma_wait3A_53, %dma_wait3A_54] : memref<320000x32xf32, #tpu.memory_space<hbm>> -> memref<80x32xf32, #tpu.memory_space<hbm>>
      %dma_wait3A_56 = arith.constant 0 : i32
      %dma_wait3A_57 = arith.constant 0 : i32
      %dma_wait3A_58 = tpu.memref_slice %arg2[%dma_wait3A_56, %dma_wait3A_57] : memref<320000x32xf32, #tpu.memory_space<hbm>> -> memref<80x32xf32, #tpu.memory_space<hbm>>
      tpu.wait_dma2 semaphore(%arg11 : memref<!tpu.dma_semaphore, #tpu.memory_space<semaphore_mem>>) src(%dma_wait3A_58 : memref<80x32xf32, #tpu.memory_space<hbm>>) dst(%arg8 : memref<80x32xf32, #tpu.memory_space<vmem>>)
      "tpu.region"() ({
        %run_scoped3A_59 = tpu.sem_alloc : memref<!tpu.dma_semaphore, #tpu.memory_space<semaphore_mem>>
        %dma_start3A_60 = arith.constant 0 : i32
        %dma_start3A_61 = tpu.memref_slice %arg6[%add3A_29, %dma_start3A_60] : memref<125x80xi32, #tpu.memory_space<vmem>> -> memref<1x80xi32, #tpu.memory_space<vmem>>
        %dma_start3A_62 = tpu.memref_squeeze %dma_start3A_61 : memref<1x80xi32, #tpu.memory_space<vmem>> -> memref<80xi32, #tpu.memory_space<vmem>>
        %dma_start3A_63 = arith.constant 0 : i32
        %dma_start3A_64 = arith.constant 0 : i32
        %dma_start3A_65 = tpu.memref_slice %arg9[%dma_start3A_63, %dma_start3A_64] : memref<10240x32xf32, #tpu.memory_space<vmem_shared>> -> memref<10240x32xf32, #tpu.memory_space<vmem_shared>>
        tpu.enqueue_indirect_dma source(%arg8 : memref<80x32xf32, #tpu.memory_space<vmem>>) target(%dma_start3A_65 : memref<10240x32xf32, #tpu.memory_space<vmem_shared>>) offsets(%dma_start3A_62 : memref<80xi32, #tpu.memory_space<vmem>>) semaphore(%run_scoped3A_59 : memref<!tpu.dma_semaphore, #tpu.memory_space<semaphore_mem>>) {add = true}
        %dma_wait3A_66 = arith.constant 0 : i32
        %dma_wait3A_67 = tpu.memref_slice %arg6[%add3A_29, %dma_wait3A_66] : memref<125x80xi32, #tpu.memory_space<vmem>> -> memref<1x80xi32, #tpu.memory_space<vmem>>
        %dma_wait3A_68 = tpu.memref_squeeze %dma_wait3A_67 : memref<1x80xi32, #tpu.memory_space<vmem>> -> memref<80xi32, #tpu.memory_space<vmem>>
        %dma_wait3A_69 = arith.constant 0 : i32
        %dma_wait3A_70 = arith.constant 0 : i32
        %dma_wait3A_71 = tpu.memref_slice %arg9[%dma_wait3A_69, %dma_wait3A_70] : memref<10240x32xf32, #tpu.memory_space<vmem_shared>> -> memref<10240x32xf32, #tpu.memory_space<vmem_shared>>
        tpu.wait_indirect_dma semaphore(%run_scoped3A_59 : memref<!tpu.dma_semaphore, #tpu.memory_space<semaphore_mem>>) src(%arg8 : memref<80x32xf32, #tpu.memory_space<vmem>>) dst(%dma_wait3A_71 : memref<10240x32xf32, #tpu.memory_space<vmem_shared>>)
        tpu.yield
      }) : () -> ()
    }
    %scan3A_14 = arith.constant 62 : i32
    %dma_wait3A = arith.constant 0 : i32
    %dma_wait3A_15 = arith.constant 0 : i32
    %dma_wait3A_16 = tpu.memref_slice %arg2[%dma_wait3A, %dma_wait3A_15] : memref<320000x32xf32, #tpu.memory_space<hbm>> -> memref<80x32xf32, #tpu.memory_space<hbm>>
    %dma_wait3A_17 = arith.constant 0 : i32
    %dma_wait3A_18 = arith.constant 0 : i32
    %dma_wait3A_19 = tpu.memref_slice %arg2[%dma_wait3A_17, %dma_wait3A_18] : memref<320000x32xf32, #tpu.memory_space<hbm>> -> memref<80x32xf32, #tpu.memory_space<hbm>>
    tpu.wait_dma2 semaphore(%arg10 : memref<!tpu.dma_semaphore, #tpu.memory_space<semaphore_mem>>) src(%dma_wait3A_19 : memref<80x32xf32, #tpu.memory_space<hbm>>) dst(%arg7 : memref<80x32xf32, #tpu.memory_space<vmem>>)
    %run_scoped3A = arith.constant 124 : i32
    "tpu.region"() ({
      %run_scoped3A_25 = tpu.sem_alloc : memref<!tpu.dma_semaphore, #tpu.memory_space<semaphore_mem>>
      %dma_start3A_26 = arith.constant 0 : i32
      %dma_start3A_27 = tpu.memref_slice %arg6[%run_scoped3A, %dma_start3A_26] : memref<125x80xi32, #tpu.memory_space<vmem>> -> memref<1x80xi32, #tpu.memory_space<vmem>>
      %dma_start3A_28 = tpu.memref_squeeze %dma_start3A_27 : memref<1x80xi32, #tpu.memory_space<vmem>> -> memref<80xi32, #tpu.memory_space<vmem>>
      %dma_start3A_29 = arith.constant 0 : i32
      %dma_start3A_30 = arith.constant 0 : i32
      %dma_start3A_31 = tpu.memref_slice %arg9[%dma_start3A_29, %dma_start3A_30] : memref<10240x32xf32, #tpu.memory_space<vmem_shared>> -> memref<10240x32xf32, #tpu.memory_space<vmem_shared>>
      tpu.enqueue_indirect_dma source(%arg7 : memref<80x32xf32, #tpu.memory_space<vmem>>) target(%dma_start3A_31 : memref<10240x32xf32, #tpu.memory_space<vmem_shared>>) offsets(%dma_start3A_28 : memref<80xi32, #tpu.memory_space<vmem>>) semaphore(%run_scoped3A_25 : memref<!tpu.dma_semaphore, #tpu.memory_space<semaphore_mem>>) {add = true}
      %dma_wait3A_32 = arith.constant 0 : i32
      %dma_wait3A_33 = tpu.memref_slice %arg6[%run_scoped3A, %dma_wait3A_32] : memref<125x80xi32, #tpu.memory_space<vmem>> -> memref<1x80xi32, #tpu.memory_space<vmem>>
      %dma_wait3A_34 = tpu.memref_squeeze %dma_wait3A_33 : memref<1x80xi32, #tpu.memory_space<vmem>> -> memref<80xi32, #tpu.memory_space<vmem>>
      %dma_wait3A_35 = arith.constant 0 : i32
      %dma_wait3A_36 = arith.constant 0 : i32
      %dma_wait3A_37 = tpu.memref_slice %arg9[%dma_wait3A_35, %dma_wait3A_36] : memref<10240x32xf32, #tpu.memory_space<vmem_shared>> -> memref<10240x32xf32, #tpu.memory_space<vmem_shared>>
      tpu.wait_indirect_dma semaphore(%run_scoped3A_25 : memref<!tpu.dma_semaphore, #tpu.memory_space<semaphore_mem>>) src(%arg7 : memref<80x32xf32, #tpu.memory_space<vmem>>) dst(%dma_wait3A_37 : memref<10240x32xf32, #tpu.memory_space<vmem_shared>>)
      tpu.yield
    }) : () -> ()
    %barrier3A_20 = arith.constant 0 : index
    tpu.barrier barrier_id(%barrier3A_20)
    %mul3A_21 = arith.constant 640 : i32
    %mul3A_22 = arith.muli %arg1, %mul3A_21 : i32
    %mul3A_23 = arith.constant 640 : i32
    %mul3A_24 = arith.muli %arg1, %mul3A_23 : i32
    "tpu.region"() ({
      %run_scoped3A_25 = tpu.sem_alloc : memref<!tpu.dma_semaphore, #tpu.memory_space<semaphore_mem>>
      %dma_start3A_26 = arith.constant 0 : i32
      %dma_start3A_27 = tpu.memref_slice %arg5[%arg0, %mul3A_24, %dma_start3A_26] : memref<2x10240x32xf32, #tpu.memory_space<hbm>> -> memref<1x640x32xf32, #tpu.memory_space<hbm>>
      %dma_start3A_28 = tpu.memref_squeeze %dma_start3A_27 : memref<1x640x32xf32, #tpu.memory_space<hbm>> -> memref<640x32xf32, #tpu.memory_space<hbm>>
      %dma_start3A_29 = arith.constant 0 : i32
      %dma_start3A_30 = tpu.memref_slice %arg9[%mul3A_22, %dma_start3A_29] : memref<10240x32xf32, #tpu.memory_space<vmem_shared>> -> memref<640x32xf32, #tpu.memory_space<vmem_shared>>
      tpu.enqueue_dma source(%dma_start3A_30 : memref<640x32xf32, #tpu.memory_space<vmem_shared>>) target(%dma_start3A_28 : memref<640x32xf32, #tpu.memory_space<hbm>>) target_semaphore(%run_scoped3A_25 : memref<!tpu.dma_semaphore, #tpu.memory_space<semaphore_mem>>)
      %dma_wait3A_31 = arith.constant 0 : i32
      %dma_wait3A_32 = tpu.memref_slice %arg5[%arg0, %mul3A_24, %dma_wait3A_31] : memref<2x10240x32xf32, #tpu.memory_space<hbm>> -> memref<1x640x32xf32, #tpu.memory_space<hbm>>
      %dma_wait3A_33 = tpu.memref_squeeze %dma_wait3A_32 : memref<1x640x32xf32, #tpu.memory_space<hbm>> -> memref<640x32xf32, #tpu.memory_space<hbm>>
      %dma_wait3A_34 = arith.constant 0 : i32
      %dma_wait3A_35 = tpu.memref_slice %arg9[%mul3A_22, %dma_wait3A_34] : memref<10240x32xf32, #tpu.memory_space<vmem_shared>> -> memref<640x32xf32, #tpu.memory_space<vmem_shared>>
      tpu.wait_dma2 semaphore(%run_scoped3A_25 : memref<!tpu.dma_semaphore, #tpu.memory_space<semaphore_mem>>) src(%dma_wait3A_35 : memref<640x32xf32, #tpu.memory_space<vmem_shared>>) dst(%dma_wait3A_33 : memref<640x32xf32, #tpu.memory_space<hbm>>)
      tpu.yield
    }) : () -> ()
    return
  }
}

module attributes {stable_mosaic.version = 14 : i64} {
  func.func @_bn_mm_body(%arg0: memref<10000x128xf32, #tpu.memory_space<vmem>>, %arg1: memref<1x128xf32, #tpu.memory_space<vmem>>, %arg2: memref<1x128xf32, #tpu.memory_space<vmem>>, %arg3: memref<128x64xf32, #tpu.memory_space<vmem>>, %arg4: memref<128x64xf32, #tpu.memory_space<vmem>>, %arg5: memref<10000x64xf32, #tpu.memory_space<vmem>>, %arg6: memref<10000x64xf32, #tpu.memory_space<vmem>>) attributes {dimension_semantics = [], scalar_prefetch = 0 : i64, scratch_operands = 0 : i64, tpu.core_type = #tpu.core_type<tc>} {
    %get3A = arith.constant 0 : index
    %get3A_0 = arith.constant 0 : index
    %get3A_1 = vector.load %arg0[%get3A, %get3A_0] : memref<10000x128xf32, #tpu.memory_space<vmem>>, vector<10000x128xf32>
    %reduce_sum3A = arith.constant dense<0.000000e+00> : vector<128xf32>
    %reduce_sum3A_2 = vector.multi_reduction <add>, %get3A_1, %reduce_sum3A [0] : vector<10000x128xf32> to vector<128xf32>
    %broadcast_in_dim3A = vector.shape_cast %reduce_sum3A_2 : vector<128xf32> to vector<1x128xf32>
    %div3A = arith.constant 1.000000e+04 : f32
    %div3A_3 = vector.broadcast %div3A : f32 to vector<1x128xf32>
    %div3A_4 = arith.divf %broadcast_in_dim3A, %div3A_3 : vector<1x128xf32>
    %sub3A = vector.broadcast %div3A_4 : vector<1x128xf32> to vector<10000x128xf32>
    %sub3A_5 = arith.subf %get3A_1, %sub3A : vector<10000x128xf32>
    %mul3A = arith.mulf %sub3A_5, %sub3A_5 : vector<10000x128xf32>
    %reduce_sum3A_6 = arith.constant dense<0.000000e+00> : vector<128xf32>
    %reduce_sum3A_7 = vector.multi_reduction <add>, %mul3A, %reduce_sum3A_6 [0] : vector<10000x128xf32> to vector<128xf32>
    %broadcast_in_dim3A_8 = vector.shape_cast %reduce_sum3A_7 : vector<128xf32> to vector<1x128xf32>
    %div3A_9 = arith.constant 1.000000e+04 : f32
    %div3A_10 = vector.broadcast %div3A_9 : f32 to vector<1x128xf32>
    %div3A_11 = arith.divf %broadcast_in_dim3A_8, %div3A_10 : vector<1x128xf32>
    %add3A = arith.constant 9.99999974E-6 : f32
    %add3A_12 = vector.broadcast %add3A : f32 to vector<1x128xf32>
    %add3A_13 = arith.addf %div3A_11, %add3A_12 : vector<1x128xf32>
    %rsqrt3A = math.rsqrt %add3A_13 : vector<1x128xf32>
    %mul3A_14 = vector.broadcast %rsqrt3A : vector<1x128xf32> to vector<10000x128xf32>
    %mul3A_15 = arith.mulf %sub3A_5, %mul3A_14 : vector<10000x128xf32>
    %get3A_16 = arith.constant 0 : index
    %get3A_17 = arith.constant 0 : index
    %get3A_18 = vector.load %arg1[%get3A_16, %get3A_17] : memref<1x128xf32, #tpu.memory_space<vmem>>, vector<1x128xf32>
    %mul3A_19 = vector.broadcast %get3A_18 : vector<1x128xf32> to vector<10000x128xf32>
    %mul3A_20 = arith.mulf %mul3A_15, %mul3A_19 : vector<10000x128xf32>
    %get3A_21 = arith.constant 0 : index
    %get3A_22 = arith.constant 0 : index
    %get3A_23 = vector.load %arg2[%get3A_21, %get3A_22] : memref<1x128xf32, #tpu.memory_space<vmem>>, vector<1x128xf32>
    %add3A_24 = vector.broadcast %get3A_23 : vector<1x128xf32> to vector<10000x128xf32>
    %add3A_25 = arith.addf %mul3A_20, %add3A_24 : vector<10000x128xf32>
    %get3A_26 = arith.constant 0 : index
    %get3A_27 = arith.constant 0 : index
    %get3A_28 = vector.load %arg3[%get3A_26, %get3A_27] : memref<128x64xf32, #tpu.memory_space<vmem>>, vector<128x64xf32>
    %dot_general3A = arith.constant dense<0.000000e+00> : vector<10000x64xf32>
    %dot_general3A_29 = tpu.matmul %add3A_25, %get3A_28, %dot_general3A {dimension_numbers = #tpu.dot_dimension_numbers<[1], [0], [0], [1], [0, 0, 1, 1], [], []>, transpose_lhs_hint = false} : vector<10000x128xf32>, vector<128x64xf32>, vector<10000x64xf32> -> vector<10000x64xf32>
    %swap3A = arith.constant 0 : index
    %swap3A_30 = arith.constant 0 : index
    %swap3A_31 = vector.load %arg5[%swap3A, %swap3A_30] : memref<10000x64xf32, #tpu.memory_space<vmem>>, vector<10000x64xf32>
    tpu.vector_store %arg5[%swap3A, %swap3A_30], %dot_general3A_29 {strides = array<i32>} : memref<10000x64xf32, #tpu.memory_space<vmem>>, vector<10000x64xf32>,
    %get3A_32 = arith.constant 0 : index
    %get3A_33 = arith.constant 0 : index
    %get3A_34 = vector.load %arg4[%get3A_32, %get3A_33] : memref<128x64xf32, #tpu.memory_space<vmem>>, vector<128x64xf32>
    %dot_general3A_35 = arith.constant dense<0.000000e+00> : vector<10000x64xf32>
    %dot_general3A_36 = tpu.matmul %add3A_25, %get3A_34, %dot_general3A_35 {dimension_numbers = #tpu.dot_dimension_numbers<[1], [0], [0], [1], [0, 0, 1, 1], [], []>, transpose_lhs_hint = false} : vector<10000x128xf32>, vector<128x64xf32>, vector<10000x64xf32> -> vector<10000x64xf32>
    %swap3A_37 = arith.constant 0 : index
    %swap3A_38 = arith.constant 0 : index
    %swap3A_39 = vector.load %arg6[%swap3A_37, %swap3A_38] : memref<10000x64xf32, #tpu.memory_space<vmem>>, vector<10000x64xf32>
    tpu.vector_store %arg6[%swap3A_37, %swap3A_38], %dot_general3A_36 {strides = array<i32>} : memref<10000x64xf32, #tpu.memory_space<vmem>>, vector<10000x64xf32>,
    return
  }
}

module attributes {stable_mosaic.version = 14 : i64} {
  func.func @body(%arg0: i32, %arg1: memref<1000x64xf32, #tpu.memory_space<vmem>>, %arg2: memref<1000x64xf32, #tpu.memory_space<vmem>>, %arg3: memref<1000x1xf32, #tpu.memory_space<vmem>>, %arg4: memref<1x64xf32, #tpu.memory_space<vmem>>, %arg5: memref<1x64xf32, #tpu.memory_space<vmem>>, %arg6: memref<1000x80xf32, #tpu.memory_space<vmem>>) attributes {dimension_semantics = [#tpu.dimension_semantics<arbitrary>], iteration_bounds = array<i64: 320>, scalar_prefetch = 0 : i64, scratch_operands = 0 : i64, tpu.core_type = #tpu.core_type<tc>, window_params = [{transform_indices = @transform_0, window_bounds = array<i64: 1000, 64>}, {transform_indices = @transform_1, window_bounds = array<i64: 1000, 64>}, {transform_indices = @transform_2, window_bounds = array<i64: 1000, 1>}, {pipeline_mode = #tpu.pipeline_mode<synchronous>, transform_indices = @transform_3, window_bounds = array<i64: 1, 64>}, {pipeline_mode = #tpu.pipeline_mode<synchronous>, transform_indices = @transform_4, window_bounds = array<i64: 1, 64>}, {transform_indices = @transform_5, window_bounds = array<i64: 1000, 80>}]} {
    %get3A = arith.constant 0 : index
    %get3A_0 = arith.constant 0 : index
    %get3A_1 = vector.load %arg2[%get3A, %get3A_0] : memref<1000x64xf32, #tpu.memory_space<vmem>>, vector<1000x64xf32>
    %get3A_2 = arith.constant 0 : index
    %get3A_3 = arith.constant 0 : index
    %get3A_4 = vector.load %arg1[%get3A_2, %get3A_3] : memref<1000x64xf32, #tpu.memory_space<vmem>>, vector<1000x64xf32>
    %add3A = arith.addf %get3A_4, %get3A_1 : vector<1000x64xf32>
    %get3A_5 = arith.constant 0 : index
    %get3A_6 = arith.constant 0 : index
    %get3A_7 = vector.load %arg3[%get3A_5, %get3A_6] : memref<1000x1xf32, #tpu.memory_space<vmem>>, vector<1000x1xf32>
    %get3A_8 = arith.constant 0 : index
    %get3A_9 = arith.constant 0 : index
    %get3A_10 = vector.load %arg4[%get3A_8, %get3A_9] : memref<1x64xf32, #tpu.memory_space<vmem>>, vector<1x64xf32>
    %mul3A = vector.broadcast %get3A_7 : vector<1000x1xf32> to vector<1000x64xf32>
    %mul3A_11 = vector.broadcast %get3A_10 : vector<1x64xf32> to vector<1000x64xf32>
    %mul3A_12 = arith.mulf %mul3A, %mul3A_11 : vector<1000x64xf32>
    %add3A_13 = arith.addf %add3A, %mul3A_12 : vector<1000x64xf32>
    %ge3A = arith.constant 0.000000e+00 : f32
    %ge3A_14 = vector.broadcast %ge3A : f32 to vector<1000x64xf32>
    %ge3A_15 = arith.cmpf oge, %add3A_13, %ge3A_14 : vector<1000x64xf32>
    %mul3A_16 = arith.constant 2.000000e-01 : f32
    %mul3A_17 = vector.broadcast %mul3A_16 : f32 to vector<1000x64xf32>
    %mul3A_18 = arith.mulf %mul3A_17, %add3A_13 : vector<1000x64xf32>
    %select_n3A = arith.select %ge3A_15, %add3A_13, %mul3A_18 : vector<1000x64xi1>, vector<1000x64xf32>
    %get3A_19 = arith.constant 0 : index
    %get3A_20 = arith.constant 0 : index
    %get3A_21 = vector.load %arg5[%get3A_19, %get3A_20] : memref<1x64xf32, #tpu.memory_space<vmem>>, vector<1x64xf32>
    %mul3A_22 = vector.broadcast %get3A_21 : vector<1x64xf32> to vector<1000x64xf32>
    %mul3A_23 = arith.mulf %select_n3A, %mul3A_22 : vector<1000x64xf32>
    %reduce_sum3A = arith.constant dense<0.000000e+00> : vector<1000xf32>
    %reduce_sum3A_24 = vector.multi_reduction <add>, %mul3A_23, %reduce_sum3A [1] : vector<1000x64xf32> to vector<1000xf32>
    %broadcast_in_dim3A = vector.shape_cast %reduce_sum3A_24 : vector<1000xf32> to vector<1000x1xf32>
    %exp3A = math.exp %broadcast_in_dim3A : vector<1000x1xf32>
    %mul3A_25 = vector.broadcast %exp3A : vector<1000x1xf32> to vector<1000x64xf32>
    %mul3A_26 = arith.mulf %mul3A_25, %get3A_1 : vector<1000x64xf32>
    %broadcast_in_dim3A_27 = vector.shape_cast %exp3A : vector<1000x1xf32> to vector<1000x1xf32>
    %broadcast_in_dim3A_28 = vector.broadcast %broadcast_in_dim3A_27 : vector<1000x1xf32> to vector<1000x16xf32>
    %concatenate3A = tpu.concatenate %mul3A_26, %broadcast_in_dim3A_28 in 1 : vector<1000x64xf32>, vector<1000x16xf32> -> vector<1000x80xf32>
    %swap3A = arith.constant 0 : index
    %swap3A_29 = arith.constant 0 : index
    %swap3A_30 = vector.load %arg6[%swap3A, %swap3A_29] : memref<1000x80xf32, #tpu.memory_space<vmem>>, vector<1000x80xf32>
    tpu.vector_store %arg6[%swap3A, %swap3A_29], %concatenate3A {strides = array<i32>} : memref<1000x80xf32, #tpu.memory_space<vmem>>, vector<1000x80xf32>,
    return
  }
  func.func @transform_0(%arg0: i32) -> (i32, i32) {
    %c0_i32 = arith.constant 0 : i32
    %c0_i32_0 = arith.constant 0 : i32
    return %arg0, %c0_i32 : i32, i32
  }
  func.func @transform_1(%arg0: i32) -> (i32, i32) {
    %c0_i32 = arith.constant 0 : i32
    %c0_i32_0 = arith.constant 0 : i32
    return %arg0, %c0_i32 : i32, i32
  }
  func.func @transform_2(%arg0: i32) -> (i32, i32) {
    %c0_i32 = arith.constant 0 : i32
    %c0_i32_0 = arith.constant 0 : i32
    return %arg0, %c0_i32 : i32, i32
  }
  func.func @transform_3(%arg0: i32) -> (i32, i32) {
    %c0_i32 = arith.constant 0 : i32
    %c0_i32_0 = arith.constant 0 : i32
    %c0_i32_1 = arith.constant 0 : i32
    return %c0_i32, %c0_i32_0 : i32, i32
  }
  func.func @transform_4(%arg0: i32) -> (i32, i32) {
    %c0_i32 = arith.constant 0 : i32
    %c0_i32_0 = arith.constant 0 : i32
    %c0_i32_1 = arith.constant 0 : i32
    return %c0_i32, %c0_i32_0 : i32, i32
  }
  func.func @transform_5(%arg0: i32) -> (i32, i32) {
    %c0_i32 = arith.constant 0 : i32
    %c0_i32_0 = arith.constant 0 : i32
    return %arg0, %c0_i32 : i32, i32
  }
}

module attributes {stable_mosaic.version = 14 : i64} {
  func.func @body(%arg0: i32, %arg1: memref<2x1000x80xf32, #tpu.memory_space<vmem>>, %arg2: memref<1x64xf32, #tpu.memory_space<vmem>>, %arg3: memref<64x32xf32, #tpu.memory_space<vmem>>, %arg4: memref<64x32xf32, #tpu.memory_space<vmem>>, %arg5: memref<1000x32xf32, #tpu.memory_space<vmem>>, %arg6: memref<1000x32xf32, #tpu.memory_space<vmem>>) attributes {dimension_semantics = [#tpu.dimension_semantics<arbitrary>], iteration_bounds = array<i64: 10>, scalar_prefetch = 0 : i64, scratch_operands = 0 : i64, tpu.core_type = #tpu.core_type<tc>, window_params = [{transform_indices = @transform_0, window_bounds = array<i64: 2, 1000, 80>}, {pipeline_mode = #tpu.pipeline_mode<synchronous>, transform_indices = @transform_1, window_bounds = array<i64: 1, 64>}, {pipeline_mode = #tpu.pipeline_mode<synchronous>, transform_indices = @transform_2, window_bounds = array<i64: 64, 32>}, {pipeline_mode = #tpu.pipeline_mode<synchronous>, transform_indices = @transform_3, window_bounds = array<i64: 64, 32>}, {transform_indices = @transform_4, window_bounds = array<i64: 1000, 32>}, {transform_indices = @transform_5, window_bounds = array<i64: 1000, 32>}]} {
    %get3A = arith.constant 0 : index
    %get3A_0 = arith.constant 0 : index
    %get3A_1 = arith.constant 0 : index
    %get3A_2 = vector.load %arg1[%get3A, %get3A_0, %get3A_1] : memref<2x1000x80xf32, #tpu.memory_space<vmem>>, vector<1x1000x80xf32>
    %get3A_3 = vector.shape_cast %get3A_2 : vector<1x1000x80xf32> to vector<1000x80xf32>
    %get3A_4 = arith.constant 1 : index
    %get3A_5 = arith.constant 0 : index
    %get3A_6 = arith.constant 0 : index
    %get3A_7 = vector.load %arg1[%get3A_4, %get3A_5, %get3A_6] : memref<2x1000x80xf32, #tpu.memory_space<vmem>>, vector<1x1000x80xf32>
    %get3A_8 = vector.shape_cast %get3A_7 : vector<1x1000x80xf32> to vector<1000x80xf32>
    %add3A = arith.addf %get3A_3, %get3A_8 : vector<1000x80xf32>
    %slice3A = vector.extract_strided_slice %add3A {offsets = [0, 64], sizes = [1000, 1], strides = [1, 1]} : vector<1000x80xf32> to vector<1000x1xf32>
    %add3A_9 = arith.constant 1.000000e-16 : f32
    %add3A_10 = vector.broadcast %add3A_9 : f32 to vector<1000x1xf32>
    %add3A_11 = arith.addf %slice3A, %add3A_10 : vector<1000x1xf32>
    %slice3A_12 = vector.extract_strided_slice %add3A {offsets = [0, 0], sizes = [1000, 64], strides = [1, 1]} : vector<1000x80xf32> to vector<1000x64xf32>
    %div3A = vector.broadcast %add3A_11 : vector<1000x1xf32> to vector<1000x64xf32>
    %div3A_13 = arith.divf %slice3A_12, %div3A : vector<1000x64xf32>
    %get3A_14 = arith.constant 0 : index
    %get3A_15 = arith.constant 0 : index
    %get3A_16 = vector.load %arg2[%get3A_14, %get3A_15] : memref<1x64xf32, #tpu.memory_space<vmem>>, vector<1x64xf32>
    %add3A_17 = vector.broadcast %get3A_16 : vector<1x64xf32> to vector<1000x64xf32>
    %add3A_18 = arith.addf %div3A_13, %add3A_17 : vector<1000x64xf32>
    %max3A = arith.constant 0.000000e+00 : f32
    %max3A_19 = vector.broadcast %max3A : f32 to vector<1000x64xf32>
    %max3A_20 = arith.maximumf %add3A_18, %max3A_19 : vector<1000x64xf32>
    %get3A_21 = arith.constant 0 : index
    %get3A_22 = arith.constant 0 : index
    %get3A_23 = vector.load %arg3[%get3A_21, %get3A_22] : memref<64x32xf32, #tpu.memory_space<vmem>>, vector<64x32xf32>
    %dot_general3A = arith.constant dense<0.000000e+00> : vector<1000x32xf32>
    %dot_general3A_24 = tpu.matmul %max3A_20, %get3A_23, %dot_general3A {dimension_numbers = #tpu.dot_dimension_numbers<[1], [0], [0], [1], [0, 0, 1, 1], [], []>, transpose_lhs_hint = false} : vector<1000x64xf32>, vector<64x32xf32>, vector<1000x32xf32> -> vector<1000x32xf32>
    %swap3A = arith.constant 0 : index
    %swap3A_25 = arith.constant 0 : index
    %swap3A_26 = vector.load %arg5[%swap3A, %swap3A_25] : memref<1000x32xf32, #tpu.memory_space<vmem>>, vector<1000x32xf32>
    tpu.vector_store %arg5[%swap3A, %swap3A_25], %dot_general3A_24 {strides = array<i32>} : memref<1000x32xf32, #tpu.memory_space<vmem>>, vector<1000x32xf32>,
    %get3A_27 = arith.constant 0 : index
    %get3A_28 = arith.constant 0 : index
    %get3A_29 = vector.load %arg4[%get3A_27, %get3A_28] : memref<64x32xf32, #tpu.memory_space<vmem>>, vector<64x32xf32>
    %dot_general3A_30 = arith.constant dense<0.000000e+00> : vector<1000x32xf32>
    %dot_general3A_31 = tpu.matmul %max3A_20, %get3A_29, %dot_general3A_30 {dimension_numbers = #tpu.dot_dimension_numbers<[1], [0], [0], [1], [0, 0, 1, 1], [], []>, transpose_lhs_hint = false} : vector<1000x64xf32>, vector<64x32xf32>, vector<1000x32xf32> -> vector<1000x32xf32>
    %swap3A_32 = arith.constant 0 : index
    %swap3A_33 = arith.constant 0 : index
    %swap3A_34 = vector.load %arg6[%swap3A_32, %swap3A_33] : memref<1000x32xf32, #tpu.memory_space<vmem>>, vector<1000x32xf32>
    tpu.vector_store %arg6[%swap3A_32, %swap3A_33], %dot_general3A_31 {strides = array<i32>} : memref<1000x32xf32, #tpu.memory_space<vmem>>, vector<1000x32xf32>,
    return
  }
  func.func @transform_0(%arg0: i32) -> (i32, i32, i32) {
    %c0_i32 = arith.constant 0 : i32
    %c0_i32_0 = arith.constant 0 : i32
    %c0_i32_1 = arith.constant 0 : i32
    return %c0_i32, %arg0, %c0_i32_0 : i32, i32, i32
  }
  func.func @transform_1(%arg0: i32) -> (i32, i32) {
    %c0_i32 = arith.constant 0 : i32
    %c0_i32_0 = arith.constant 0 : i32
    %c0_i32_1 = arith.constant 0 : i32
    return %c0_i32, %c0_i32_0 : i32, i32
  }
  func.func @transform_2(%arg0: i32) -> (i32, i32) {
    %c0_i32 = arith.constant 0 : i32
    %c0_i32_0 = arith.constant 0 : i32
    %c0_i32_1 = arith.constant 0 : i32
    return %c0_i32, %c0_i32_0 : i32, i32
  }
  func.func @transform_3(%arg0: i32) -> (i32, i32) {
    %c0_i32 = arith.constant 0 : i32
    %c0_i32_0 = arith.constant 0 : i32
    %c0_i32_1 = arith.constant 0 : i32
    return %c0_i32, %c0_i32_0 : i32, i32
  }
  func.func @transform_4(%arg0: i32) -> (i32, i32) {
    %c0_i32 = arith.constant 0 : i32
    %c0_i32_0 = arith.constant 0 : i32
    return %arg0, %c0_i32 : i32, i32
  }
  func.func @transform_5(%arg0: i32) -> (i32, i32) {
    %c0_i32 = arith.constant 0 : i32
    %c0_i32_0 = arith.constant 0 : i32
    return %arg0, %c0_i32 : i32, i32
  }
}

module attributes {stable_mosaic.version = 14 : i64} {
  func.func @body(%arg0: i32, %arg1: memref<1000x32xf32, #tpu.memory_space<vmem>>, %arg2: memref<1000x32xf32, #tpu.memory_space<vmem>>, %arg3: memref<1000x1xf32, #tpu.memory_space<vmem>>, %arg4: memref<1x32xf32, #tpu.memory_space<vmem>>, %arg5: memref<1x32xf32, #tpu.memory_space<vmem>>, %arg6: memref<1000x48xf32, #tpu.memory_space<vmem>>) attributes {dimension_semantics = [#tpu.dimension_semantics<arbitrary>], iteration_bounds = array<i64: 320>, scalar_prefetch = 0 : i64, scratch_operands = 0 : i64, tpu.core_type = #tpu.core_type<tc>, window_params = [{transform_indices = @transform_0, window_bounds = array<i64: 1000, 32>}, {transform_indices = @transform_1, window_bounds = array<i64: 1000, 32>}, {transform_indices = @transform_2, window_bounds = array<i64: 1000, 1>}, {pipeline_mode = #tpu.pipeline_mode<synchronous>, transform_indices = @transform_3, window_bounds = array<i64: 1, 32>}, {pipeline_mode = #tpu.pipeline_mode<synchronous>, transform_indices = @transform_4, window_bounds = array<i64: 1, 32>}, {transform_indices = @transform_5, window_bounds = array<i64: 1000, 48>}]} {
    %get3A = arith.constant 0 : index
    %get3A_0 = arith.constant 0 : index
    %get3A_1 = vector.load %arg2[%get3A, %get3A_0] : memref<1000x32xf32, #tpu.memory_space<vmem>>, vector<1000x32xf32>
    %get3A_2 = arith.constant 0 : index
    %get3A_3 = arith.constant 0 : index
    %get3A_4 = vector.load %arg1[%get3A_2, %get3A_3] : memref<1000x32xf32, #tpu.memory_space<vmem>>, vector<1000x32xf32>
    %add3A = arith.addf %get3A_4, %get3A_1 : vector<1000x32xf32>
    %get3A_5 = arith.constant 0 : index
    %get3A_6 = arith.constant 0 : index
    %get3A_7 = vector.load %arg3[%get3A_5, %get3A_6] : memref<1000x1xf32, #tpu.memory_space<vmem>>, vector<1000x1xf32>
    %get3A_8 = arith.constant 0 : index
    %get3A_9 = arith.constant 0 : index
    %get3A_10 = vector.load %arg4[%get3A_8, %get3A_9] : memref<1x32xf32, #tpu.memory_space<vmem>>, vector<1x32xf32>
    %mul3A = vector.broadcast %get3A_7 : vector<1000x1xf32> to vector<1000x32xf32>
    %mul3A_11 = vector.broadcast %get3A_10 : vector<1x32xf32> to vector<1000x32xf32>
    %mul3A_12 = arith.mulf %mul3A, %mul3A_11 : vector<1000x32xf32>
    %add3A_13 = arith.addf %add3A, %mul3A_12 : vector<1000x32xf32>
    %ge3A = arith.constant 0.000000e+00 : f32
    %ge3A_14 = vector.broadcast %ge3A : f32 to vector<1000x32xf32>
    %ge3A_15 = arith.cmpf oge, %add3A_13, %ge3A_14 : vector<1000x32xf32>
    %mul3A_16 = arith.constant 2.000000e-01 : f32
    %mul3A_17 = vector.broadcast %mul3A_16 : f32 to vector<1000x32xf32>
    %mul3A_18 = arith.mulf %mul3A_17, %add3A_13 : vector<1000x32xf32>
    %select_n3A = arith.select %ge3A_15, %add3A_13, %mul3A_18 : vector<1000x32xi1>, vector<1000x32xf32>
    %get3A_19 = arith.constant 0 : index
    %get3A_20 = arith.constant 0 : index
    %get3A_21 = vector.load %arg5[%get3A_19, %get3A_20] : memref<1x32xf32, #tpu.memory_space<vmem>>, vector<1x32xf32>
    %mul3A_22 = vector.broadcast %get3A_21 : vector<1x32xf32> to vector<1000x32xf32>
    %mul3A_23 = arith.mulf %select_n3A, %mul3A_22 : vector<1000x32xf32>
    %reduce_sum3A = arith.constant dense<0.000000e+00> : vector<1000xf32>
    %reduce_sum3A_24 = vector.multi_reduction <add>, %mul3A_23, %reduce_sum3A [1] : vector<1000x32xf32> to vector<1000xf32>
    %broadcast_in_dim3A = vector.shape_cast %reduce_sum3A_24 : vector<1000xf32> to vector<1000x1xf32>
    %exp3A = math.exp %broadcast_in_dim3A : vector<1000x1xf32>
    %mul3A_25 = vector.broadcast %exp3A : vector<1000x1xf32> to vector<1000x32xf32>
    %mul3A_26 = arith.mulf %mul3A_25, %get3A_1 : vector<1000x32xf32>
    %broadcast_in_dim3A_27 = vector.shape_cast %exp3A : vector<1000x1xf32> to vector<1000x1xf32>
    %broadcast_in_dim3A_28 = vector.broadcast %broadcast_in_dim3A_27 : vector<1000x1xf32> to vector<1000x16xf32>
    %concatenate3A = tpu.concatenate %mul3A_26, %broadcast_in_dim3A_28 in 1 : vector<1000x32xf32>, vector<1000x16xf32> -> vector<1000x48xf32>
    %swap3A = arith.constant 0 : index
    %swap3A_29 = arith.constant 0 : index
    %swap3A_30 = vector.load %arg6[%swap3A, %swap3A_29] : memref<1000x48xf32, #tpu.memory_space<vmem>>, vector<1000x48xf32>
    tpu.vector_store %arg6[%swap3A, %swap3A_29], %concatenate3A {strides = array<i32>} : memref<1000x48xf32, #tpu.memory_space<vmem>>, vector<1000x48xf32>,
    return
  }
  func.func @transform_0(%arg0: i32) -> (i32, i32) {
    %c0_i32 = arith.constant 0 : i32
    %c0_i32_0 = arith.constant 0 : i32
    return %arg0, %c0_i32 : i32, i32
  }
  func.func @transform_1(%arg0: i32) -> (i32, i32) {
    %c0_i32 = arith.constant 0 : i32
    %c0_i32_0 = arith.constant 0 : i32
    return %arg0, %c0_i32 : i32, i32
  }
  func.func @transform_2(%arg0: i32) -> (i32, i32) {
    %c0_i32 = arith.constant 0 : i32
    %c0_i32_0 = arith.constant 0 : i32
    return %arg0, %c0_i32 : i32, i32
  }
  func.func @transform_3(%arg0: i32) -> (i32, i32) {
    %c0_i32 = arith.constant 0 : i32
    %c0_i32_0 = arith.constant 0 : i32
    %c0_i32_1 = arith.constant 0 : i32
    return %c0_i32, %c0_i32_0 : i32, i32
  }
  func.func @transform_4(%arg0: i32) -> (i32, i32) {
    %c0_i32 = arith.constant 0 : i32
    %c0_i32_0 = arith.constant 0 : i32
    %c0_i32_1 = arith.constant 0 : i32
    return %c0_i32, %c0_i32_0 : i32, i32
  }
  func.func @transform_5(%arg0: i32) -> (i32, i32) {
    %c0_i32 = arith.constant 0 : i32
    %c0_i32_0 = arith.constant 0 : i32
    return %arg0, %c0_i32 : i32, i32
  }
}

module attributes {stable_mosaic.version = 14 : i64} {
  func.func @body(%arg0: i32, %arg1: memref<2x1000x48xf32, #tpu.memory_space<vmem>>, %arg2: memref<1x32xf32, #tpu.memory_space<vmem>>, %arg3: memref<32x16xf32, #tpu.memory_space<vmem>>, %arg4: memref<32x16xf32, #tpu.memory_space<vmem>>, %arg5: memref<1000x16xf32, #tpu.memory_space<vmem>>, %arg6: memref<1000x16xf32, #tpu.memory_space<vmem>>) attributes {dimension_semantics = [#tpu.dimension_semantics<arbitrary>], iteration_bounds = array<i64: 10>, scalar_prefetch = 0 : i64, scratch_operands = 0 : i64, tpu.core_type = #tpu.core_type<tc>, window_params = [{transform_indices = @transform_0, window_bounds = array<i64: 2, 1000, 48>}, {pipeline_mode = #tpu.pipeline_mode<synchronous>, transform_indices = @transform_1, window_bounds = array<i64: 1, 32>}, {pipeline_mode = #tpu.pipeline_mode<synchronous>, transform_indices = @transform_2, window_bounds = array<i64: 32, 16>}, {pipeline_mode = #tpu.pipeline_mode<synchronous>, transform_indices = @transform_3, window_bounds = array<i64: 32, 16>}, {transform_indices = @transform_4, window_bounds = array<i64: 1000, 16>}, {transform_indices = @transform_5, window_bounds = array<i64: 1000, 16>}]} {
    %get3A = arith.constant 0 : index
    %get3A_0 = arith.constant 0 : index
    %get3A_1 = arith.constant 0 : index
    %get3A_2 = vector.load %arg1[%get3A, %get3A_0, %get3A_1] : memref<2x1000x48xf32, #tpu.memory_space<vmem>>, vector<1x1000x48xf32>
    %get3A_3 = vector.shape_cast %get3A_2 : vector<1x1000x48xf32> to vector<1000x48xf32>
    %get3A_4 = arith.constant 1 : index
    %get3A_5 = arith.constant 0 : index
    %get3A_6 = arith.constant 0 : index
    %get3A_7 = vector.load %arg1[%get3A_4, %get3A_5, %get3A_6] : memref<2x1000x48xf32, #tpu.memory_space<vmem>>, vector<1x1000x48xf32>
    %get3A_8 = vector.shape_cast %get3A_7 : vector<1x1000x48xf32> to vector<1000x48xf32>
    %add3A = arith.addf %get3A_3, %get3A_8 : vector<1000x48xf32>
    %slice3A = vector.extract_strided_slice %add3A {offsets = [0, 32], sizes = [1000, 1], strides = [1, 1]} : vector<1000x48xf32> to vector<1000x1xf32>
    %add3A_9 = arith.constant 1.000000e-16 : f32
    %add3A_10 = vector.broadcast %add3A_9 : f32 to vector<1000x1xf32>
    %add3A_11 = arith.addf %slice3A, %add3A_10 : vector<1000x1xf32>
    %slice3A_12 = vector.extract_strided_slice %add3A {offsets = [0, 0], sizes = [1000, 32], strides = [1, 1]} : vector<1000x48xf32> to vector<1000x32xf32>
    %div3A = vector.broadcast %add3A_11 : vector<1000x1xf32> to vector<1000x32xf32>
    %div3A_13 = arith.divf %slice3A_12, %div3A : vector<1000x32xf32>
    %get3A_14 = arith.constant 0 : index
    %get3A_15 = arith.constant 0 : index
    %get3A_16 = vector.load %arg2[%get3A_14, %get3A_15] : memref<1x32xf32, #tpu.memory_space<vmem>>, vector<1x32xf32>
    %add3A_17 = vector.broadcast %get3A_16 : vector<1x32xf32> to vector<1000x32xf32>
    %add3A_18 = arith.addf %div3A_13, %add3A_17 : vector<1000x32xf32>
    %max3A = arith.constant 0.000000e+00 : f32
    %max3A_19 = vector.broadcast %max3A : f32 to vector<1000x32xf32>
    %max3A_20 = arith.maximumf %add3A_18, %max3A_19 : vector<1000x32xf32>
    %get3A_21 = arith.constant 0 : index
    %get3A_22 = arith.constant 0 : index
    %get3A_23 = vector.load %arg3[%get3A_21, %get3A_22] : memref<32x16xf32, #tpu.memory_space<vmem>>, vector<32x16xf32>
    %dot_general3A = arith.constant dense<0.000000e+00> : vector<1000x16xf32>
    %dot_general3A_24 = tpu.matmul %max3A_20, %get3A_23, %dot_general3A {dimension_numbers = #tpu.dot_dimension_numbers<[1], [0], [0], [1], [0, 0, 1, 1], [], []>, transpose_lhs_hint = false} : vector<1000x32xf32>, vector<32x16xf32>, vector<1000x16xf32> -> vector<1000x16xf32>
    %swap3A = arith.constant 0 : index
    %swap3A_25 = arith.constant 0 : index
    %swap3A_26 = vector.load %arg5[%swap3A, %swap3A_25] : memref<1000x16xf32, #tpu.memory_space<vmem>>, vector<1000x16xf32>
    tpu.vector_store %arg5[%swap3A, %swap3A_25], %dot_general3A_24 {strides = array<i32>} : memref<1000x16xf32, #tpu.memory_space<vmem>>, vector<1000x16xf32>,
    %get3A_27 = arith.constant 0 : index
    %get3A_28 = arith.constant 0 : index
    %get3A_29 = vector.load %arg4[%get3A_27, %get3A_28] : memref<32x16xf32, #tpu.memory_space<vmem>>, vector<32x16xf32>
    %dot_general3A_30 = arith.constant dense<0.000000e+00> : vector<1000x16xf32>
    %dot_general3A_31 = tpu.matmul %max3A_20, %get3A_29, %dot_general3A_30 {dimension_numbers = #tpu.dot_dimension_numbers<[1], [0], [0], [1], [0, 0, 1, 1], [], []>, transpose_lhs_hint = false} : vector<1000x32xf32>, vector<32x16xf32>, vector<1000x16xf32> -> vector<1000x16xf32>
    %swap3A_32 = arith.constant 0 : index
    %swap3A_33 = arith.constant 0 : index
    %swap3A_34 = vector.load %arg6[%swap3A_32, %swap3A_33] : memref<1000x16xf32, #tpu.memory_space<vmem>>, vector<1000x16xf32>
    tpu.vector_store %arg6[%swap3A_32, %swap3A_33], %dot_general3A_31 {strides = array<i32>} : memref<1000x16xf32, #tpu.memory_space<vmem>>, vector<1000x16xf32>,
    return
  }
  func.func @transform_0(%arg0: i32) -> (i32, i32, i32) {
    %c0_i32 = arith.constant 0 : i32
    %c0_i32_0 = arith.constant 0 : i32
    %c0_i32_1 = arith.constant 0 : i32
    return %c0_i32, %arg0, %c0_i32_0 : i32, i32, i32
  }
  func.func @transform_1(%arg0: i32) -> (i32, i32) {
    %c0_i32 = arith.constant 0 : i32
    %c0_i32_0 = arith.constant 0 : i32
    %c0_i32_1 = arith.constant 0 : i32
    return %c0_i32, %c0_i32_0 : i32, i32
  }
  func.func @transform_2(%arg0: i32) -> (i32, i32) {
    %c0_i32 = arith.constant 0 : i32
    %c0_i32_0 = arith.constant 0 : i32
    %c0_i32_1 = arith.constant 0 : i32
    return %c0_i32, %c0_i32_0 : i32, i32
  }
  func.func @transform_3(%arg0: i32) -> (i32, i32) {
    %c0_i32 = arith.constant 0 : i32
    %c0_i32_0 = arith.constant 0 : i32
    %c0_i32_1 = arith.constant 0 : i32
    return %c0_i32, %c0_i32_0 : i32, i32
  }
  func.func @transform_4(%arg0: i32) -> (i32, i32) {
    %c0_i32 = arith.constant 0 : i32
    %c0_i32_0 = arith.constant 0 : i32
    return %arg0, %c0_i32 : i32, i32
  }
  func.func @transform_5(%arg0: i32) -> (i32, i32) {
    %c0_i32 = arith.constant 0 : i32
    %c0_i32_0 = arith.constant 0 : i32
    return %arg0, %c0_i32 : i32, i32
  }
}

module attributes {stable_mosaic.version = 14 : i64} {
  func.func @body(%arg0: i32, %arg1: memref<1000x16xf32, #tpu.memory_space<vmem>>, %arg2: memref<1000x16xf32, #tpu.memory_space<vmem>>, %arg3: memref<1000x1xf32, #tpu.memory_space<vmem>>, %arg4: memref<1x16xf32, #tpu.memory_space<vmem>>, %arg5: memref<1x16xf32, #tpu.memory_space<vmem>>, %arg6: memref<1000x32xf32, #tpu.memory_space<vmem>>) attributes {dimension_semantics = [#tpu.dimension_semantics<arbitrary>], iteration_bounds = array<i64: 320>, scalar_prefetch = 0 : i64, scratch_operands = 0 : i64, tpu.core_type = #tpu.core_type<tc>, window_params = [{transform_indices = @transform_0, window_bounds = array<i64: 1000, 16>}, {transform_indices = @transform_1, window_bounds = array<i64: 1000, 16>}, {transform_indices = @transform_2, window_bounds = array<i64: 1000, 1>}, {pipeline_mode = #tpu.pipeline_mode<synchronous>, transform_indices = @transform_3, window_bounds = array<i64: 1, 16>}, {pipeline_mode = #tpu.pipeline_mode<synchronous>, transform_indices = @transform_4, window_bounds = array<i64: 1, 16>}, {transform_indices = @transform_5, window_bounds = array<i64: 1000, 32>}]} {
    %get3A = arith.constant 0 : index
    %get3A_0 = arith.constant 0 : index
    %get3A_1 = vector.load %arg2[%get3A, %get3A_0] : memref<1000x16xf32, #tpu.memory_space<vmem>>, vector<1000x16xf32>
    %get3A_2 = arith.constant 0 : index
    %get3A_3 = arith.constant 0 : index
    %get3A_4 = vector.load %arg1[%get3A_2, %get3A_3] : memref<1000x16xf32, #tpu.memory_space<vmem>>, vector<1000x16xf32>
    %add3A = arith.addf %get3A_4, %get3A_1 : vector<1000x16xf32>
    %get3A_5 = arith.constant 0 : index
    %get3A_6 = arith.constant 0 : index
    %get3A_7 = vector.load %arg3[%get3A_5, %get3A_6] : memref<1000x1xf32, #tpu.memory_space<vmem>>, vector<1000x1xf32>
    %get3A_8 = arith.constant 0 : index
    %get3A_9 = arith.constant 0 : index
    %get3A_10 = vector.load %arg4[%get3A_8, %get3A_9] : memref<1x16xf32, #tpu.memory_space<vmem>>, vector<1x16xf32>
    %mul3A = vector.broadcast %get3A_7 : vector<1000x1xf32> to vector<1000x16xf32>
    %mul3A_11 = vector.broadcast %get3A_10 : vector<1x16xf32> to vector<1000x16xf32>
    %mul3A_12 = arith.mulf %mul3A, %mul3A_11 : vector<1000x16xf32>
    %add3A_13 = arith.addf %add3A, %mul3A_12 : vector<1000x16xf32>
    %ge3A = arith.constant 0.000000e+00 : f32
    %ge3A_14 = vector.broadcast %ge3A : f32 to vector<1000x16xf32>
    %ge3A_15 = arith.cmpf oge, %add3A_13, %ge3A_14 : vector<1000x16xf32>
    %mul3A_16 = arith.constant 2.000000e-01 : f32
    %mul3A_17 = vector.broadcast %mul3A_16 : f32 to vector<1000x16xf32>
    %mul3A_18 = arith.mulf %mul3A_17, %add3A_13 : vector<1000x16xf32>
    %select_n3A = arith.select %ge3A_15, %add3A_13, %mul3A_18 : vector<1000x16xi1>, vector<1000x16xf32>
    %get3A_19 = arith.constant 0 : index
    %get3A_20 = arith.constant 0 : index
    %get3A_21 = vector.load %arg5[%get3A_19, %get3A_20] : memref<1x16xf32, #tpu.memory_space<vmem>>, vector<1x16xf32>
    %mul3A_22 = vector.broadcast %get3A_21 : vector<1x16xf32> to vector<1000x16xf32>
    %mul3A_23 = arith.mulf %select_n3A, %mul3A_22 : vector<1000x16xf32>
    %reduce_sum3A = arith.constant dense<0.000000e+00> : vector<1000xf32>
    %reduce_sum3A_24 = vector.multi_reduction <add>, %mul3A_23, %reduce_sum3A [1] : vector<1000x16xf32> to vector<1000xf32>
    %broadcast_in_dim3A = vector.shape_cast %reduce_sum3A_24 : vector<1000xf32> to vector<1000x1xf32>
    %exp3A = math.exp %broadcast_in_dim3A : vector<1000x1xf32>
    %mul3A_25 = vector.broadcast %exp3A : vector<1000x1xf32> to vector<1000x16xf32>
    %mul3A_26 = arith.mulf %mul3A_25, %get3A_1 : vector<1000x16xf32>
    %broadcast_in_dim3A_27 = vector.shape_cast %exp3A : vector<1000x1xf32> to vector<1000x1xf32>
    %broadcast_in_dim3A_28 = vector.broadcast %broadcast_in_dim3A_27 : vector<1000x1xf32> to vector<1000x16xf32>
    %concatenate3A = tpu.concatenate %mul3A_26, %broadcast_in_dim3A_28 in 1 : vector<1000x16xf32>, vector<1000x16xf32> -> vector<1000x32xf32>
    %swap3A = arith.constant 0 : index
    %swap3A_29 = arith.constant 0 : index
    %swap3A_30 = vector.load %arg6[%swap3A, %swap3A_29] : memref<1000x32xf32, #tpu.memory_space<vmem>>, vector<1000x32xf32>
    tpu.vector_store %arg6[%swap3A, %swap3A_29], %concatenate3A {strides = array<i32>} : memref<1000x32xf32, #tpu.memory_space<vmem>>, vector<1000x32xf32>,
    return
  }
  func.func @transform_0(%arg0: i32) -> (i32, i32) {
    %c0_i32 = arith.constant 0 : i32
    %c0_i32_0 = arith.constant 0 : i32
    return %arg0, %c0_i32 : i32, i32
  }
  func.func @transform_1(%arg0: i32) -> (i32, i32) {
    %c0_i32 = arith.constant 0 : i32
    %c0_i32_0 = arith.constant 0 : i32
    return %arg0, %c0_i32 : i32, i32
  }
  func.func @transform_2(%arg0: i32) -> (i32, i32) {
    %c0_i32 = arith.constant 0 : i32
    %c0_i32_0 = arith.constant 0 : i32
    return %arg0, %c0_i32 : i32, i32
  }
  func.func @transform_3(%arg0: i32) -> (i32, i32) {
    %c0_i32 = arith.constant 0 : i32
    %c0_i32_0 = arith.constant 0 : i32
    %c0_i32_1 = arith.constant 0 : i32
    return %c0_i32, %c0_i32_0 : i32, i32
  }
  func.func @transform_4(%arg0: i32) -> (i32, i32) {
    %c0_i32 = arith.constant 0 : i32
    %c0_i32_0 = arith.constant 0 : i32
    %c0_i32_1 = arith.constant 0 : i32
    return %c0_i32, %c0_i32_0 : i32, i32
  }
  func.func @transform_5(%arg0: i32) -> (i32, i32) {
    %c0_i32 = arith.constant 0 : i32
    %c0_i32_0 = arith.constant 0 : i32
    return %arg0, %c0_i32 : i32, i32
  }
}

module attributes {stable_mosaic.version = 14 : i64} {
  func.func @body(%arg0: i32, %arg1: memref<2x1000x32xf32, #tpu.memory_space<vmem>>, %arg2: memref<1x16xf32, #tpu.memory_space<vmem>>, %arg3: memref<1000x16xf32, #tpu.memory_space<vmem>>) attributes {dimension_semantics = [#tpu.dimension_semantics<arbitrary>], iteration_bounds = array<i64: 10>, scalar_prefetch = 0 : i64, scratch_operands = 0 : i64, tpu.core_type = #tpu.core_type<tc>, window_params = [{transform_indices = @transform_0, window_bounds = array<i64: 2, 1000, 32>}, {pipeline_mode = #tpu.pipeline_mode<synchronous>, transform_indices = @transform_1, window_bounds = array<i64: 1, 16>}, {transform_indices = @transform_2, window_bounds = array<i64: 1000, 16>}]} {
    %get3A = arith.constant 0 : index
    %get3A_0 = arith.constant 0 : index
    %get3A_1 = arith.constant 0 : index
    %get3A_2 = vector.load %arg1[%get3A, %get3A_0, %get3A_1] : memref<2x1000x32xf32, #tpu.memory_space<vmem>>, vector<1x1000x32xf32>
    %get3A_3 = vector.shape_cast %get3A_2 : vector<1x1000x32xf32> to vector<1000x32xf32>
    %get3A_4 = arith.constant 1 : index
    %get3A_5 = arith.constant 0 : index
    %get3A_6 = arith.constant 0 : index
    %get3A_7 = vector.load %arg1[%get3A_4, %get3A_5, %get3A_6] : memref<2x1000x32xf32, #tpu.memory_space<vmem>>, vector<1x1000x32xf32>
    %get3A_8 = vector.shape_cast %get3A_7 : vector<1x1000x32xf32> to vector<1000x32xf32>
    %add3A = arith.addf %get3A_3, %get3A_8 : vector<1000x32xf32>
    %slice3A = vector.extract_strided_slice %add3A {offsets = [0, 16], sizes = [1000, 1], strides = [1, 1]} : vector<1000x32xf32> to vector<1000x1xf32>
    %add3A_9 = arith.constant 1.000000e-16 : f32
    %add3A_10 = vector.broadcast %add3A_9 : f32 to vector<1000x1xf32>
    %add3A_11 = arith.addf %slice3A, %add3A_10 : vector<1000x1xf32>
    %slice3A_12 = vector.extract_strided_slice %add3A {offsets = [0, 0], sizes = [1000, 16], strides = [1, 1]} : vector<1000x32xf32> to vector<1000x16xf32>
    %div3A = vector.broadcast %add3A_11 : vector<1000x1xf32> to vector<1000x16xf32>
    %div3A_13 = arith.divf %slice3A_12, %div3A : vector<1000x16xf32>
    %get3A_14 = arith.constant 0 : index
    %get3A_15 = arith.constant 0 : index
    %get3A_16 = vector.load %arg2[%get3A_14, %get3A_15] : memref<1x16xf32, #tpu.memory_space<vmem>>, vector<1x16xf32>
    %add3A_17 = vector.broadcast %get3A_16 : vector<1x16xf32> to vector<1000x16xf32>
    %add3A_18 = arith.addf %div3A_13, %add3A_17 : vector<1000x16xf32>
    %max3A = arith.constant 0.000000e+00 : f32
    %max3A_19 = vector.broadcast %max3A : f32 to vector<1000x16xf32>
    %max3A_20 = arith.maximumf %add3A_18, %max3A_19 : vector<1000x16xf32>
    %swap3A = arith.constant 0 : index
    %swap3A_21 = arith.constant 0 : index
    %swap3A_22 = vector.load %arg3[%swap3A, %swap3A_21] : memref<1000x16xf32, #tpu.memory_space<vmem>>, vector<1000x16xf32>
    tpu.vector_store %arg3[%swap3A, %swap3A_21], %max3A_20 {strides = array<i32>} : memref<1000x16xf32, #tpu.memory_space<vmem>>, vector<1000x16xf32>,
    return
  }
  func.func @transform_0(%arg0: i32) -> (i32, i32, i32) {
    %c0_i32 = arith.constant 0 : i32
    %c0_i32_0 = arith.constant 0 : i32
    %c0_i32_1 = arith.constant 0 : i32
    return %c0_i32, %arg0, %c0_i32_0 : i32, i32, i32
  }
  func.func @transform_1(%arg0: i32) -> (i32, i32) {
    %c0_i32 = arith.constant 0 : i32
    %c0_i32_0 = arith.constant 0 : i32
    %c0_i32_1 = arith.constant 0 : i32
    return %c0_i32, %c0_i32_0 : i32, i32
  }
  func.func @transform_2(%arg0: i32) -> (i32, i32) {
    %c0_i32 = arith.constant 0 : i32
    %c0_i32_0 = arith.constant 0 : i32
    return %arg0, %c0_i32 : i32, i32
  }
}

module attributes {stable_mosaic.version = 14 : i64} {
  func.func @_pool_body(%arg0: memref<10000x16xf32, #tpu.memory_space<vmem>>, %arg1: memref<1x10000xi32, #tpu.memory_space<vmem>>, %arg2: memref<16x2xf32, #tpu.memory_space<vmem>>, %arg3: memref<1x2xf32, #tpu.memory_space<vmem>>, %arg4: memref<64x2xf32, #tpu.memory_space<vmem>>) attributes {dimension_semantics = [], scalar_prefetch = 0 : i64, scratch_operands = 0 : i64, tpu.core_type = #tpu.core_type<tc>} {
    %get3A = arith.constant 0 : index
    %get3A_0 = arith.constant 0 : index
    %get3A_1 = vector.load %arg0[%get3A, %get3A_0] : memref<10000x16xf32, #tpu.memory_space<vmem>>, vector<10000x16xf32>
    %get3A_2 = arith.constant 0 : index
    %get3A_3 = arith.constant 0 : index
    %get3A_4 = vector.load %arg1[%get3A_2, %get3A_3] : memref<1x10000xi32, #tpu.memory_space<vmem>>, vector<1x10000xi32>
    %iota3A = tpu.iota {dimensions = array<i32: 0>} : vector<64x10000xi32>
    %eq3A = vector.broadcast %get3A_4 : vector<1x10000xi32> to vector<64x10000xi32>
    %eq3A_5 = arith.cmpi eq, %eq3A, %iota3A : vector<64x10000xi32>
    %convert_element_type3A = arith.extui %eq3A_5 : vector<64x10000xi1> to vector<64x10000xi32>
    %convert_element_type3A_6 = arith.sitofp %convert_element_type3A : vector<64x10000xi32> to vector<64x10000xf32>
    %dot_general3A = arith.constant dense<0.000000e+00> : vector<64x16xf32>
    %dot_general3A_7 = tpu.matmul %convert_element_type3A_6, %get3A_1, %dot_general3A {dimension_numbers = #tpu.dot_dimension_numbers<[1], [0], [0], [1], [0, 0, 1, 1], [], []>, transpose_lhs_hint = false} : vector<64x10000xf32>, vector<10000x16xf32>, vector<64x16xf32> -> vector<64x16xf32>
    %reduce_sum3A = arith.constant dense<0.000000e+00> : vector<64xf32>
    %reduce_sum3A_8 = vector.multi_reduction <add>, %convert_element_type3A_6, %reduce_sum3A [1] : vector<64x10000xf32> to vector<64xf32>
    %broadcast_in_dim3A = vector.shape_cast %reduce_sum3A_8 : vector<64xf32> to vector<64x1xf32>
    %max3A = arith.constant 1.000000e+00 : f32
    %max3A_9 = vector.broadcast %max3A : f32 to vector<64x1xf32>
    %max3A_10 = arith.maximumf %broadcast_in_dim3A, %max3A_9 : vector<64x1xf32>
    %div3A = vector.broadcast %max3A_10 : vector<64x1xf32> to vector<64x16xf32>
    %div3A_11 = arith.divf %dot_general3A_7, %div3A : vector<64x16xf32>
    %get3A_12 = arith.constant 0 : index
    %get3A_13 = arith.constant 0 : index
    %get3A_14 = vector.load %arg2[%get3A_12, %get3A_13] : memref<16x2xf32, #tpu.memory_space<vmem>>, vector<16x2xf32>
    %dot_general3A_15 = arith.constant dense<0.000000e+00> : vector<64x2xf32>
    %dot_general3A_16 = tpu.matmul %div3A_11, %get3A_14, %dot_general3A_15 {dimension_numbers = #tpu.dot_dimension_numbers<[1], [0], [0], [1], [0, 0, 1, 1], [], []>, transpose_lhs_hint = false} : vector<64x16xf32>, vector<16x2xf32>, vector<64x2xf32> -> vector<64x2xf32>
    %get3A_17 = arith.constant 0 : index
    %get3A_18 = arith.constant 0 : index
    %get3A_19 = vector.load %arg3[%get3A_17, %get3A_18] : memref<1x2xf32, #tpu.memory_space<vmem>>, vector<1x2xf32>
    %add3A = vector.broadcast %get3A_19 : vector<1x2xf32> to vector<64x2xf32>
    %add3A_20 = arith.addf %dot_general3A_16, %add3A : vector<64x2xf32>
    %reduce_max3A = arith.constant dense<0xFF800000> : vector<64xf32>
    %reduce_max3A_21 = vector.multi_reduction <maximumf>, %add3A_20, %reduce_max3A [1] : vector<64x2xf32> to vector<64xf32>
    %broadcast_in_dim3A_22 = vector.shape_cast %reduce_max3A_21 : vector<64xf32> to vector<64x1xf32>
    %sub3A = vector.broadcast %broadcast_in_dim3A_22 : vector<64x1xf32> to vector<64x2xf32>
    %sub3A_23 = arith.subf %add3A_20, %sub3A : vector<64x2xf32>
    %exp3A = math.exp %sub3A_23 : vector<64x2xf32>
    %reduce_sum3A_24 = arith.constant dense<0.000000e+00> : vector<64xf32>
    %reduce_sum3A_25 = vector.multi_reduction <add>, %exp3A, %reduce_sum3A_24 [1] : vector<64x2xf32> to vector<64xf32>
    %broadcast_in_dim3A_26 = vector.shape_cast %reduce_sum3A_25 : vector<64xf32> to vector<64x1xf32>
    %div3A_27 = vector.broadcast %broadcast_in_dim3A_26 : vector<64x1xf32> to vector<64x2xf32>
    %div3A_28 = arith.divf %exp3A, %div3A_27 : vector<64x2xf32>
    %swap3A = arith.constant 0 : index
    %swap3A_29 = arith.constant 0 : index
    %swap3A_30 = vector.load %arg4[%swap3A, %swap3A_29] : memref<64x2xf32, #tpu.memory_space<vmem>>, vector<64x2xf32>
    tpu.vector_store %arg4[%swap3A, %swap3A_29], %div3A_28 {strides = array<i32>} : memref<64x2xf32, #tpu.memory_space<vmem>>, vector<64x2xf32>,
    return
  }
}

</mosaic_0001>

<sc_bundles>
// kernel: kernel.16.cloned.1.call-start
scs
__scs_entry_jumppad:
0x0: {  	(pc) =	sbr.rel $0x88, $3  }
0x1: {  	(tag) =	ssettag $0x0;
	lr =	simm.s32 $0x1  }
0x2: {  	[smem:$0x3F8A] =	sst lr;
	_ =	strace $0xD0000000  }
0x3: {  	_ = 	snop  }
0x4: {  	_ = 	snop  }
0x5: {  	_ = 	snop  }
0x6: {  	_ = 	snop  }
0x7: {  	_ = 	snop  }
__scs_overlays_trampoline_lowered:
0x8: {  	[smem:$0x3F99] =	sst s0  }
0x9: {  	[smem:$0x3F9A] =	sst s1  }
0xa: {  	[smem:$0x3F9B] =	sst s2  }
0xb: {  	[smem:$0x3F9C] =	sst s3  }
0xc: {  	[smem:$0x3F9D] =	sst s4  }
0xd: {  	[smem:$0x3F9E] =	sst s5  }
0xe: {  	[smem:$0x3F9F] =	sst s6  }
0xf: {  	[smem:$0x3FA0] =	sst s7  }
0x10: {  	[smem:$0x3FA1] =	sst s8  }
0x11: {  	[smem:$0x3FA2] =	sst s9;
	s0 =	simm.s32 @!p0 $0x0  }
0x12: {  	s1 =	sld [smem:$0x3F88];
	s0 =	simm.s32 @p0 $0x1  }
0x13: {  	[smem:$0x3FA3] =	sst s0;
	s0 =	simm.s32 @!p1 $0x0  }
0x14: {  	s2 =	sld [smem:$0x3F87];
	s0 =	simm.s32 @p1 $0x1  }
0x15: {  	[smem:$0x3FA4] =	sst s0;
	s0 =	simm.s32 @!p2 $0x0  }
0x16: {  	s3 =	sld [smem:$0x3FDB];
	s0 =	simm.s32 @p2 $0x1  }
0x17: {  	s4 =	simm.s32 $0x1BF5;
	[smem:$0x3FA6] =	sst s0  }
0x18: {  	s0 =	sld [smem:$0x3F89];
	_ =	swait.ge [sflag:s4], $0x0  }
0x19: {  	s7 =	sld [smem:$0x3F8A]  }
0x1a: {  	s8 =	sadd.s32 $0xFFFFE003, lr  }
0x1b: {  	s9 =	sadd.s32 $0xFFFFFEF7, lr;
	s5 =	simm.s32 $0xFFFFFFFF;
	p2 =	slt.u32 s8, $0xFFFFF086  }
0x1c: {  	p1 =	slt.u32 s9, $0xF7A;
	s5 =	simm.s32 @!p2 $0x0  }
0x1d: {  	s5 =	simm.s32 @p1 $0x1;
	p0 =	seq.s32 s7, s2  }
0x1e: {  	s7 =	smul.u32 @!p0 $0xF7A, s2;
	p2 =	seq.s32 @!p0 s5, $0x0  }
0x1f: {  	s9 =	smul.u32 $0xF7A, s1;
	s8 =	simm.s32 @!p0 $0x1BF5;
	p2 =	por !p2, p0  }
0x20: {  	[sflag:s8] =	ssyncset.s32 @!p0 $0xFFFFF086;
	s6 =	sadd.s32 @!p0 s3, s7;
	s7 =	simm.s32 @!p0 $0x108  }
0x21: {  	s3 =	sadd.s32 s3, s9;
	s6 =	sadd.s32 @!p0 $0x88, s6;
	s7 =	simm.s32 @p2 $0x1082  }
0x22: {  	[simem:s7], [sflag:s8] =	dma.local @!p0 [hbm:s6], $0xF7A  }
0x23: {  	s9 =	sor.u32 $0xD0000000, s2;
	s6 =	simm.s32 $0x108;
	_ =	swait.ge @!p0 [sflag:s8], $0x0  }
0x24: {  	s3 =	sadd.s32 $0x88, s3;
	s6 =	simm.s32 @!p1 $0x1082;
	[sflag:s4] =	ssyncset.s32 $0xFFFFF086  }
0x25: {  	[simem:s6], [sflag:s4] =	dma.local [hbm:s3], $0xF7A  }
0x26: {  	[smem:$0x3F8A] =	sst s1;
	(tag) =	ssettag s2;
	_ =	strace s9  }
0x27: {  	s1 =	sld [smem:$0x3F9A]  }
0x28: {  	s2 =	sld [smem:$0x3F9B]  }
0x29: {  	s4 =	sld [smem:$0x3F9D]  }
0x2a: {  	p0 =	seq.s32 s5, $0x0;
	s5 =	sld [smem:$0x3F9E]  }
0x2b: {  	s6 =	sld [smem:$0x3F9F]  }
0x2c: {  	s7 =	sld [smem:$0x3FA0]  }
0x2d: {  	s3 =	simm.s32 $0x108;
	s8 =	sld [smem:$0x3FA1]  }
0x2e: {  	s3 =	simm.s32 @!p0 $0x1082;
	s9 =	sld [smem:$0x3FA2]  }
0x2f: {  	lr =	sadd.s32 s0, s3;
	s0 =	sld [smem:$0x3F99]  }
0x30: {  	s3 =	sld [smem:$0x3F9C]  }
0x31: {  	[smem:$0x3FA5] =	sst s10  }
0x32: {  	s10 =	sld [smem:$0x3FA3];
	_ =	sdelay $0x3  }
0x33: {  	p0 =	seq.s32 s10, $0x1;
	s10 =	sld [smem:$0x3FA5];
	_ =	sdelay $0x3  }
0x34: {  	[smem:$0x3FA5] =	sst s10  }
0x35: {  	s10 =	sld [smem:$0x3FA4];
	_ =	sdelay $0x3  }
0x36: {  	p1 =	seq.s32 s10, $0x1;
	s10 =	sld [smem:$0x3FA5];
	_ =	sdelay $0x3  }
0x37: {  	[smem:$0x3FA5] =	sst s10  }
0x38: {  	s10 =	sld [smem:$0x3FA6]  }
0x39: {  	_ = 	snop;
	(pc) =	sbr.ind lr, $3  }
0x3a: {  	_ = 	snop  }
0x3b: {  	_ = 	snop  }
0x3c: {  	p2 =	seq.s32 s10, $0x1;
	s10 =	sld [smem:$0x3FA5]  }
0x3d: {  	_ =	shalt  }
0x3e: {  	_ =	shalt  }
0x3f: {  	_ =	shalt  }
0x40: {  	_ =	shalt  }
0x41: {  	_ =	shalt  }
0x42: {  	_ =	shalt  }
0x43: {  	_ =	shalt  }
0x44: {  	_ =	shalt  }
0x45: {  	_ =	shalt  }
0x46: {  	_ =	shalt  }
0x47: {  	_ =	shalt  }
0x48: {  	_ =	shalt  }
0x49: {  	_ =	shalt  }
0x4a: {  	_ =	shalt  }
0x4b: {  	_ =	shalt  }
0x4c: {  	_ =	shalt  }
0x4d: {  	_ =	shalt  }
0x4e: {  	_ =	shalt  }
0x4f: {  	_ =	shalt  }
0x50: {  	_ =	shalt  }
0x51: {  	_ =	shalt  }
0x52: {  	_ =	shalt  }
0x53: {  	_ =	shalt  }
0x54: {  	_ =	shalt  }
0x55: {  	_ =	shalt  }
0x56: {  	_ =	shalt  }
0x57: {  	_ =	shalt  }
0x58: {  	_ =	shalt  }
0x59: {  	_ =	shalt  }
0x5a: {  	_ =	shalt  }
0x5b: {  	_ =	shalt  }
0x5c: {  	_ =	shalt  }
0x5d: {  	_ =	shalt  }
0x5e: {  	_ =	shalt  }
0x5f: {  	_ =	shalt  }
0x60: {  	_ =	shalt  }
0x61: {  	_ =	shalt  }
0x62: {  	_ =	shalt  }
0x63: {  	_ =	shalt  }
0x64: {  	_ =	shalt  }
0x65: {  	_ =	shalt  }
0x66: {  	_ =	shalt  }
0x67: {  	_ =	shalt  }
0x68: {  	_ =	shalt  }
0x69: {  	_ =	shalt  }
0x6a: {  	_ =	shalt  }
0x6b: {  	_ =	shalt  }
0x6c: {  	_ =	shalt  }
0x6d: {  	_ =	shalt  }
0x6e: {  	_ =	shalt  }
0x6f: {  	_ =	shalt  }
0x70: {  	_ =	shalt  }
0x71: {  	_ =	shalt  }
0x72: {  	_ =	shalt  }
0x73: {  	_ =	shalt  }
0x74: {  	_ =	shalt  }
0x75: {  	_ =	shalt  }
0x76: {  	_ =	shalt  }
0x77: {  	_ =	shalt  }
0x78: {  	_ =	shalt  }
0x79: {  	_ =	shalt  }
0x7a: {  	_ =	shalt  }
0x7b: {  	_ =	shalt  }
0x7c: {  	_ =	shalt  }
0x7d: {  	_ =	shalt  }
0x7e: {  	_ =	shalt  }
0x7f: {  	_ =	shalt  }
0x80: {  	_ =	shalt  }
0x81: {  	_ =	shalt  }
0x82: {  	_ =	shalt  }
0x83: {  	_ =	shalt  }
0x84: {  	_ =	shalt  }
0x85: {  	_ =	shalt  }
0x86: {  	_ =	shalt  }
0x87: {  	_ =	shalt  }
.Lfunc_end0:
.L_simem_size_0:
called_computation_lowered:
.L_overlay_start_0:
0x88: {  	s2 =	sld [smem:$0x3FD9]  }
0x89: {  	s3 =	sld [smem:$0x3FFE];
	_ =	sdelay $0x1  }
0x8a: {  	s1 =	srdreg.scid  }
0x8b: {  	s0 =	sand.u32 $0x1, s1  }
0x8c: {  	s16 =	sshll.u32 s0, $0xA;
	s2 =	sadd.s32 s3, s2  }
0x8d: {  	s2 =	sadd.s32 s2, s16  }
0x8e: {  	[smem:$0x3FB1] =	sst s2  }
0x8f: {  	_ = 	snop  }
0x90: {  	(tm) =	ssettm $0x1  }
0x91: {  	s17 =	sld [smem:$0x3FFB];
	_ =	sdelay $0x3  }
0x92: {  	_ =	strace s17  }
0x93: {  	s2 =	sld [smem:$0x3FFC];
	_ =	sdelay $0x3  }
0x94: {  	_ =	strace s2  }
0x95: {  	s2 =	sld [smem:$0x3FFD];
	_ =	sdelay $0x3  }
0x96: {  	_ =	strace s2  }
0x97: {  	_ =	strace $0x8FFFFFFF  }
0x98: {  	s18 =	sld [smem:$0x3FDB];
	_ =	sdelay $0x1  }
0x99: {  	s19 =	simm.s32 $_scs_section_size  }
0x9a: {  	s4 =	simm.s32 $_size__tile_overlayer_lowered;
	s5 =	simm.s32 $_tile_overlayer_lowered  }
0x9b: {  	s22 =	simm.s32 $0x1BFF;
	s21 =	sshll.u32 s5, $0x1;
	s2 =	sadd.s32 s19, s18  }
0x9c: {  	s6 =	simm.s32 $0x0;
	s20 =	sshll.u32 s4, $0x1;
	s4 =	sadd.s32 s21, s2  }
0x9d: {  	[timem:s6], [sflag:s22] =	dma.local [hbm:s4], s20  }
0x9e: {  	_ =	swait.ge [sflag:s22], s20  }
0x9f: {  	s3 =	ssub.s32 $0x0, s20;
	[sflag:s22] =	ssyncset.done $0x0  }
0xa0: {  	[sflag:s22] =	ssyncadd.s32 s3;
	_ =	sdelay $0x1  }
0xa1: {  	s23 =	simm.s32 $0x1B8B  }
0xa2: {  	_ =	swait.ge [sflag:s23], $0x1  }
0xa3: {  	[sflag:s23] =	ssyncset.done $0x0  }
0xa4: {  	s25 =	simm.s32 $0x1B8E;
	s24 =	sld [smem:$0x3FFE];
	[sflag:s23] =	ssyncadd.s32 $0xFFFFFFFF  }
0xa5: {  	s26 =	simm.s32 $execute0_lowered;
	[smem:$0x3FD2] =	sst s25  }
0xa6: {  	s4 =	sshll.u32 s26, $0x1;
	_ =	strace $0x80000046;
	[dreg:$0x1] =	wrdreg $0xFFFFFFFF  }
0xa7: {  	s28 =	simm.s32 $_size_execute0_lowered;
	s2 =	sadd.s32 s2, s4;
	[dreg:$0x0] =	wrdreg $0x0  }
0xa8: {  	s4 =	sshll.u32 s28, $0x1;
	[dreg:$0x2] =	wrdreg s2  }
0xa9: {  	[dreg:$0x3] =	wrdreg s4  }
0xaa: {  	[dreg:$0x4] =	wrdreg $0xC0  }
0xab: {  	_ =	task [dreg:s6], $0x5FFFF  }
0xac: {  	[dreg:$0x1] =	wrdreg $0xFFFFFFFF  }
0xad: {  	[dreg:$0x0] =	wrdreg $0x60  }
0xae: {  	[dreg:$0x2] =	wrdreg s24  }
0xaf: {  	[dreg:$0x3] =	wrdreg $0x9  }
0xb0: {  	_ =	task.clear_ibuf [dreg:s6], $0x4FFFF;
	_ =	strace $0x90000046  }
0xb1: {  	s29 =	simm.s32 $0x9;
	_ =	strace $0x80000048  }
0xb2: {  	_ =	swait.ge [sflag:s29], $0x1  }
0xb3: {  	[sflag:s29] =	ssyncadd.s32 $0xFFFFFFFF  }
0xb4: {  	_ =	strace $0x90000048  }
0xb5: {  	_ =	sfence  }
0xb6: {  	s30 =	sld [smem:$0x0];
	_ =	sdelay $0x2  }
0xb7: {  	s31 =	sshll.u32 s1, $0xD;
	s1 =	sshrl.u32 s1, $0x2  }
0xb8: {  	s3 =	sand.u32 $0x4000, s31;
	s1 =	sadd.s32 s1, s30  }
0xb9: {  	s0 =	sor.u32 s3, s0;
	s1 =	sshll.u32 s1, $0x11  }
0xba: {  	s0 =	sor.u32 s1, s0  }
0xbb: {  	s0 =	sadd.s32 $0x8F2B, s0  }
0xbc: {  	[sflag:s0] =	ssyncadd.remote.s32 $0x1  }
0xbd: {  	_ =	sfence.sel $0xFFFF  }
0xbe: {  	[dreg:$0x0] =	wrdreg $0xFFFFFFFF;
	(pc) =	sbr.abs _section_cstart, $3  }
0xbf: {  	[dreg:$0x1] =	wrdreg $0xFFFFFFFF  }
0xc0: {  	_ =	task.clear_ibuf [dreg:s6], $0x2FFFF;
	_ =	strace $0x9FFFFFFF  }
0xc1: {  	(tm) =	ssettm $0x7FFFFFFF  }
tec
execute0_lowered:
.L_overlay_start_1:
0x0: {  	(tag) =	ssettag $0x1  }
0x1: {  	s1 =	srdreg.scid  }
0x2: {  	s0 =	stileid.u32;
	s5 =	rddreg [dreg:$0x0]  }
0x3: {  	s2 =	simm.s32 $0x0;
	s16 =	simm.s32 $0x2710;
	s17 =	simm.s32 $0x3B10  }
0x4: {  	s18 =	simm.s32 $0x1;
	s19 =	simm.s32 $0x2;
	s20 =	simm.s32 $0x0  }
0x5: {  	s9 =	sand.u32 $0x1, s1;
	s1 =	rddreg [dreg:$0x1];
	s8 =	smul.u32 $0x4E20, s0  }
0x6: {  	s3 =	sshll.u32 s0, $0x1;
	[smem:$0x7FF] =	sst s2;
	s15 =	smul.u32 $0x27100, s0  }
0x7: {  	s4 =	sadd.s32 $0x18800, s5;
	s11 =	sadd.s32 $0x2B0C00, s5;
	s14 =	smul.u32 $0x2710, s9  }
0x8: {  	s13 =	sadd.s32 $0x3FC00, s5;
	s6 =	sor.u32 s9, s3;
	s30 =	smul.u32 $0x13880, s9  }
0x9: {  	_ =	strace $0x80000047;
	s29 =	ssub.s32 $0x2, s9;
	s7 =	smul.u32 $0x2710, s6  }
0xa: {  	s3 =	sadd.s32 $0x2C200, s5;
	s6 =	smul.u32 $0x9C400, s6;
	s10 =	sshrl.u32 s29, $0x1  }
0xb: {  	s31 =	sadd.s32 s15, s11;
	s15 =	sadd.s32 s15, s13;
	s10 =	ssub.s32 s29, s10  }
0xc: {  	s14 =	sadd.s32 s14, s8;
	s7 =	sshrl.u32 s7, $0x3;
	s6 =	sshrl.u32 s6, $0x3  }
0xd: {  	s14 =	sshll.u32 s14, $0x3;
	s9 =	smax.u32 s10, $0x1;
	s10 =	sadd.s32 s30, s31  }
0xe: {  	s7 =	sadd.s32 s7, s5;
	s12 =	sadd.s32 $0x13600, s6;
	s14 =	sadd.s32 $0x280, s14  }
0xf: {  	s5 =	sadd.s32 $0xEA00, s7;
	s6 =	sadd.s32 s11, s12;
	s7 =	sadd.s32 $0x4C00, s7  }
0x10: {  	s8 =	sadd.s32 s13, s12;
	s11 =	sadd.s32 s14, s11;
	s12 =	sadd.s32 s30, s15  }
0x11: {  	s13 =	sadd.s32 s14, s13;
	s14 =	simm.s32 $0x3;
	s15 =	simm.s32 $0x50  }
.LBB2_1:
0x12: {  	[tilespmem:s2], [sflag:$0x3] =	stream.linear.gather [hbm4b:s5+s2], $0x2710, $0x38;
	[tilespmem:$0x4F10] =	vst v63  }
0x13: {  	_ =	swait.ge [sflag:s14], $0x2710  }
0x14: {  	[sflag:s14] =	ssyncset.done $0x0  }
0x15: {  	[sflag:s14] =	ssyncadd.s32 $0xFFFFD8F0  }
0x16: {  	[tilespmem:s16], [sflag:$0x1] =	stream.indirect.gather [hbm4b:s3+s15], $0x40, s2, s15, $0xb8;
	[tilespmem:$0x4F10] =	vst v63  }
0x17: {  	s21 =	simm.s32 $0x50  }
0x18: {  	[tilespmem:s17], [sflag:$0x2] =	stream.indirect.gather [hbm4b:s3+s15], $0x40, s21, s15, $0xb8;
	[tilespmem:$0x4F10] =	vst v63  }
0x19: {  	_ =	swait.ge [sflag:s18], $0x1400  }
0x1a: {  	[sflag:s18] =	ssyncset.done $0x0  }
0x1b: {  	s29 =	sadd.s32 $0x0, s10;
	[sflag:s18] =	ssyncadd.s32 $0xFFFFEC00  }
0x1c: {  	[hbm4b:s29+s2] =	stream.linear.scatter [tilespmem:s16], [sflag:$0x3], $0x1400, $0x38;
	[tilespmem:$0x4F10] =	vst v63  }
0x1d: {  	_ =	swait.ge [sflag:s14], $0x1400  }
0x1e: {  	[sflag:s14] =	ssyncset.done $0x0  }
0x1f: {  	s30 =	simm.s32 $0xA0;
	[sflag:s14] =	ssyncadd.s32 $0xFFFFEC00  }
0x20: {  	[tilespmem:s16], [sflag:$0x1] =	stream.indirect.gather [hbm4b:s3+s15], $0x40, s30, s15, $0xb8;
	[tilespmem:$0x4F10] =	vst v63  }
0x21: {  	_ =	swait.ge [sflag:s19], $0x1400  }
0x22: {  	[sflag:s19] =	ssyncset.done $0x0  }
0x23: {  	s31 =	sadd.s32 $0x0, s11;
	[sflag:s19] =	ssyncadd.s32 $0xFFFFEC00  }
0x24: {  	[hbm4b:s31+s2] =	stream.linear.scatter [tilespmem:s17], [sflag:$0x3], $0x1400, $0x38;
	[tilespmem:$0x4F10] =	vst v63  }
0x25: {  	s23 =	simm.s32 $0xA00;
	_ =	swait.ge [sflag:s14], $0x1400  }
0x26: {  	s22 =	simm.s32 $0x140;
	s21 =	simm.s32 $0x500;
	[sflag:s14] =	ssyncset.done $0x0  }
.LBB2_2:
0x27: {  	p0 =	sne.s32 s23, $0x13100;
	s24 =	sadd.s32 $0xFFFFFFB0, s22;
	[sflag:s14] =	ssyncadd.s32 $0xFFFFEC00  }
0x28: {  	[tilespmem:s17], [sflag:$0x2] =	stream.indirect.gather [hbm4b:s3+s15], $0x40, s24, s15, $0xb8;
	[tilespmem:$0x4F10] =	vst v63  }
0x29: {  	s24 =	smov.u32 s23;
	s23 =	sadd.s32 $0x500, s23;
	_ =	swait.ge [sflag:s18], $0x1400  }
0x2a: {  	[sflag:s18] =	ssyncset.done $0x0  }
0x2b: {  	s25 =	sadd.s32 s21, s10;
	[sflag:s18] =	ssyncadd.s32 $0xFFFFEC00  }
0x2c: {  	[hbm4b:s25+s2] =	stream.linear.scatter [tilespmem:s16], [sflag:$0x3], $0x1400, $0x38;
	[tilespmem:$0x4F10] =	vst v63  }
0x2d: {  	_ =	swait.ge [sflag:s14], $0x1400  }
0x2e: {  	[sflag:s14] =	ssyncset.done $0x0  }
0x2f: {  	[sflag:s14] =	ssyncadd.s32 $0xFFFFEC00  }
0x30: {  	[tilespmem:s16], [sflag:$0x1] =	stream.indirect.gather [hbm4b:s3+s15], $0x40, s22, s15, $0xb8;
	[tilespmem:$0x4F10] =	vst v63  }
0x31: {  	_ =	swait.ge [sflag:s19], $0x1400  }
.Ltmp0:
0x32: {  	[sflag:s19] =	ssyncset.done $0x0;
	(pc) =	sbr.rel @p0 .LBB2_2-.Ltmp0, $4  }
0x33: {  	s25 =	sadd.s32 s21, s11;
	s21 =	smov.u32 s24;
	[sflag:s19] =	ssyncadd.s32 $0xFFFFEC00  }
0x34: {  	[hbm4b:s25+s2] =	stream.linear.scatter [tilespmem:s17], [sflag:$0x3], $0x1400, $0x38;
	[tilespmem:$0x4F10] =	vst v63  }
0x35: {  	_ =	swait.ge [sflag:s14], $0x1400  }
0x36: {  	s22 =	sadd.s32 $0xA0, s22;
	[sflag:s14] =	ssyncset.done $0x0  }
0x37: {  	s23 =	sadd.s32 $0xFFFFFFB0, s22;
	[sflag:s14] =	ssyncadd.s32 $0xFFFFEC00  }
0x38: {  	[tilespmem:s17], [sflag:$0x2] =	stream.indirect.gather [hbm4b:s3+s15], $0x40, s23, s15, $0xb8;
	[tilespmem:$0x4F10] =	vst v63  }
0x39: {  	_ =	swait.ge [sflag:s18], $0x1400  }
0x3a: {  	[sflag:s18] =	ssyncset.done $0x0  }
0x3b: {  	s24 =	sadd.s32 s21, s10;
	[sflag:s18] =	ssyncadd.s32 $0xFFFFEC00  }
0x3c: {  	[hbm4b:s24+s2] =	stream.linear.scatter [tilespmem:s16], [sflag:$0x3], $0x1400, $0x38;
	[tilespmem:$0x4F10] =	vst v63  }
0x3d: {  	_ =	swait.ge [sflag:s14], $0x1400  }
0x3e: {  	[sflag:s14] =	ssyncset.done $0x0  }
0x3f: {  	[sflag:s14] =	ssyncadd.s32 $0xFFFFEC00  }
0x40: {  	[tilespmem:s16], [sflag:$0x1] =	stream.indirect.gather [hbm4b:s3+s15], $0x40, s22, s15, $0xb8;
	[tilespmem:$0x4F10] =	vst v63  }
0x41: {  	_ =	swait.ge [sflag:s19], $0x1400  }
0x42: {  	[sflag:s19] =	ssyncset.done $0x0  }
0x43: {  	s25 =	sadd.s32 s21, s11;
	[sflag:s19] =	ssyncadd.s32 $0xFFFFEC00  }
0x44: {  	[hbm4b:s25+s2] =	stream.linear.scatter [tilespmem:s17], [sflag:$0x3], $0x1400, $0x38;
	[tilespmem:$0x4F10] =	vst v63  }
0x45: {  	_ =	swait.ge [sflag:s14], $0x1400  }
0x46: {  	[sflag:s14] =	ssyncset.done $0x0  }
0x47: {  	[sflag:s14] =	ssyncadd.s32 $0xFFFFEC00  }
0x48: {  	_ =	swait.ge [sflag:s18], $0x1400  }
0x49: {  	[sflag:s18] =	ssyncset.done $0x0  }
0x4a: {  	s26 =	simm.s32 $0x0;
	[sflag:s18] =	ssyncadd.s32 $0xFFFFEC00  }
0x4b: {  	[hbm4b:s6+s26] =	stream.linear.scatter [tilespmem:s16], [sflag:$0x3], $0x1400, $0x38;
	[tilespmem:$0x4F10] =	vst v63  }
0x4c: {  	_ =	swait.ge [sflag:s14], $0x1400  }
0x4d: {  	[sflag:s14] =	ssyncset.done $0x0  }
0x4e: {  	[sflag:s14] =	ssyncadd.s32 $0xFFFFEC00  }
0x4f: {  	[tilespmem:s26], [sflag:$0x3] =	stream.linear.gather [hbm4b:s7+s26], $0x2710, $0x38;
	[tilespmem:$0x4F10] =	vst v63  }
0x50: {  	_ =	swait.ge [sflag:s14], $0x2710  }
0x51: {  	[sflag:s14] =	ssyncset.done $0x0  }
0x52: {  	[sflag:s14] =	ssyncadd.s32 $0xFFFFD8F0  }
0x53: {  	[tilespmem:s16], [sflag:$0x1] =	stream.indirect.gather [hbm4b:s4+s15], $0x40, s26, s15, $0xb8;
	[tilespmem:$0x4F10] =	vst v63  }
0x54: {  	s28 =	simm.s32 $0x50  }
0x55: {  	[tilespmem:s17], [sflag:$0x2] =	stream.indirect.gather [hbm4b:s4+s15], $0x40, s28, s15, $0xb8;
	[tilespmem:$0x4F10] =	vst v63  }
0x56: {  	_ =	swait.ge [sflag:s18], $0x1400  }
0x57: {  	[sflag:s18] =	ssyncset.done $0x0  }
0x58: {  	s29 =	sadd.s32 $0x0, s12;
	[sflag:s18] =	ssyncadd.s32 $0xFFFFEC00  }
0x59: {  	[hbm4b:s29+s2] =	stream.linear.scatter [tilespmem:s16], [sflag:$0x3], $0x1400, $0x38;
	[tilespmem:$0x4F10] =	vst v63  }
0x5a: {  	_ =	swait.ge [sflag:s14], $0x1400  }
0x5b: {  	[sflag:s14] =	ssyncset.done $0x0  }
0x5c: {  	s30 =	simm.s32 $0xA0;
	[sflag:s14] =	ssyncadd.s32 $0xFFFFEC00  }
0x5d: {  	[tilespmem:s16], [sflag:$0x1] =	stream.indirect.gather [hbm4b:s4+s15], $0x40, s30, s15, $0xb8;
	[tilespmem:$0x4F10] =	vst v63  }
0x5e: {  	_ =	swait.ge [sflag:s19], $0x1400  }
0x5f: {  	[sflag:s19] =	ssyncset.done $0x0  }
0x60: {  	s31 =	sadd.s32 $0x0, s13;
	[sflag:s19] =	ssyncadd.s32 $0xFFFFEC00  }
0x61: {  	[hbm4b:s31+s2] =	stream.linear.scatter [tilespmem:s17], [sflag:$0x3], $0x1400, $0x38;
	[tilespmem:$0x4F10] =	vst v63  }
0x62: {  	s21 =	simm.s32 $0x500;
	_ =	swait.ge [sflag:s14], $0x1400  }
0x63: {  	s23 =	simm.s32 $0xA00;
	s22 =	simm.s32 $0x140;
	[sflag:s14] =	ssyncset.done $0x0  }
.LBB2_4:
0x64: {  	p0 =	sne.s32 s23, $0x13100;
	s24 =	sadd.s32 $0xFFFFFFB0, s22;
	[sflag:s14] =	ssyncadd.s32 $0xFFFFEC00  }
0x65: {  	[tilespmem:s17], [sflag:$0x2] =	stream.indirect.gather [hbm4b:s4+s15], $0x40, s24, s15, $0xb8;
	[tilespmem:$0x4F10] =	vst v63  }
0x66: {  	s24 =	smov.u32 s23;
	s23 =	sadd.s32 $0x500, s23;
	_ =	swait.ge [sflag:s18], $0x1400  }
0x67: {  	[sflag:s18] =	ssyncset.done $0x0  }
0x68: {  	s25 =	sadd.s32 s21, s12;
	[sflag:s18] =	ssyncadd.s32 $0xFFFFEC00  }
0x69: {  	[hbm4b:s25+s2] =	stream.linear.scatter [tilespmem:s16], [sflag:$0x3], $0x1400, $0x38;
	[tilespmem:$0x4F10] =	vst v63  }
0x6a: {  	_ =	swait.ge [sflag:s14], $0x1400  }
0x6b: {  	[sflag:s14] =	ssyncset.done $0x0  }
0x6c: {  	[sflag:s14] =	ssyncadd.s32 $0xFFFFEC00  }
0x6d: {  	[tilespmem:s16], [sflag:$0x1] =	stream.indirect.gather [hbm4b:s4+s15], $0x40, s22, s15, $0xb8;
	[tilespmem:$0x4F10] =	vst v63  }
0x6e: {  	_ =	swait.ge [sflag:s19], $0x1400  }
.Ltmp1:
0x6f: {  	[sflag:s19] =	ssyncset.done $0x0;
	(pc) =	sbr.rel @p0 .LBB2_4-.Ltmp1, $4  }
0x70: {  	s25 =	sadd.s32 s21, s13;
	s21 =	smov.u32 s24;
	[sflag:s19] =	ssyncadd.s32 $0xFFFFEC00  }
0x71: {  	[hbm4b:s25+s2] =	stream.linear.scatter [tilespmem:s17], [sflag:$0x3], $0x1400, $0x38;
	[tilespmem:$0x4F10] =	vst v63  }
0x72: {  	_ =	swait.ge [sflag:s14], $0x1400  }
0x73: {  	s22 =	sadd.s32 $0xA0, s22;
	[sflag:s14] =	ssyncset.done $0x0  }
0x74: {  	s23 =	sadd.s32 $0xFFFFFFB0, s22;
	[sflag:s14] =	ssyncadd.s32 $0xFFFFEC00  }
0x75: {  	[tilespmem:s17], [sflag:$0x2] =	stream.indirect.gather [hbm4b:s4+s15], $0x40, s23, s15, $0xb8;
	[tilespmem:$0x4F10] =	vst v63  }
0x76: {  	_ =	swait.ge [sflag:s18], $0x1400  }
0x77: {  	[sflag:s18] =	ssyncset.done $0x0  }
0x78: {  	s30 =	sadd.s32 s21, s12;
	[sflag:s18] =	ssyncadd.s32 $0xFFFFEC00  }
0x79: {  	[hbm4b:s30+s2] =	stream.linear.scatter [tilespmem:s16], [sflag:$0x3], $0x1400, $0x38;
	[tilespmem:$0x4F10] =	vst v63  }
0x7a: {  	_ =	swait.ge [sflag:s14], $0x1400  }
0x7b: {  	[sflag:s14] =	ssyncset.done $0x0  }
0x7c: {  	[sflag:s14] =	ssyncadd.s32 $0xFFFFEC00  }
0x7d: {  	[tilespmem:s16], [sflag:$0x1] =	stream.indirect.gather [hbm4b:s4+s15], $0x40, s22, s15, $0xb8;
	[tilespmem:$0x4F10] =	vst v63  }
0x7e: {  	_ =	swait.ge [sflag:s19], $0x1400  }
0x7f: {  	[sflag:s19] =	ssyncset.done $0x0  }
0x80: {  	s31 =	sadd.s32 s21, s13;
	[sflag:s19] =	ssyncadd.s32 $0xFFFFEC00  }
0x81: {  	[hbm4b:s31+s2] =	stream.linear.scatter [tilespmem:s17], [sflag:$0x3], $0x1400, $0x38;
	[tilespmem:$0x4F10] =	vst v63  }
0x82: {  	_ =	swait.ge [sflag:s14], $0x1400  }
0x83: {  	[sflag:s14] =	ssyncset.done $0x0  }
0x84: {  	[sflag:s14] =	ssyncadd.s32 $0xFFFFEC00  }
0x85: {  	s20 =	sadd.s32 $0x1, s20;
	_ =	swait.ge [sflag:s18], $0x1400  }
0x86: {  	p0 =	sne.s32 s20, s9;
	[sflag:s18] =	ssyncset.done $0x0  }
.Ltmp2:
0x87: {  	[sflag:s18] =	ssyncadd.s32 $0xFFFFEC00;
	(pc) =	sbr.rel @p0 .LBB2_1-.Ltmp2, $4  }
0x88: {  	[hbm4b:s8+s2] =	stream.linear.scatter [tilespmem:s16], [sflag:$0x3], $0x1400, $0x38;
	[tilespmem:$0x4F10] =	vst v63  }
0x89: {  	_ =	swait.ge [sflag:s14], $0x1400  }
0x8a: {  	[sflag:s14] =	ssyncset.done $0x0  }
0x8b: {  	[sflag:s14] =	ssyncadd.s32 $0xFFFFEC00  }
0x8c: {  	_ =	sfence.sel $0x180000  }
0x8d: {  	[bflag:$0x0] =	sbarrier.arrive $0xFFFF  }
0x8e: {  	p0 =	sne.s32 s0, $0x0;
	_ =	strace $0x90000047  }
0x8f: {  	s0 =	sadd.s32 @!p0 $0x100000, s1;
	[bflag:$0x2] =	sbarrier.arrive $0xFFFF  }
0x90: {  	[sflag:s0] =	ssyncadd.tile.s32 @!p0 $0x1;
	_ =	shalt  }
.Lfunc_end2:
_tile_overlayer_lowered:
.L_overlay_start_2:
0x91: {  	(tag) =	ssettag $0x2  }
0x92: {  	s0 =	rddreg [dreg:$0x0];
	s2 =	stileid.u32  }
0x93: {  	s1 =	rddreg [dreg:$0x1];
	p0 =	sne.s32 s2, $0x0  }
0x94: {  	s3 =	rddreg [dreg:$0x2];
	[bflag:$0x3] =	sbarrier.arrive $0xFFFF;
	s2 =	simm.s32 @!p0 $0x1C03  }
0x95: {  	[timem:s3], [sflag:s2] =	dma.local @!p0 [hbm:s0], s1  }
0x96: {  	s0 =	simm.s32 @!p0 $0x3  }
0x97: {  	_ =	swait.ge @!p0 [sflag:s0], s1  }
0x98: {  	s1 =	ssub.s32 @!p0 $0x0, s1;
	[sflag:s0] =	ssyncset.done @!p0 $0x0  }
0x99: {  	[sflag:s0] =	ssyncadd.s32 @!p0 s1  }
0x9a: {  	[bflag:$0x3] =	sbarrier.arrive $0xFFFF  }
0x9b: {  	_ =	shalt  }

// kernel: kernel.19.cloned.1.call-start
scs
__scs_entry_jumppad:
0x0: {  	(pc) =	sbr.rel $0x88, $3  }
0x1: {  	(tag) =	ssettag $0x0;
	lr =	simm.s32 $0x1  }
0x2: {  	[smem:$0x3F8A] =	sst lr;
	_ =	strace $0xD0000000  }
0x3: {  	_ = 	snop  }
0x4: {  	_ = 	snop  }
0x5: {  	_ = 	snop  }
0x6: {  	_ = 	snop  }
0x7: {  	_ = 	snop  }
__scs_overlays_trampoline_lowered:
0x8: {  	[smem:$0x3F99] =	sst s0  }
0x9: {  	[smem:$0x3F9A] =	sst s1  }
0xa: {  	[smem:$0x3F9B] =	sst s2  }
0xb: {  	[smem:$0x3F9C] =	sst s3  }
0xc: {  	[smem:$0x3F9D] =	sst s4  }
0xd: {  	[smem:$0x3F9E] =	sst s5  }
0xe: {  	[smem:$0x3F9F] =	sst s6  }
0xf: {  	[smem:$0x3FA0] =	sst s7  }
0x10: {  	[smem:$0x3FA1] =	sst s8  }
0x11: {  	[smem:$0x3FA2] =	sst s9;
	s0 =	simm.s32 @!p0 $0x0  }
0x12: {  	s1 =	sld [smem:$0x3F88];
	s0 =	simm.s32 @p0 $0x1  }
0x13: {  	[smem:$0x3FA3] =	sst s0;
	s0 =	simm.s32 @!p1 $0x0  }
0x14: {  	s2 =	sld [smem:$0x3F87];
	s0 =	simm.s32 @p1 $0x1  }
0x15: {  	[smem:$0x3FA4] =	sst s0;
	s0 =	simm.s32 @!p2 $0x0  }
0x16: {  	s3 =	sld [smem:$0x3FDB];
	s0 =	simm.s32 @p2 $0x1  }
0x17: {  	s4 =	simm.s32 $0x1BF5;
	[smem:$0x3FA6] =	sst s0  }
0x18: {  	s0 =	sld [smem:$0x3F89];
	_ =	swait.ge [sflag:s4], $0x0  }
0x19: {  	s7 =	sld [smem:$0x3F8A]  }
0x1a: {  	s8 =	sadd.s32 $0xFFFFE003, lr  }
0x1b: {  	s9 =	sadd.s32 $0xFFFFFEF7, lr;
	s5 =	simm.s32 $0xFFFFFFFF;
	p2 =	slt.u32 s8, $0xFFFFF086  }
0x1c: {  	p1 =	slt.u32 s9, $0xF7A;
	s5 =	simm.s32 @!p2 $0x0  }
0x1d: {  	s5 =	simm.s32 @p1 $0x1;
	p0 =	seq.s32 s7, s2  }
0x1e: {  	s7 =	smul.u32 @!p0 $0xF7A, s2;
	p2 =	seq.s32 @!p0 s5, $0x0  }
0x1f: {  	s9 =	smul.u32 $0xF7A, s1;
	s8 =	simm.s32 @!p0 $0x1BF5;
	p2 =	por !p2, p0  }
0x20: {  	[sflag:s8] =	ssyncset.s32 @!p0 $0xFFFFF086;
	s6 =	sadd.s32 @!p0 s3, s7;
	s7 =	simm.s32 @!p0 $0x108  }
0x21: {  	s3 =	sadd.s32 s3, s9;
	s6 =	sadd.s32 @!p0 $0x88, s6;
	s7 =	simm.s32 @p2 $0x1082  }
0x22: {  	[simem:s7], [sflag:s8] =	dma.local @!p0 [hbm:s6], $0xF7A  }
0x23: {  	s9 =	sor.u32 $0xD0000000, s2;
	s6 =	simm.s32 $0x108;
	_ =	swait.ge @!p0 [sflag:s8], $0x0  }
0x24: {  	s3 =	sadd.s32 $0x88, s3;
	s6 =	simm.s32 @!p1 $0x1082;
	[sflag:s4] =	ssyncset.s32 $0xFFFFF086  }
0x25: {  	[simem:s6], [sflag:s4] =	dma.local [hbm:s3], $0xF7A  }
0x26: {  	[smem:$0x3F8A] =	sst s1;
	(tag) =	ssettag s2;
	_ =	strace s9  }
0x27: {  	s1 =	sld [smem:$0x3F9A]  }
0x28: {  	s2 =	sld [smem:$0x3F9B]  }
0x29: {  	s4 =	sld [smem:$0x3F9D]  }
0x2a: {  	p0 =	seq.s32 s5, $0x0;
	s5 =	sld [smem:$0x3F9E]  }
0x2b: {  	s6 =	sld [smem:$0x3F9F]  }
0x2c: {  	s7 =	sld [smem:$0x3FA0]  }
0x2d: {  	s3 =	simm.s32 $0x108;
	s8 =	sld [smem:$0x3FA1]  }
0x2e: {  	s3 =	simm.s32 @!p0 $0x1082;
	s9 =	sld [smem:$0x3FA2]  }
0x2f: {  	lr =	sadd.s32 s0, s3;
	s0 =	sld [smem:$0x3F99]  }
0x30: {  	s3 =	sld [smem:$0x3F9C]  }
0x31: {  	[smem:$0x3FA5] =	sst s10  }
0x32: {  	s10 =	sld [smem:$0x3FA3];
	_ =	sdelay $0x3  }
0x33: {  	p0 =	seq.s32 s10, $0x1;
	s10 =	sld [smem:$0x3FA5];
	_ =	sdelay $0x3  }
0x34: {  	[smem:$0x3FA5] =	sst s10  }
0x35: {  	s10 =	sld [smem:$0x3FA4];
	_ =	sdelay $0x3  }
0x36: {  	p1 =	seq.s32 s10, $0x1;
	s10 =	sld [smem:$0x3FA5];
	_ =	sdelay $0x3  }
0x37: {  	[smem:$0x3FA5] =	sst s10  }
0x38: {  	s10 =	sld [smem:$0x3FA6]  }
0x39: {  	_ = 	snop;
	(pc) =	sbr.ind lr, $3  }
0x3a: {  	_ = 	snop  }
0x3b: {  	_ = 	snop  }
0x3c: {  	p2 =	seq.s32 s10, $0x1;
	s10 =	sld [smem:$0x3FA5]  }
0x3d: {  	_ =	shalt  }
0x3e: {  	_ =	shalt  }
0x3f: {  	_ =	shalt  }
0x40: {  	_ =	shalt  }
0x41: {  	_ =	shalt  }
0x42: {  	_ =	shalt  }
0x43: {  	_ =	shalt  }
0x44: {  	_ =	shalt  }
0x45: {  	_ =	shalt  }
0x46: {  	_ =	shalt  }
0x47: {  	_ =	shalt  }
0x48: {  	_ =	shalt  }
0x49: {  	_ =	shalt  }
0x4a: {  	_ =	shalt  }
0x4b: {  	_ =	shalt  }
0x4c: {  	_ =	shalt  }
0x4d: {  	_ =	shalt  }
0x4e: {  	_ =	shalt  }
0x4f: {  	_ =	shalt  }
0x50: {  	_ =	shalt  }
0x51: {  	_ =	shalt  }
0x52: {  	_ =	shalt  }
0x53: {  	_ =	shalt  }
0x54: {  	_ =	shalt  }
0x55: {  	_ =	shalt  }
0x56: {  	_ =	shalt  }
0x57: {  	_ =	shalt  }
0x58: {  	_ =	shalt  }
0x59: {  	_ =	shalt  }
0x5a: {  	_ =	shalt  }
0x5b: {  	_ =	shalt  }
0x5c: {  	_ =	shalt  }
0x5d: {  	_ =	shalt  }
0x5e: {  	_ =	shalt  }
0x5f: {  	_ =	shalt  }
0x60: {  	_ =	shalt  }
0x61: {  	_ =	shalt  }
0x62: {  	_ =	shalt  }
0x63: {  	_ =	shalt  }
0x64: {  	_ =	shalt  }
0x65: {  	_ =	shalt  }
0x66: {  	_ =	shalt  }
0x67: {  	_ =	shalt  }
0x68: {  	_ =	shalt  }
0x69: {  	_ =	shalt  }
0x6a: {  	_ =	shalt  }
0x6b: {  	_ =	shalt  }
0x6c: {  	_ =	shalt  }
0x6d: {  	_ =	shalt  }
0x6e: {  	_ =	shalt  }
0x6f: {  	_ =	shalt  }
0x70: {  	_ =	shalt  }
0x71: {  	_ =	shalt  }
0x72: {  	_ =	shalt  }
0x73: {  	_ =	shalt  }
0x74: {  	_ =	shalt  }
0x75: {  	_ =	shalt  }
0x76: {  	_ =	shalt  }
0x77: {  	_ =	shalt  }
0x78: {  	_ =	shalt  }
0x79: {  	_ =	shalt  }
0x7a: {  	_ =	shalt  }
0x7b: {  	_ =	shalt  }
0x7c: {  	_ =	shalt  }
0x7d: {  	_ =	shalt  }
0x7e: {  	_ =	shalt  }
0x7f: {  	_ =	shalt  }
0x80: {  	_ =	shalt  }
0x81: {  	_ =	shalt  }
0x82: {  	_ =	shalt  }
0x83: {  	_ =	shalt  }
0x84: {  	_ =	shalt  }
0x85: {  	_ =	shalt  }
0x86: {  	_ =	shalt  }
0x87: {  	_ =	shalt  }
.Lfunc_end0:
.L_simem_size_0:
called_computation.1_lowered:
.L_overlay_start_0:
0x88: {  	s2 =	sld [smem:$0x3FD9]  }
0x89: {  	s3 =	sld [smem:$0x3FFE];
	_ =	sdelay $0x1  }
0x8a: {  	s1 =	srdreg.scid  }
0x8b: {  	s0 =	sand.u32 $0x1, s1  }
0x8c: {  	s16 =	sshll.u32 s0, $0xA;
	s2 =	sadd.s32 s3, s2  }
0x8d: {  	s2 =	sadd.s32 s2, s16  }
0x8e: {  	[smem:$0x3FB1] =	sst s2  }
0x8f: {  	_ = 	snop  }
0x90: {  	(tm) =	ssettm $0x1  }
0x91: {  	s17 =	sld [smem:$0x3FFB];
	_ =	sdelay $0x3  }
0x92: {  	_ =	strace s17  }
0x93: {  	s2 =	sld [smem:$0x3FFC];
	_ =	sdelay $0x3  }
0x94: {  	_ =	strace s2  }
0x95: {  	s2 =	sld [smem:$0x3FFD];
	_ =	sdelay $0x3  }
0x96: {  	_ =	strace s2  }
0x97: {  	_ =	strace $0x8FFFFFFF  }
0x98: {  	s18 =	sld [smem:$0x3FDB];
	_ =	sdelay $0x1  }
0x99: {  	s19 =	simm.s32 $_scs_section_size  }
0x9a: {  	s4 =	simm.s32 $_size__tile_overlayer_lowered;
	s5 =	simm.s32 $_tile_overlayer_lowered  }
0x9b: {  	s22 =	simm.s32 $0x1BFF;
	s21 =	sshll.u32 s5, $0x1;
	s2 =	sadd.s32 s19, s18  }
0x9c: {  	s6 =	simm.s32 $0x0;
	s20 =	sshll.u32 s4, $0x1;
	s4 =	sadd.s32 s21, s2  }
0x9d: {  	[timem:s6], [sflag:s22] =	dma.local [hbm:s4], s20  }
0x9e: {  	_ =	swait.ge [sflag:s22], s20  }
0x9f: {  	s3 =	ssub.s32 $0x0, s20;
	[sflag:s22] =	ssyncset.done $0x0  }
0xa0: {  	[sflag:s22] =	ssyncadd.s32 s3;
	_ =	sdelay $0x1  }
0xa1: {  	s23 =	simm.s32 $0x1B8B  }
0xa2: {  	_ =	swait.ge [sflag:s23], $0x1  }
0xa3: {  	[sflag:s23] =	ssyncset.done $0x0  }
0xa4: {  	s25 =	simm.s32 $0x1B8E;
	s24 =	sld [smem:$0x3FFE];
	[sflag:s23] =	ssyncadd.s32 $0xFFFFFFFF  }
0xa5: {  	s26 =	simm.s32 $execute0_lowered;
	[smem:$0x3FD2] =	sst s25  }
0xa6: {  	s4 =	sshll.u32 s26, $0x1;
	_ =	strace $0x80000049;
	[dreg:$0x1] =	wrdreg $0xFFFFFFFF  }
0xa7: {  	s28 =	simm.s32 $_size_execute0_lowered;
	s2 =	sadd.s32 s2, s4;
	[dreg:$0x0] =	wrdreg $0x0  }
0xa8: {  	s4 =	sshll.u32 s28, $0x1;
	[dreg:$0x2] =	wrdreg s2  }
0xa9: {  	[dreg:$0x3] =	wrdreg s4  }
0xaa: {  	[dreg:$0x4] =	wrdreg $0xC0  }
0xab: {  	_ =	task [dreg:s6], $0x5FFFF  }
0xac: {  	[dreg:$0x1] =	wrdreg $0xFFFFFFFF  }
0xad: {  	[dreg:$0x0] =	wrdreg $0x60  }
0xae: {  	[dreg:$0x2] =	wrdreg s24  }
0xaf: {  	[dreg:$0x3] =	wrdreg $0x59100  }
0xb0: {  	[dreg:$0x4] =	wrdreg $0x9  }
0xb1: {  	_ =	task.clear_ibuf [dreg:s6], $0x5FFFF;
	_ =	strace $0x90000049  }
0xb2: {  	s29 =	simm.s32 $0x9;
	_ =	strace $0x8000004B  }
0xb3: {  	_ =	swait.ge [sflag:s29], $0x1  }
0xb4: {  	[sflag:s29] =	ssyncadd.s32 $0xFFFFFFFF  }
0xb5: {  	_ =	strace $0x9000004B  }
0xb6: {  	_ =	sfence  }
0xb7: {  	s30 =	sld [smem:$0x0];
	_ =	sdelay $0x2  }
0xb8: {  	s31 =	sshll.u32 s1, $0xD;
	s1 =	sshrl.u32 s1, $0x2  }
0xb9: {  	s3 =	sand.u32 $0x4000, s31;
	s1 =	sadd.s32 s1, s30  }
0xba: {  	s0 =	sor.u32 s3, s0;
	s1 =	sshll.u32 s1, $0x11  }
0xbb: {  	s0 =	sor.u32 s1, s0  }
0xbc: {  	s0 =	sadd.s32 $0x8F2B, s0  }
0xbd: {  	[sflag:s0] =	ssyncadd.remote.s32 $0x1  }
0xbe: {  	_ =	sfence.sel $0xFFFF  }
0xbf: {  	[dreg:$0x0] =	wrdreg $0xFFFFFFFF;
	(pc) =	sbr.abs _section_cstart, $3  }
0xc0: {  	[dreg:$0x1] =	wrdreg $0xFFFFFFFF  }
0xc1: {  	_ =	task.clear_ibuf [dreg:s6], $0x2FFFF;
	_ =	strace $0x9FFFFFFF  }
0xc2: {  	(tm) =	ssettm $0x7FFFFFFF  }
0xc3: {  	_ =	shalt  }
tec
execute0_lowered:
.L_overlay_start_1:
0x0: {  	(tag) =	ssettag $0x1  }
0x1: {  	s1 =	srdreg.scid;
	s6 =	rddreg [dreg:$0x0]  }
0x2: {  	s0 =	stileid.u32;
	s2 =	rddreg [dreg:$0x1]  }
0x3: {  	s3 =	simm.s32 $0x0;
	s16 =	simm.s32 $0x50;
	s17 =	simm.s32 $0x2  }
0x4: {  	s18 =	simm.s32 $0x26C0;
	s19 =	simm.s32 $0x0;
	s8 =	smul.u32 $0xC800, s0  }
0x5: {  	s5 =	sand.u32 $0x1, s1;
	s1 =	rddreg [dreg:$0x2];
	s13 =	smul.u32 $0x30D40, s0  }
0x6: {  	s26 =	sshll.u32 s0, $0x1;
	[smem:$0x7FF] =	sst s3;
	s9 =	smul.u32 $0xC8000, s5  }
0x7: {  	s10 =	sadd.s32 $0xA03C00, s6;
	s7 =	sor.u32 s5, s26;
	s14 =	smul.u32 $0x186A0, s5  }
0x8: {  	s29 =	sshll.u32 s0, $0x6;
	_ =	strace $0x8000004A;
	s4 =	smul.u32 $0x2710, s7  }
0x9: {  	s12 =	ssub.s32 $0x2, s5;
	s5 =	sor.u32 $0x1C03, s29;
	s7 =	smul.u32 $0x186A0, s7  }
0xa: {  	s28 =	sshrl.u32 s12, $0x1;
	s15 =	sadd.s32 s8, s2;
	s30 =	sadd.s32 s13, s10  }
0xb: {  	s13 =	simm.s32 $0x2710;
	s9 =	sadd.s32 s8, s9;
	s12 =	ssub.s32 s12, s28  }
0xc: {  	s31 =	sadd.s32 s14, s30;
	s14 =	simm.s32 $0x4010;
	s4 =	sshrl.u32 s4, $0x3  }
0xd: {  	s9 =	sshrl.u32 s9, $0x3;
	s7 =	sadd.s32 s10, s7;
	s10 =	sadd.s32 $0x640, s31  }
0xe: {  	s11 =	sadd.s32 s4, s6;
	s4 =	sadd.s32 $0x18800, s6;
	s9 =	sadd.s32 s9, s6  }
0xf: {  	s6 =	sadd.s32 $0xEA00, s11;
	s8 =	sadd.s32 $0x1A200, s9;
	s9 =	smax.u32 s12, $0x1  }
0x10: {  	s11 =	sshrl.u32 s15, $0x3;
	s12 =	simm.s32 $0x3;
	s15 =	simm.s32 $0x1  }
.LBB2_1:
0x11: {  	[spmem:s11], [sflag:s5] =	dma.local [hbm:s4], $0x1900  }
0x12: {  	_ =	swait.ge [sflag:s12], $0x1900  }
0x13: {  	[sflag:s12] =	ssyncset.done $0x0  }
0x14: {  	[sflag:s12] =	ssyncadd.s32 $0xFFFFE700  }
0x15: {  	[bflag:$0x0] =	sbarrier.arrive $0xFFFF  }
0x16: {  	[tilespmem:s3], [sflag:$0x3] =	stream.linear.gather [hbm4b:s6+s3], $0x2710, $0x38;
	[tilespmem:$0x12110] =	vst v63  }
0x17: {  	_ =	swait.ge [sflag:s12], $0x2710  }
0x18: {  	[sflag:s12] =	ssyncset.done $0x0  }
0x19: {  	[sflag:s12] =	ssyncadd.s32 $0xFFFFD8F0  }
0x1a: {  	[tilespmem:s13], [sflag:$0x1] =	stream.linear.gather [hbm4b:s7+s3], $0x1900, $0x38;
	[tilespmem:$0x12110] =	vst v63  }
0x1b: {  	s20 =	sadd.s32 $0xFFFFFCE0, s10  }
0x1c: {  	[tilespmem:s14], [sflag:$0x2] =	stream.linear.gather [hbm4b:s20+s3], $0x1900, $0x38;
	[tilespmem:$0x12110] =	vst v63  }
0x1d: {  	_ =	swait.ge [sflag:s15], $0x1900  }
0x1e: {  	[sflag:s15] =	ssyncset.done $0x0  }
0x1f: {  	s30 =	simm.s32 $0x0;
	[sflag:s15] =	ssyncadd.s32 $0xFFFFE700  }
0x20: {  	[spmem:s2] =	stream.indirect.scatter.add.f32 [tilespmem:s13], [sflag:$0x3], $0x50, s30, s16, $0xb8;
	[tilespmem:$0x12110] =	vst v63  }
0x21: {  	_ =	swait.ge [sflag:s12], $0x1900  }
0x22: {  	[sflag:s12] =	ssyncset.done $0x0  }
0x23: {  	[sflag:s12] =	ssyncadd.s32 $0xFFFFE700  }
0x24: {  	[tilespmem:s13], [sflag:$0x1] =	stream.linear.gather [hbm4b:s10+s3], $0x1900, $0x38;
	[tilespmem:$0x12110] =	vst v63  }
0x25: {  	_ =	swait.ge [sflag:s17], $0x1900  }
0x26: {  	[sflag:s17] =	ssyncset.done $0x0  }
0x27: {  	s31 =	simm.s32 $0x50;
	[sflag:s17] =	ssyncadd.s32 $0xFFFFE700  }
0x28: {  	[spmem:s2] =	stream.indirect.scatter.add.f32 [tilespmem:s14], [sflag:$0x3], $0x50, s31, s16, $0xb8;
	[tilespmem:$0x12110] =	vst v63  }
0x29: {  	s21 =	simm.s32 $0x280;
	_ =	swait.ge [sflag:s12], $0x1900  }
0x2a: {  	s22 =	simm.s32 $0x500;
	s20 =	sadd.s32 $0x640, s10;
	[sflag:s12] =	ssyncset.done $0x0  }
.LBB2_2:
0x2b: {  	p0 =	sne.s32 s22, $0x9880;
	s23 =	sadd.s32 $0xFFFFFCE0, s20;
	[sflag:s12] =	ssyncadd.s32 $0xFFFFE700  }
0x2c: {  	[tilespmem:s14], [sflag:$0x2] =	stream.linear.gather [hbm4b:s23+s3], $0x1900, $0x38;
	[tilespmem:$0x12110] =	vst v63  }
0x2d: {  	s23 =	smov.u32 s22;
	s22 =	sadd.s32 $0x280, s22;
	_ =	swait.ge [sflag:s15], $0x1900  }
0x2e: {  	[sflag:s15] =	ssyncset.done $0x0  }
0x2f: {  	s24 =	sshra.s32 s21, $0x2;
	s21 =	smov.u32 s23;
	[sflag:s15] =	ssyncadd.s32 $0xFFFFE700  }
0x30: {  	[spmem:s2] =	stream.indirect.scatter.add.f32 [tilespmem:s13], [sflag:$0x3], $0x50, s24, s16, $0xb8;
	[tilespmem:$0x12110] =	vst v63  }
0x31: {  	_ =	swait.ge [sflag:s12], $0x1900  }
0x32: {  	[sflag:s12] =	ssyncset.done $0x0  }
0x33: {  	[sflag:s12] =	ssyncadd.s32 $0xFFFFE700  }
0x34: {  	[tilespmem:s13], [sflag:$0x1] =	stream.linear.gather [hbm4b:s20+s3], $0x1900, $0x38;
	[tilespmem:$0x12110] =	vst v63  }
0x35: {  	_ =	swait.ge [sflag:s17], $0x1900  }
.Ltmp0:
0x36: {  	[sflag:s17] =	ssyncset.done $0x0;
	(pc) =	sbr.rel @p0 .LBB2_2-.Ltmp0, $4  }
0x37: {  	s23 =	sadd.s32 $0x50, s24;
	[sflag:s17] =	ssyncadd.s32 $0xFFFFE700  }
0x38: {  	[spmem:s2] =	stream.indirect.scatter.add.f32 [tilespmem:s14], [sflag:$0x3], $0x50, s23, s16, $0xb8;
	[tilespmem:$0x12110] =	vst v63  }
0x39: {  	_ =	swait.ge [sflag:s12], $0x1900  }
0x3a: {  	s20 =	sadd.s32 $0x640, s20;
	[sflag:s12] =	ssyncset.done $0x0  }
0x3b: {  	s22 =	sadd.s32 $0xFFFFFCE0, s20;
	[sflag:s12] =	ssyncadd.s32 $0xFFFFE700  }
0x3c: {  	[tilespmem:s14], [sflag:$0x2] =	stream.linear.gather [hbm4b:s22+s3], $0x1900, $0x38;
	[tilespmem:$0x12110] =	vst v63  }
0x3d: {  	_ =	swait.ge [sflag:s15], $0x1900  }
0x3e: {  	[sflag:s15] =	ssyncset.done $0x0  }
0x3f: {  	s21 =	sshra.s32 s21, $0x2;
	[sflag:s15] =	ssyncadd.s32 $0xFFFFE700  }
0x40: {  	[spmem:s2] =	stream.indirect.scatter.add.f32 [tilespmem:s13], [sflag:$0x3], $0x50, s21, s16, $0xb8;
	[tilespmem:$0x12110] =	vst v63  }
0x41: {  	_ =	swait.ge [sflag:s12], $0x1900  }
0x42: {  	[sflag:s12] =	ssyncset.done $0x0  }
0x43: {  	[sflag:s12] =	ssyncadd.s32 $0xFFFFE700  }
0x44: {  	[tilespmem:s13], [sflag:$0x1] =	stream.linear.gather [hbm4b:s20+s3], $0x1900, $0x38;
	[tilespmem:$0x12110] =	vst v63  }
0x45: {  	_ =	swait.ge [sflag:s17], $0x1900  }
0x46: {  	[sflag:s17] =	ssyncset.done $0x0  }
0x47: {  	s31 =	sadd.s32 $0x50, s21;
	[sflag:s17] =	ssyncadd.s32 $0xFFFFE700  }
0x48: {  	[spmem:s2] =	stream.indirect.scatter.add.f32 [tilespmem:s14], [sflag:$0x3], $0x50, s31, s16, $0xb8;
	[tilespmem:$0x12110] =	vst v63  }
0x49: {  	_ =	swait.ge [sflag:s12], $0x1900  }
0x4a: {  	[sflag:s12] =	ssyncset.done $0x0  }
0x4b: {  	[sflag:s12] =	ssyncadd.s32 $0xFFFFE700  }
0x4c: {  	_ =	swait.ge [sflag:s15], $0x1900  }
0x4d: {  	[sflag:s15] =	ssyncset.done $0x0  }
0x4e: {  	[sflag:s15] =	ssyncadd.s32 $0xFFFFE700  }
0x4f: {  	[spmem:s2] =	stream.indirect.scatter.add.f32 [tilespmem:s13], [sflag:$0x3], $0x50, s18, s16, $0xb8;
	[tilespmem:$0x12110] =	vst v63  }
0x50: {  	_ =	swait.ge [sflag:s12], $0x1900  }
0x51: {  	s19 =	sadd.s32 $0x1, s19;
	[sflag:s12] =	ssyncset.done $0x0  }
0x52: {  	p0 =	sne.s32 s19, s9;
	[sflag:s12] =	ssyncadd.s32 $0xFFFFE700  }
.Ltmp1:
0x53: {  	[bflag:$0x0] =	sbarrier.arrive $0xFFFF;
	(pc) =	sbr.rel @p0 .LBB2_1-.Ltmp1, $4  }
0x54: {  	[hbm:s8], [sflag:s5] =	dma.local [spmem:s11], $0x1900  }
0x55: {  	_ =	swait.ge [sflag:s12], $0x1900  }
0x56: {  	[sflag:s12] =	ssyncset.done $0x0  }
0x57: {  	[sflag:s12] =	ssyncadd.s32 $0xFFFFE700  }
0x58: {  	_ =	sfence.sel $0x180000  }
0x59: {  	[bflag:$0x0] =	sbarrier.arrive $0xFFFF  }
0x5a: {  	p0 =	sne.s32 s0, $0x0;
	_ =	strace $0x9000004A  }
0x5b: {  	s0 =	sadd.s32 @!p0 $0x100000, s1;
	[bflag:$0x2] =	sbarrier.arrive $0xFFFF  }
0x5c: {  	[sflag:s0] =	ssyncadd.tile.s32 @!p0 $0x1;
	_ =	shalt  }
.Lfunc_end2:
_tile_overlayer_lowered:
.L_overlay_start_2:
0x5d: {  	(tag) =	ssettag $0x2  }
0x5e: {  	s0 =	rddreg [dreg:$0x0];
	s2 =	stileid.u32  }
0x5f: {  	s1 =	rddreg [dreg:$0x1];
	p0 =	sne.s32 s2, $0x0  }
0x60: {  	s3 =	rddreg [dreg:$0x2];
	[bflag:$0x3] =	sbarrier.arrive $0xFFFF;
	s2 =	simm.s32 @!p0 $0x1C03  }
0x61: {  	[timem:s3], [sflag:s2] =	dma.local @!p0 [hbm:s0], s1  }
0x62: {  	s0 =	simm.s32 @!p0 $0x3  }
0x63: {  	_ =	swait.ge @!p0 [sflag:s0], s1  }
0x64: {  	s1 =	ssub.s32 @!p0 $0x0, s1;
	[sflag:s0] =	ssyncset.done @!p0 $0x0  }
0x65: {  	[sflag:s0] =	ssyncadd.s32 @!p0 s1  }
0x66: {  	[bflag:$0x3] =	sbarrier.arrive $0xFFFF  }
0x67: {  	_ =	shalt  }

// kernel: kernel.22.cloned.1.call-start
scs
__scs_entry_jumppad:
0x0: {  	(pc) =	sbr.rel $0x88, $3  }
0x1: {  	(tag) =	ssettag $0x0;
	lr =	simm.s32 $0x1  }
0x2: {  	[smem:$0x3F8A] =	sst lr;
	_ =	strace $0xD0000000  }
0x3: {  	_ = 	snop  }
0x4: {  	_ = 	snop  }
0x5: {  	_ = 	snop  }
0x6: {  	_ = 	snop  }
0x7: {  	_ = 	snop  }
__scs_overlays_trampoline_lowered:
0x8: {  	[smem:$0x3F99] =	sst s0  }
0x9: {  	[smem:$0x3F9A] =	sst s1  }
0xa: {  	[smem:$0x3F9B] =	sst s2  }
0xb: {  	[smem:$0x3F9C] =	sst s3  }
0xc: {  	[smem:$0x3F9D] =	sst s4  }
0xd: {  	[smem:$0x3F9E] =	sst s5  }
0xe: {  	[smem:$0x3F9F] =	sst s6  }
0xf: {  	[smem:$0x3FA0] =	sst s7  }
0x10: {  	[smem:$0x3FA1] =	sst s8  }
0x11: {  	[smem:$0x3FA2] =	sst s9;
	s0 =	simm.s32 @!p0 $0x0  }
0x12: {  	s1 =	sld [smem:$0x3F88];
	s0 =	simm.s32 @p0 $0x1  }
0x13: {  	[smem:$0x3FA3] =	sst s0;
	s0 =	simm.s32 @!p1 $0x0  }
0x14: {  	s2 =	sld [smem:$0x3F87];
	s0 =	simm.s32 @p1 $0x1  }
0x15: {  	[smem:$0x3FA4] =	sst s0;
	s0 =	simm.s32 @!p2 $0x0  }
0x16: {  	s3 =	sld [smem:$0x3FDB];
	s0 =	simm.s32 @p2 $0x1  }
0x17: {  	s4 =	simm.s32 $0x1BF5;
	[smem:$0x3FA6] =	sst s0  }
0x18: {  	s0 =	sld [smem:$0x3F89];
	_ =	swait.ge [sflag:s4], $0x0  }
0x19: {  	s7 =	sld [smem:$0x3F8A]  }
0x1a: {  	s8 =	sadd.s32 $0xFFFFE003, lr  }
0x1b: {  	s9 =	sadd.s32 $0xFFFFFEF7, lr;
	s5 =	simm.s32 $0xFFFFFFFF;
	p2 =	slt.u32 s8, $0xFFFFF086  }
0x1c: {  	p1 =	slt.u32 s9, $0xF7A;
	s5 =	simm.s32 @!p2 $0x0  }
0x1d: {  	s5 =	simm.s32 @p1 $0x1;
	p0 =	seq.s32 s7, s2  }
0x1e: {  	s7 =	smul.u32 @!p0 $0xF7A, s2;
	p2 =	seq.s32 @!p0 s5, $0x0  }
0x1f: {  	s9 =	smul.u32 $0xF7A, s1;
	s8 =	simm.s32 @!p0 $0x1BF5;
	p2 =	por !p2, p0  }
0x20: {  	[sflag:s8] =	ssyncset.s32 @!p0 $0xFFFFF086;
	s6 =	sadd.s32 @!p0 s3, s7;
	s7 =	simm.s32 @!p0 $0x108  }
0x21: {  	s3 =	sadd.s32 s3, s9;
	s6 =	sadd.s32 @!p0 $0x88, s6;
	s7 =	simm.s32 @p2 $0x1082  }
0x22: {  	[simem:s7], [sflag:s8] =	dma.local @!p0 [hbm:s6], $0xF7A  }
0x23: {  	s9 =	sor.u32 $0xD0000000, s2;
	s6 =	simm.s32 $0x108;
	_ =	swait.ge @!p0 [sflag:s8], $0x0  }
0x24: {  	s3 =	sadd.s32 $0x88, s3;
	s6 =	simm.s32 @!p1 $0x1082;
	[sflag:s4] =	ssyncset.s32 $0xFFFFF086  }
0x25: {  	[simem:s6], [sflag:s4] =	dma.local [hbm:s3], $0xF7A  }
0x26: {  	[smem:$0x3F8A] =	sst s1;
	(tag) =	ssettag s2;
	_ =	strace s9  }
0x27: {  	s1 =	sld [smem:$0x3F9A]  }
0x28: {  	s2 =	sld [smem:$0x3F9B]  }
0x29: {  	s4 =	sld [smem:$0x3F9D]  }
0x2a: {  	p0 =	seq.s32 s5, $0x0;
	s5 =	sld [smem:$0x3F9E]  }
0x2b: {  	s6 =	sld [smem:$0x3F9F]  }
0x2c: {  	s7 =	sld [smem:$0x3FA0]  }
0x2d: {  	s3 =	simm.s32 $0x108;
	s8 =	sld [smem:$0x3FA1]  }
0x2e: {  	s3 =	simm.s32 @!p0 $0x1082;
	s9 =	sld [smem:$0x3FA2]  }
0x2f: {  	lr =	sadd.s32 s0, s3;
	s0 =	sld [smem:$0x3F99]  }
0x30: {  	s3 =	sld [smem:$0x3F9C]  }
0x31: {  	[smem:$0x3FA5] =	sst s10  }
0x32: {  	s10 =	sld [smem:$0x3FA3];
	_ =	sdelay $0x3  }
0x33: {  	p0 =	seq.s32 s10, $0x1;
	s10 =	sld [smem:$0x3FA5];
	_ =	sdelay $0x3  }
0x34: {  	[smem:$0x3FA5] =	sst s10  }
0x35: {  	s10 =	sld [smem:$0x3FA4];
	_ =	sdelay $0x3  }
0x36: {  	p1 =	seq.s32 s10, $0x1;
	s10 =	sld [smem:$0x3FA5];
	_ =	sdelay $0x3  }
0x37: {  	[smem:$0x3FA5] =	sst s10  }
0x38: {  	s10 =	sld [smem:$0x3FA6]  }
0x39: {  	_ = 	snop;
	(pc) =	sbr.ind lr, $3  }
0x3a: {  	_ = 	snop  }
0x3b: {  	_ = 	snop  }
0x3c: {  	p2 =	seq.s32 s10, $0x1;
	s10 =	sld [smem:$0x3FA5]  }
0x3d: {  	_ =	shalt  }
0x3e: {  	_ =	shalt  }
0x3f: {  	_ =	shalt  }
0x40: {  	_ =	shalt  }
0x41: {  	_ =	shalt  }
0x42: {  	_ =	shalt  }
0x43: {  	_ =	shalt  }
0x44: {  	_ =	shalt  }
0x45: {  	_ =	shalt  }
0x46: {  	_ =	shalt  }
0x47: {  	_ =	shalt  }
0x48: {  	_ =	shalt  }
0x49: {  	_ =	shalt  }
0x4a: {  	_ =	shalt  }
0x4b: {  	_ =	shalt  }
0x4c: {  	_ =	shalt  }
0x4d: {  	_ =	shalt  }
0x4e: {  	_ =	shalt  }
0x4f: {  	_ =	shalt  }
0x50: {  	_ =	shalt  }
0x51: {  	_ =	shalt  }
0x52: {  	_ =	shalt  }
0x53: {  	_ =	shalt  }
0x54: {  	_ =	shalt  }
0x55: {  	_ =	shalt  }
0x56: {  	_ =	shalt  }
0x57: {  	_ =	shalt  }
0x58: {  	_ =	shalt  }
0x59: {  	_ =	shalt  }
0x5a: {  	_ =	shalt  }
0x5b: {  	_ =	shalt  }
0x5c: {  	_ =	shalt  }
0x5d: {  	_ =	shalt  }
0x5e: {  	_ =	shalt  }
0x5f: {  	_ =	shalt  }
0x60: {  	_ =	shalt  }
0x61: {  	_ =	shalt  }
0x62: {  	_ =	shalt  }
0x63: {  	_ =	shalt  }
0x64: {  	_ =	shalt  }
0x65: {  	_ =	shalt  }
0x66: {  	_ =	shalt  }
0x67: {  	_ =	shalt  }
0x68: {  	_ =	shalt  }
0x69: {  	_ =	shalt  }
0x6a: {  	_ =	shalt  }
0x6b: {  	_ =	shalt  }
0x6c: {  	_ =	shalt  }
0x6d: {  	_ =	shalt  }
0x6e: {  	_ =	shalt  }
0x6f: {  	_ =	shalt  }
0x70: {  	_ =	shalt  }
0x71: {  	_ =	shalt  }
0x72: {  	_ =	shalt  }
0x73: {  	_ =	shalt  }
0x74: {  	_ =	shalt  }
0x75: {  	_ =	shalt  }
0x76: {  	_ =	shalt  }
0x77: {  	_ =	shalt  }
0x78: {  	_ =	shalt  }
0x79: {  	_ =	shalt  }
0x7a: {  	_ =	shalt  }
0x7b: {  	_ =	shalt  }
0x7c: {  	_ =	shalt  }
0x7d: {  	_ =	shalt  }
0x7e: {  	_ =	shalt  }
0x7f: {  	_ =	shalt  }
0x80: {  	_ =	shalt  }
0x81: {  	_ =	shalt  }
0x82: {  	_ =	shalt  }
0x83: {  	_ =	shalt  }
0x84: {  	_ =	shalt  }
0x85: {  	_ =	shalt  }
0x86: {  	_ =	shalt  }
0x87: {  	_ =	shalt  }
.Lfunc_end0:
.L_simem_size_0:
called_computation.2_lowered:
.L_overlay_start_0:
0x88: {  	s2 =	sld [smem:$0x3FD9]  }
0x89: {  	s3 =	sld [smem:$0x3FFE];
	_ =	sdelay $0x1  }
0x8a: {  	s1 =	srdreg.scid  }
0x8b: {  	s0 =	sand.u32 $0x1, s1  }
0x8c: {  	s16 =	sshll.u32 s0, $0xA;
	s2 =	sadd.s32 s3, s2  }
0x8d: {  	s2 =	sadd.s32 s2, s16  }
0x8e: {  	[smem:$0x3FB1] =	sst s2  }
0x8f: {  	_ = 	snop  }
0x90: {  	(tm) =	ssettm $0x1  }
0x91: {  	s17 =	sld [smem:$0x3FFB];
	_ =	sdelay $0x3  }
0x92: {  	_ =	strace s17  }
0x93: {  	s2 =	sld [smem:$0x3FFC];
	_ =	sdelay $0x3  }
0x94: {  	_ =	strace s2  }
0x95: {  	s2 =	sld [smem:$0x3FFD];
	_ =	sdelay $0x3  }
0x96: {  	_ =	strace s2  }
0x97: {  	_ =	strace $0x8FFFFFFF  }
0x98: {  	s18 =	sld [smem:$0x3FDB];
	_ =	sdelay $0x1  }
0x99: {  	s19 =	simm.s32 $_scs_section_size  }
0x9a: {  	s4 =	simm.s32 $_size__tile_overlayer_lowered;
	s5 =	simm.s32 $_tile_overlayer_lowered  }
0x9b: {  	s22 =	simm.s32 $0x1BFF;
	s21 =	sshll.u32 s5, $0x1;
	s2 =	sadd.s32 s19, s18  }
0x9c: {  	s6 =	simm.s32 $0x0;
	s20 =	sshll.u32 s4, $0x1;
	s4 =	sadd.s32 s21, s2  }
0x9d: {  	[timem:s6], [sflag:s22] =	dma.local [hbm:s4], s20  }
0x9e: {  	_ =	swait.ge [sflag:s22], s20  }
0x9f: {  	s3 =	ssub.s32 $0x0, s20;
	[sflag:s22] =	ssyncset.done $0x0  }
0xa0: {  	[sflag:s22] =	ssyncadd.s32 s3;
	_ =	sdelay $0x1  }
0xa1: {  	s23 =	simm.s32 $0x1B8B  }
0xa2: {  	_ =	swait.ge [sflag:s23], $0x1  }
0xa3: {  	[sflag:s23] =	ssyncset.done $0x0  }
0xa4: {  	s25 =	simm.s32 $0x1B8E;
	s24 =	sld [smem:$0x3FFE];
	[sflag:s23] =	ssyncadd.s32 $0xFFFFFFFF  }
0xa5: {  	s26 =	simm.s32 $execute0_lowered;
	[smem:$0x3FD2] =	sst s25  }
0xa6: {  	s4 =	sshll.u32 s26, $0x1;
	_ =	strace $0x8000004C;
	[dreg:$0x1] =	wrdreg $0xFFFFFFFF  }
0xa7: {  	s28 =	simm.s32 $_size_execute0_lowered;
	s2 =	sadd.s32 s2, s4;
	[dreg:$0x0] =	wrdreg $0x0  }
0xa8: {  	s4 =	sshll.u32 s28, $0x1;
	[dreg:$0x2] =	wrdreg s2  }
0xa9: {  	[dreg:$0x3] =	wrdreg s4  }
0xaa: {  	[dreg:$0x4] =	wrdreg $0xC0  }
0xab: {  	_ =	task [dreg:s6], $0x5FFFF  }
0xac: {  	[dreg:$0x1] =	wrdreg $0xFFFFFFFF  }
0xad: {  	[dreg:$0x0] =	wrdreg $0x60  }
0xae: {  	[dreg:$0x2] =	wrdreg s24  }
0xaf: {  	[dreg:$0x3] =	wrdreg $0x9  }
0xb0: {  	_ =	task.clear_ibuf [dreg:s6], $0x4FFFF;
	_ =	strace $0x9000004C  }
0xb1: {  	s29 =	simm.s32 $0x9;
	_ =	strace $0x8000004E  }
0xb2: {  	_ =	swait.ge [sflag:s29], $0x1  }
0xb3: {  	[sflag:s29] =	ssyncadd.s32 $0xFFFFFFFF  }
0xb4: {  	_ =	strace $0x9000004E  }
0xb5: {  	_ =	sfence  }
0xb6: {  	s30 =	sld [smem:$0x0];
	_ =	sdelay $0x2  }
0xb7: {  	s31 =	sshll.u32 s1, $0xD;
	s1 =	sshrl.u32 s1, $0x2  }
0xb8: {  	s3 =	sand.u32 $0x4000, s31;
	s1 =	sadd.s32 s1, s30  }
0xb9: {  	s0 =	sor.u32 s3, s0;
	s1 =	sshll.u32 s1, $0x11  }
0xba: {  	s0 =	sor.u32 s1, s0  }
0xbb: {  	s0 =	sadd.s32 $0x8F2B, s0  }
0xbc: {  	[sflag:s0] =	ssyncadd.remote.s32 $0x1  }
0xbd: {  	_ =	sfence.sel $0xFFFF  }
0xbe: {  	[dreg:$0x0] =	wrdreg $0xFFFFFFFF;
	(pc) =	sbr.abs _section_cstart, $3  }
0xbf: {  	[dreg:$0x1] =	wrdreg $0xFFFFFFFF  }
0xc0: {  	_ =	task.clear_ibuf [dreg:s6], $0x2FFFF;
	_ =	strace $0x9FFFFFFF  }
0xc1: {  	(tm) =	ssettm $0x7FFFFFFF  }
tec
execute0_lowered:
.L_overlay_start_1:
0x0: {  	(tag) =	ssettag $0x1  }
0x1: {  	s1 =	srdreg.scid  }
0x2: {  	s0 =	stileid.u32;
	s5 =	rddreg [dreg:$0x0]  }
0x3: {  	s2 =	simm.s32 $0x0;
	s16 =	simm.s32 $0x2710;
	s17 =	simm.s32 $0x3110  }
0x4: {  	s18 =	simm.s32 $0x1;
	s19 =	simm.s32 $0x2;
	s20 =	simm.s32 $0x0  }
0x5: {  	s9 =	sand.u32 $0x1, s1;
	s1 =	rddreg [dreg:$0x1];
	s8 =	smul.u32 $0x4E20, s0  }
0x6: {  	s3 =	sshll.u32 s0, $0x1;
	[smem:$0x7FF] =	sst s2;
	s15 =	smul.u32 $0x13880, s0  }
0x7: {  	s4 =	sadd.s32 $0x18800, s5;
	s11 =	sadd.s32 $0x164C00, s5;
	s14 =	smul.u32 $0x2710, s9  }
0x8: {  	s13 =	sadd.s32 $0x2C400, s5;
	s6 =	sor.u32 s9, s3;
	s30 =	smul.u32 $0x9C40, s9  }
0x9: {  	_ =	strace $0x8000004D;
	s29 =	ssub.s32 $0x2, s9;
	s7 =	smul.u32 $0x2710, s6  }
0xa: {  	s3 =	sadd.s32 $0x22600, s5;
	s6 =	smul.u32 $0x4E200, s6;
	s10 =	sshrl.u32 s29, $0x1  }
0xb: {  	s31 =	sadd.s32 s15, s11;
	s15 =	sadd.s32 s15, s13;
	s10 =	ssub.s32 s29, s10  }
0xc: {  	s14 =	sadd.s32 s14, s8;
	s7 =	sshrl.u32 s7, $0x3;
	s6 =	sshrl.u32 s6, $0x3  }
0xd: {  	s14 =	sshll.u32 s14, $0x2;
	s9 =	smax.u32 s10, $0x1;
	s10 =	sadd.s32 s30, s31  }
0xe: {  	s7 =	sadd.s32 s7, s5;
	s12 =	sadd.s32 $0x9B00, s6;
	s14 =	sadd.s32 $0x140, s14  }
0xf: {  	s5 =	sadd.s32 $0xEA00, s7;
	s6 =	sadd.s32 s11, s12;
	s7 =	sadd.s32 $0x4C00, s7  }
0x10: {  	s8 =	sadd.s32 s13, s12;
	s11 =	sadd.s32 s14, s11;
	s12 =	sadd.s32 s30, s15  }
0x11: {  	s13 =	sadd.s32 s14, s13;
	s14 =	simm.s32 $0x3;
	s15 =	simm.s32 $0x50  }
.LBB2_1:
0x12: {  	[tilespmem:s2], [sflag:$0x3] =	stream.linear.gather [hbm4b:s5+s2], $0x2710, $0x38;
	[tilespmem:$0x3B10] =	vst v63  }
0x13: {  	_ =	swait.ge [sflag:s14], $0x2710  }
0x14: {  	[sflag:s14] =	ssyncset.done $0x0  }
0x15: {  	[sflag:s14] =	ssyncadd.s32 $0xFFFFD8F0  }
0x16: {  	[tilespmem:s16], [sflag:$0x1] =	stream.indirect.gather [hbm4b:s3+s15], $0x20, s2, s15, $0xb8;
	[tilespmem:$0x3B10] =	vst v63  }
0x17: {  	s21 =	simm.s32 $0x50  }
0x18: {  	[tilespmem:s17], [sflag:$0x2] =	stream.indirect.gather [hbm4b:s3+s15], $0x20, s21, s15, $0xb8;
	[tilespmem:$0x3B10] =	vst v63  }
0x19: {  	_ =	swait.ge [sflag:s18], $0xA00  }
0x1a: {  	[sflag:s18] =	ssyncset.done $0x0  }
0x1b: {  	s29 =	sadd.s32 $0x0, s10;
	[sflag:s18] =	ssyncadd.s32 $0xFFFFF600  }
0x1c: {  	[hbm4b:s29+s2] =	stream.linear.scatter [tilespmem:s16], [sflag:$0x3], $0xA00, $0x38;
	[tilespmem:$0x3B10] =	vst v63  }
0x1d: {  	_ =	swait.ge [sflag:s14], $0xA00  }
0x1e: {  	[sflag:s14] =	ssyncset.done $0x0  }
0x1f: {  	s30 =	simm.s32 $0xA0;
	[sflag:s14] =	ssyncadd.s32 $0xFFFFF600  }
0x20: {  	[tilespmem:s16], [sflag:$0x1] =	stream.indirect.gather [hbm4b:s3+s15], $0x20, s30, s15, $0xb8;
	[tilespmem:$0x3B10] =	vst v63  }
0x21: {  	_ =	swait.ge [sflag:s19], $0xA00  }
0x22: {  	[sflag:s19] =	ssyncset.done $0x0  }
0x23: {  	s31 =	sadd.s32 $0x0, s11;
	[sflag:s19] =	ssyncadd.s32 $0xFFFFF600  }
0x24: {  	[hbm4b:s31+s2] =	stream.linear.scatter [tilespmem:s17], [sflag:$0x3], $0xA00, $0x38;
	[tilespmem:$0x3B10] =	vst v63  }
0x25: {  	s23 =	simm.s32 $0x500;
	_ =	swait.ge [sflag:s14], $0xA00  }
0x26: {  	s22 =	simm.s32 $0xA0;
	s21 =	simm.s32 $0x280;
	[sflag:s14] =	ssyncset.done $0x0  }
.LBB2_2:
0x27: {  	s24 =	sadd.s32 $0x50, s22  }
0x28: {  	[sflag:s14] =	ssyncadd.s32 $0xFFFFF600;
	s25 =	smov.u32 s23;
	s26 =	sadd.s32 $0x280, s23  }
0x29: {  	[tilespmem:s17], [sflag:$0x2] =	stream.indirect.gather [hbm4b:s3+s15], $0x20, s24, s15, $0xb8;
	[tilespmem:$0x3B10] =	vst v63  }
0x2a: {  	p0 =	sne.s32 s23, $0x9880;
	_ =	swait.ge [sflag:s18], $0xA00  }
0x2b: {  	[sflag:s18] =	ssyncset.done $0x0  }
0x2c: {  	s23 =	sadd.s32 s21, s10;
	[sflag:s18] =	ssyncadd.s32 $0xFFFFF600  }
0x2d: {  	[hbm4b:s23+s2] =	stream.linear.scatter [tilespmem:s16], [sflag:$0x3], $0xA00, $0x38;
	[tilespmem:$0x3B10] =	vst v63  }
0x2e: {  	_ =	swait.ge [sflag:s14], $0xA00  }
0x2f: {  	[sflag:s14] =	ssyncset.done $0x0  }
0x30: {  	s22 =	sadd.s32 $0xA0, s22;
	[sflag:s14] =	ssyncadd.s32 $0xFFFFF600  }
0x31: {  	[tilespmem:s16], [sflag:$0x1] =	stream.indirect.gather [hbm4b:s3+s15], $0x20, s22, s15, $0xb8;
	[tilespmem:$0x3B10] =	vst v63  }
0x32: {  	_ =	swait.ge [sflag:s19], $0xA00  }
.Ltmp0:
0x33: {  	[sflag:s19] =	ssyncset.done $0x0;
	(pc) =	sbr.rel @p0 .LBB2_2-.Ltmp0, $4  }
0x34: {  	s22 =	sadd.s32 s21, s11;
	s21 =	smov.u32 s25;
	[sflag:s19] =	ssyncadd.s32 $0xFFFFF600  }
0x35: {  	[hbm4b:s22+s2] =	stream.linear.scatter [tilespmem:s17], [sflag:$0x3], $0xA00, $0x38;
	[tilespmem:$0x3B10] =	vst v63  }
0x36: {  	_ =	swait.ge [sflag:s14], $0xA00  }
0x37: {  	s23 =	smov.u32 s26;
	s22 =	sshra.s32 s21, $0x2;
	[sflag:s14] =	ssyncset.done $0x0  }
0x38: {  	s23 =	sadd.s32 $0x50, s22;
	[sflag:s14] =	ssyncadd.s32 $0xFFFFF600  }
0x39: {  	[tilespmem:s17], [sflag:$0x2] =	stream.indirect.gather [hbm4b:s3+s15], $0x20, s23, s15, $0xb8;
	[tilespmem:$0x3B10] =	vst v63  }
0x3a: {  	_ =	swait.ge [sflag:s18], $0xA00  }
0x3b: {  	[sflag:s18] =	ssyncset.done $0x0  }
0x3c: {  	s31 =	sadd.s32 s21, s10;
	[sflag:s18] =	ssyncadd.s32 $0xFFFFF600  }
0x3d: {  	[hbm4b:s31+s2] =	stream.linear.scatter [tilespmem:s16], [sflag:$0x3], $0xA00, $0x38;
	[tilespmem:$0x3B10] =	vst v63  }
0x3e: {  	_ =	swait.ge [sflag:s14], $0xA00  }
0x3f: {  	[sflag:s14] =	ssyncset.done $0x0  }
0x40: {  	s24 =	sadd.s32 $0xA0, s22;
	[sflag:s14] =	ssyncadd.s32 $0xFFFFF600  }
0x41: {  	[tilespmem:s16], [sflag:$0x1] =	stream.indirect.gather [hbm4b:s3+s15], $0x20, s24, s15, $0xb8;
	[tilespmem:$0x3B10] =	vst v63  }
0x42: {  	_ =	swait.ge [sflag:s19], $0xA00  }
0x43: {  	[sflag:s19] =	ssyncset.done $0x0  }
0x44: {  	s25 =	sadd.s32 s21, s11;
	[sflag:s19] =	ssyncadd.s32 $0xFFFFF600  }
0x45: {  	[hbm4b:s25+s2] =	stream.linear.scatter [tilespmem:s17], [sflag:$0x3], $0xA00, $0x38;
	[tilespmem:$0x3B10] =	vst v63  }
0x46: {  	_ =	swait.ge [sflag:s14], $0xA00  }
0x47: {  	[sflag:s14] =	ssyncset.done $0x0  }
0x48: {  	[sflag:s14] =	ssyncadd.s32 $0xFFFFF600  }
0x49: {  	_ =	swait.ge [sflag:s18], $0xA00  }
0x4a: {  	[sflag:s18] =	ssyncset.done $0x0  }
0x4b: {  	s26 =	simm.s32 $0x0;
	[sflag:s18] =	ssyncadd.s32 $0xFFFFF600  }
0x4c: {  	[hbm4b:s6+s26] =	stream.linear.scatter [tilespmem:s16], [sflag:$0x3], $0xA00, $0x38;
	[tilespmem:$0x3B10] =	vst v63  }
0x4d: {  	_ =	swait.ge [sflag:s14], $0xA00  }
0x4e: {  	[sflag:s14] =	ssyncset.done $0x0  }
0x4f: {  	[sflag:s14] =	ssyncadd.s32 $0xFFFFF600  }
0x50: {  	[tilespmem:s26], [sflag:$0x3] =	stream.linear.gather [hbm4b:s7+s26], $0x2710, $0x38;
	[tilespmem:$0x3B10] =	vst v63  }
0x51: {  	_ =	swait.ge [sflag:s14], $0x2710  }
0x52: {  	[sflag:s14] =	ssyncset.done $0x0  }
0x53: {  	[sflag:s14] =	ssyncadd.s32 $0xFFFFD8F0  }
0x54: {  	[tilespmem:s16], [sflag:$0x1] =	stream.indirect.gather [hbm4b:s4+s15], $0x20, s26, s15, $0xb8;
	[tilespmem:$0x3B10] =	vst v63  }
0x55: {  	s28 =	simm.s32 $0x50  }
0x56: {  	[tilespmem:s17], [sflag:$0x2] =	stream.indirect.gather [hbm4b:s4+s15], $0x20, s28, s15, $0xb8;
	[tilespmem:$0x3B10] =	vst v63  }
0x57: {  	_ =	swait.ge [sflag:s18], $0xA00  }
0x58: {  	[sflag:s18] =	ssyncset.done $0x0  }
0x59: {  	s29 =	sadd.s32 $0x0, s12;
	[sflag:s18] =	ssyncadd.s32 $0xFFFFF600  }
0x5a: {  	[hbm4b:s29+s2] =	stream.linear.scatter [tilespmem:s16], [sflag:$0x3], $0xA00, $0x38;
	[tilespmem:$0x3B10] =	vst v63  }
0x5b: {  	_ =	swait.ge [sflag:s14], $0xA00  }
0x5c: {  	[sflag:s14] =	ssyncset.done $0x0  }
0x5d: {  	s30 =	simm.s32 $0xA0;
	[sflag:s14] =	ssyncadd.s32 $0xFFFFF600  }
0x5e: {  	[tilespmem:s16], [sflag:$0x1] =	stream.indirect.gather [hbm4b:s4+s15], $0x20, s30, s15, $0xb8;
	[tilespmem:$0x3B10] =	vst v63  }
0x5f: {  	_ =	swait.ge [sflag:s19], $0xA00  }
0x60: {  	[sflag:s19] =	ssyncset.done $0x0  }
0x61: {  	s31 =	sadd.s32 $0x0, s13;
	[sflag:s19] =	ssyncadd.s32 $0xFFFFF600  }
0x62: {  	[hbm4b:s31+s2] =	stream.linear.scatter [tilespmem:s17], [sflag:$0x3], $0xA00, $0x38;
	[tilespmem:$0x3B10] =	vst v63  }
0x63: {  	s21 =	simm.s32 $0x280;
	_ =	swait.ge [sflag:s14], $0xA00  }
0x64: {  	s22 =	simm.s32 $0xA0;
	s23 =	simm.s32 $0x500;
	[sflag:s14] =	ssyncset.done $0x0  }
.LBB2_4:
0x65: {  	s24 =	sadd.s32 $0x50, s22  }
0x66: {  	[sflag:s14] =	ssyncadd.s32 $0xFFFFF600;
	s25 =	smov.u32 s23;
	s26 =	sadd.s32 $0x280, s23  }
0x67: {  	[tilespmem:s17], [sflag:$0x2] =	stream.indirect.gather [hbm4b:s4+s15], $0x20, s24, s15, $0xb8;
	[tilespmem:$0x3B10] =	vst v63  }
0x68: {  	p0 =	sne.s32 s23, $0x9880;
	_ =	swait.ge [sflag:s18], $0xA00  }
0x69: {  	[sflag:s18] =	ssyncset.done $0x0  }
0x6a: {  	s23 =	sadd.s32 s21, s12;
	[sflag:s18] =	ssyncadd.s32 $0xFFFFF600  }
0x6b: {  	[hbm4b:s23+s2] =	stream.linear.scatter [tilespmem:s16], [sflag:$0x3], $0xA00, $0x38;
	[tilespmem:$0x3B10] =	vst v63  }
0x6c: {  	_ =	swait.ge [sflag:s14], $0xA00  }
0x6d: {  	[sflag:s14] =	ssyncset.done $0x0  }
0x6e: {  	s22 =	sadd.s32 $0xA0, s22;
	[sflag:s14] =	ssyncadd.s32 $0xFFFFF600  }
0x6f: {  	[tilespmem:s16], [sflag:$0x1] =	stream.indirect.gather [hbm4b:s4+s15], $0x20, s22, s15, $0xb8;
	[tilespmem:$0x3B10] =	vst v63  }
0x70: {  	_ =	swait.ge [sflag:s19], $0xA00  }
.Ltmp1:
0x71: {  	[sflag:s19] =	ssyncset.done $0x0;
	(pc) =	sbr.rel @p0 .LBB2_4-.Ltmp1, $4  }
0x72: {  	s22 =	sadd.s32 s21, s13;
	s21 =	smov.u32 s25;
	[sflag:s19] =	ssyncadd.s32 $0xFFFFF600  }
0x73: {  	[hbm4b:s22+s2] =	stream.linear.scatter [tilespmem:s17], [sflag:$0x3], $0xA00, $0x38;
	[tilespmem:$0x3B10] =	vst v63  }
0x74: {  	_ =	swait.ge [sflag:s14], $0xA00  }
0x75: {  	s23 =	smov.u32 s26;
	s22 =	sshra.s32 s21, $0x2;
	[sflag:s14] =	ssyncset.done $0x0  }
0x76: {  	s23 =	sadd.s32 $0x50, s22;
	[sflag:s14] =	ssyncadd.s32 $0xFFFFF600  }
0x77: {  	[tilespmem:s17], [sflag:$0x2] =	stream.indirect.gather [hbm4b:s4+s15], $0x20, s23, s15, $0xb8;
	[tilespmem:$0x3B10] =	vst v63  }
0x78: {  	_ =	swait.ge [sflag:s18], $0xA00  }
0x79: {  	[sflag:s18] =	ssyncset.done $0x0  }
0x7a: {  	s29 =	sadd.s32 s21, s12;
	[sflag:s18] =	ssyncadd.s32 $0xFFFFF600  }
0x7b: {  	[hbm4b:s29+s2] =	stream.linear.scatter [tilespmem:s16], [sflag:$0x3], $0xA00, $0x38;
	[tilespmem:$0x3B10] =	vst v63  }
0x7c: {  	_ =	swait.ge [sflag:s14], $0xA00  }
0x7d: {  	[sflag:s14] =	ssyncset.done $0x0  }
0x7e: {  	s30 =	sadd.s32 $0xA0, s22;
	[sflag:s14] =	ssyncadd.s32 $0xFFFFF600  }
0x7f: {  	[tilespmem:s16], [sflag:$0x1] =	stream.indirect.gather [hbm4b:s4+s15], $0x20, s30, s15, $0xb8;
	[tilespmem:$0x3B10] =	vst v63  }
0x80: {  	_ =	swait.ge [sflag:s19], $0xA00  }
0x81: {  	[sflag:s19] =	ssyncset.done $0x0  }
0x82: {  	s31 =	sadd.s32 s21, s13;
	[sflag:s19] =	ssyncadd.s32 $0xFFFFF600  }
0x83: {  	[hbm4b:s31+s2] =	stream.linear.scatter [tilespmem:s17], [sflag:$0x3], $0xA00, $0x38;
	[tilespmem:$0x3B10] =	vst v63  }
0x84: {  	_ =	swait.ge [sflag:s14], $0xA00  }
0x85: {  	[sflag:s14] =	ssyncset.done $0x0  }
0x86: {  	[sflag:s14] =	ssyncadd.s32 $0xFFFFF600  }
0x87: {  	s20 =	sadd.s32 $0x1, s20;
	_ =	swait.ge [sflag:s18], $0xA00  }
0x88: {  	p0 =	sne.s32 s20, s9;
	[sflag:s18] =	ssyncset.done $0x0  }
.Ltmp2:
0x89: {  	[sflag:s18] =	ssyncadd.s32 $0xFFFFF600;
	(pc) =	sbr.rel @p0 .LBB2_1-.Ltmp2, $4  }
0x8a: {  	[hbm4b:s8+s2] =	stream.linear.scatter [tilespmem:s16], [sflag:$0x3], $0xA00, $0x38;
	[tilespmem:$0x3B10] =	vst v63  }
0x8b: {  	_ =	swait.ge [sflag:s14], $0xA00  }
0x8c: {  	[sflag:s14] =	ssyncset.done $0x0  }
0x8d: {  	[sflag:s14] =	ssyncadd.s32 $0xFFFFF600  }
0x8e: {  	_ =	sfence.sel $0x180000  }
0x8f: {  	[bflag:$0x0] =	sbarrier.arrive $0xFFFF  }
0x90: {  	p0 =	sne.s32 s0, $0x0;
	_ =	strace $0x9000004D  }
0x91: {  	s0 =	sadd.s32 @!p0 $0x100000, s1;
	[bflag:$0x2] =	sbarrier.arrive $0xFFFF  }
0x92: {  	[sflag:s0] =	ssyncadd.tile.s32 @!p0 $0x1;
	_ =	shalt  }
.Lfunc_end2:
_tile_overlayer_lowered:
.L_overlay_start_2:
0x93: {  	(tag) =	ssettag $0x2  }
0x94: {  	s0 =	rddreg [dreg:$0x0];
	s2 =	stileid.u32  }
0x95: {  	s1 =	rddreg [dreg:$0x1];
	p0 =	sne.s32 s2, $0x0  }
0x96: {  	s3 =	rddreg [dreg:$0x2];
	[bflag:$0x3] =	sbarrier.arrive $0xFFFF;
	s2 =	simm.s32 @!p0 $0x1C03  }
0x97: {  	[timem:s3], [sflag:s2] =	dma.local @!p0 [hbm:s0], s1  }
0x98: {  	s0 =	simm.s32 @!p0 $0x3  }
0x99: {  	_ =	swait.ge @!p0 [sflag:s0], s1  }
0x9a: {  	s1 =	ssub.s32 @!p0 $0x0, s1;
	[sflag:s0] =	ssyncset.done @!p0 $0x0  }
0x9b: {  	[sflag:s0] =	ssyncadd.s32 @!p0 s1  }
0x9c: {  	[bflag:$0x3] =	sbarrier.arrive $0xFFFF  }
0x9d: {  	_ =	shalt  }

// kernel: kernel.25.cloned.1.call-start
scs
__scs_entry_jumppad:
0x0: {  	(pc) =	sbr.rel $0x88, $3  }
0x1: {  	(tag) =	ssettag $0x0;
	lr =	simm.s32 $0x1  }
0x2: {  	[smem:$0x3F8A] =	sst lr;
	_ =	strace $0xD0000000  }
0x3: {  	_ = 	snop  }
0x4: {  	_ = 	snop  }
0x5: {  	_ = 	snop  }
0x6: {  	_ = 	snop  }
0x7: {  	_ = 	snop  }
__scs_overlays_trampoline_lowered:
0x8: {  	[smem:$0x3F99] =	sst s0  }
0x9: {  	[smem:$0x3F9A] =	sst s1  }
0xa: {  	[smem:$0x3F9B] =	sst s2  }
0xb: {  	[smem:$0x3F9C] =	sst s3  }
0xc: {  	[smem:$0x3F9D] =	sst s4  }
0xd: {  	[smem:$0x3F9E] =	sst s5  }
0xe: {  	[smem:$0x3F9F] =	sst s6  }
0xf: {  	[smem:$0x3FA0] =	sst s7  }
0x10: {  	[smem:$0x3FA1] =	sst s8  }
0x11: {  	[smem:$0x3FA2] =	sst s9;
	s0 =	simm.s32 @!p0 $0x0  }
0x12: {  	s1 =	sld [smem:$0x3F88];
	s0 =	simm.s32 @p0 $0x1  }
0x13: {  	[smem:$0x3FA3] =	sst s0;
	s0 =	simm.s32 @!p1 $0x0  }
0x14: {  	s2 =	sld [smem:$0x3F87];
	s0 =	simm.s32 @p1 $0x1  }
0x15: {  	[smem:$0x3FA4] =	sst s0;
	s0 =	simm.s32 @!p2 $0x0  }
0x16: {  	s3 =	sld [smem:$0x3FDB];
	s0 =	simm.s32 @p2 $0x1  }
0x17: {  	s4 =	simm.s32 $0x1BF5;
	[smem:$0x3FA6] =	sst s0  }
0x18: {  	s0 =	sld [smem:$0x3F89];
	_ =	swait.ge [sflag:s4], $0x0  }
0x19: {  	s7 =	sld [smem:$0x3F8A]  }
0x1a: {  	s8 =	sadd.s32 $0xFFFFE003, lr  }
0x1b: {  	s9 =	sadd.s32 $0xFFFFFEF7, lr;
	s5 =	simm.s32 $0xFFFFFFFF;
	p2 =	slt.u32 s8, $0xFFFFF086  }
0x1c: {  	p1 =	slt.u32 s9, $0xF7A;
	s5 =	simm.s32 @!p2 $0x0  }
0x1d: {  	s5 =	simm.s32 @p1 $0x1;
	p0 =	seq.s32 s7, s2  }
0x1e: {  	s7 =	smul.u32 @!p0 $0xF7A, s2;
	p2 =	seq.s32 @!p0 s5, $0x0  }
0x1f: {  	s9 =	smul.u32 $0xF7A, s1;
	s8 =	simm.s32 @!p0 $0x1BF5;
	p2 =	por !p2, p0  }
0x20: {  	[sflag:s8] =	ssyncset.s32 @!p0 $0xFFFFF086;
	s6 =	sadd.s32 @!p0 s3, s7;
	s7 =	simm.s32 @!p0 $0x108  }
0x21: {  	s3 =	sadd.s32 s3, s9;
	s6 =	sadd.s32 @!p0 $0x88, s6;
	s7 =	simm.s32 @p2 $0x1082  }
0x22: {  	[simem:s7], [sflag:s8] =	dma.local @!p0 [hbm:s6], $0xF7A  }
0x23: {  	s9 =	sor.u32 $0xD0000000, s2;
	s6 =	simm.s32 $0x108;
	_ =	swait.ge @!p0 [sflag:s8], $0x0  }
0x24: {  	s3 =	sadd.s32 $0x88, s3;
	s6 =	simm.s32 @!p1 $0x1082;
	[sflag:s4] =	ssyncset.s32 $0xFFFFF086  }
0x25: {  	[simem:s6], [sflag:s4] =	dma.local [hbm:s3], $0xF7A  }
0x26: {  	[smem:$0x3F8A] =	sst s1;
	(tag) =	ssettag s2;
	_ =	strace s9  }
0x27: {  	s1 =	sld [smem:$0x3F9A]  }
0x28: {  	s2 =	sld [smem:$0x3F9B]  }
0x29: {  	s4 =	sld [smem:$0x3F9D]  }
0x2a: {  	p0 =	seq.s32 s5, $0x0;
	s5 =	sld [smem:$0x3F9E]  }
0x2b: {  	s6 =	sld [smem:$0x3F9F]  }
0x2c: {  	s7 =	sld [smem:$0x3FA0]  }
0x2d: {  	s3 =	simm.s32 $0x108;
	s8 =	sld [smem:$0x3FA1]  }
0x2e: {  	s3 =	simm.s32 @!p0 $0x1082;
	s9 =	sld [smem:$0x3FA2]  }
0x2f: {  	lr =	sadd.s32 s0, s3;
	s0 =	sld [smem:$0x3F99]  }
0x30: {  	s3 =	sld [smem:$0x3F9C]  }
0x31: {  	[smem:$0x3FA5] =	sst s10  }
0x32: {  	s10 =	sld [smem:$0x3FA3];
	_ =	sdelay $0x3  }
0x33: {  	p0 =	seq.s32 s10, $0x1;
	s10 =	sld [smem:$0x3FA5];
	_ =	sdelay $0x3  }
0x34: {  	[smem:$0x3FA5] =	sst s10  }
0x35: {  	s10 =	sld [smem:$0x3FA4];
	_ =	sdelay $0x3  }
0x36: {  	p1 =	seq.s32 s10, $0x1;
	s10 =	sld [smem:$0x3FA5];
	_ =	sdelay $0x3  }
0x37: {  	[smem:$0x3FA5] =	sst s10  }
0x38: {  	s10 =	sld [smem:$0x3FA6]  }
0x39: {  	_ = 	snop;
	(pc) =	sbr.ind lr, $3  }
0x3a: {  	_ = 	snop  }
0x3b: {  	_ = 	snop  }
0x3c: {  	p2 =	seq.s32 s10, $0x1;
	s10 =	sld [smem:$0x3FA5]  }
0x3d: {  	_ =	shalt  }
0x3e: {  	_ =	shalt  }
0x3f: {  	_ =	shalt  }
0x40: {  	_ =	shalt  }
0x41: {  	_ =	shalt  }
0x42: {  	_ =	shalt  }
0x43: {  	_ =	shalt  }
0x44: {  	_ =	shalt  }
0x45: {  	_ =	shalt  }
0x46: {  	_ =	shalt  }
0x47: {  	_ =	shalt  }
0x48: {  	_ =	shalt  }
0x49: {  	_ =	shalt  }
0x4a: {  	_ =	shalt  }
0x4b: {  	_ =	shalt  }
0x4c: {  	_ =	shalt  }
0x4d: {  	_ =	shalt  }
0x4e: {  	_ =	shalt  }
0x4f: {  	_ =	shalt  }
0x50: {  	_ =	shalt  }
0x51: {  	_ =	shalt  }
0x52: {  	_ =	shalt  }
0x53: {  	_ =	shalt  }
0x54: {  	_ =	shalt  }
0x55: {  	_ =	shalt  }
0x56: {  	_ =	shalt  }
0x57: {  	_ =	shalt  }
0x58: {  	_ =	shalt  }
0x59: {  	_ =	shalt  }
0x5a: {  	_ =	shalt  }
0x5b: {  	_ =	shalt  }
0x5c: {  	_ =	shalt  }
0x5d: {  	_ =	shalt  }
0x5e: {  	_ =	shalt  }
0x5f: {  	_ =	shalt  }
0x60: {  	_ =	shalt  }
0x61: {  	_ =	shalt  }
0x62: {  	_ =	shalt  }
0x63: {  	_ =	shalt  }
0x64: {  	_ =	shalt  }
0x65: {  	_ =	shalt  }
0x66: {  	_ =	shalt  }
0x67: {  	_ =	shalt  }
0x68: {  	_ =	shalt  }
0x69: {  	_ =	shalt  }
0x6a: {  	_ =	shalt  }
0x6b: {  	_ =	shalt  }
0x6c: {  	_ =	shalt  }
0x6d: {  	_ =	shalt  }
0x6e: {  	_ =	shalt  }
0x6f: {  	_ =	shalt  }
0x70: {  	_ =	shalt  }
0x71: {  	_ =	shalt  }
0x72: {  	_ =	shalt  }
0x73: {  	_ =	shalt  }
0x74: {  	_ =	shalt  }
0x75: {  	_ =	shalt  }
0x76: {  	_ =	shalt  }
0x77: {  	_ =	shalt  }
0x78: {  	_ =	shalt  }
0x79: {  	_ =	shalt  }
0x7a: {  	_ =	shalt  }
0x7b: {  	_ =	shalt  }
0x7c: {  	_ =	shalt  }
0x7d: {  	_ =	shalt  }
0x7e: {  	_ =	shalt  }
0x7f: {  	_ =	shalt  }
0x80: {  	_ =	shalt  }
0x81: {  	_ =	shalt  }
0x82: {  	_ =	shalt  }
0x83: {  	_ =	shalt  }
0x84: {  	_ =	shalt  }
0x85: {  	_ =	shalt  }
0x86: {  	_ =	shalt  }
0x87: {  	_ =	shalt  }
.Lfunc_end0:
.L_simem_size_0:
called_computation.3_lowered:
.L_overlay_start_0:
0x88: {  	s2 =	sld [smem:$0x3FD9]  }
0x89: {  	s3 =	sld [smem:$0x3FFE];
	_ =	sdelay $0x1  }
0x8a: {  	s1 =	srdreg.scid  }
0x8b: {  	s0 =	sand.u32 $0x1, s1  }
0x8c: {  	s16 =	sshll.u32 s0, $0xA;
	s2 =	sadd.s32 s3, s2  }
0x8d: {  	s2 =	sadd.s32 s2, s16  }
0x8e: {  	[smem:$0x3FB1] =	sst s2  }
0x8f: {  	_ = 	snop  }
0x90: {  	(tm) =	ssettm $0x1  }
0x91: {  	s17 =	sld [smem:$0x3FFB];
	_ =	sdelay $0x3  }
0x92: {  	_ =	strace s17  }
0x93: {  	s2 =	sld [smem:$0x3FFC];
	_ =	sdelay $0x3  }
0x94: {  	_ =	strace s2  }
0x95: {  	s2 =	sld [smem:$0x3FFD];
	_ =	sdelay $0x3  }
0x96: {  	_ =	strace s2  }
0x97: {  	_ =	strace $0x8FFFFFFF  }
0x98: {  	s18 =	sld [smem:$0x3FDB];
	_ =	sdelay $0x1  }
0x99: {  	s19 =	simm.s32 $_scs_section_size  }
0x9a: {  	s4 =	simm.s32 $_size__tile_overlayer_lowered;
	s5 =	simm.s32 $_tile_overlayer_lowered  }
0x9b: {  	s22 =	simm.s32 $0x1BFF;
	s21 =	sshll.u32 s5, $0x1;
	s2 =	sadd.s32 s19, s18  }
0x9c: {  	s6 =	simm.s32 $0x0;
	s20 =	sshll.u32 s4, $0x1;
	s4 =	sadd.s32 s21, s2  }
0x9d: {  	[timem:s6], [sflag:s22] =	dma.local [hbm:s4], s20  }
0x9e: {  	_ =	swait.ge [sflag:s22], s20  }
0x9f: {  	s3 =	ssub.s32 $0x0, s20;
	[sflag:s22] =	ssyncset.done $0x0  }
0xa0: {  	[sflag:s22] =	ssyncadd.s32 s3;
	_ =	sdelay $0x1  }
0xa1: {  	s23 =	simm.s32 $0x1B8B  }
0xa2: {  	_ =	swait.ge [sflag:s23], $0x1  }
0xa3: {  	[sflag:s23] =	ssyncset.done $0x0  }
0xa4: {  	s25 =	simm.s32 $0x1B8E;
	s24 =	sld [smem:$0x3FFE];
	[sflag:s23] =	ssyncadd.s32 $0xFFFFFFFF  }
0xa5: {  	s26 =	simm.s32 $execute0_lowered;
	[smem:$0x3FD2] =	sst s25  }
0xa6: {  	s4 =	sshll.u32 s26, $0x1;
	_ =	strace $0x8000004F;
	[dreg:$0x1] =	wrdreg $0xFFFFFFFF  }
0xa7: {  	s28 =	simm.s32 $_size_execute0_lowered;
	s2 =	sadd.s32 s2, s4;
	[dreg:$0x0] =	wrdreg $0x0  }
0xa8: {  	s4 =	sshll.u32 s28, $0x1;
	[dreg:$0x2] =	wrdreg s2  }
0xa9: {  	[dreg:$0x3] =	wrdreg s4  }
0xaa: {  	[dreg:$0x4] =	wrdreg $0xC0  }
0xab: {  	_ =	task [dreg:s6], $0x5FFFF  }
0xac: {  	[dreg:$0x1] =	wrdreg $0xFFFFFFFF  }
0xad: {  	[dreg:$0x0] =	wrdreg $0x60  }
0xae: {  	[dreg:$0x2] =	wrdreg s24  }
0xaf: {  	[dreg:$0x3] =	wrdreg $0x45100  }
0xb0: {  	[dreg:$0x4] =	wrdreg $0x9  }
0xb1: {  	_ =	task.clear_ibuf [dreg:s6], $0x5FFFF;
	_ =	strace $0x9000004F  }
0xb2: {  	s29 =	simm.s32 $0x9;
	_ =	strace $0x80000051  }
0xb3: {  	_ =	swait.ge [sflag:s29], $0x1  }
0xb4: {  	[sflag:s29] =	ssyncadd.s32 $0xFFFFFFFF  }
0xb5: {  	_ =	strace $0x90000051  }
0xb6: {  	_ =	sfence  }
0xb7: {  	s30 =	sld [smem:$0x0];
	_ =	sdelay $0x2  }
0xb8: {  	s31 =	sshll.u32 s1, $0xD;
	s1 =	sshrl.u32 s1, $0x2  }
0xb9: {  	s3 =	sand.u32 $0x4000, s31;
	s1 =	sadd.s32 s1, s30  }
0xba: {  	s0 =	sor.u32 s3, s0;
	s1 =	sshll.u32 s1, $0x11  }
0xbb: {  	s0 =	sor.u32 s1, s0  }
0xbc: {  	s0 =	sadd.s32 $0x8F2B, s0  }
0xbd: {  	[sflag:s0] =	ssyncadd.remote.s32 $0x1  }
0xbe: {  	_ =	sfence.sel $0xFFFF  }
0xbf: {  	[dreg:$0x0] =	wrdreg $0xFFFFFFFF;
	(pc) =	sbr.abs _section_cstart, $3  }
0xc0: {  	[dreg:$0x1] =	wrdreg $0xFFFFFFFF  }
0xc1: {  	_ =	task.clear_ibuf [dreg:s6], $0x2FFFF;
	_ =	strace $0x9FFFFFFF  }
0xc2: {  	(tm) =	ssettm $0x7FFFFFFF  }
0xc3: {  	_ =	shalt  }
tec
execute0_lowered:
.L_overlay_start_1:
0x0: {  	(tag) =	ssettag $0x1  }
0x1: {  	s1 =	srdreg.scid;
	s6 =	rddreg [dreg:$0x0]  }
0x2: {  	s0 =	stileid.u32;
	s2 =	rddreg [dreg:$0x1]  }
0x3: {  	s3 =	simm.s32 $0x0;
	s16 =	simm.s32 $0x50;
	s17 =	simm.s32 $0x2  }
0x4: {  	s18 =	simm.s32 $0x26C0;
	s19 =	simm.s32 $0x0;
	s8 =	smul.u32 $0x7800, s0  }
0x5: {  	s5 =	sand.u32 $0x1, s1;
	s1 =	rddreg [dreg:$0x2];
	s13 =	smul.u32 $0x1D4C0, s0  }
0x6: {  	s26 =	sshll.u32 s0, $0x1;
	[smem:$0x7FF] =	sst s3;
	s9 =	smul.u32 $0x78000, s5  }
0x7: {  	s10 =	sadd.s32 $0xA03C00, s6;
	s7 =	sor.u32 s5, s26;
	s14 =	smul.u32 $0xEA60, s5  }
0x8: {  	s29 =	sshll.u32 s0, $0x6;
	_ =	strace $0x80000050;
	s4 =	smul.u32 $0x2710, s7  }
0x9: {  	s12 =	ssub.s32 $0x2, s5;
	s5 =	sor.u32 $0x1C03, s29;
	s7 =	smul.u32 $0xEA60, s7  }
0xa: {  	s28 =	sshrl.u32 s12, $0x1;
	s15 =	sadd.s32 s8, s2;
	s30 =	sadd.s32 s13, s10  }
0xb: {  	s13 =	simm.s32 $0x2710;
	s9 =	sadd.s32 s8, s9;
	s12 =	ssub.s32 s12, s28  }
0xc: {  	s31 =	sadd.s32 s14, s30;
	s14 =	simm.s32 $0x3610;
	s4 =	sshrl.u32 s4, $0x3  }
0xd: {  	s9 =	sshrl.u32 s9, $0x3;
	s7 =	sadd.s32 s10, s7;
	s10 =	sadd.s32 $0x3C0, s31  }
0xe: {  	s11 =	sadd.s32 s4, s6;
	s4 =	sadd.s32 $0x18800, s6;
	s9 =	sadd.s32 s9, s6  }
0xf: {  	s6 =	sadd.s32 $0xEA00, s11;
	s8 =	sadd.s32 $0x19800, s9;
	s9 =	smax.u32 s12, $0x1  }
0x10: {  	s11 =	sshrl.u32 s15, $0x3;
	s12 =	simm.s32 $0x3;
	s15 =	simm.s32 $0x1  }
.LBB2_1:
0x11: {  	[spmem:s11], [sflag:s5] =	dma.local [hbm:s4], $0xF00  }
0x12: {  	_ =	swait.ge [sflag:s12], $0xF00  }
0x13: {  	[sflag:s12] =	ssyncset.done $0x0  }
0x14: {  	[sflag:s12] =	ssyncadd.s32 $0xFFFFF100  }
0x15: {  	[bflag:$0x0] =	sbarrier.arrive $0xFFFF  }
0x16: {  	[tilespmem:s3], [sflag:$0x3] =	stream.linear.gather [hbm4b:s6+s3], $0x2710, $0x38;
	[tilespmem:$0xBD10] =	vst v63  }
0x17: {  	_ =	swait.ge [sflag:s12], $0x2710  }
0x18: {  	[sflag:s12] =	ssyncset.done $0x0  }
0x19: {  	[sflag:s12] =	ssyncadd.s32 $0xFFFFD8F0  }
0x1a: {  	[tilespmem:s13], [sflag:$0x1] =	stream.linear.gather [hbm4b:s7+s3], $0xF00, $0x38;
	[tilespmem:$0xBD10] =	vst v63  }
0x1b: {  	s20 =	sadd.s32 $0xFFFFFE20, s10  }
0x1c: {  	[tilespmem:s14], [sflag:$0x2] =	stream.linear.gather [hbm4b:s20+s3], $0xF00, $0x38;
	[tilespmem:$0xBD10] =	vst v63  }
0x1d: {  	_ =	swait.ge [sflag:s15], $0xF00  }
0x1e: {  	[sflag:s15] =	ssyncset.done $0x0  }
0x1f: {  	s30 =	simm.s32 $0x0;
	[sflag:s15] =	ssyncadd.s32 $0xFFFFF100  }
0x20: {  	[spmem:s2] =	stream.indirect.scatter.add.f32 [tilespmem:s13], [sflag:$0x3], $0x30, s30, s16, $0xb8;
	[tilespmem:$0xBD10] =	vst v63  }
0x21: {  	_ =	swait.ge [sflag:s12], $0xF00  }
0x22: {  	[sflag:s12] =	ssyncset.done $0x0  }
0x23: {  	[sflag:s12] =	ssyncadd.s32 $0xFFFFF100  }
0x24: {  	[tilespmem:s13], [sflag:$0x1] =	stream.linear.gather [hbm4b:s10+s3], $0xF00, $0x38;
	[tilespmem:$0xBD10] =	vst v63  }
0x25: {  	_ =	swait.ge [sflag:s17], $0xF00  }
0x26: {  	[sflag:s17] =	ssyncset.done $0x0  }
0x27: {  	s31 =	simm.s32 $0x50;
	[sflag:s17] =	ssyncadd.s32 $0xFFFFF100  }
0x28: {  	[spmem:s2] =	stream.indirect.scatter.add.f32 [tilespmem:s14], [sflag:$0x3], $0x30, s31, s16, $0xb8;
	[tilespmem:$0xBD10] =	vst v63  }
0x29: {  	s21 =	simm.s32 $0x280;
	_ =	swait.ge [sflag:s12], $0xF00  }
0x2a: {  	s22 =	simm.s32 $0x500;
	s20 =	sadd.s32 $0x3C0, s10;
	[sflag:s12] =	ssyncset.done $0x0  }
.LBB2_2:
0x2b: {  	p0 =	sne.s32 s22, $0x9880;
	s23 =	sadd.s32 $0xFFFFFE20, s20;
	[sflag:s12] =	ssyncadd.s32 $0xFFFFF100  }
0x2c: {  	[tilespmem:s14], [sflag:$0x2] =	stream.linear.gather [hbm4b:s23+s3], $0xF00, $0x38;
	[tilespmem:$0xBD10] =	vst v63  }
0x2d: {  	s23 =	smov.u32 s22;
	s22 =	sadd.s32 $0x280, s22;
	_ =	swait.ge [sflag:s15], $0xF00  }
0x2e: {  	[sflag:s15] =	ssyncset.done $0x0  }
0x2f: {  	s24 =	sshra.s32 s21, $0x2;
	s21 =	smov.u32 s23;
	[sflag:s15] =	ssyncadd.s32 $0xFFFFF100  }
0x30: {  	[spmem:s2] =	stream.indirect.scatter.add.f32 [tilespmem:s13], [sflag:$0x3], $0x30, s24, s16, $0xb8;
	[tilespmem:$0xBD10] =	vst v63  }
0x31: {  	_ =	swait.ge [sflag:s12], $0xF00  }
0x32: {  	[sflag:s12] =	ssyncset.done $0x0  }
0x33: {  	[sflag:s12] =	ssyncadd.s32 $0xFFFFF100  }
0x34: {  	[tilespmem:s13], [sflag:$0x1] =	stream.linear.gather [hbm4b:s20+s3], $0xF00, $0x38;
	[tilespmem:$0xBD10] =	vst v63  }
0x35: {  	_ =	swait.ge [sflag:s17], $0xF00  }
.Ltmp0:
0x36: {  	[sflag:s17] =	ssyncset.done $0x0;
	(pc) =	sbr.rel @p0 .LBB2_2-.Ltmp0, $4  }
0x37: {  	s23 =	sadd.s32 $0x50, s24;
	[sflag:s17] =	ssyncadd.s32 $0xFFFFF100  }
0x38: {  	[spmem:s2] =	stream.indirect.scatter.add.f32 [tilespmem:s14], [sflag:$0x3], $0x30, s23, s16, $0xb8;
	[tilespmem:$0xBD10] =	vst v63  }
0x39: {  	_ =	swait.ge [sflag:s12], $0xF00  }
0x3a: {  	s20 =	sadd.s32 $0x3C0, s20;
	[sflag:s12] =	ssyncset.done $0x0  }
0x3b: {  	s22 =	sadd.s32 $0xFFFFFE20, s20;
	[sflag:s12] =	ssyncadd.s32 $0xFFFFF100  }
0x3c: {  	[tilespmem:s14], [sflag:$0x2] =	stream.linear.gather [hbm4b:s22+s3], $0xF00, $0x38;
	[tilespmem:$0xBD10] =	vst v63  }
0x3d: {  	_ =	swait.ge [sflag:s15], $0xF00  }
0x3e: {  	[sflag:s15] =	ssyncset.done $0x0  }
0x3f: {  	s21 =	sshra.s32 s21, $0x2;
	[sflag:s15] =	ssyncadd.s32 $0xFFFFF100  }
0x40: {  	[spmem:s2] =	stream.indirect.scatter.add.f32 [tilespmem:s13], [sflag:$0x3], $0x30, s21, s16, $0xb8;
	[tilespmem:$0xBD10] =	vst v63  }
0x41: {  	_ =	swait.ge [sflag:s12], $0xF00  }
0x42: {  	[sflag:s12] =	ssyncset.done $0x0  }
0x43: {  	[sflag:s12] =	ssyncadd.s32 $0xFFFFF100  }
0x44: {  	[tilespmem:s13], [sflag:$0x1] =	stream.linear.gather [hbm4b:s20+s3], $0xF00, $0x38;
	[tilespmem:$0xBD10] =	vst v63  }
0x45: {  	_ =	swait.ge [sflag:s17], $0xF00  }
0x46: {  	[sflag:s17] =	ssyncset.done $0x0  }
0x47: {  	s31 =	sadd.s32 $0x50, s21;
	[sflag:s17] =	ssyncadd.s32 $0xFFFFF100  }
0x48: {  	[spmem:s2] =	stream.indirect.scatter.add.f32 [tilespmem:s14], [sflag:$0x3], $0x30, s31, s16, $0xb8;
	[tilespmem:$0xBD10] =	vst v63  }
0x49: {  	_ =	swait.ge [sflag:s12], $0xF00  }
0x4a: {  	[sflag:s12] =	ssyncset.done $0x0  }
0x4b: {  	[sflag:s12] =	ssyncadd.s32 $0xFFFFF100  }
0x4c: {  	_ =	swait.ge [sflag:s15], $0xF00  }
0x4d: {  	[sflag:s15] =	ssyncset.done $0x0  }
0x4e: {  	[sflag:s15] =	ssyncadd.s32 $0xFFFFF100  }
0x4f: {  	[spmem:s2] =	stream.indirect.scatter.add.f32 [tilespmem:s13], [sflag:$0x3], $0x30, s18, s16, $0xb8;
	[tilespmem:$0xBD10] =	vst v63  }
0x50: {  	_ =	swait.ge [sflag:s12], $0xF00  }
0x51: {  	s19 =	sadd.s32 $0x1, s19;
	[sflag:s12] =	ssyncset.done $0x0  }
0x52: {  	p0 =	sne.s32 s19, s9;
	[sflag:s12] =	ssyncadd.s32 $0xFFFFF100  }
.Ltmp1:
0x53: {  	[bflag:$0x0] =	sbarrier.arrive $0xFFFF;
	(pc) =	sbr.rel @p0 .LBB2_1-.Ltmp1, $4  }
0x54: {  	[hbm:s8], [sflag:s5] =	dma.local [spmem:s11], $0xF00  }
0x55: {  	_ =	swait.ge [sflag:s12], $0xF00  }
0x56: {  	[sflag:s12] =	ssyncset.done $0x0  }
0x57: {  	[sflag:s12] =	ssyncadd.s32 $0xFFFFF100  }
0x58: {  	_ =	sfence.sel $0x180000  }
0x59: {  	[bflag:$0x0] =	sbarrier.arrive $0xFFFF  }
0x5a: {  	p0 =	sne.s32 s0, $0x0;
	_ =	strace $0x90000050  }
0x5b: {  	s0 =	sadd.s32 @!p0 $0x100000, s1;
	[bflag:$0x2] =	sbarrier.arrive $0xFFFF  }
0x5c: {  	[sflag:s0] =	ssyncadd.tile.s32 @!p0 $0x1;
	_ =	shalt  }
.Lfunc_end2:
_tile_overlayer_lowered:
.L_overlay_start_2:
0x5d: {  	(tag) =	ssettag $0x2  }
0x5e: {  	s0 =	rddreg [dreg:$0x0];
	s2 =	stileid.u32  }
0x5f: {  	s1 =	rddreg [dreg:$0x1];
	p0 =	sne.s32 s2, $0x0  }
0x60: {  	s3 =	rddreg [dreg:$0x2];
	[bflag:$0x3] =	sbarrier.arrive $0xFFFF;
	s2 =	simm.s32 @!p0 $0x1C03  }
0x61: {  	[timem:s3], [sflag:s2] =	dma.local @!p0 [hbm:s0], s1  }
0x62: {  	s0 =	simm.s32 @!p0 $0x3  }
0x63: {  	_ =	swait.ge @!p0 [sflag:s0], s1  }
0x64: {  	s1 =	ssub.s32 @!p0 $0x0, s1;
	[sflag:s0] =	ssyncset.done @!p0 $0x0  }
0x65: {  	[sflag:s0] =	ssyncadd.s32 @!p0 s1  }
0x66: {  	[bflag:$0x3] =	sbarrier.arrive $0xFFFF  }
0x67: {  	_ =	shalt  }

// kernel: kernel.28.cloned.1.call-start
scs
__scs_entry_jumppad:
0x0: {  	(pc) =	sbr.rel $0x88, $3  }
0x1: {  	(tag) =	ssettag $0x0;
	lr =	simm.s32 $0x1  }
0x2: {  	[smem:$0x3F8A] =	sst lr;
	_ =	strace $0xD0000000  }
0x3: {  	_ = 	snop  }
0x4: {  	_ = 	snop  }
0x5: {  	_ = 	snop  }
0x6: {  	_ = 	snop  }
0x7: {  	_ = 	snop  }
__scs_overlays_trampoline_lowered:
0x8: {  	[smem:$0x3F99] =	sst s0  }
0x9: {  	[smem:$0x3F9A] =	sst s1  }
0xa: {  	[smem:$0x3F9B] =	sst s2  }
0xb: {  	[smem:$0x3F9C] =	sst s3  }
0xc: {  	[smem:$0x3F9D] =	sst s4  }
0xd: {  	[smem:$0x3F9E] =	sst s5  }
0xe: {  	[smem:$0x3F9F] =	sst s6  }
0xf: {  	[smem:$0x3FA0] =	sst s7  }
0x10: {  	[smem:$0x3FA1] =	sst s8  }
0x11: {  	[smem:$0x3FA2] =	sst s9;
	s0 =	simm.s32 @!p0 $0x0  }
0x12: {  	s1 =	sld [smem:$0x3F88];
	s0 =	simm.s32 @p0 $0x1  }
0x13: {  	[smem:$0x3FA3] =	sst s0;
	s0 =	simm.s32 @!p1 $0x0  }
0x14: {  	s2 =	sld [smem:$0x3F87];
	s0 =	simm.s32 @p1 $0x1  }
0x15: {  	[smem:$0x3FA4] =	sst s0;
	s0 =	simm.s32 @!p2 $0x0  }
0x16: {  	s3 =	sld [smem:$0x3FDB];
	s0 =	simm.s32 @p2 $0x1  }
0x17: {  	s4 =	simm.s32 $0x1BF5;
	[smem:$0x3FA6] =	sst s0  }
0x18: {  	s0 =	sld [smem:$0x3F89];
	_ =	swait.ge [sflag:s4], $0x0  }
0x19: {  	s7 =	sld [smem:$0x3F8A]  }
0x1a: {  	s8 =	sadd.s32 $0xFFFFE003, lr  }
0x1b: {  	s9 =	sadd.s32 $0xFFFFFEF7, lr;
	s5 =	simm.s32 $0xFFFFFFFF;
	p2 =	slt.u32 s8, $0xFFFFF086  }
0x1c: {  	p1 =	slt.u32 s9, $0xF7A;
	s5 =	simm.s32 @!p2 $0x0  }
0x1d: {  	s5 =	simm.s32 @p1 $0x1;
	p0 =	seq.s32 s7, s2  }
0x1e: {  	s7 =	smul.u32 @!p0 $0xF7A, s2;
	p2 =	seq.s32 @!p0 s5, $0x0  }
0x1f: {  	s9 =	smul.u32 $0xF7A, s1;
	s8 =	simm.s32 @!p0 $0x1BF5;
	p2 =	por !p2, p0  }
0x20: {  	[sflag:s8] =	ssyncset.s32 @!p0 $0xFFFFF086;
	s6 =	sadd.s32 @!p0 s3, s7;
	s7 =	simm.s32 @!p0 $0x108  }
0x21: {  	s3 =	sadd.s32 s3, s9;
	s6 =	sadd.s32 @!p0 $0x88, s6;
	s7 =	simm.s32 @p2 $0x1082  }
0x22: {  	[simem:s7], [sflag:s8] =	dma.local @!p0 [hbm:s6], $0xF7A  }
0x23: {  	s9 =	sor.u32 $0xD0000000, s2;
	s6 =	simm.s32 $0x108;
	_ =	swait.ge @!p0 [sflag:s8], $0x0  }
0x24: {  	s3 =	sadd.s32 $0x88, s3;
	s6 =	simm.s32 @!p1 $0x1082;
	[sflag:s4] =	ssyncset.s32 $0xFFFFF086  }
0x25: {  	[simem:s6], [sflag:s4] =	dma.local [hbm:s3], $0xF7A  }
0x26: {  	[smem:$0x3F8A] =	sst s1;
	(tag) =	ssettag s2;
	_ =	strace s9  }
0x27: {  	s1 =	sld [smem:$0x3F9A]  }
0x28: {  	s2 =	sld [smem:$0x3F9B]  }
0x29: {  	s4 =	sld [smem:$0x3F9D]  }
0x2a: {  	p0 =	seq.s32 s5, $0x0;
	s5 =	sld [smem:$0x3F9E]  }
0x2b: {  	s6 =	sld [smem:$0x3F9F]  }
0x2c: {  	s7 =	sld [smem:$0x3FA0]  }
0x2d: {  	s3 =	simm.s32 $0x108;
	s8 =	sld [smem:$0x3FA1]  }
0x2e: {  	s3 =	simm.s32 @!p0 $0x1082;
	s9 =	sld [smem:$0x3FA2]  }
0x2f: {  	lr =	sadd.s32 s0, s3;
	s0 =	sld [smem:$0x3F99]  }
0x30: {  	s3 =	sld [smem:$0x3F9C]  }
0x31: {  	[smem:$0x3FA5] =	sst s10  }
0x32: {  	s10 =	sld [smem:$0x3FA3];
	_ =	sdelay $0x3  }
0x33: {  	p0 =	seq.s32 s10, $0x1;
	s10 =	sld [smem:$0x3FA5];
	_ =	sdelay $0x3  }
0x34: {  	[smem:$0x3FA5] =	sst s10  }
0x35: {  	s10 =	sld [smem:$0x3FA4];
	_ =	sdelay $0x3  }
0x36: {  	p1 =	seq.s32 s10, $0x1;
	s10 =	sld [smem:$0x3FA5];
	_ =	sdelay $0x3  }
0x37: {  	[smem:$0x3FA5] =	sst s10  }
0x38: {  	s10 =	sld [smem:$0x3FA6]  }
0x39: {  	_ = 	snop;
	(pc) =	sbr.ind lr, $3  }
0x3a: {  	_ = 	snop  }
0x3b: {  	_ = 	snop  }
0x3c: {  	p2 =	seq.s32 s10, $0x1;
	s10 =	sld [smem:$0x3FA5]  }
0x3d: {  	_ =	shalt  }
0x3e: {  	_ =	shalt  }
0x3f: {  	_ =	shalt  }
0x40: {  	_ =	shalt  }
0x41: {  	_ =	shalt  }
0x42: {  	_ =	shalt  }
0x43: {  	_ =	shalt  }
0x44: {  	_ =	shalt  }
0x45: {  	_ =	shalt  }
0x46: {  	_ =	shalt  }
0x47: {  	_ =	shalt  }
0x48: {  	_ =	shalt  }
0x49: {  	_ =	shalt  }
0x4a: {  	_ =	shalt  }
0x4b: {  	_ =	shalt  }
0x4c: {  	_ =	shalt  }
0x4d: {  	_ =	shalt  }
0x4e: {  	_ =	shalt  }
0x4f: {  	_ =	shalt  }
0x50: {  	_ =	shalt  }
0x51: {  	_ =	shalt  }
0x52: {  	_ =	shalt  }
0x53: {  	_ =	shalt  }
0x54: {  	_ =	shalt  }
0x55: {  	_ =	shalt  }
0x56: {  	_ =	shalt  }
0x57: {  	_ =	shalt  }
0x58: {  	_ =	shalt  }
0x59: {  	_ =	shalt  }
0x5a: {  	_ =	shalt  }
0x5b: {  	_ =	shalt  }
0x5c: {  	_ =	shalt  }
0x5d: {  	_ =	shalt  }
0x5e: {  	_ =	shalt  }
0x5f: {  	_ =	shalt  }
0x60: {  	_ =	shalt  }
0x61: {  	_ =	shalt  }
0x62: {  	_ =	shalt  }
0x63: {  	_ =	shalt  }
0x64: {  	_ =	shalt  }
0x65: {  	_ =	shalt  }
0x66: {  	_ =	shalt  }
0x67: {  	_ =	shalt  }
0x68: {  	_ =	shalt  }
0x69: {  	_ =	shalt  }
0x6a: {  	_ =	shalt  }
0x6b: {  	_ =	shalt  }
0x6c: {  	_ =	shalt  }
0x6d: {  	_ =	shalt  }
0x6e: {  	_ =	shalt  }
0x6f: {  	_ =	shalt  }
0x70: {  	_ =	shalt  }
0x71: {  	_ =	shalt  }
0x72: {  	_ =	shalt  }
0x73: {  	_ =	shalt  }
0x74: {  	_ =	shalt  }
0x75: {  	_ =	shalt  }
0x76: {  	_ =	shalt  }
0x77: {  	_ =	shalt  }
0x78: {  	_ =	shalt  }
0x79: {  	_ =	shalt  }
0x7a: {  	_ =	shalt  }
0x7b: {  	_ =	shalt  }
0x7c: {  	_ =	shalt  }
0x7d: {  	_ =	shalt  }
0x7e: {  	_ =	shalt  }
0x7f: {  	_ =	shalt  }
0x80: {  	_ =	shalt  }
0x81: {  	_ =	shalt  }
0x82: {  	_ =	shalt  }
0x83: {  	_ =	shalt  }
0x84: {  	_ =	shalt  }
0x85: {  	_ =	shalt  }
0x86: {  	_ =	shalt  }
0x87: {  	_ =	shalt  }
.Lfunc_end0:
.L_simem_size_0:
called_computation.4_lowered:
.L_overlay_start_0:
0x88: {  	s2 =	sld [smem:$0x3FD9]  }
0x89: {  	s3 =	sld [smem:$0x3FFE];
	_ =	sdelay $0x1  }
0x8a: {  	s1 =	srdreg.scid  }
0x8b: {  	s0 =	sand.u32 $0x1, s1  }
0x8c: {  	s16 =	sshll.u32 s0, $0xA;
	s2 =	sadd.s32 s3, s2  }
0x8d: {  	s2 =	sadd.s32 s2, s16  }
0x8e: {  	[smem:$0x3FB1] =	sst s2  }
0x8f: {  	_ = 	snop  }
0x90: {  	(tm) =	ssettm $0x1  }
0x91: {  	s17 =	sld [smem:$0x3FFB];
	_ =	sdelay $0x3  }
0x92: {  	_ =	strace s17  }
0x93: {  	s2 =	sld [smem:$0x3FFC];
	_ =	sdelay $0x3  }
0x94: {  	_ =	strace s2  }
0x95: {  	s2 =	sld [smem:$0x3FFD];
	_ =	sdelay $0x3  }
0x96: {  	_ =	strace s2  }
0x97: {  	_ =	strace $0x8FFFFFFF  }
0x98: {  	s18 =	sld [smem:$0x3FDB];
	_ =	sdelay $0x1  }
0x99: {  	s19 =	simm.s32 $_scs_section_size  }
0x9a: {  	s4 =	simm.s32 $_size__tile_overlayer_lowered;
	s5 =	simm.s32 $_tile_overlayer_lowered  }
0x9b: {  	s22 =	simm.s32 $0x1BFF;
	s21 =	sshll.u32 s5, $0x1;
	s2 =	sadd.s32 s19, s18  }
0x9c: {  	s6 =	simm.s32 $0x0;
	s20 =	sshll.u32 s4, $0x1;
	s4 =	sadd.s32 s21, s2  }
0x9d: {  	[timem:s6], [sflag:s22] =	dma.local [hbm:s4], s20  }
0x9e: {  	_ =	swait.ge [sflag:s22], s20  }
0x9f: {  	s3 =	ssub.s32 $0x0, s20;
	[sflag:s22] =	ssyncset.done $0x0  }
0xa0: {  	[sflag:s22] =	ssyncadd.s32 s3;
	_ =	sdelay $0x1  }
0xa1: {  	s23 =	simm.s32 $0x1B8B  }
0xa2: {  	_ =	swait.ge [sflag:s23], $0x1  }
0xa3: {  	[sflag:s23] =	ssyncset.done $0x0  }
0xa4: {  	s25 =	simm.s32 $0x1B8E;
	s24 =	sld [smem:$0x3FFE];
	[sflag:s23] =	ssyncadd.s32 $0xFFFFFFFF  }
0xa5: {  	s26 =	simm.s32 $execute0_lowered;
	[smem:$0x3FD2] =	sst s25  }
0xa6: {  	s4 =	sshll.u32 s26, $0x1;
	_ =	strace $0x80000052;
	[dreg:$0x1] =	wrdreg $0xFFFFFFFF  }
0xa7: {  	s28 =	simm.s32 $_size_execute0_lowered;
	s2 =	sadd.s32 s2, s4;
	[dreg:$0x0] =	wrdreg $0x0  }
0xa8: {  	s4 =	sshll.u32 s28, $0x1;
	[dreg:$0x2] =	wrdreg s2  }
0xa9: {  	[dreg:$0x3] =	wrdreg s4  }
0xaa: {  	[dreg:$0x4] =	wrdreg $0xC0  }
0xab: {  	_ =	task [dreg:s6], $0x5FFFF  }
0xac: {  	[dreg:$0x1] =	wrdreg $0xFFFFFFFF  }
0xad: {  	[dreg:$0x0] =	wrdreg $0x60  }
0xae: {  	[dreg:$0x2] =	wrdreg s24  }
0xaf: {  	[dreg:$0x3] =	wrdreg $0x9  }
0xb0: {  	_ =	task.clear_ibuf [dreg:s6], $0x4FFFF;
	_ =	strace $0x90000052  }
0xb1: {  	s29 =	simm.s32 $0x9;
	_ =	strace $0x80000054  }
0xb2: {  	_ =	swait.ge [sflag:s29], $0x1  }
0xb3: {  	[sflag:s29] =	ssyncadd.s32 $0xFFFFFFFF  }
0xb4: {  	_ =	strace $0x90000054  }
0xb5: {  	_ =	sfence  }
0xb6: {  	s30 =	sld [smem:$0x0];
	_ =	sdelay $0x2  }
0xb7: {  	s31 =	sshll.u32 s1, $0xD;
	s1 =	sshrl.u32 s1, $0x2  }
0xb8: {  	s3 =	sand.u32 $0x4000, s31;
	s1 =	sadd.s32 s1, s30  }
0xb9: {  	s0 =	sor.u32 s3, s0;
	s1 =	sshll.u32 s1, $0x11  }
0xba: {  	s0 =	sor.u32 s1, s0  }
0xbb: {  	s0 =	sadd.s32 $0x8F2B, s0  }
0xbc: {  	[sflag:s0] =	ssyncadd.remote.s32 $0x1  }
0xbd: {  	_ =	sfence.sel $0xFFFF  }
0xbe: {  	[dreg:$0x0] =	wrdreg $0xFFFFFFFF;
	(pc) =	sbr.abs _section_cstart, $3  }
0xbf: {  	[dreg:$0x1] =	wrdreg $0xFFFFFFFF  }
0xc0: {  	_ =	task.clear_ibuf [dreg:s6], $0x2FFFF;
	_ =	strace $0x9FFFFFFF  }
0xc1: {  	(tm) =	ssettm $0x7FFFFFFF  }
tec
execute0_lowered:
.L_overlay_start_1:
0x0: {  	(tag) =	ssettag $0x1  }
0x1: {  	s1 =	srdreg.scid  }
0x2: {  	s0 =	stileid.u32;
	s5 =	rddreg [dreg:$0x0]  }
0x3: {  	s2 =	simm.s32 $0x0;
	s16 =	simm.s32 $0x2710;
	s17 =	simm.s32 $0x2C10  }
0x4: {  	s18 =	simm.s32 $0x1;
	s19 =	simm.s32 $0x2;
	s20 =	simm.s32 $0x0  }
0x5: {  	s9 =	sand.u32 $0x1, s1;
	s1 =	rddreg [dreg:$0x1];
	s8 =	smul.u32 $0x4E20, s0  }
0x6: {  	s3 =	sshll.u32 s0, $0x1;
	[smem:$0x7FF] =	sst s2;
	s15 =	smul.u32 $0x9C40, s0  }
0x7: {  	s4 =	sadd.s32 $0x18800, s5;
	s11 =	sadd.s32 $0xBEC00, s5;
	s14 =	smul.u32 $0x2710, s9  }
0x8: {  	s13 =	sadd.s32 $0x22800, s5;
	s6 =	sor.u32 s9, s3;
	s30 =	smul.u32 $0x4E20, s9  }
0x9: {  	_ =	strace $0x80000053;
	s29 =	ssub.s32 $0x2, s9;
	s7 =	smul.u32 $0x2710, s6  }
0xa: {  	s3 =	sadd.s32 $0x1D800, s5;
	s6 =	smul.u32 $0x27100, s6;
	s10 =	sshrl.u32 s29, $0x1  }
0xb: {  	s31 =	sadd.s32 s15, s11;
	s15 =	sadd.s32 s15, s13;
	s10 =	ssub.s32 s29, s10  }
0xc: {  	s14 =	sadd.s32 s14, s8;
	s7 =	sshrl.u32 s7, $0x3;
	s6 =	sshrl.u32 s6, $0x3  }
0xd: {  	s14 =	sshll.u32 s14, $0x1;
	s9 =	smax.u32 s10, $0x1;
	s10 =	sadd.s32 s30, s31  }
0xe: {  	s7 =	sadd.s32 s7, s5;
	s12 =	sadd.s32 $0x4D80, s6;
	s14 =	sadd.s32 $0xA0, s14  }
0xf: {  	s5 =	sadd.s32 $0xEA00, s7;
	s6 =	sadd.s32 s11, s12;
	s7 =	sadd.s32 $0x4C00, s7  }
0x10: {  	s8 =	sadd.s32 s13, s12;
	s11 =	sadd.s32 s14, s11;
	s12 =	sadd.s32 s30, s15  }
0x11: {  	s13 =	sadd.s32 s14, s13;
	s14 =	simm.s32 $0x3;
	s15 =	simm.s32 $0x50  }
.LBB2_1:
0x12: {  	[tilespmem:s2], [sflag:$0x3] =	stream.linear.gather [hbm4b:s5+s2], $0x2710, $0x38;
	[tilespmem:$0x3110] =	vst v63  }
0x13: {  	_ =	swait.ge [sflag:s14], $0x2710  }
0x14: {  	[sflag:s14] =	ssyncset.done $0x0  }
0x15: {  	[sflag:s14] =	ssyncadd.s32 $0xFFFFD8F0  }
0x16: {  	[tilespmem:s16], [sflag:$0x1] =	stream.indirect.gather [hbm4b:s3+s15], $0x10, s2, s15, $0xb8;
	[tilespmem:$0x3110] =	vst v63  }
0x17: {  	s21 =	simm.s32 $0x50  }
0x18: {  	[tilespmem:s17], [sflag:$0x2] =	stream.indirect.gather [hbm4b:s3+s15], $0x10, s21, s15, $0xb8;
	[tilespmem:$0x3110] =	vst v63  }
0x19: {  	_ =	swait.ge [sflag:s18], $0x500  }
0x1a: {  	[sflag:s18] =	ssyncset.done $0x0  }
0x1b: {  	s29 =	sadd.s32 $0x0, s10;
	[sflag:s18] =	ssyncadd.s32 $0xFFFFFB00  }
0x1c: {  	[hbm4b:s29+s2] =	stream.linear.scatter [tilespmem:s16], [sflag:$0x3], $0x500, $0x38;
	[tilespmem:$0x3110] =	vst v63  }
0x1d: {  	_ =	swait.ge [sflag:s14], $0x500  }
0x1e: {  	[sflag:s14] =	ssyncset.done $0x0  }
0x1f: {  	s30 =	simm.s32 $0xA0;
	[sflag:s14] =	ssyncadd.s32 $0xFFFFFB00  }
0x20: {  	[tilespmem:s16], [sflag:$0x1] =	stream.indirect.gather [hbm4b:s3+s15], $0x10, s30, s15, $0xb8;
	[tilespmem:$0x3110] =	vst v63  }
0x21: {  	_ =	swait.ge [sflag:s19], $0x500  }
0x22: {  	[sflag:s19] =	ssyncset.done $0x0  }
0x23: {  	s31 =	sadd.s32 $0x0, s11;
	[sflag:s19] =	ssyncadd.s32 $0xFFFFFB00  }
0x24: {  	[hbm4b:s31+s2] =	stream.linear.scatter [tilespmem:s17], [sflag:$0x3], $0x500, $0x38;
	[tilespmem:$0x3110] =	vst v63  }
0x25: {  	s23 =	simm.s32 $0x280;
	_ =	swait.ge [sflag:s14], $0x500  }
0x26: {  	s22 =	simm.s32 $0x140;
	s21 =	simm.s32 $0x140;
	[sflag:s14] =	ssyncset.done $0x0  }
.LBB2_2:
0x27: {  	p0 =	sne.s32 s23, $0x4C40;
	s24 =	sadd.s32 $0xFFFFFFB0, s22;
	[sflag:s14] =	ssyncadd.s32 $0xFFFFFB00  }
0x28: {  	[tilespmem:s17], [sflag:$0x2] =	stream.indirect.gather [hbm4b:s3+s15], $0x10, s24, s15, $0xb8;
	[tilespmem:$0x3110] =	vst v63  }
0x29: {  	s24 =	smov.u32 s23;
	s23 =	sadd.s32 $0x140, s23;
	_ =	swait.ge [sflag:s18], $0x500  }
0x2a: {  	[sflag:s18] =	ssyncset.done $0x0  }
0x2b: {  	s25 =	sadd.s32 s21, s10;
	[sflag:s18] =	ssyncadd.s32 $0xFFFFFB00  }
0x2c: {  	[hbm4b:s25+s2] =	stream.linear.scatter [tilespmem:s16], [sflag:$0x3], $0x500, $0x38;
	[tilespmem:$0x3110] =	vst v63  }
0x2d: {  	_ =	swait.ge [sflag:s14], $0x500  }
0x2e: {  	[sflag:s14] =	ssyncset.done $0x0  }
0x2f: {  	[sflag:s14] =	ssyncadd.s32 $0xFFFFFB00  }
0x30: {  	[tilespmem:s16], [sflag:$0x1] =	stream.indirect.gather [hbm4b:s3+s15], $0x10, s22, s15, $0xb8;
	[tilespmem:$0x3110] =	vst v63  }
0x31: {  	_ =	swait.ge [sflag:s19], $0x500  }
.Ltmp0:
0x32: {  	[sflag:s19] =	ssyncset.done $0x0;
	(pc) =	sbr.rel @p0 .LBB2_2-.Ltmp0, $4  }
0x33: {  	s25 =	sadd.s32 s21, s11;
	s21 =	smov.u32 s24;
	[sflag:s19] =	ssyncadd.s32 $0xFFFFFB00  }
0x34: {  	[hbm4b:s25+s2] =	stream.linear.scatter [tilespmem:s17], [sflag:$0x3], $0x500, $0x38;
	[tilespmem:$0x3110] =	vst v63  }
0x35: {  	_ =	swait.ge [sflag:s14], $0x500  }
0x36: {  	s22 =	sadd.s32 $0xA0, s22;
	[sflag:s14] =	ssyncset.done $0x0  }
0x37: {  	s23 =	sadd.s32 $0xFFFFFFB0, s22;
	[sflag:s14] =	ssyncadd.s32 $0xFFFFFB00  }
0x38: {  	[tilespmem:s17], [sflag:$0x2] =	stream.indirect.gather [hbm4b:s3+s15], $0x10, s23, s15, $0xb8;
	[tilespmem:$0x3110] =	vst v63  }
0x39: {  	_ =	swait.ge [sflag:s18], $0x500  }
0x3a: {  	[sflag:s18] =	ssyncset.done $0x0  }
0x3b: {  	s24 =	sadd.s32 s21, s10;
	[sflag:s18] =	ssyncadd.s32 $0xFFFFFB00  }
0x3c: {  	[hbm4b:s24+s2] =	stream.linear.scatter [tilespmem:s16], [sflag:$0x3], $0x500, $0x38;
	[tilespmem:$0x3110] =	vst v63  }
0x3d: {  	_ =	swait.ge [sflag:s14], $0x500  }
0x3e: {  	[sflag:s14] =	ssyncset.done $0x0  }
0x3f: {  	[sflag:s14] =	ssyncadd.s32 $0xFFFFFB00  }
0x40: {  	[tilespmem:s16], [sflag:$0x1] =	stream.indirect.gather [hbm4b:s3+s15], $0x10, s22, s15, $0xb8;
	[tilespmem:$0x3110] =	vst v63  }
0x41: {  	_ =	swait.ge [sflag:s19], $0x500  }
0x42: {  	[sflag:s19] =	ssyncset.done $0x0  }
0x43: {  	s25 =	sadd.s32 s21, s11;
	[sflag:s19] =	ssyncadd.s32 $0xFFFFFB00  }
0x44: {  	[hbm4b:s25+s2] =	stream.linear.scatter [tilespmem:s17], [sflag:$0x3], $0x500, $0x38;
	[tilespmem:$0x3110] =	vst v63  }
0x45: {  	_ =	swait.ge [sflag:s14], $0x500  }
0x46: {  	[sflag:s14] =	ssyncset.done $0x0  }
0x47: {  	[sflag:s14] =	ssyncadd.s32 $0xFFFFFB00  }
0x48: {  	_ =	swait.ge [sflag:s18], $0x500  }
0x49: {  	[sflag:s18] =	ssyncset.done $0x0  }
0x4a: {  	s26 =	simm.s32 $0x0;
	[sflag:s18] =	ssyncadd.s32 $0xFFFFFB00  }
0x4b: {  	[hbm4b:s6+s26] =	stream.linear.scatter [tilespmem:s16], [sflag:$0x3], $0x500, $0x38;
	[tilespmem:$0x3110] =	vst v63  }
0x4c: {  	_ =	swait.ge [sflag:s14], $0x500  }
0x4d: {  	[sflag:s14] =	ssyncset.done $0x0  }
0x4e: {  	[sflag:s14] =	ssyncadd.s32 $0xFFFFFB00  }
0x4f: {  	[tilespmem:s26], [sflag:$0x3] =	stream.linear.gather [hbm4b:s7+s26], $0x2710, $0x38;
	[tilespmem:$0x3110] =	vst v63  }
0x50: {  	_ =	swait.ge [sflag:s14], $0x2710  }
0x51: {  	[sflag:s14] =	ssyncset.done $0x0  }
0x52: {  	[sflag:s14] =	ssyncadd.s32 $0xFFFFD8F0  }
0x53: {  	[tilespmem:s16], [sflag:$0x1] =	stream.indirect.gather [hbm4b:s4+s15], $0x10, s26, s15, $0xb8;
	[tilespmem:$0x3110] =	vst v63  }
0x54: {  	s28 =	simm.s32 $0x50  }
0x55: {  	[tilespmem:s17], [sflag:$0x2] =	stream.indirect.gather [hbm4b:s4+s15], $0x10, s28, s15, $0xb8;
	[tilespmem:$0x3110] =	vst v63  }
0x56: {  	_ =	swait.ge [sflag:s18], $0x500  }
0x57: {  	[sflag:s18] =	ssyncset.done $0x0  }
0x58: {  	s29 =	sadd.s32 $0x0, s12;
	[sflag:s18] =	ssyncadd.s32 $0xFFFFFB00  }
0x59: {  	[hbm4b:s29+s2] =	stream.linear.scatter [tilespmem:s16], [sflag:$0x3], $0x500, $0x38;
	[tilespmem:$0x3110] =	vst v63  }
0x5a: {  	_ =	swait.ge [sflag:s14], $0x500  }
0x5b: {  	[sflag:s14] =	ssyncset.done $0x0  }
0x5c: {  	s30 =	simm.s32 $0xA0;
	[sflag:s14] =	ssyncadd.s32 $0xFFFFFB00  }
0x5d: {  	[tilespmem:s16], [sflag:$0x1] =	stream.indirect.gather [hbm4b:s4+s15], $0x10, s30, s15, $0xb8;
	[tilespmem:$0x3110] =	vst v63  }
0x5e: {  	_ =	swait.ge [sflag:s19], $0x500  }
0x5f: {  	[sflag:s19] =	ssyncset.done $0x0  }
0x60: {  	s31 =	sadd.s32 $0x0, s13;
	[sflag:s19] =	ssyncadd.s32 $0xFFFFFB00  }
0x61: {  	[hbm4b:s31+s2] =	stream.linear.scatter [tilespmem:s17], [sflag:$0x3], $0x500, $0x38;
	[tilespmem:$0x3110] =	vst v63  }
0x62: {  	s21 =	simm.s32 $0x140;
	_ =	swait.ge [sflag:s14], $0x500  }
0x63: {  	s23 =	simm.s32 $0x280;
	s22 =	simm.s32 $0x140;
	[sflag:s14] =	ssyncset.done $0x0  }
.LBB2_4:
0x64: {  	p0 =	sne.s32 s23, $0x4C40;
	s24 =	sadd.s32 $0xFFFFFFB0, s22;
	[sflag:s14] =	ssyncadd.s32 $0xFFFFFB00  }
0x65: {  	[tilespmem:s17], [sflag:$0x2] =	stream.indirect.gather [hbm4b:s4+s15], $0x10, s24, s15, $0xb8;
	[tilespmem:$0x3110] =	vst v63  }
0x66: {  	s24 =	smov.u32 s23;
	s23 =	sadd.s32 $0x140, s23;
	_ =	swait.ge [sflag:s18], $0x500  }
0x67: {  	[sflag:s18] =	ssyncset.done $0x0  }
0x68: {  	s25 =	sadd.s32 s21, s12;
	[sflag:s18] =	ssyncadd.s32 $0xFFFFFB00  }
0x69: {  	[hbm4b:s25+s2] =	stream.linear.scatter [tilespmem:s16], [sflag:$0x3], $0x500, $0x38;
	[tilespmem:$0x3110] =	vst v63  }
0x6a: {  	_ =	swait.ge [sflag:s14], $0x500  }
0x6b: {  	[sflag:s14] =	ssyncset.done $0x0  }
0x6c: {  	[sflag:s14] =	ssyncadd.s32 $0xFFFFFB00  }
0x6d: {  	[tilespmem:s16], [sflag:$0x1] =	stream.indirect.gather [hbm4b:s4+s15], $0x10, s22, s15, $0xb8;
	[tilespmem:$0x3110] =	vst v63  }
0x6e: {  	_ =	swait.ge [sflag:s19], $0x500  }
.Ltmp1:
0x6f: {  	[sflag:s19] =	ssyncset.done $0x0;
	(pc) =	sbr.rel @p0 .LBB2_4-.Ltmp1, $4  }
0x70: {  	s25 =	sadd.s32 s21, s13;
	s21 =	smov.u32 s24;
	[sflag:s19] =	ssyncadd.s32 $0xFFFFFB00  }
0x71: {  	[hbm4b:s25+s2] =	stream.linear.scatter [tilespmem:s17], [sflag:$0x3], $0x500, $0x38;
	[tilespmem:$0x3110] =	vst v63  }
0x72: {  	_ =	swait.ge [sflag:s14], $0x500  }
0x73: {  	s22 =	sadd.s32 $0xA0, s22;
	[sflag:s14] =	ssyncset.done $0x0  }
0x74: {  	s23 =	sadd.s32 $0xFFFFFFB0, s22;
	[sflag:s14] =	ssyncadd.s32 $0xFFFFFB00  }
0x75: {  	[tilespmem:s17], [sflag:$0x2] =	stream.indirect.gather [hbm4b:s4+s15], $0x10, s23, s15, $0xb8;
	[tilespmem:$0x3110] =	vst v63  }
0x76: {  	_ =	swait.ge [sflag:s18], $0x500  }
0x77: {  	[sflag:s18] =	ssyncset.done $0x0  }
0x78: {  	s30 =	sadd.s32 s21, s12;
	[sflag:s18] =	ssyncadd.s32 $0xFFFFFB00  }
0x79: {  	[hbm4b:s30+s2] =	stream.linear.scatter [tilespmem:s16], [sflag:$0x3], $0x500, $0x38;
	[tilespmem:$0x3110] =	vst v63  }
0x7a: {  	_ =	swait.ge [sflag:s14], $0x500  }
0x7b: {  	[sflag:s14] =	ssyncset.done $0x0  }
0x7c: {  	[sflag:s14] =	ssyncadd.s32 $0xFFFFFB00  }
0x7d: {  	[tilespmem:s16], [sflag:$0x1] =	stream.indirect.gather [hbm4b:s4+s15], $0x10, s22, s15, $0xb8;
	[tilespmem:$0x3110] =	vst v63  }
0x7e: {  	_ =	swait.ge [sflag:s19], $0x500  }
0x7f: {  	[sflag:s19] =	ssyncset.done $0x0  }
0x80: {  	s31 =	sadd.s32 s21, s13;
	[sflag:s19] =	ssyncadd.s32 $0xFFFFFB00  }
0x81: {  	[hbm4b:s31+s2] =	stream.linear.scatter [tilespmem:s17], [sflag:$0x3], $0x500, $0x38;
	[tilespmem:$0x3110] =	vst v63  }
0x82: {  	_ =	swait.ge [sflag:s14], $0x500  }
0x83: {  	[sflag:s14] =	ssyncset.done $0x0  }
0x84: {  	[sflag:s14] =	ssyncadd.s32 $0xFFFFFB00  }
0x85: {  	s20 =	sadd.s32 $0x1, s20;
	_ =	swait.ge [sflag:s18], $0x500  }
0x86: {  	p0 =	sne.s32 s20, s9;
	[sflag:s18] =	ssyncset.done $0x0  }
.Ltmp2:
0x87: {  	[sflag:s18] =	ssyncadd.s32 $0xFFFFFB00;
	(pc) =	sbr.rel @p0 .LBB2_1-.Ltmp2, $4  }
0x88: {  	[hbm4b:s8+s2] =	stream.linear.scatter [tilespmem:s16], [sflag:$0x3], $0x500, $0x38;
	[tilespmem:$0x3110] =	vst v63  }
0x89: {  	_ =	swait.ge [sflag:s14], $0x500  }
0x8a: {  	[sflag:s14] =	ssyncset.done $0x0  }
0x8b: {  	[sflag:s14] =	ssyncadd.s32 $0xFFFFFB00  }
0x8c: {  	_ =	sfence.sel $0x180000  }
0x8d: {  	[bflag:$0x0] =	sbarrier.arrive $0xFFFF  }
0x8e: {  	p0 =	sne.s32 s0, $0x0;
	_ =	strace $0x90000053  }
0x8f: {  	s0 =	sadd.s32 @!p0 $0x100000, s1;
	[bflag:$0x2] =	sbarrier.arrive $0xFFFF  }
0x90: {  	[sflag:s0] =	ssyncadd.tile.s32 @!p0 $0x1;
	_ =	shalt  }
.Lfunc_end2:
_tile_overlayer_lowered:
.L_overlay_start_2:
0x91: {  	(tag) =	ssettag $0x2  }
0x92: {  	s0 =	rddreg [dreg:$0x0];
	s2 =	stileid.u32  }
0x93: {  	s1 =	rddreg [dreg:$0x1];
	p0 =	sne.s32 s2, $0x0  }
0x94: {  	s3 =	rddreg [dreg:$0x2];
	[bflag:$0x3] =	sbarrier.arrive $0xFFFF;
	s2 =	simm.s32 @!p0 $0x1C03  }
0x95: {  	[timem:s3], [sflag:s2] =	dma.local @!p0 [hbm:s0], s1  }
0x96: {  	s0 =	simm.s32 @!p0 $0x3  }
0x97: {  	_ =	swait.ge @!p0 [sflag:s0], s1  }
0x98: {  	s1 =	ssub.s32 @!p0 $0x0, s1;
	[sflag:s0] =	ssyncset.done @!p0 $0x0  }
0x99: {  	[sflag:s0] =	ssyncadd.s32 @!p0 s1  }
0x9a: {  	[bflag:$0x3] =	sbarrier.arrive $0xFFFF  }
0x9b: {  	_ =	shalt  }

// kernel: kernel.31.cloned.1.call-start
scs
__scs_entry_jumppad:
0x0: {  	(pc) =	sbr.rel $0x88, $3  }
0x1: {  	(tag) =	ssettag $0x0;
	lr =	simm.s32 $0x1  }
0x2: {  	[smem:$0x3F8A] =	sst lr;
	_ =	strace $0xD0000000  }
0x3: {  	_ = 	snop  }
0x4: {  	_ = 	snop  }
0x5: {  	_ = 	snop  }
0x6: {  	_ = 	snop  }
0x7: {  	_ = 	snop  }
__scs_overlays_trampoline_lowered:
0x8: {  	[smem:$0x3F99] =	sst s0  }
0x9: {  	[smem:$0x3F9A] =	sst s1  }
0xa: {  	[smem:$0x3F9B] =	sst s2  }
0xb: {  	[smem:$0x3F9C] =	sst s3  }
0xc: {  	[smem:$0x3F9D] =	sst s4  }
0xd: {  	[smem:$0x3F9E] =	sst s5  }
0xe: {  	[smem:$0x3F9F] =	sst s6  }
0xf: {  	[smem:$0x3FA0] =	sst s7  }
0x10: {  	[smem:$0x3FA1] =	sst s8  }
0x11: {  	[smem:$0x3FA2] =	sst s9;
	s0 =	simm.s32 @!p0 $0x0  }
0x12: {  	s1 =	sld [smem:$0x3F88];
	s0 =	simm.s32 @p0 $0x1  }
0x13: {  	[smem:$0x3FA3] =	sst s0;
	s0 =	simm.s32 @!p1 $0x0  }
0x14: {  	s2 =	sld [smem:$0x3F87];
	s0 =	simm.s32 @p1 $0x1  }
0x15: {  	[smem:$0x3FA4] =	sst s0;
	s0 =	simm.s32 @!p2 $0x0  }
0x16: {  	s3 =	sld [smem:$0x3FDB];
	s0 =	simm.s32 @p2 $0x1  }
0x17: {  	s4 =	simm.s32 $0x1BF5;
	[smem:$0x3FA6] =	sst s0  }
0x18: {  	s0 =	sld [smem:$0x3F89];
	_ =	swait.ge [sflag:s4], $0x0  }
0x19: {  	s7 =	sld [smem:$0x3F8A]  }
0x1a: {  	s8 =	sadd.s32 $0xFFFFE003, lr  }
0x1b: {  	s9 =	sadd.s32 $0xFFFFFEF7, lr;
	s5 =	simm.s32 $0xFFFFFFFF;
	p2 =	slt.u32 s8, $0xFFFFF086  }
0x1c: {  	p1 =	slt.u32 s9, $0xF7A;
	s5 =	simm.s32 @!p2 $0x0  }
0x1d: {  	s5 =	simm.s32 @p1 $0x1;
	p0 =	seq.s32 s7, s2  }
0x1e: {  	s7 =	smul.u32 @!p0 $0xF7A, s2;
	p2 =	seq.s32 @!p0 s5, $0x0  }
0x1f: {  	s9 =	smul.u32 $0xF7A, s1;
	s8 =	simm.s32 @!p0 $0x1BF5;
	p2 =	por !p2, p0  }
0x20: {  	[sflag:s8] =	ssyncset.s32 @!p0 $0xFFFFF086;
	s6 =	sadd.s32 @!p0 s3, s7;
	s7 =	simm.s32 @!p0 $0x108  }
0x21: {  	s3 =	sadd.s32 s3, s9;
	s6 =	sadd.s32 @!p0 $0x88, s6;
	s7 =	simm.s32 @p2 $0x1082  }
0x22: {  	[simem:s7], [sflag:s8] =	dma.local @!p0 [hbm:s6], $0xF7A  }
0x23: {  	s9 =	sor.u32 $0xD0000000, s2;
	s6 =	simm.s32 $0x108;
	_ =	swait.ge @!p0 [sflag:s8], $0x0  }
0x24: {  	s3 =	sadd.s32 $0x88, s3;
	s6 =	simm.s32 @!p1 $0x1082;
	[sflag:s4] =	ssyncset.s32 $0xFFFFF086  }
0x25: {  	[simem:s6], [sflag:s4] =	dma.local [hbm:s3], $0xF7A  }
0x26: {  	[smem:$0x3F8A] =	sst s1;
	(tag) =	ssettag s2;
	_ =	strace s9  }
0x27: {  	s1 =	sld [smem:$0x3F9A]  }
0x28: {  	s2 =	sld [smem:$0x3F9B]  }
0x29: {  	s4 =	sld [smem:$0x3F9D]  }
0x2a: {  	p0 =	seq.s32 s5, $0x0;
	s5 =	sld [smem:$0x3F9E]  }
0x2b: {  	s6 =	sld [smem:$0x3F9F]  }
0x2c: {  	s7 =	sld [smem:$0x3FA0]  }
0x2d: {  	s3 =	simm.s32 $0x108;
	s8 =	sld [smem:$0x3FA1]  }
0x2e: {  	s3 =	simm.s32 @!p0 $0x1082;
	s9 =	sld [smem:$0x3FA2]  }
0x2f: {  	lr =	sadd.s32 s0, s3;
	s0 =	sld [smem:$0x3F99]  }
0x30: {  	s3 =	sld [smem:$0x3F9C]  }
0x31: {  	[smem:$0x3FA5] =	sst s10  }
0x32: {  	s10 =	sld [smem:$0x3FA3];
	_ =	sdelay $0x3  }
0x33: {  	p0 =	seq.s32 s10, $0x1;
	s10 =	sld [smem:$0x3FA5];
	_ =	sdelay $0x3  }
0x34: {  	[smem:$0x3FA5] =	sst s10  }
0x35: {  	s10 =	sld [smem:$0x3FA4];
	_ =	sdelay $0x3  }
0x36: {  	p1 =	seq.s32 s10, $0x1;
	s10 =	sld [smem:$0x3FA5];
	_ =	sdelay $0x3  }
0x37: {  	[smem:$0x3FA5] =	sst s10  }
0x38: {  	s10 =	sld [smem:$0x3FA6]  }
0x39: {  	_ = 	snop;
	(pc) =	sbr.ind lr, $3  }
0x3a: {  	_ = 	snop  }
0x3b: {  	_ = 	snop  }
0x3c: {  	p2 =	seq.s32 s10, $0x1;
	s10 =	sld [smem:$0x3FA5]  }
0x3d: {  	_ =	shalt  }
0x3e: {  	_ =	shalt  }
0x3f: {  	_ =	shalt  }
0x40: {  	_ =	shalt  }
0x41: {  	_ =	shalt  }
0x42: {  	_ =	shalt  }
0x43: {  	_ =	shalt  }
0x44: {  	_ =	shalt  }
0x45: {  	_ =	shalt  }
0x46: {  	_ =	shalt  }
0x47: {  	_ =	shalt  }
0x48: {  	_ =	shalt  }
0x49: {  	_ =	shalt  }
0x4a: {  	_ =	shalt  }
0x4b: {  	_ =	shalt  }
0x4c: {  	_ =	shalt  }
0x4d: {  	_ =	shalt  }
0x4e: {  	_ =	shalt  }
0x4f: {  	_ =	shalt  }
0x50: {  	_ =	shalt  }
0x51: {  	_ =	shalt  }
0x52: {  	_ =	shalt  }
0x53: {  	_ =	shalt  }
0x54: {  	_ =	shalt  }
0x55: {  	_ =	shalt  }
0x56: {  	_ =	shalt  }
0x57: {  	_ =	shalt  }
0x58: {  	_ =	shalt  }
0x59: {  	_ =	shalt  }
0x5a: {  	_ =	shalt  }
0x5b: {  	_ =	shalt  }
0x5c: {  	_ =	shalt  }
0x5d: {  	_ =	shalt  }
0x5e: {  	_ =	shalt  }
0x5f: {  	_ =	shalt  }
0x60: {  	_ =	shalt  }
0x61: {  	_ =	shalt  }
0x62: {  	_ =	shalt  }
0x63: {  	_ =	shalt  }
0x64: {  	_ =	shalt  }
0x65: {  	_ =	shalt  }
0x66: {  	_ =	shalt  }
0x67: {  	_ =	shalt  }
0x68: {  	_ =	shalt  }
0x69: {  	_ =	shalt  }
0x6a: {  	_ =	shalt  }
0x6b: {  	_ =	shalt  }
0x6c: {  	_ =	shalt  }
0x6d: {  	_ =	shalt  }
0x6e: {  	_ =	shalt  }
0x6f: {  	_ =	shalt  }
0x70: {  	_ =	shalt  }
0x71: {  	_ =	shalt  }
0x72: {  	_ =	shalt  }
0x73: {  	_ =	shalt  }
0x74: {  	_ =	shalt  }
0x75: {  	_ =	shalt  }
0x76: {  	_ =	shalt  }
0x77: {  	_ =	shalt  }
0x78: {  	_ =	shalt  }
0x79: {  	_ =	shalt  }
0x7a: {  	_ =	shalt  }
0x7b: {  	_ =	shalt  }
0x7c: {  	_ =	shalt  }
0x7d: {  	_ =	shalt  }
0x7e: {  	_ =	shalt  }
0x7f: {  	_ =	shalt  }
0x80: {  	_ =	shalt  }
0x81: {  	_ =	shalt  }
0x82: {  	_ =	shalt  }
0x83: {  	_ =	shalt  }
0x84: {  	_ =	shalt  }
0x85: {  	_ =	shalt  }
0x86: {  	_ =	shalt  }
0x87: {  	_ =	shalt  }
.Lfunc_end0:
.L_simem_size_0:
called_computation.5_lowered:
.L_overlay_start_0:
0x88: {  	s2 =	sld [smem:$0x3FD9]  }
0x89: {  	s3 =	sld [smem:$0x3FFE];
	_ =	sdelay $0x1  }
0x8a: {  	s1 =	srdreg.scid  }
0x8b: {  	s0 =	sand.u32 $0x1, s1  }
0x8c: {  	s16 =	sshll.u32 s0, $0xA;
	s2 =	sadd.s32 s3, s2  }
0x8d: {  	s2 =	sadd.s32 s2, s16  }
0x8e: {  	[smem:$0x3FB1] =	sst s2  }
0x8f: {  	_ = 	snop  }
0x90: {  	(tm) =	ssettm $0x1  }
0x91: {  	s17 =	sld [smem:$0x3FFB];
	_ =	sdelay $0x3  }
0x92: {  	_ =	strace s17  }
0x93: {  	s2 =	sld [smem:$0x3FFC];
	_ =	sdelay $0x3  }
0x94: {  	_ =	strace s2  }
0x95: {  	s2 =	sld [smem:$0x3FFD];
	_ =	sdelay $0x3  }
0x96: {  	_ =	strace s2  }
0x97: {  	_ =	strace $0x8FFFFFFF  }
0x98: {  	s18 =	sld [smem:$0x3FDB];
	_ =	sdelay $0x1  }
0x99: {  	s19 =	simm.s32 $_scs_section_size  }
0x9a: {  	s4 =	simm.s32 $_size__tile_overlayer_lowered;
	s5 =	simm.s32 $_tile_overlayer_lowered  }
0x9b: {  	s22 =	simm.s32 $0x1BFF;
	s21 =	sshll.u32 s5, $0x1;
	s2 =	sadd.s32 s19, s18  }
0x9c: {  	s6 =	simm.s32 $0x0;
	s20 =	sshll.u32 s4, $0x1;
	s4 =	sadd.s32 s21, s2  }
0x9d: {  	[timem:s6], [sflag:s22] =	dma.local [hbm:s4], s20  }
0x9e: {  	_ =	swait.ge [sflag:s22], s20  }
0x9f: {  	s3 =	ssub.s32 $0x0, s20;
	[sflag:s22] =	ssyncset.done $0x0  }
0xa0: {  	[sflag:s22] =	ssyncadd.s32 s3;
	_ =	sdelay $0x1  }
0xa1: {  	s23 =	simm.s32 $0x1B8B  }
0xa2: {  	_ =	swait.ge [sflag:s23], $0x1  }
0xa3: {  	[sflag:s23] =	ssyncset.done $0x0  }
0xa4: {  	s25 =	simm.s32 $0x1B8E;
	s24 =	sld [smem:$0x3FFE];
	[sflag:s23] =	ssyncadd.s32 $0xFFFFFFFF  }
0xa5: {  	s26 =	simm.s32 $execute0_lowered;
	[smem:$0x3FD2] =	sst s25  }
0xa6: {  	s4 =	sshll.u32 s26, $0x1;
	_ =	strace $0x80000055;
	[dreg:$0x1] =	wrdreg $0xFFFFFFFF  }
0xa7: {  	s28 =	simm.s32 $_size_execute0_lowered;
	s2 =	sadd.s32 s2, s4;
	[dreg:$0x0] =	wrdreg $0x0  }
0xa8: {  	s4 =	sshll.u32 s28, $0x1;
	[dreg:$0x2] =	wrdreg s2  }
0xa9: {  	[dreg:$0x3] =	wrdreg s4  }
0xaa: {  	[dreg:$0x4] =	wrdreg $0xC0  }
0xab: {  	_ =	task [dreg:s6], $0x5FFFF  }
0xac: {  	[dreg:$0x1] =	wrdreg $0xFFFFFFFF  }
0xad: {  	[dreg:$0x0] =	wrdreg $0x60  }
0xae: {  	[dreg:$0x2] =	wrdreg s24  }
0xaf: {  	[dreg:$0x3] =	wrdreg $0x3B100  }
0xb0: {  	[dreg:$0x4] =	wrdreg $0x9  }
0xb1: {  	_ =	task.clear_ibuf [dreg:s6], $0x5FFFF;
	_ =	strace $0x90000055  }
0xb2: {  	s29 =	simm.s32 $0x9;
	_ =	strace $0x80000057  }
0xb3: {  	_ =	swait.ge [sflag:s29], $0x1  }
0xb4: {  	[sflag:s29] =	ssyncadd.s32 $0xFFFFFFFF  }
0xb5: {  	_ =	strace $0x90000057  }
0xb6: {  	_ =	sfence  }
0xb7: {  	s30 =	sld [smem:$0x0];
	_ =	sdelay $0x2  }
0xb8: {  	s31 =	sshll.u32 s1, $0xD;
	s1 =	sshrl.u32 s1, $0x2  }
0xb9: {  	s3 =	sand.u32 $0x4000, s31;
	s1 =	sadd.s32 s1, s30  }
0xba: {  	s0 =	sor.u32 s3, s0;
	s1 =	sshll.u32 s1, $0x11  }
0xbb: {  	s0 =	sor.u32 s1, s0  }
0xbc: {  	s0 =	sadd.s32 $0x8F2B, s0  }
0xbd: {  	[sflag:s0] =	ssyncadd.remote.s32 $0x1  }
0xbe: {  	_ =	sfence.sel $0xFFFF  }
0xbf: {  	[dreg:$0x0] =	wrdreg $0xFFFFFFFF;
	(pc) =	sbr.abs _section_cstart, $3  }
0xc0: {  	[dreg:$0x1] =	wrdreg $0xFFFFFFFF  }
0xc1: {  	_ =	task.clear_ibuf [dreg:s6], $0x2FFFF;
	_ =	strace $0x9FFFFFFF  }
0xc2: {  	(tm) =	ssettm $0x7FFFFFFF  }
0xc3: {  	_ =	shalt  }
tec
execute0_lowered:
.L_overlay_start_1:
0x0: {  	(tag) =	ssettag $0x1  }
0x1: {  	s1 =	srdreg.scid  }
0x2: {  	s0 =	stileid.u32;
	s5 =	rddreg [dreg:$0x0]  }
0x3: {  	s2 =	rddreg [dreg:$0x1];
	s3 =	simm.s32 $0x0;
	s15 =	simm.s32 $0x3110  }
0x4: {  	s16 =	simm.s32 $0x1;
	s17 =	simm.s32 $0x50;
	s18 =	simm.s32 $0x2  }
0x5: {  	s19 =	simm.s32 $0x26C0;
	s20 =	simm.s32 $0x0;
	s6 =	sand.u32 $0x1, s1  }
0x6: {  	s26 =	sshll.u32 s0, $0x1;
	s1 =	rddreg [dreg:$0x2];
	s8 =	smul.u32 $0x5000, s0  }
0x7: {  	[smem:$0x7FF] =	sst s3;
	s10 =	sadd.s32 $0x18800, s5;
	s13 =	smul.u32 $0x4E20, s0  }
0x8: {  	s29 =	sshll.u32 s0, $0x6;
	s7 =	sor.u32 s6, s26;
	s9 =	smul.u32 $0x50000, s6  }
0x9: {  	_ =	strace $0x80000056;
	s12 =	ssub.s32 $0x2, s6;
	s6 =	smul.u32 $0x2710, s6  }
0xa: {  	s4 =	smul.u32 $0x2710, s7;
	s14 =	sshrl.u32 s12, $0x1;
	s28 =	sadd.s32 s8, s2  }
0xb: {  	s7 =	smul.u32 $0x9C40, s7;
	s9 =	sadd.s32 s8, s9;
	s12 =	ssub.s32 s12, s14  }
0xc: {  	s30 =	sadd.s32 s6, s13;
	s13 =	simm.s32 $0x3;
	s14 =	simm.s32 $0x2710  }
0xd: {  	s4 =	sshrl.u32 s4, $0x3;
	s9 =	sshrl.u32 s9, $0x3;
	s31 =	sshll.u32 s30, $0x2  }
0xe: {  	s7 =	sadd.s32 s10, s7;
	s11 =	sadd.s32 s4, s5;
	s4 =	sadd.s32 $0x4C00, s5  }
0xf: {  	s9 =	sadd.s32 s9, s5;
	s5 =	sor.u32 $0x1C03, s29;
	s6 =	sadd.s32 $0xEA00, s11  }
0x10: {  	s8 =	sadd.s32 $0x151000, s9;
	s11 =	sadd.s32 s10, s31;
	s9 =	smax.u32 s12, $0x1  }
0x11: {  	s12 =	sshrl.u32 s28, $0x3;
	s10 =	sadd.s32 $0x280, s11;
	s11 =	sadd.s32 $0x140, s11  }
.LBB2_1:
0x12: {  	[spmem:s12], [sflag:s5] =	dma.local [hbm:s4], $0xA00  }
0x13: {  	_ =	swait.ge [sflag:s13], $0xA00  }
0x14: {  	[sflag:s13] =	ssyncset.done $0x0  }
0x15: {  	[sflag:s13] =	ssyncadd.s32 $0xFFFFF600  }
0x16: {  	[bflag:$0x0] =	sbarrier.arrive $0xFFFF  }
0x17: {  	[tilespmem:s3], [sflag:$0x3] =	stream.linear.gather [hbm4b:s6+s3], $0x2710, $0x38;
	[tilespmem:$0x8B10] =	vst v63  }
0x18: {  	_ =	swait.ge [sflag:s13], $0x2710  }
0x19: {  	[sflag:s13] =	ssyncset.done $0x0  }
0x1a: {  	[sflag:s13] =	ssyncadd.s32 $0xFFFFD8F0  }
0x1b: {  	[tilespmem:s14], [sflag:$0x1] =	stream.linear.gather [hbm4b:s7+s3], $0xA00, $0x38;
	[tilespmem:$0x8B10] =	vst v63  }
0x1c: {  	s21 =	sadd.s32 $0x0, s11  }
0x1d: {  	[tilespmem:s15], [sflag:$0x2] =	stream.linear.gather [hbm4b:s21+s3], $0xA00, $0x38;
	[tilespmem:$0x8B10] =	vst v63  }
0x1e: {  	_ =	swait.ge [sflag:s16], $0xA00  }
0x1f: {  	[sflag:s16] =	ssyncset.done $0x0  }
0x20: {  	s29 =	simm.s32 $0x0;
	[sflag:s16] =	ssyncadd.s32 $0xFFFFF600  }
0x21: {  	[spmem:s2] =	stream.indirect.scatter.add.f32 [tilespmem:s14], [sflag:$0x3], $0x20, s29, s17, $0xb8;
	[tilespmem:$0x8B10] =	vst v63  }
0x22: {  	_ =	swait.ge [sflag:s13], $0xA00  }
0x23: {  	[sflag:s13] =	ssyncset.done $0x0  }
0x24: {  	s30 =	sadd.s32 $0x0, s10;
	[sflag:s13] =	ssyncadd.s32 $0xFFFFF600  }
0x25: {  	[tilespmem:s14], [sflag:$0x1] =	stream.linear.gather [hbm4b:s30+s3], $0xA00, $0x38;
	[tilespmem:$0x8B10] =	vst v63  }
0x26: {  	_ =	swait.ge [sflag:s18], $0xA00  }
0x27: {  	[sflag:s18] =	ssyncset.done $0x0  }
0x28: {  	s31 =	simm.s32 $0x50;
	[sflag:s18] =	ssyncadd.s32 $0xFFFFF600  }
0x29: {  	[spmem:s2] =	stream.indirect.scatter.add.f32 [tilespmem:s15], [sflag:$0x3], $0x20, s31, s17, $0xb8;
	[tilespmem:$0x8B10] =	vst v63  }
0x2a: {  	_ =	swait.ge [sflag:s13], $0xA00  }
0x2b: {  	s22 =	simm.s32 $0x500;
	s21 =	simm.s32 $0x280;
	[sflag:s13] =	ssyncset.done $0x0  }
.LBB2_2:
0x2c: {  	s23 =	sadd.s32 s21, s11  }
0x2d: {  	[sflag:s13] =	ssyncadd.s32 $0xFFFFF600;
	s24 =	smov.u32 s22;
	s25 =	sadd.s32 $0x280, s22  }
0x2e: {  	[tilespmem:s15], [sflag:$0x2] =	stream.linear.gather [hbm4b:s23+s3], $0xA00, $0x38;
	[tilespmem:$0x8B10] =	vst v63  }
0x2f: {  	p0 =	sne.s32 s22, $0x9880;
	_ =	swait.ge [sflag:s16], $0xA00  }
0x30: {  	[sflag:s16] =	ssyncset.done $0x0  }
0x31: {  	s22 =	sshra.s32 s21, $0x2;
	[sflag:s16] =	ssyncadd.s32 $0xFFFFF600  }
0x32: {  	[spmem:s2] =	stream.indirect.scatter.add.f32 [tilespmem:s14], [sflag:$0x3], $0x20, s22, s17, $0xb8;
	[tilespmem:$0x8B10] =	vst v63  }
0x33: {  	_ =	swait.ge [sflag:s13], $0xA00  }
0x34: {  	[sflag:s13] =	ssyncset.done $0x0  }
0x35: {  	s23 =	sadd.s32 s21, s10;
	s21 =	smov.u32 s24;
	[sflag:s13] =	ssyncadd.s32 $0xFFFFF600  }
0x36: {  	[tilespmem:s14], [sflag:$0x1] =	stream.linear.gather [hbm4b:s23+s3], $0xA00, $0x38;
	[tilespmem:$0x8B10] =	vst v63  }
0x37: {  	_ =	swait.ge [sflag:s18], $0xA00  }
.Ltmp0:
0x38: {  	[sflag:s18] =	ssyncset.done $0x0;
	(pc) =	sbr.rel @p0 .LBB2_2-.Ltmp0, $4  }
0x39: {  	s22 =	sadd.s32 $0x50, s22;
	[sflag:s18] =	ssyncadd.s32 $0xFFFFF600  }
0x3a: {  	[spmem:s2] =	stream.indirect.scatter.add.f32 [tilespmem:s15], [sflag:$0x3], $0x20, s22, s17, $0xb8;
	[tilespmem:$0x8B10] =	vst v63  }
0x3b: {  	_ =	swait.ge [sflag:s13], $0xA00  }
0x3c: {  	s22 =	smov.u32 s25;
	[sflag:s13] =	ssyncset.done $0x0  }
0x3d: {  	s22 =	sadd.s32 s21, s11;
	[sflag:s13] =	ssyncadd.s32 $0xFFFFF600  }
0x3e: {  	[tilespmem:s15], [sflag:$0x2] =	stream.linear.gather [hbm4b:s22+s3], $0xA00, $0x38;
	[tilespmem:$0x8B10] =	vst v63  }
0x3f: {  	_ =	swait.ge [sflag:s16], $0xA00  }
0x40: {  	[sflag:s16] =	ssyncset.done $0x0  }
0x41: {  	s29 =	sshra.s32 s21, $0x2;
	[sflag:s16] =	ssyncadd.s32 $0xFFFFF600  }
0x42: {  	[spmem:s2] =	stream.indirect.scatter.add.f32 [tilespmem:s14], [sflag:$0x3], $0x20, s29, s17, $0xb8;
	[tilespmem:$0x8B10] =	vst v63  }
0x43: {  	_ =	swait.ge [sflag:s13], $0xA00  }
0x44: {  	[sflag:s13] =	ssyncset.done $0x0  }
0x45: {  	s30 =	sadd.s32 s21, s10;
	[sflag:s13] =	ssyncadd.s32 $0xFFFFF600  }
0x46: {  	[tilespmem:s14], [sflag:$0x1] =	stream.linear.gather [hbm4b:s30+s3], $0xA00, $0x38;
	[tilespmem:$0x8B10] =	vst v63  }
0x47: {  	_ =	swait.ge [sflag:s18], $0xA00  }
0x48: {  	[sflag:s18] =	ssyncset.done $0x0  }
0x49: {  	s31 =	sadd.s32 $0x50, s29;
	[sflag:s18] =	ssyncadd.s32 $0xFFFFF600  }
0x4a: {  	[spmem:s2] =	stream.indirect.scatter.add.f32 [tilespmem:s15], [sflag:$0x3], $0x20, s31, s17, $0xb8;
	[tilespmem:$0x8B10] =	vst v63  }
0x4b: {  	_ =	swait.ge [sflag:s13], $0xA00  }
0x4c: {  	[sflag:s13] =	ssyncset.done $0x0  }
0x4d: {  	[sflag:s13] =	ssyncadd.s32 $0xFFFFF600  }
0x4e: {  	_ =	swait.ge [sflag:s16], $0xA00  }
0x4f: {  	[sflag:s16] =	ssyncset.done $0x0  }
0x50: {  	[sflag:s16] =	ssyncadd.s32 $0xFFFFF600  }
0x51: {  	[spmem:s2] =	stream.indirect.scatter.add.f32 [tilespmem:s14], [sflag:$0x3], $0x20, s19, s17, $0xb8;
	[tilespmem:$0x8B10] =	vst v63  }
0x52: {  	_ =	swait.ge [sflag:s13], $0xA00  }
0x53: {  	s20 =	sadd.s32 $0x1, s20;
	[sflag:s13] =	ssyncset.done $0x0  }
0x54: {  	p0 =	sne.s32 s20, s9;
	[sflag:s13] =	ssyncadd.s32 $0xFFFFF600  }
.Ltmp1:
0x55: {  	[bflag:$0x0] =	sbarrier.arrive $0xFFFF;
	(pc) =	sbr.rel @p0 .LBB2_1-.Ltmp1, $4  }
0x56: {  	[hbm:s8], [sflag:s5] =	dma.local [spmem:s12], $0xA00  }
0x57: {  	_ =	swait.ge [sflag:s13], $0xA00  }
0x58: {  	[sflag:s13] =	ssyncset.done $0x0  }
0x59: {  	[sflag:s13] =	ssyncadd.s32 $0xFFFFF600  }
0x5a: {  	_ =	sfence.sel $0x180000  }
0x5b: {  	[bflag:$0x0] =	sbarrier.arrive $0xFFFF  }
0x5c: {  	p0 =	sne.s32 s0, $0x0;
	_ =	strace $0x90000056  }
0x5d: {  	s0 =	sadd.s32 @!p0 $0x100000, s1;
	[bflag:$0x2] =	sbarrier.arrive $0xFFFF  }
0x5e: {  	[sflag:s0] =	ssyncadd.tile.s32 @!p0 $0x1;
	_ =	shalt  }
.Lfunc_end2:
_tile_overlayer_lowered:
.L_overlay_start_2:
0x5f: {  	(tag) =	ssettag $0x2  }
0x60: {  	s0 =	rddreg [dreg:$0x0];
	s2 =	stileid.u32  }
0x61: {  	s1 =	rddreg [dreg:$0x1];
	p0 =	sne.s32 s2, $0x0  }
0x62: {  	s3 =	rddreg [dreg:$0x2];
	[bflag:$0x3] =	sbarrier.arrive $0xFFFF;
	s2 =	simm.s32 @!p0 $0x1C03  }
0x63: {  	[timem:s3], [sflag:s2] =	dma.local @!p0 [hbm:s0], s1  }
0x64: {  	s0 =	simm.s32 @!p0 $0x3  }
0x65: {  	_ =	swait.ge @!p0 [sflag:s0], s1  }
0x66: {  	s1 =	ssub.s32 @!p0 $0x0, s1;
	[sflag:s0] =	ssyncset.done @!p0 $0x0  }
0x67: {  	[sflag:s0] =	ssyncadd.s32 @!p0 s1  }
0x68: {  	[bflag:$0x3] =	sbarrier.arrive $0xFFFF  }
0x69: {  	_ =	shalt  }

</sc_bundles>
